<compile_context>
chip_gen: v7x
topology: tpu7x:2x2x1
jax: 0.10.2.dev20260603
libtpu: 0.0.44.dev20260713+nightly
codegen_flags: <defaults>
</compile_context>

<pallas_src>
import functools

import jax
import jax.numpy as jnp
from jax import lax
from jax.experimental import pallas as pl
from jax.experimental.pallas import tpu as pltpu
from jax.experimental.pallas import tpu_sc as plsc

N = 10000
E = 320000
D = 128
NSUB = 500

NC = 2
NS = 16
NW = NC * NS
CHUNK = 128
NPAD = 10240
RPT = NPAD // NS
DUMP = 10016
HCH = -(-E // (NS * CHUNK))
ECH = 128
MCHA = 79

SEGP = 512
PADSEG = SEGP - 1
BLK = 512
NB = NPAD // BLK

def _make_mesh():
    return plsc.VectorSubcoreMesh(core_axis_name="c", subcore_axis_name="s",
                                  num_cores=NC, num_subcores=NS)


@functools.cache
def _get_deg_kernel():
    return functools.partial(
        pl.kernel,
        out_type=jax.ShapeDtypeStruct((2 * NPAD,), jnp.float32),
        mesh=_make_mesh(),
        scratch_types=[
            pltpu.VMEM((HCH, CHUNK), jnp.int32),
            pltpu.VMEM((CHUNK,), jnp.float32),
            pltpu.VMEM((RPT,), jnp.float32),
            pltpu.VMEM_SHARED((NPAD,), jnp.float32),
        ],
    )(_deg_body)


def _deg_body(idx_hbm, deg_hbm, idx_v, ones_v, buf_v, hist_sh):
    c = lax.axis_index("c")
    s = lax.axis_index("s")
    for i in range(CHUNK // 16):
        ones_v[pl.ds(i * 16, 16)] = jnp.ones((16,), jnp.float32)
    for i in range(RPT // 16):
        buf_v[pl.ds(i * 16, 16)] = jnp.zeros((16,), jnp.float32)
    pltpu.sync_copy(buf_v, hist_sh.at[pl.ds(s * RPT, RPT)])
    plsc.subcore_barrier()
    pltpu.sync_copy(idx_hbm.at[c, s], idx_v)

    def body(j, carry):
        pltpu.sync_copy(ones_v, hist_sh.at[idx_v.at[j]], add=True)
        return carry

    lax.fori_loop(jnp.int32(0), jnp.int32(HCH), body, jnp.int32(0))
    plsc.subcore_barrier()
    pltpu.sync_copy(hist_sh.at[pl.ds(s * RPT, RPT)], buf_v)
    pltpu.sync_copy(buf_v, deg_hbm.at[pl.ds(c * NPAD + s * RPT, RPT)])


@functools.cache
def _get_agg_kernel():
    return functools.partial(
        pl.kernel,
        out_type=jax.ShapeDtypeStruct((2, NPAD, D), jnp.float32),
        mesh=_make_mesh(),
        scratch_types=[
            pltpu.VMEM((MCHA, ECH), jnp.int32),
            pltpu.VMEM((ECH,), jnp.int32),
            pltpu.VMEM((ECH,), jnp.int32),
            pltpu.VMEM((ECH,), jnp.int32),
            pltpu.VMEM((ECH,), jnp.int32),
            pltpu.VMEM((ECH, D), jnp.float32),
            pltpu.VMEM((ECH, D), jnp.float32),
            pltpu.VMEM_SHARED((NPAD, D), jnp.float32),
            pltpu.SemaphoreType.DMA,
            pltpu.SemaphoreType.DMA,
        ],
    )(_agg_body)


def _agg_body(hs_hbm, ec_hbm, agg_hbm, ec_v, sa, da, sb, db, ra, rb,
              acc_sh, sem_a, sem_b):
    c = lax.axis_index("c")
    s = lax.axis_index("s")
    w = s * NC + c
    Z = jnp.int32(0)

    def zrow(i, carry):
        for jj in range(D // 16):
            ra[i, pl.ds(jj * 16, 16)] = jnp.zeros((16,), jnp.float32)
        return carry

    lax.fori_loop(jnp.int32(0), jnp.int32(ECH), zrow, jnp.int32(0))

    def zacc(r, carry):
        pltpu.sync_copy(ra, acc_sh.at[pl.ds(s * RPT + r * ECH, ECH)])
        return carry

    lax.fori_loop(jnp.int32(0), jnp.int32(4), zacc, jnp.int32(0))
    pltpu.sync_copy(ra.at[pl.ds(Z, RPT - 4 * ECH)],
                    acc_sh.at[pl.ds(s * RPT + 4 * ECH, RPT - 4 * ECH)])
    plsc.subcore_barrier()

    pltpu.sync_copy(ec_hbm.at[w], ec_v)

    def unpack(j, sbuf, dbuf):
        for t in range(ECH // 16):
            v = ec_v[j, pl.ds(t * 16, 16)]
            sbuf[pl.ds(t * 16, 16)] = v & jnp.int32(0xFFFF)
            dbuf[pl.ds(t * 16, 16)] = lax.shift_right_logical(v, jnp.int32(16))

    unpack(Z, sa, da)
    pltpu.async_copy(hs_hbm.at[sa], ra, sem_a)

    def body(k, carry):
        j1 = 2 * k + 1
        j2 = j1 + 1
        unpack(j1, sb, db)
        pltpu.async_copy(hs_hbm.at[sb], rb, sem_b)
        pltpu.make_async_copy(hs_hbm.at[sa], ra, sem_a).wait()
        pltpu.sync_copy(ra, acc_sh.at[da], add=True)
        unpack(j2, sa, da)
        pltpu.async_copy(hs_hbm.at[sa], ra, sem_a)
        pltpu.make_async_copy(hs_hbm.at[sb], rb, sem_b).wait()
        pltpu.sync_copy(rb, acc_sh.at[db], add=True)
        return carry

    lax.fori_loop(jnp.int32(0), jnp.int32((MCHA - 1) // 2), body, jnp.int32(0))
    pltpu.make_async_copy(hs_hbm.at[sa], ra, sem_a).wait()
    pltpu.sync_copy(ra, acc_sh.at[da], add=True)
    plsc.subcore_barrier()

    pltpu.sync_copy(acc_sh.at[pl.ds(s * RPT, RPT)],
                    agg_hbm.at[c, pl.ds(s * RPT, RPT)])


def _scale_body(x_ref, do_ref, o_ref):
    d = do_ref[...]
    nsrc = jnp.where(d > 0, lax.rsqrt(d), 0.0)
    o_ref[...] = x_ref[...] * nsrc


def _layer1_body(aggA_ref, aggB_ref, di_ref, do_ref, w_ref, b_ref, a_ref,
                 o_ref):
    di = di_ref[...]
    ndst = jnp.where(di > 0, lax.rsqrt(di), 0.0)
    agg = (aggA_ref[...] + aggB_ref[...]) * ndst
    h = jnp.dot(agg, w_ref[...], preferred_element_type=jnp.float32) + b_ref[...]
    h = jnp.where(h >= 0, h, a_ref[0, 0] * h)
    do = do_ref[...]
    nsrc = jnp.where(do > 0, lax.rsqrt(do), 0.0)
    o_ref[...] = h * nsrc


def _layer2_pool_body(aggA_ref, aggB_ref, di_ref, w_ref, b_ref, a_ref,
                      sid_ref, pooled_ref, cnt_ref):
    i = pl.program_id(0)

    @pl.when(i == 0)
    def _():
        pooled_ref[...] = jnp.zeros_like(pooled_ref)
        cnt_ref[...] = jnp.zeros_like(cnt_ref)

    di = di_ref[...]
    ndst = jnp.where(di > 0, lax.rsqrt(di), 0.0)
    agg = (aggA_ref[...] + aggB_ref[...]) * ndst
    h = jnp.dot(agg, w_ref[...], preferred_element_type=jnp.float32) + b_ref[...]
    h = jnp.where(h >= 0, h, a_ref[0, 0] * h)
    sid = sid_ref[...]
    oh = (sid == lax.broadcasted_iota(jnp.int32, (1, SEGP), 1)).astype(
        jnp.float32)
    pooled_ref[...] += lax.dot_general(
        oh, h, (((0,), (0,)), ((), ())), preferred_element_type=jnp.float32)
    cnt_ref[...] += jnp.sum(oh, axis=0)[:, None]


def _final_body(pooled_ref, cnt_ref, fcw_ref, fcb_ref, g_ref, sid_ref, o_ref,
                row_ref):
    i = pl.program_id(0)

    @pl.when(i == 0)
    def _():
        logits = lax.dot_general(
            pooled_ref[...], fcw_ref[...], (((1,), (1,)), ((), ())),
            preferred_element_type=jnp.float32) + fcb_ref[...]
        present = (cnt_ref[...] > 0).astype(jnp.float32)
        rr = lax.broadcasted_iota(jnp.int32, (SEGP, SEGP), 0)
        cc = lax.broadcasted_iota(jnp.int32, (SEGP, SEGP), 1)
        tril = (cc <= rr).astype(jnp.float32)
        rank = lax.dot_general(
            tril, present, (((1,), (0,)), ((), ())),
            preferred_element_type=jnp.float32) - 1.0
        ranki = rank.astype(jnp.int32)
        gsel_oh = (ranki == lax.broadcasted_iota(jnp.int32, (1, SEGP), 1)
                   ).astype(jnp.float32)
        gsel = lax.dot_general(
            gsel_oh, g_ref[...], (((1,), (0,)), ((), ())),
            preferred_element_type=jnp.float32)
        z = logits + gsel
        m = jnp.max(z, axis=1, keepdims=True)
        e = jnp.exp(z - m)
        ys = e / jnp.sum(e, axis=1, keepdims=True)
        hard0 = (z[:, 0:1] >= z[:, 1:2]).astype(jnp.float32)
        yh = jnp.concatenate([hard0, 1.0 - hard0], axis=1)
        row_ref[...] = (yh - ys) + ys

    sid = sid_ref[...]
    oh = (sid == lax.broadcasted_iota(jnp.int32, (1, SEGP), 1)).astype(
        jnp.float32)
    o_ref[...] = jnp.dot(oh, row_ref[...], preferred_element_type=jnp.float32)


def _row_spec(width):
    return pl.BlockSpec((BLK, width), lambda i: (i, jnp.int32(0)))


def _fix_spec(shape):
    return pl.BlockSpec(shape, lambda i: (jnp.int32(0), jnp.int32(0)))


def kernel(x, edge_index, subgraph_id, W1, b1, a1, W2, b2, a2, fc_w, fc_b):
    src = edge_index[0].astype(jnp.int32)
    dst = edge_index[1].astype(jnp.int32)
    sid = subgraph_id.astype(jnp.int32)

    x_pad = jnp.zeros((NPAD, D), jnp.float32).at[:N].set(
        x.astype(jnp.float32))
    sid_pad = jnp.full((NPAD, 1), PADSEG, jnp.int32).at[:N, 0].set(sid)

    eh = NS * HCH * CHUNK
    srch = jnp.full((eh,), DUMP, jnp.int32).at[:E].set(src)
    dsth = jnp.full((eh,), DUMP, jnp.int32).at[:E].set(dst)
    idxh = jnp.stack([srch.reshape(NS, HCH, CHUNK),
                      dsth.reshape(NS, HCH, CHUNK)])
    em = NW * MCHA * ECH
    srcm = jnp.full((em,), DUMP, jnp.int32).at[:E].set(src).reshape(
        NW, MCHA, ECH)
    dstm = jnp.full((em,), DUMP, jnp.int32).at[:E].set(dst).reshape(
        NW, MCHA, ECH)
    ec = jnp.bitwise_or(srcm, jnp.left_shift(dstm, 16)).astype(jnp.int32)

    u = jax.random.uniform(jax.random.key(42), (NSUB, 2), minval=1e-10,
                           maxval=1.0)
    g = (-jnp.log(-jnp.log(u))).astype(jnp.float32)
    g_pad = jnp.zeros((SEGP, 2), jnp.float32).at[:NSUB].set(g)

    w1 = W1.astype(jnp.float32)
    w2 = W2.astype(jnp.float32)
    b1r = b1.astype(jnp.float32).reshape(1, D)
    b2r = b2.astype(jnp.float32).reshape(1, D)
    a1r = a1.astype(jnp.float32).reshape(1, 1)
    a2r = a2.astype(jnp.float32).reshape(1, 1)
    fcw = fc_w.astype(jnp.float32)
    fcb = fc_b.astype(jnp.float32).reshape(1, 2)

    deg = _get_deg_kernel()(idxh)
    deg_out = deg[:NPAD].reshape(NPAD, 1)
    deg_in = deg[NPAD:].reshape(NPAD, 1)

    hs0 = pl.pallas_call(
        _scale_body,
        grid=(NB,),
        in_specs=[_row_spec(D), _row_spec(1)],
        out_specs=_row_spec(D),
        out_shape=jax.ShapeDtypeStruct((NPAD, D), jnp.float32),
    )(x_pad, deg_out)

    agg1 = _get_agg_kernel()(hs0, ec)

    hs1 = pl.pallas_call(
        _layer1_body,
        grid=(NB,),
        in_specs=[_row_spec(D), _row_spec(D), _row_spec(1), _row_spec(1),
                  _fix_spec((D, D)), _fix_spec((1, D)), _fix_spec((1, 1))],
        out_specs=_row_spec(D),
        out_shape=jax.ShapeDtypeStruct((NPAD, D), jnp.float32),
    )(agg1[0], agg1[1], deg_in, deg_out, w1, b1r, a1r)

    agg2 = _get_agg_kernel()(hs1, ec)

    pooled, cnt = pl.pallas_call(
        _layer2_pool_body,
        grid=(NB,),
        in_specs=[_row_spec(D), _row_spec(D), _row_spec(1),
                  _fix_spec((D, D)), _fix_spec((1, D)), _fix_spec((1, 1)),
                  _row_spec(1)],
        out_specs=[_fix_spec((SEGP, D)), _fix_spec((SEGP, 1))],
        out_shape=[jax.ShapeDtypeStruct((SEGP, D), jnp.float32),
                   jax.ShapeDtypeStruct((SEGP, 1), jnp.float32)],
    )(agg2[0], agg2[1], deg_in, w2, b2r, a2r, sid_pad)

    node_prob = pl.pallas_call(
        _final_body,
        grid=(NB,),
        in_specs=[_fix_spec((SEGP, D)), _fix_spec((SEGP, 1)),
                  _fix_spec((2, D)), _fix_spec((1, 2)), _fix_spec((SEGP, 2)),
                  _row_spec(1)],
        out_specs=_row_spec(2),
        out_shape=jax.ShapeDtypeStruct((NPAD, 2), jnp.float32),
        scratch_shapes=[pltpu.VMEM((SEGP, 2), jnp.float32)],
    )(pooled, cnt, fcw, fcb, g_pad, sid_pad)

    return node_prob[:N].astype(jnp.float64)

# --- scband reference (transcript-rebuilt; emitter-appended) ---
"""Pipeline reference for scband-sub-advers-mask-3229815407244 (READ-ONLY COPY).

The authoritative reference and input builder live on the scoring server;
editing this copy changes nothing except your own understanding.
"""

import jax, jax.numpy as jnp
import numpy as np
jax.config.update('jax_enable_x64', True)

N = 10000
E = 320000
D = 128
NSUB = 500


def setup_inputs(seed: int = 0):
    key = jax.random.key(seed)
    ks = jax.random.split(key, 8)
    x = jax.random.normal(ks[0], (N, D), dtype=jnp.float32)
    edge_index = jax.random.randint(ks[1], (2, E), 0, N, dtype=jnp.int64)
    subgraph_id = jnp.sort(jax.random.randint(ks[2], (N,), 0, NSUB, dtype=jnp.int64))
    s = 1.0 / np.sqrt(D)
    W1 = jax.random.normal(ks[3], (D, D), dtype=jnp.float32) * s
    b1 = jnp.zeros((D,), dtype=jnp.float32)
    a1 = jnp.asarray(0.25, dtype=jnp.float32)
    W2 = jax.random.normal(ks[4], (D, D), dtype=jnp.float32) * s
    b2 = jnp.zeros((D,), dtype=jnp.float32)
    a2 = jnp.asarray(0.25, dtype=jnp.float32)
    fc_w = jax.random.normal(ks[5], (2, D), dtype=jnp.float32) * s
    fc_b = jnp.zeros((2,), dtype=jnp.float32)
    return {'x': x, 'edge_index': edge_index, 'subgraph_id': subgraph_id,
            'W1': W1, 'b1': b1, 'a1': a1, 'W2': W2, 'b2': b2, 'a2': a2,
            'fc_w': fc_w, 'fc_b': fc_b}


def _prelu(h, a):
    return jnp.where(h >= 0, h, a * h)


def _gcn_layer(h, src, dst, norm_src, norm_dst, W, b, a):
    # DGL GraphConv with norm='both': D^{-1/2} A D^{-1/2} X W + b, then PReLU
    h = h * norm_src[:, None]
    agg = jax.ops.segment_sum(h[src], dst, num_segments=N)
    agg = agg * norm_dst[:, None]
    out = agg @ W + b
    return _prelu(out, a)


def reference(x, edge_index, subgraph_id, W1, b1, a1, W2, b2, a2, fc_w, fc_b):
    src = edge_index[0]
    dst = edge_index[1]
    ones = jnp.ones((src.shape[0],), dtype=x.dtype)
    deg_out = jax.ops.segment_sum(ones, src, num_segments=N)
    deg_in = jax.ops.segment_sum(ones, dst, num_segments=N)
    norm_src = jnp.where(deg_out > 0, deg_out ** -0.5, 0.0)
    norm_dst = jnp.where(deg_in > 0, deg_in ** -0.5, 0.0)
    h = _gcn_layer(x, src, dst, norm_src, norm_dst, W1, b1, a1)
    h = _gcn_layer(h, src, dst, norm_src, norm_dst, W2, b2, a2)
    # get_sub_prob
    uniq, inv = jnp.unique(subgraph_id, return_inverse=True, size=NSUB, fill_value=0)
    inv = inv.reshape(-1)
    sub_emb = jax.ops.segment_sum(h, inv, num_segments=int(uniq.shape[0]))  # global_add_pool
    logits = sub_emb @ fc_w.T + fc_b
    # gumbel_softmax(hard=True) with fixed noise key for determinism
    u = jax.random.uniform(jax.random.key(42), logits.shape, minval=1e-10, maxval=1.0)
    g = -jnp.log(-jnp.log(u))
    y_soft = jax.nn.softmax((logits + g) / 1.0, axis=-1)
    y_hard = jax.nn.one_hot(jnp.argmax(y_soft, axis=-1), logits.shape[-1], dtype=y_soft.dtype)
    subgraph_prob = jax.lax.stop_gradient(y_hard - y_soft) + y_soft
    node_prob = subgraph_prob[inv]
    return node_prob

if __name__ == "__main__":
    import jax
    _d = setup_inputs()
    print(jax.jit(kernel)(*tuple(_d.values())))

</pallas_src>

<mosaic_0001>
#map = affine_map<(d0, d1) -> (0, 0)>
#map1 = affine_map<(d0, d1) -> (0, 0, 0)>
module attributes {stable_mosaic.version = 14 : i64} {
  func.func @_agg_body(%arg0: i32, %arg1: i32, %arg2: memref<10240x128xf32, #tpu.memory_space<hbm>>, %arg3: memref<32x79x128xi32, #tpu.memory_space<hbm>>, %arg4: memref<2x10240x128xf32, #tpu.memory_space<hbm>>, %arg5: memref<79x128xi32, #tpu.memory_space<vmem>>, %arg6: memref<128xi32, #tpu.memory_space<vmem>>, %arg7: memref<128xi32, #tpu.memory_space<vmem>>, %arg8: memref<128xi32, #tpu.memory_space<vmem>>, %arg9: memref<128xi32, #tpu.memory_space<vmem>>, %arg10: memref<128x128xf32, #tpu.memory_space<vmem>>, %arg11: memref<128x128xf32, #tpu.memory_space<vmem>>, %arg12: memref<10240x128xf32, #tpu.memory_space<vmem_shared>>, %arg13: memref<!tpu.dma_semaphore, #tpu.memory_space<semaphore_mem>>, %arg14: memref<!tpu.dma_semaphore, #tpu.memory_space<semaphore_mem>>) attributes {dimension_semantics = [#tpu.dimension_semantics<core_parallel>, #tpu.dimension_semantics<subcore_parallel>], iteration_bounds = array<i64: 2, 16>, scalar_prefetch = 0 : i64, scratch_operands = 10 : i64, tpu.core_type = #tpu.core_type<sc_vector_subcore>, window_params = [{transform_indices = #map}, {transform_indices = #map1}, {transform_indices = #map1}]} {
    %mul3A = arith.constant 2 : i32
    %mul3A_0 = arith.muli %arg1, %mul3A : i32
    %add3A = arith.addi %mul3A_0, %arg0 : i32
    %while3A = arith.constant 0 : i32
    %while3A_1 = arith.constant 0 : i32
    %while3A_2 = arith.constant 128 : i32
    %while3A_3 = arith.subi %while3A_2, %while3A_1 : i32
    %while3A_4 = arith.addi %while3A_1, %while3A_3 : i32
    %while3A_5 = arith.constant 1 : i32
    %while3A_6 = arith.divsi %while3A_3, %while3A_5 : i32
    %while3A_7 = arith.muli %while3A_6, %while3A_5 : i32
    %while3A_8 = arith.addi %while3A_1, %while3A_7 : i32
    %while3A_9 = arith.constant 1 : i32
    scf.for %while3A_194 = %while3A_1 to %while3A_8 step %while3A_9  : i32 {
      %broadcast_in_dim3A = arith.constant 0.000000e+00 : f32
      %broadcast_in_dim3A_195 = vector.broadcast %broadcast_in_dim3A : f32 to vector<16xf32>
      %swap3A_196 = arith.index_cast %while3A_194 : i32 to index
      %swap3A_197 = arith.constant 0 : index
      %swap3A_198 = tpu.vector_load %arg10[%swap3A_196, %swap3A_197] {strides = array<i32>} : memref<128x128xf32, #tpu.memory_space<vmem>>, vector<1x16xf32>,
      %swap3A_199 = vector.shape_cast %swap3A_198 : vector<1x16xf32> to vector<16xf32>
      %swap3A_200 = vector.shape_cast %broadcast_in_dim3A_195 : vector<16xf32> to vector<1x16xf32>
      tpu.vector_store %arg10[%swap3A_196, %swap3A_197], %swap3A_200 {strides = array<i32>} : memref<128x128xf32, #tpu.memory_space<vmem>>, vector<1x16xf32>,
      %broadcast_in_dim3A_201 = arith.constant 0.000000e+00 : f32
      %broadcast_in_dim3A_202 = vector.broadcast %broadcast_in_dim3A_201 : f32 to vector<16xf32>
      %swap3A_203 = arith.index_cast %while3A_194 : i32 to index
      %swap3A_204 = arith.constant 16 : index
      %swap3A_205 = tpu.vector_load %arg10[%swap3A_203, %swap3A_204] {strides = array<i32>} : memref<128x128xf32, #tpu.memory_space<vmem>>, vector<1x16xf32>,
      %swap3A_206 = vector.shape_cast %swap3A_205 : vector<1x16xf32> to vector<16xf32>
      %swap3A_207 = vector.shape_cast %broadcast_in_dim3A_202 : vector<16xf32> to vector<1x16xf32>
      tpu.vector_store %arg10[%swap3A_203, %swap3A_204], %swap3A_207 {strides = array<i32>} : memref<128x128xf32, #tpu.memory_space<vmem>>, vector<1x16xf32>,
      %broadcast_in_dim3A_208 = arith.constant 0.000000e+00 : f32
      %broadcast_in_dim3A_209 = vector.broadcast %broadcast_in_dim3A_208 : f32 to vector<16xf32>
      %swap3A_210 = arith.index_cast %while3A_194 : i32 to index
      %swap3A_211 = arith.constant 32 : index
      %swap3A_212 = tpu.vector_load %arg10[%swap3A_210, %swap3A_211] {strides = array<i32>} : memref<128x128xf32, #tpu.memory_space<vmem>>, vector<1x16xf32>,
      %swap3A_213 = vector.shape_cast %swap3A_212 : vector<1x16xf32> to vector<16xf32>
      %swap3A_214 = vector.shape_cast %broadcast_in_dim3A_209 : vector<16xf32> to vector<1x16xf32>
      tpu.vector_store %arg10[%swap3A_210, %swap3A_211], %swap3A_214 {strides = array<i32>} : memref<128x128xf32, #tpu.memory_space<vmem>>, vector<1x16xf32>,
      %broadcast_in_dim3A_215 = arith.constant 0.000000e+00 : f32
      %broadcast_in_dim3A_216 = vector.broadcast %broadcast_in_dim3A_215 : f32 to vector<16xf32>
      %swap3A_217 = arith.index_cast %while3A_194 : i32 to index
      %swap3A_218 = arith.constant 48 : index
      %swap3A_219 = tpu.vector_load %arg10[%swap3A_217, %swap3A_218] {strides = array<i32>} : memref<128x128xf32, #tpu.memory_space<vmem>>, vector<1x16xf32>,
      %swap3A_220 = vector.shape_cast %swap3A_219 : vector<1x16xf32> to vector<16xf32>
      %swap3A_221 = vector.shape_cast %broadcast_in_dim3A_216 : vector<16xf32> to vector<1x16xf32>
      tpu.vector_store %arg10[%swap3A_217, %swap3A_218], %swap3A_221 {strides = array<i32>} : memref<128x128xf32, #tpu.memory_space<vmem>>, vector<1x16xf32>,
      %broadcast_in_dim3A_222 = arith.constant 0.000000e+00 : f32
      %broadcast_in_dim3A_223 = vector.broadcast %broadcast_in_dim3A_222 : f32 to vector<16xf32>
      %swap3A_224 = arith.index_cast %while3A_194 : i32 to index
      %swap3A_225 = arith.constant 64 : index
      %swap3A_226 = tpu.vector_load %arg10[%swap3A_224, %swap3A_225] {strides = array<i32>} : memref<128x128xf32, #tpu.memory_space<vmem>>, vector<1x16xf32>,
      %swap3A_227 = vector.shape_cast %swap3A_226 : vector<1x16xf32> to vector<16xf32>
      %swap3A_228 = vector.shape_cast %broadcast_in_dim3A_223 : vector<16xf32> to vector<1x16xf32>
      tpu.vector_store %arg10[%swap3A_224, %swap3A_225], %swap3A_228 {strides = array<i32>} : memref<128x128xf32, #tpu.memory_space<vmem>>, vector<1x16xf32>,
      %broadcast_in_dim3A_229 = arith.constant 0.000000e+00 : f32
      %broadcast_in_dim3A_230 = vector.broadcast %broadcast_in_dim3A_229 : f32 to vector<16xf32>
      %swap3A_231 = arith.index_cast %while3A_194 : i32 to index
      %swap3A_232 = arith.constant 80 : index
      %swap3A_233 = tpu.vector_load %arg10[%swap3A_231, %swap3A_232] {strides = array<i32>} : memref<128x128xf32, #tpu.memory_space<vmem>>, vector<1x16xf32>,
      %swap3A_234 = vector.shape_cast %swap3A_233 : vector<1x16xf32> to vector<16xf32>
      %swap3A_235 = vector.shape_cast %broadcast_in_dim3A_230 : vector<16xf32> to vector<1x16xf32>
      tpu.vector_store %arg10[%swap3A_231, %swap3A_232], %swap3A_235 {strides = array<i32>} : memref<128x128xf32, #tpu.memory_space<vmem>>, vector<1x16xf32>,
      %broadcast_in_dim3A_236 = arith.constant 0.000000e+00 : f32
      %broadcast_in_dim3A_237 = vector.broadcast %broadcast_in_dim3A_236 : f32 to vector<16xf32>
      %swap3A_238 = arith.index_cast %while3A_194 : i32 to index
      %swap3A_239 = arith.constant 96 : index
      %swap3A_240 = tpu.vector_load %arg10[%swap3A_238, %swap3A_239] {strides = array<i32>} : memref<128x128xf32, #tpu.memory_space<vmem>>, vector<1x16xf32>,
      %swap3A_241 = vector.shape_cast %swap3A_240 : vector<1x16xf32> to vector<16xf32>
      %swap3A_242 = vector.shape_cast %broadcast_in_dim3A_237 : vector<16xf32> to vector<1x16xf32>
      tpu.vector_store %arg10[%swap3A_238, %swap3A_239], %swap3A_242 {strides = array<i32>} : memref<128x128xf32, #tpu.memory_space<vmem>>, vector<1x16xf32>,
      %broadcast_in_dim3A_243 = arith.constant 0.000000e+00 : f32
      %broadcast_in_dim3A_244 = vector.broadcast %broadcast_in_dim3A_243 : f32 to vector<16xf32>
      %swap3A_245 = arith.index_cast %while3A_194 : i32 to index
      %swap3A_246 = arith.constant 112 : index
      %swap3A_247 = tpu.vector_load %arg10[%swap3A_245, %swap3A_246] {strides = array<i32>} : memref<128x128xf32, #tpu.memory_space<vmem>>, vector<1x16xf32>,
      %swap3A_248 = vector.shape_cast %swap3A_247 : vector<1x16xf32> to vector<16xf32>
      %swap3A_249 = vector.shape_cast %broadcast_in_dim3A_244 : vector<16xf32> to vector<1x16xf32>
      tpu.vector_store %arg10[%swap3A_245, %swap3A_246], %swap3A_249 {strides = array<i32>} : memref<128x128xf32, #tpu.memory_space<vmem>>, vector<1x16xf32>,
    }
    %while3A_10 = arith.constant 1 : i32
    scf.for %while3A_194 = %while3A_8 to %while3A_4 step %while3A_10  : i32 {
      %broadcast_in_dim3A = arith.constant 0.000000e+00 : f32
      %broadcast_in_dim3A_195 = vector.broadcast %broadcast_in_dim3A : f32 to vector<16xf32>
      %swap3A_196 = arith.index_cast %while3A_194 : i32 to index
      %swap3A_197 = arith.constant 0 : index
      %swap3A_198 = tpu.vector_load %arg10[%swap3A_196, %swap3A_197] {strides = array<i32>} : memref<128x128xf32, #tpu.memory_space<vmem>>, vector<1x16xf32>,
      %swap3A_199 = vector.shape_cast %swap3A_198 : vector<1x16xf32> to vector<16xf32>
      %swap3A_200 = vector.shape_cast %broadcast_in_dim3A_195 : vector<16xf32> to vector<1x16xf32>
      tpu.vector_store %arg10[%swap3A_196, %swap3A_197], %swap3A_200 {strides = array<i32>} : memref<128x128xf32, #tpu.memory_space<vmem>>, vector<1x16xf32>,
      %broadcast_in_dim3A_201 = arith.constant 0.000000e+00 : f32
      %broadcast_in_dim3A_202 = vector.broadcast %broadcast_in_dim3A_201 : f32 to vector<16xf32>
      %swap3A_203 = arith.index_cast %while3A_194 : i32 to index
      %swap3A_204 = arith.constant 16 : index
      %swap3A_205 = tpu.vector_load %arg10[%swap3A_203, %swap3A_204] {strides = array<i32>} : memref<128x128xf32, #tpu.memory_space<vmem>>, vector<1x16xf32>,
      %swap3A_206 = vector.shape_cast %swap3A_205 : vector<1x16xf32> to vector<16xf32>
      %swap3A_207 = vector.shape_cast %broadcast_in_dim3A_202 : vector<16xf32> to vector<1x16xf32>
      tpu.vector_store %arg10[%swap3A_203, %swap3A_204], %swap3A_207 {strides = array<i32>} : memref<128x128xf32, #tpu.memory_space<vmem>>, vector<1x16xf32>,
      %broadcast_in_dim3A_208 = arith.constant 0.000000e+00 : f32
      %broadcast_in_dim3A_209 = vector.broadcast %broadcast_in_dim3A_208 : f32 to vector<16xf32>
      %swap3A_210 = arith.index_cast %while3A_194 : i32 to index
      %swap3A_211 = arith.constant 32 : index
      %swap3A_212 = tpu.vector_load %arg10[%swap3A_210, %swap3A_211] {strides = array<i32>} : memref<128x128xf32, #tpu.memory_space<vmem>>, vector<1x16xf32>,
      %swap3A_213 = vector.shape_cast %swap3A_212 : vector<1x16xf32> to vector<16xf32>
      %swap3A_214 = vector.shape_cast %broadcast_in_dim3A_209 : vector<16xf32> to vector<1x16xf32>
      tpu.vector_store %arg10[%swap3A_210, %swap3A_211], %swap3A_214 {strides = array<i32>} : memref<128x128xf32, #tpu.memory_space<vmem>>, vector<1x16xf32>,
      %broadcast_in_dim3A_215 = arith.constant 0.000000e+00 : f32
      %broadcast_in_dim3A_216 = vector.broadcast %broadcast_in_dim3A_215 : f32 to vector<16xf32>
      %swap3A_217 = arith.index_cast %while3A_194 : i32 to index
      %swap3A_218 = arith.constant 48 : index
      %swap3A_219 = tpu.vector_load %arg10[%swap3A_217, %swap3A_218] {strides = array<i32>} : memref<128x128xf32, #tpu.memory_space<vmem>>, vector<1x16xf32>,
      %swap3A_220 = vector.shape_cast %swap3A_219 : vector<1x16xf32> to vector<16xf32>
      %swap3A_221 = vector.shape_cast %broadcast_in_dim3A_216 : vector<16xf32> to vector<1x16xf32>
      tpu.vector_store %arg10[%swap3A_217, %swap3A_218], %swap3A_221 {strides = array<i32>} : memref<128x128xf32, #tpu.memory_space<vmem>>, vector<1x16xf32>,
      %broadcast_in_dim3A_222 = arith.constant 0.000000e+00 : f32
      %broadcast_in_dim3A_223 = vector.broadcast %broadcast_in_dim3A_222 : f32 to vector<16xf32>
      %swap3A_224 = arith.index_cast %while3A_194 : i32 to index
      %swap3A_225 = arith.constant 64 : index
      %swap3A_226 = tpu.vector_load %arg10[%swap3A_224, %swap3A_225] {strides = array<i32>} : memref<128x128xf32, #tpu.memory_space<vmem>>, vector<1x16xf32>,
      %swap3A_227 = vector.shape_cast %swap3A_226 : vector<1x16xf32> to vector<16xf32>
      %swap3A_228 = vector.shape_cast %broadcast_in_dim3A_223 : vector<16xf32> to vector<1x16xf32>
      tpu.vector_store %arg10[%swap3A_224, %swap3A_225], %swap3A_228 {strides = array<i32>} : memref<128x128xf32, #tpu.memory_space<vmem>>, vector<1x16xf32>,
      %broadcast_in_dim3A_229 = arith.constant 0.000000e+00 : f32
      %broadcast_in_dim3A_230 = vector.broadcast %broadcast_in_dim3A_229 : f32 to vector<16xf32>
      %swap3A_231 = arith.index_cast %while3A_194 : i32 to index
      %swap3A_232 = arith.constant 80 : index
      %swap3A_233 = tpu.vector_load %arg10[%swap3A_231, %swap3A_232] {strides = array<i32>} : memref<128x128xf32, #tpu.memory_space<vmem>>, vector<1x16xf32>,
      %swap3A_234 = vector.shape_cast %swap3A_233 : vector<1x16xf32> to vector<16xf32>
      %swap3A_235 = vector.shape_cast %broadcast_in_dim3A_230 : vector<16xf32> to vector<1x16xf32>
      tpu.vector_store %arg10[%swap3A_231, %swap3A_232], %swap3A_235 {strides = array<i32>} : memref<128x128xf32, #tpu.memory_space<vmem>>, vector<1x16xf32>,
      %broadcast_in_dim3A_236 = arith.constant 0.000000e+00 : f32
      %broadcast_in_dim3A_237 = vector.broadcast %broadcast_in_dim3A_236 : f32 to vector<16xf32>
      %swap3A_238 = arith.index_cast %while3A_194 : i32 to index
      %swap3A_239 = arith.constant 96 : index
      %swap3A_240 = tpu.vector_load %arg10[%swap3A_238, %swap3A_239] {strides = array<i32>} : memref<128x128xf32, #tpu.memory_space<vmem>>, vector<1x16xf32>,
      %swap3A_241 = vector.shape_cast %swap3A_240 : vector<1x16xf32> to vector<16xf32>
      %swap3A_242 = vector.shape_cast %broadcast_in_dim3A_237 : vector<16xf32> to vector<1x16xf32>
      tpu.vector_store %arg10[%swap3A_238, %swap3A_239], %swap3A_242 {strides = array<i32>} : memref<128x128xf32, #tpu.memory_space<vmem>>, vector<1x16xf32>,
      %broadcast_in_dim3A_243 = arith.constant 0.000000e+00 : f32
      %broadcast_in_dim3A_244 = vector.broadcast %broadcast_in_dim3A_243 : f32 to vector<16xf32>
      %swap3A_245 = arith.index_cast %while3A_194 : i32 to index
      %swap3A_246 = arith.constant 112 : index
      %swap3A_247 = tpu.vector_load %arg10[%swap3A_245, %swap3A_246] {strides = array<i32>} : memref<128x128xf32, #tpu.memory_space<vmem>>, vector<1x16xf32>,
      %swap3A_248 = vector.shape_cast %swap3A_247 : vector<1x16xf32> to vector<16xf32>
      %swap3A_249 = vector.shape_cast %broadcast_in_dim3A_244 : vector<16xf32> to vector<1x16xf32>
      tpu.vector_store %arg10[%swap3A_245, %swap3A_246], %swap3A_249 {strides = array<i32>} : memref<128x128xf32, #tpu.memory_space<vmem>>, vector<1x16xf32>,
    }
    %while3A_11 = arith.constant 0 : i32
    %while3A_12 = arith.constant 0 : i32
    %while3A_13 = arith.constant 4 : i32
    %while3A_14 = arith.subi %while3A_13, %while3A_12 : i32
    %while3A_15 = arith.addi %while3A_12, %while3A_14 : i32
    %while3A_16 = arith.constant 1 : i32
    %while3A_17 = arith.divsi %while3A_14, %while3A_16 : i32
    %while3A_18 = arith.muli %while3A_17, %while3A_16 : i32
    %while3A_19 = arith.addi %while3A_12, %while3A_18 : i32
    %while3A_20 = arith.constant 1 : i32
    scf.for %while3A_194 = %while3A_12 to %while3A_19 step %while3A_20  : i32 {
      %mul3A_195 = arith.constant 640 : i32
      %mul3A_196 = arith.muli %arg1, %mul3A_195 : i32
      %mul3A_197 = arith.constant 128 : i32
      %mul3A_198 = arith.muli %while3A_194, %mul3A_197 : i32
      %add3A_199 = arith.addi %mul3A_196, %mul3A_198 : i32
      "tpu.region"() ({
        %run_scoped3A_200 = tpu.sem_alloc : memref<!tpu.dma_semaphore, #tpu.memory_space<semaphore_mem>>
        %dma_start3A_201 = arith.constant 0 : i32
        %dma_start3A_202 = tpu.memref_slice %arg12[%add3A_199, %dma_start3A_201] : memref<10240x128xf32, #tpu.memory_space<vmem_shared>> -> memref<128x128xf32, #tpu.memory_space<vmem_shared>>
        %dma_start3A_203 = arith.constant 0 : i32
        %dma_start3A_204 = tpu.memref_slice %arg12[%add3A_199, %dma_start3A_203] : memref<10240x128xf32, #tpu.memory_space<vmem_shared>> -> memref<128x128xf32, #tpu.memory_space<vmem_shared>>
        tpu.enqueue_dma source(%arg10 : memref<128x128xf32, #tpu.memory_space<vmem>>) target(%dma_start3A_204 : memref<128x128xf32, #tpu.memory_space<vmem_shared>>) target_semaphore(%run_scoped3A_200 : memref<!tpu.dma_semaphore, #tpu.memory_space<semaphore_mem>>)
        %dma_wait3A_205 = arith.constant 0 : i32
        %dma_wait3A_206 = tpu.memref_slice %arg12[%add3A_199, %dma_wait3A_205] : memref<10240x128xf32, #tpu.memory_space<vmem_shared>> -> memref<128x128xf32, #tpu.memory_space<vmem_shared>>
        %dma_wait3A_207 = arith.constant 0 : i32
        %dma_wait3A_208 = tpu.memref_slice %arg12[%add3A_199, %dma_wait3A_207] : memref<10240x128xf32, #tpu.memory_space<vmem_shared>> -> memref<128x128xf32, #tpu.memory_space<vmem_shared>>
        tpu.wait_dma2 semaphore(%run_scoped3A_200 : memref<!tpu.dma_semaphore, #tpu.memory_space<semaphore_mem>>) src(%arg10 : memref<128x128xf32, #tpu.memory_space<vmem>>) dst(%dma_wait3A_208 : memref<128x128xf32, #tpu.memory_space<vmem_shared>>)
        tpu.yield
      }) : () -> ()
    }
    %while3A_21 = arith.constant 1 : i32
    scf.for %while3A_194 = %while3A_19 to %while3A_15 step %while3A_21  : i32 {
      %mul3A_195 = arith.constant 640 : i32
      %mul3A_196 = arith.muli %arg1, %mul3A_195 : i32
      %mul3A_197 = arith.constant 128 : i32
      %mul3A_198 = arith.muli %while3A_194, %mul3A_197 : i32
      %add3A_199 = arith.addi %mul3A_196, %mul3A_198 : i32
      "tpu.region"() ({
        %run_scoped3A_200 = tpu.sem_alloc : memref<!tpu.dma_semaphore, #tpu.memory_space<semaphore_mem>>
        %dma_start3A_201 = arith.constant 0 : i32
        %dma_start3A_202 = tpu.memref_slice %arg12[%add3A_199, %dma_start3A_201] : memref<10240x128xf32, #tpu.memory_space<vmem_shared>> -> memref<128x128xf32, #tpu.memory_space<vmem_shared>>
        %dma_start3A_203 = arith.constant 0 : i32
        %dma_start3A_204 = tpu.memref_slice %arg12[%add3A_199, %dma_start3A_203] : memref<10240x128xf32, #tpu.memory_space<vmem_shared>> -> memref<128x128xf32, #tpu.memory_space<vmem_shared>>
        tpu.enqueue_dma source(%arg10 : memref<128x128xf32, #tpu.memory_space<vmem>>) target(%dma_start3A_204 : memref<128x128xf32, #tpu.memory_space<vmem_shared>>) target_semaphore(%run_scoped3A_200 : memref<!tpu.dma_semaphore, #tpu.memory_space<semaphore_mem>>)
        %dma_wait3A_205 = arith.constant 0 : i32
        %dma_wait3A_206 = tpu.memref_slice %arg12[%add3A_199, %dma_wait3A_205] : memref<10240x128xf32, #tpu.memory_space<vmem_shared>> -> memref<128x128xf32, #tpu.memory_space<vmem_shared>>
        %dma_wait3A_207 = arith.constant 0 : i32
        %dma_wait3A_208 = tpu.memref_slice %arg12[%add3A_199, %dma_wait3A_207] : memref<10240x128xf32, #tpu.memory_space<vmem_shared>> -> memref<128x128xf32, #tpu.memory_space<vmem_shared>>
        tpu.wait_dma2 semaphore(%run_scoped3A_200 : memref<!tpu.dma_semaphore, #tpu.memory_space<semaphore_mem>>) src(%arg10 : memref<128x128xf32, #tpu.memory_space<vmem>>) dst(%dma_wait3A_208 : memref<128x128xf32, #tpu.memory_space<vmem_shared>>)
        tpu.yield
      }) : () -> ()
    }
    %mul3A_22 = arith.constant 640 : i32
    %mul3A_23 = arith.muli %arg1, %mul3A_22 : i32
    %add3A_24 = arith.constant 512 : i32
    %add3A_25 = arith.addi %mul3A_23, %add3A_24 : i32
    %run_scoped3A = arith.constant 0 : i32
    "tpu.region"() ({
      %run_scoped3A_194 = tpu.sem_alloc : memref<!tpu.dma_semaphore, #tpu.memory_space<semaphore_mem>>
      %dma_start3A_195 = arith.constant 0 : i32
      %dma_start3A_196 = tpu.memref_slice %arg10[%run_scoped3A, %dma_start3A_195] : memref<128x128xf32, #tpu.memory_space<vmem>> -> memref<128x128xf32, #tpu.memory_space<vmem>>
      %dma_start3A_197 = arith.constant 0 : i32
      %dma_start3A_198 = tpu.memref_slice %arg12[%add3A_25, %dma_start3A_197] : memref<10240x128xf32, #tpu.memory_space<vmem_shared>> -> memref<128x128xf32, #tpu.memory_space<vmem_shared>>
      %dma_start3A_199 = arith.constant 0 : i32
      %dma_start3A_200 = tpu.memref_slice %arg12[%add3A_25, %dma_start3A_199] : memref<10240x128xf32, #tpu.memory_space<vmem_shared>> -> memref<128x128xf32, #tpu.memory_space<vmem_shared>>
      %dma_start3A_201 = arith.constant 0 : i32
      %dma_start3A_202 = tpu.memref_slice %arg10[%run_scoped3A, %dma_start3A_201] : memref<128x128xf32, #tpu.memory_space<vmem>> -> memref<128x128xf32, #tpu.memory_space<vmem>>
      tpu.enqueue_dma source(%dma_start3A_202 : memref<128x128xf32, #tpu.memory_space<vmem>>) target(%dma_start3A_200 : memref<128x128xf32, #tpu.memory_space<vmem_shared>>) target_semaphore(%run_scoped3A_194 : memref<!tpu.dma_semaphore, #tpu.memory_space<semaphore_mem>>)
      %dma_wait3A_203 = arith.constant 0 : i32
      %dma_wait3A_204 = tpu.memref_slice %arg10[%run_scoped3A, %dma_wait3A_203] : memref<128x128xf32, #tpu.memory_space<vmem>> -> memref<128x128xf32, #tpu.memory_space<vmem>>
      %dma_wait3A_205 = arith.constant 0 : i32
      %dma_wait3A_206 = tpu.memref_slice %arg12[%add3A_25, %dma_wait3A_205] : memref<10240x128xf32, #tpu.memory_space<vmem_shared>> -> memref<128x128xf32, #tpu.memory_space<vmem_shared>>
      %dma_wait3A_207 = arith.constant 0 : i32
      %dma_wait3A_208 = tpu.memref_slice %arg12[%add3A_25, %dma_wait3A_207] : memref<10240x128xf32, #tpu.memory_space<vmem_shared>> -> memref<128x128xf32, #tpu.memory_space<vmem_shared>>
      %dma_wait3A_209 = arith.constant 0 : i32
      %dma_wait3A_210 = tpu.memref_slice %arg10[%run_scoped3A, %dma_wait3A_209] : memref<128x128xf32, #tpu.memory_space<vmem>> -> memref<128x128xf32, #tpu.memory_space<vmem>>
      tpu.wait_dma2 semaphore(%run_scoped3A_194 : memref<!tpu.dma_semaphore, #tpu.memory_space<semaphore_mem>>) src(%dma_wait3A_210 : memref<128x128xf32, #tpu.memory_space<vmem>>) dst(%dma_wait3A_208 : memref<128x128xf32, #tpu.memory_space<vmem_shared>>)
      tpu.yield
    }) : () -> ()
    %barrier3A = arith.constant 0 : index
    tpu.barrier barrier_id(%barrier3A)
    "tpu.region"() ({
      %run_scoped3A_194 = tpu.sem_alloc : memref<!tpu.dma_semaphore, #tpu.memory_space<semaphore_mem>>
      %dma_start3A_195 = arith.constant 0 : i32
      %dma_start3A_196 = arith.constant 0 : i32
      %dma_start3A_197 = tpu.memref_slice %arg3[%add3A, %dma_start3A_195, %dma_start3A_196] : memref<32x79x128xi32, #tpu.memory_space<hbm>> -> memref<1x79x128xi32, #tpu.memory_space<hbm>>
      %dma_start3A_198 = tpu.memref_squeeze %dma_start3A_197 : memref<1x79x128xi32, #tpu.memory_space<hbm>> -> memref<79x128xi32, #tpu.memory_space<hbm>>
      %dma_start3A_199 = arith.constant 0 : i32
      %dma_start3A_200 = arith.constant 0 : i32
      %dma_start3A_201 = tpu.memref_slice %arg3[%add3A, %dma_start3A_199, %dma_start3A_200] : memref<32x79x128xi32, #tpu.memory_space<hbm>> -> memref<1x79x128xi32, #tpu.memory_space<hbm>>
      %dma_start3A_202 = tpu.memref_squeeze %dma_start3A_201 : memref<1x79x128xi32, #tpu.memory_space<hbm>> -> memref<79x128xi32, #tpu.memory_space<hbm>>
      tpu.enqueue_dma source(%dma_start3A_202 : memref<79x128xi32, #tpu.memory_space<hbm>>) target(%arg5 : memref<79x128xi32, #tpu.memory_space<vmem>>) target_semaphore(%run_scoped3A_194 : memref<!tpu.dma_semaphore, #tpu.memory_space<semaphore_mem>>)
      %dma_wait3A_203 = arith.constant 0 : i32
      %dma_wait3A_204 = arith.constant 0 : i32
      %dma_wait3A_205 = tpu.memref_slice %arg3[%add3A, %dma_wait3A_203, %dma_wait3A_204] : memref<32x79x128xi32, #tpu.memory_space<hbm>> -> memref<1x79x128xi32, #tpu.memory_space<hbm>>
      %dma_wait3A_206 = tpu.memref_squeeze %dma_wait3A_205 : memref<1x79x128xi32, #tpu.memory_space<hbm>> -> memref<79x128xi32, #tpu.memory_space<hbm>>
      %dma_wait3A_207 = arith.constant 0 : i32
      %dma_wait3A_208 = arith.constant 0 : i32
      %dma_wait3A_209 = tpu.memref_slice %arg3[%add3A, %dma_wait3A_207, %dma_wait3A_208] : memref<32x79x128xi32, #tpu.memory_space<hbm>> -> memref<1x79x128xi32, #tpu.memory_space<hbm>>
      %dma_wait3A_210 = tpu.memref_squeeze %dma_wait3A_209 : memref<1x79x128xi32, #tpu.memory_space<hbm>> -> memref<79x128xi32, #tpu.memory_space<hbm>>
      tpu.wait_dma2 semaphore(%run_scoped3A_194 : memref<!tpu.dma_semaphore, #tpu.memory_space<semaphore_mem>>) src(%dma_wait3A_210 : memref<79x128xi32, #tpu.memory_space<hbm>>) dst(%arg5 : memref<79x128xi32, #tpu.memory_space<vmem>>)
      tpu.yield
    }) : () -> ()
    %get3A = arith.constant 0 : i32
    %get3A_26 = arith.index_cast %get3A : i32 to index
    %get3A_27 = arith.constant 0 : index
    %get3A_28 = tpu.vector_load %arg5[%get3A_26, %get3A_27] {strides = array<i32>} : memref<79x128xi32, #tpu.memory_space<vmem>>, vector<1x16xi32>,
    %get3A_29 = vector.shape_cast %get3A_28 : vector<1x16xi32> to vector<16xi32>
    %and3A = arith.constant 65535 : i32
    %and3A_30 = vector.broadcast %and3A : i32 to vector<16xi32>
    %and3A_31 = arith.andi %get3A_29, %and3A_30 : vector<16xi32>
    %swap3A = arith.constant 0 : index
    %swap3A_32 = tpu.vector_load %arg6[%swap3A] {strides = array<i32>} : memref<128xi32, #tpu.memory_space<vmem>>, vector<16xi32>,
    %swap3A_33 = vector.shape_cast %swap3A_32 : vector<16xi32> to vector<16xi32>
    %swap3A_34 = vector.shape_cast %and3A_31 : vector<16xi32> to vector<16xi32>
    tpu.vector_store %arg6[%swap3A], %swap3A_34 {strides = array<i32>} : memref<128xi32, #tpu.memory_space<vmem>>, vector<16xi32>,
    %shift_right_logical3A = arith.constant 16 : i32
    %shift_right_logical3A_35 = vector.broadcast %shift_right_logical3A : i32 to vector<16xi32>
    %shift_right_logical3A_36 = arith.shrui %get3A_29, %shift_right_logical3A_35 : vector<16xi32>
    %swap3A_37 = arith.constant 0 : index
    %swap3A_38 = tpu.vector_load %arg7[%swap3A_37] {strides = array<i32>} : memref<128xi32, #tpu.memory_space<vmem>>, vector<16xi32>,
    %swap3A_39 = vector.shape_cast %swap3A_38 : vector<16xi32> to vector<16xi32>
    %swap3A_40 = vector.shape_cast %shift_right_logical3A_36 : vector<16xi32> to vector<16xi32>
    tpu.vector_store %arg7[%swap3A_37], %swap3A_40 {strides = array<i32>} : memref<128xi32, #tpu.memory_space<vmem>>, vector<16xi32>,
    %get3A_41 = arith.constant 0 : i32
    %get3A_42 = arith.index_cast %get3A_41 : i32 to index
    %get3A_43 = arith.constant 16 : index
    %get3A_44 = tpu.vector_load %arg5[%get3A_42, %get3A_43] {strides = array<i32>} : memref<79x128xi32, #tpu.memory_space<vmem>>, vector<1x16xi32>,
    %get3A_45 = vector.shape_cast %get3A_44 : vector<1x16xi32> to vector<16xi32>
    %and3A_46 = arith.constant 65535 : i32
    %and3A_47 = vector.broadcast %and3A_46 : i32 to vector<16xi32>
    %and3A_48 = arith.andi %get3A_45, %and3A_47 : vector<16xi32>
    %swap3A_49 = arith.constant 16 : index
    %swap3A_50 = tpu.vector_load %arg6[%swap3A_49] {strides = array<i32>} : memref<128xi32, #tpu.memory_space<vmem>>, vector<16xi32>,
    %swap3A_51 = vector.shape_cast %swap3A_50 : vector<16xi32> to vector<16xi32>
    %swap3A_52 = vector.shape_cast %and3A_48 : vector<16xi32> to vector<16xi32>
    tpu.vector_store %arg6[%swap3A_49], %swap3A_52 {strides = array<i32>} : memref<128xi32, #tpu.memory_space<vmem>>, vector<16xi32>,
    %shift_right_logical3A_53 = arith.constant 16 : i32
    %shift_right_logical3A_54 = vector.broadcast %shift_right_logical3A_53 : i32 to vector<16xi32>
    %shift_right_logical3A_55 = arith.shrui %get3A_45, %shift_right_logical3A_54 : vector<16xi32>
    %swap3A_56 = arith.constant 16 : index
    %swap3A_57 = tpu.vector_load %arg7[%swap3A_56] {strides = array<i32>} : memref<128xi32, #tpu.memory_space<vmem>>, vector<16xi32>,
    %swap3A_58 = vector.shape_cast %swap3A_57 : vector<16xi32> to vector<16xi32>
    %swap3A_59 = vector.shape_cast %shift_right_logical3A_55 : vector<16xi32> to vector<16xi32>
    tpu.vector_store %arg7[%swap3A_56], %swap3A_59 {strides = array<i32>} : memref<128xi32, #tpu.memory_space<vmem>>, vector<16xi32>,
    %get3A_60 = arith.constant 0 : i32
    %get3A_61 = arith.index_cast %get3A_60 : i32 to index
    %get3A_62 = arith.constant 32 : index
    %get3A_63 = tpu.vector_load %arg5[%get3A_61, %get3A_62] {strides = array<i32>} : memref<79x128xi32, #tpu.memory_space<vmem>>, vector<1x16xi32>,
    %get3A_64 = vector.shape_cast %get3A_63 : vector<1x16xi32> to vector<16xi32>
    %and3A_65 = arith.constant 65535 : i32
    %and3A_66 = vector.broadcast %and3A_65 : i32 to vector<16xi32>
    %and3A_67 = arith.andi %get3A_64, %and3A_66 : vector<16xi32>
    %swap3A_68 = arith.constant 32 : index
    %swap3A_69 = tpu.vector_load %arg6[%swap3A_68] {strides = array<i32>} : memref<128xi32, #tpu.memory_space<vmem>>, vector<16xi32>,
    %swap3A_70 = vector.shape_cast %swap3A_69 : vector<16xi32> to vector<16xi32>
    %swap3A_71 = vector.shape_cast %and3A_67 : vector<16xi32> to vector<16xi32>
    tpu.vector_store %arg6[%swap3A_68], %swap3A_71 {strides = array<i32>} : memref<128xi32, #tpu.memory_space<vmem>>, vector<16xi32>,
    %shift_right_logical3A_72 = arith.constant 16 : i32
    %shift_right_logical3A_73 = vector.broadcast %shift_right_logical3A_72 : i32 to vector<16xi32>
    %shift_right_logical3A_74 = arith.shrui %get3A_64, %shift_right_logical3A_73 : vector<16xi32>
    %swap3A_75 = arith.constant 32 : index
    %swap3A_76 = tpu.vector_load %arg7[%swap3A_75] {strides = array<i32>} : memref<128xi32, #tpu.memory_space<vmem>>, vector<16xi32>,
    %swap3A_77 = vector.shape_cast %swap3A_76 : vector<16xi32> to vector<16xi32>
    %swap3A_78 = vector.shape_cast %shift_right_logical3A_74 : vector<16xi32> to vector<16xi32>
    tpu.vector_store %arg7[%swap3A_75], %swap3A_78 {strides = array<i32>} : memref<128xi32, #tpu.memory_space<vmem>>, vector<16xi32>,
    %get3A_79 = arith.constant 0 : i32
    %get3A_80 = arith.index_cast %get3A_79 : i32 to index
    %get3A_81 = arith.constant 48 : index
    %get3A_82 = tpu.vector_load %arg5[%get3A_80, %get3A_81] {strides = array<i32>} : memref<79x128xi32, #tpu.memory_space<vmem>>, vector<1x16xi32>,
    %get3A_83 = vector.shape_cast %get3A_82 : vector<1x16xi32> to vector<16xi32>
    %and3A_84 = arith.constant 65535 : i32
    %and3A_85 = vector.broadcast %and3A_84 : i32 to vector<16xi32>
    %and3A_86 = arith.andi %get3A_83, %and3A_85 : vector<16xi32>
    %swap3A_87 = arith.constant 48 : index
    %swap3A_88 = tpu.vector_load %arg6[%swap3A_87] {strides = array<i32>} : memref<128xi32, #tpu.memory_space<vmem>>, vector<16xi32>,
    %swap3A_89 = vector.shape_cast %swap3A_88 : vector<16xi32> to vector<16xi32>
    %swap3A_90 = vector.shape_cast %and3A_86 : vector<16xi32> to vector<16xi32>
    tpu.vector_store %arg6[%swap3A_87], %swap3A_90 {strides = array<i32>} : memref<128xi32, #tpu.memory_space<vmem>>, vector<16xi32>,
    %shift_right_logical3A_91 = arith.constant 16 : i32
    %shift_right_logical3A_92 = vector.broadcast %shift_right_logical3A_91 : i32 to vector<16xi32>
    %shift_right_logical3A_93 = arith.shrui %get3A_83, %shift_right_logical3A_92 : vector<16xi32>
    %swap3A_94 = arith.constant 48 : index
    %swap3A_95 = tpu.vector_load %arg7[%swap3A_94] {strides = array<i32>} : memref<128xi32, #tpu.memory_space<vmem>>, vector<16xi32>,
    %swap3A_96 = vector.shape_cast %swap3A_95 : vector<16xi32> to vector<16xi32>
    %swap3A_97 = vector.shape_cast %shift_right_logical3A_93 : vector<16xi32> to vector<16xi32>
    tpu.vector_store %arg7[%swap3A_94], %swap3A_97 {strides = array<i32>} : memref<128xi32, #tpu.memory_space<vmem>>, vector<16xi32>,
    %get3A_98 = arith.constant 0 : i32
    %get3A_99 = arith.index_cast %get3A_98 : i32 to index
    %get3A_100 = arith.constant 64 : index
    %get3A_101 = tpu.vector_load %arg5[%get3A_99, %get3A_100] {strides = array<i32>} : memref<79x128xi32, #tpu.memory_space<vmem>>, vector<1x16xi32>,
    %get3A_102 = vector.shape_cast %get3A_101 : vector<1x16xi32> to vector<16xi32>
    %and3A_103 = arith.constant 65535 : i32
    %and3A_104 = vector.broadcast %and3A_103 : i32 to vector<16xi32>
    %and3A_105 = arith.andi %get3A_102, %and3A_104 : vector<16xi32>
    %swap3A_106 = arith.constant 64 : index
    %swap3A_107 = tpu.vector_load %arg6[%swap3A_106] {strides = array<i32>} : memref<128xi32, #tpu.memory_space<vmem>>, vector<16xi32>,
    %swap3A_108 = vector.shape_cast %swap3A_107 : vector<16xi32> to vector<16xi32>
    %swap3A_109 = vector.shape_cast %and3A_105 : vector<16xi32> to vector<16xi32>
    tpu.vector_store %arg6[%swap3A_106], %swap3A_109 {strides = array<i32>} : memref<128xi32, #tpu.memory_space<vmem>>, vector<16xi32>,
    %shift_right_logical3A_110 = arith.constant 16 : i32
    %shift_right_logical3A_111 = vector.broadcast %shift_right_logical3A_110 : i32 to vector<16xi32>
    %shift_right_logical3A_112 = arith.shrui %get3A_102, %shift_right_logical3A_111 : vector<16xi32>
    %swap3A_113 = arith.constant 64 : index
    %swap3A_114 = tpu.vector_load %arg7[%swap3A_113] {strides = array<i32>} : memref<128xi32, #tpu.memory_space<vmem>>, vector<16xi32>,
    %swap3A_115 = vector.shape_cast %swap3A_114 : vector<16xi32> to vector<16xi32>
    %swap3A_116 = vector.shape_cast %shift_right_logical3A_112 : vector<16xi32> to vector<16xi32>
    tpu.vector_store %arg7[%swap3A_113], %swap3A_116 {strides = array<i32>} : memref<128xi32, #tpu.memory_space<vmem>>, vector<16xi32>,
    %get3A_117 = arith.constant 0 : i32
    %get3A_118 = arith.index_cast %get3A_117 : i32 to index
    %get3A_119 = arith.constant 80 : index
    %get3A_120 = tpu.vector_load %arg5[%get3A_118, %get3A_119] {strides = array<i32>} : memref<79x128xi32, #tpu.memory_space<vmem>>, vector<1x16xi32>,
    %get3A_121 = vector.shape_cast %get3A_120 : vector<1x16xi32> to vector<16xi32>
    %and3A_122 = arith.constant 65535 : i32
    %and3A_123 = vector.broadcast %and3A_122 : i32 to vector<16xi32>
    %and3A_124 = arith.andi %get3A_121, %and3A_123 : vector<16xi32>
    %swap3A_125 = arith.constant 80 : index
    %swap3A_126 = tpu.vector_load %arg6[%swap3A_125] {strides = array<i32>} : memref<128xi32, #tpu.memory_space<vmem>>, vector<16xi32>,
    %swap3A_127 = vector.shape_cast %swap3A_126 : vector<16xi32> to vector<16xi32>
    %swap3A_128 = vector.shape_cast %and3A_124 : vector<16xi32> to vector<16xi32>
    tpu.vector_store %arg6[%swap3A_125], %swap3A_128 {strides = array<i32>} : memref<128xi32, #tpu.memory_space<vmem>>, vector<16xi32>,
    %shift_right_logical3A_129 = arith.constant 16 : i32
    %shift_right_logical3A_130 = vector.broadcast %shift_right_logical3A_129 : i32 to vector<16xi32>
    %shift_right_logical3A_131 = arith.shrui %get3A_121, %shift_right_logical3A_130 : vector<16xi32>
    %swap3A_132 = arith.constant 80 : index
    %swap3A_133 = tpu.vector_load %arg7[%swap3A_132] {strides = array<i32>} : memref<128xi32, #tpu.memory_space<vmem>>, vector<16xi32>,
    %swap3A_134 = vector.shape_cast %swap3A_133 : vector<16xi32> to vector<16xi32>
    %swap3A_135 = vector.shape_cast %shift_right_logical3A_131 : vector<16xi32> to vector<16xi32>
    tpu.vector_store %arg7[%swap3A_132], %swap3A_135 {strides = array<i32>} : memref<128xi32, #tpu.memory_space<vmem>>, vector<16xi32>,
    %get3A_136 = arith.constant 0 : i32
    %get3A_137 = arith.index_cast %get3A_136 : i32 to index
    %get3A_138 = arith.constant 96 : index
    %get3A_139 = tpu.vector_load %arg5[%get3A_137, %get3A_138] {strides = array<i32>} : memref<79x128xi32, #tpu.memory_space<vmem>>, vector<1x16xi32>,
    %get3A_140 = vector.shape_cast %get3A_139 : vector<1x16xi32> to vector<16xi32>
    %and3A_141 = arith.constant 65535 : i32
    %and3A_142 = vector.broadcast %and3A_141 : i32 to vector<16xi32>
    %and3A_143 = arith.andi %get3A_140, %and3A_142 : vector<16xi32>
    %swap3A_144 = arith.constant 96 : index
    %swap3A_145 = tpu.vector_load %arg6[%swap3A_144] {strides = array<i32>} : memref<128xi32, #tpu.memory_space<vmem>>, vector<16xi32>,
    %swap3A_146 = vector.shape_cast %swap3A_145 : vector<16xi32> to vector<16xi32>
    %swap3A_147 = vector.shape_cast %and3A_143 : vector<16xi32> to vector<16xi32>
    tpu.vector_store %arg6[%swap3A_144], %swap3A_147 {strides = array<i32>} : memref<128xi32, #tpu.memory_space<vmem>>, vector<16xi32>,
    %shift_right_logical3A_148 = arith.constant 16 : i32
    %shift_right_logical3A_149 = vector.broadcast %shift_right_logical3A_148 : i32 to vector<16xi32>
    %shift_right_logical3A_150 = arith.shrui %get3A_140, %shift_right_logical3A_149 : vector<16xi32>
    %swap3A_151 = arith.constant 96 : index
    %swap3A_152 = tpu.vector_load %arg7[%swap3A_151] {strides = array<i32>} : memref<128xi32, #tpu.memory_space<vmem>>, vector<16xi32>,
    %swap3A_153 = vector.shape_cast %swap3A_152 : vector<16xi32> to vector<16xi32>
    %swap3A_154 = vector.shape_cast %shift_right_logical3A_150 : vector<16xi32> to vector<16xi32>
    tpu.vector_store %arg7[%swap3A_151], %swap3A_154 {strides = array<i32>} : memref<128xi32, #tpu.memory_space<vmem>>, vector<16xi32>,
    %get3A_155 = arith.constant 0 : i32
    %get3A_156 = arith.index_cast %get3A_155 : i32 to index
    %get3A_157 = arith.constant 112 : index
    %get3A_158 = tpu.vector_load %arg5[%get3A_156, %get3A_157] {strides = array<i32>} : memref<79x128xi32, #tpu.memory_space<vmem>>, vector<1x16xi32>,
    %get3A_159 = vector.shape_cast %get3A_158 : vector<1x16xi32> to vector<16xi32>
    %and3A_160 = arith.constant 65535 : i32
    %and3A_161 = vector.broadcast %and3A_160 : i32 to vector<16xi32>
    %and3A_162 = arith.andi %get3A_159, %and3A_161 : vector<16xi32>
    %swap3A_163 = arith.constant 112 : index
    %swap3A_164 = tpu.vector_load %arg6[%swap3A_163] {strides = array<i32>} : memref<128xi32, #tpu.memory_space<vmem>>, vector<16xi32>,
    %swap3A_165 = vector.shape_cast %swap3A_164 : vector<16xi32> to vector<16xi32>
    %swap3A_166 = vector.shape_cast %and3A_162 : vector<16xi32> to vector<16xi32>
    tpu.vector_store %arg6[%swap3A_163], %swap3A_166 {strides = array<i32>} : memref<128xi32, #tpu.memory_space<vmem>>, vector<16xi32>,
    %shift_right_logical3A_167 = arith.constant 16 : i32
    %shift_right_logical3A_168 = vector.broadcast %shift_right_logical3A_167 : i32 to vector<16xi32>
    %shift_right_logical3A_169 = arith.shrui %get3A_159, %shift_right_logical3A_168 : vector<16xi32>
    %swap3A_170 = arith.constant 112 : index
    %swap3A_171 = tpu.vector_load %arg7[%swap3A_170] {strides = array<i32>} : memref<128xi32, #tpu.memory_space<vmem>>, vector<16xi32>,
    %swap3A_172 = vector.shape_cast %swap3A_171 : vector<16xi32> to vector<16xi32>
    %swap3A_173 = vector.shape_cast %shift_right_logical3A_169 : vector<16xi32> to vector<16xi32>
    tpu.vector_store %arg7[%swap3A_170], %swap3A_173 {strides = array<i32>} : memref<128xi32, #tpu.memory_space<vmem>>, vector<16xi32>,
    %dma_start3A = arith.constant 0 : i32
    %dma_start3A_174 = arith.constant 0 : i32
    %dma_start3A_175 = tpu.memref_slice %arg2[%dma_start3A, %dma_start3A_174] : memref<10240x128xf32, #tpu.memory_space<hbm>> -> memref<10240x128xf32, #tpu.memory_space<hbm>>
    tpu.enqueue_indirect_dma source(%dma_start3A_175 : memref<10240x128xf32, #tpu.memory_space<hbm>>) target(%arg10 : memref<128x128xf32, #tpu.memory_space<vmem>>) offsets(%arg6 : memref<128xi32, #tpu.memory_space<vmem>>) semaphore(%arg13 : memref<!tpu.dma_semaphore, #tpu.memory_space<semaphore_mem>>)
    %while3A_176 = arith.constant 0 : i32
    %while3A_177 = arith.constant 0 : i32
    %while3A_178 = arith.constant 39 : i32
    %while3A_179 = arith.subi %while3A_178, %while3A_177 : i32
    %while3A_180 = arith.addi %while3A_177, %while3A_179 : i32
    %while3A_181 = arith.constant 1 : i32
    %while3A_182 = arith.divsi %while3A_179, %while3A_181 : i32
    %while3A_183 = arith.muli %while3A_182, %while3A_181 : i32
    %while3A_184 = arith.addi %while3A_177, %while3A_183 : i32
    %while3A_185 = arith.constant 1 : i32
    scf.for %while3A_194 = %while3A_177 to %while3A_184 step %while3A_185  : i32 {
      %mul3A_195 = arith.constant 2 : i32
      %mul3A_196 = arith.muli %mul3A_195, %while3A_194 : i32
      %add3A_197 = arith.constant 1 : i32
      %add3A_198 = arith.addi %mul3A_196, %add3A_197 : i32
      %add3A_199 = arith.constant 1 : i32
      %add3A_200 = arith.addi %add3A_198, %add3A_199 : i32
      %get3A_201 = arith.index_cast %add3A_198 : i32 to index
      %get3A_202 = arith.constant 0 : index
      %get3A_203 = tpu.vector_load %arg5[%get3A_201, %get3A_202] {strides = array<i32>} : memref<79x128xi32, #tpu.memory_space<vmem>>, vector<1x16xi32>,
      %get3A_204 = vector.shape_cast %get3A_203 : vector<1x16xi32> to vector<16xi32>
      %and3A_205 = arith.constant 65535 : i32
      %and3A_206 = vector.broadcast %and3A_205 : i32 to vector<16xi32>
      %and3A_207 = arith.andi %get3A_204, %and3A_206 : vector<16xi32>
      %swap3A_208 = arith.constant 0 : index
      %swap3A_209 = tpu.vector_load %arg8[%swap3A_208] {strides = array<i32>} : memref<128xi32, #tpu.memory_space<vmem>>, vector<16xi32>,
      %swap3A_210 = vector.shape_cast %swap3A_209 : vector<16xi32> to vector<16xi32>
      %swap3A_211 = vector.shape_cast %and3A_207 : vector<16xi32> to vector<16xi32>
      tpu.vector_store %arg8[%swap3A_208], %swap3A_211 {strides = array<i32>} : memref<128xi32, #tpu.memory_space<vmem>>, vector<16xi32>,
      %shift_right_logical3A_212 = arith.constant 16 : i32
      %shift_right_logical3A_213 = vector.broadcast %shift_right_logical3A_212 : i32 to vector<16xi32>
      %shift_right_logical3A_214 = arith.shrui %get3A_204, %shift_right_logical3A_213 : vector<16xi32>
      %swap3A_215 = arith.constant 0 : index
      %swap3A_216 = tpu.vector_load %arg9[%swap3A_215] {strides = array<i32>} : memref<128xi32, #tpu.memory_space<vmem>>, vector<16xi32>,
      %swap3A_217 = vector.shape_cast %swap3A_216 : vector<16xi32> to vector<16xi32>
      %swap3A_218 = vector.shape_cast %shift_right_logical3A_214 : vector<16xi32> to vector<16xi32>
      tpu.vector_store %arg9[%swap3A_215], %swap3A_218 {strides = array<i32>} : memref<128xi32, #tpu.memory_space<vmem>>, vector<16xi32>,
      %get3A_219 = arith.index_cast %add3A_198 : i32 to index
      %get3A_220 = arith.constant 16 : index
      %get3A_221 = tpu.vector_load %arg5[%get3A_219, %get3A_220] {strides = array<i32>} : memref<79x128xi32, #tpu.memory_space<vmem>>, vector<1x16xi32>,
      %get3A_222 = vector.shape_cast %get3A_221 : vector<1x16xi32> to vector<16xi32>
      %and3A_223 = arith.constant 65535 : i32
      %and3A_224 = vector.broadcast %and3A_223 : i32 to vector<16xi32>
      %and3A_225 = arith.andi %get3A_222, %and3A_224 : vector<16xi32>
      %swap3A_226 = arith.constant 16 : index
      %swap3A_227 = tpu.vector_load %arg8[%swap3A_226] {strides = array<i32>} : memref<128xi32, #tpu.memory_space<vmem>>, vector<16xi32>,
      %swap3A_228 = vector.shape_cast %swap3A_227 : vector<16xi32> to vector<16xi32>
      %swap3A_229 = vector.shape_cast %and3A_225 : vector<16xi32> to vector<16xi32>
      tpu.vector_store %arg8[%swap3A_226], %swap3A_229 {strides = array<i32>} : memref<128xi32, #tpu.memory_space<vmem>>, vector<16xi32>,
      %shift_right_logical3A_230 = arith.constant 16 : i32
      %shift_right_logical3A_231 = vector.broadcast %shift_right_logical3A_230 : i32 to vector<16xi32>
      %shift_right_logical3A_232 = arith.shrui %get3A_222, %shift_right_logical3A_231 : vector<16xi32>
      %swap3A_233 = arith.constant 16 : index
      %swap3A_234 = tpu.vector_load %arg9[%swap3A_233] {strides = array<i32>} : memref<128xi32, #tpu.memory_space<vmem>>, vector<16xi32>,
      %swap3A_235 = vector.shape_cast %swap3A_234 : vector<16xi32> to vector<16xi32>
      %swap3A_236 = vector.shape_cast %shift_right_logical3A_232 : vector<16xi32> to vector<16xi32>
      tpu.vector_store %arg9[%swap3A_233], %swap3A_236 {strides = array<i32>} : memref<128xi32, #tpu.memory_space<vmem>>, vector<16xi32>,
      %get3A_237 = arith.index_cast %add3A_198 : i32 to index
      %get3A_238 = arith.constant 32 : index
      %get3A_239 = tpu.vector_load %arg5[%get3A_237, %get3A_238] {strides = array<i32>} : memref<79x128xi32, #tpu.memory_space<vmem>>, vector<1x16xi32>,
      %get3A_240 = vector.shape_cast %get3A_239 : vector<1x16xi32> to vector<16xi32>
      %and3A_241 = arith.constant 65535 : i32
      %and3A_242 = vector.broadcast %and3A_241 : i32 to vector<16xi32>
      %and3A_243 = arith.andi %get3A_240, %and3A_242 : vector<16xi32>
      %swap3A_244 = arith.constant 32 : index
      %swap3A_245 = tpu.vector_load %arg8[%swap3A_244] {strides = array<i32>} : memref<128xi32, #tpu.memory_space<vmem>>, vector<16xi32>,
      %swap3A_246 = vector.shape_cast %swap3A_245 : vector<16xi32> to vector<16xi32>
      %swap3A_247 = vector.shape_cast %and3A_243 : vector<16xi32> to vector<16xi32>
      tpu.vector_store %arg8[%swap3A_244], %swap3A_247 {strides = array<i32>} : memref<128xi32, #tpu.memory_space<vmem>>, vector<16xi32>,
      %shift_right_logical3A_248 = arith.constant 16 : i32
      %shift_right_logical3A_249 = vector.broadcast %shift_right_logical3A_248 : i32 to vector<16xi32>
      %shift_right_logical3A_250 = arith.shrui %get3A_240, %shift_right_logical3A_249 : vector<16xi32>
      %swap3A_251 = arith.constant 32 : index
      %swap3A_252 = tpu.vector_load %arg9[%swap3A_251] {strides = array<i32>} : memref<128xi32, #tpu.memory_space<vmem>>, vector<16xi32>,
      %swap3A_253 = vector.shape_cast %swap3A_252 : vector<16xi32> to vector<16xi32>
      %swap3A_254 = vector.shape_cast %shift_right_logical3A_250 : vector<16xi32> to vector<16xi32>
      tpu.vector_store %arg9[%swap3A_251], %swap3A_254 {strides = array<i32>} : memref<128xi32, #tpu.memory_space<vmem>>, vector<16xi32>,
      %get3A_255 = arith.index_cast %add3A_198 : i32 to index
      %get3A_256 = arith.constant 48 : index
      %get3A_257 = tpu.vector_load %arg5[%get3A_255, %get3A_256] {strides = array<i32>} : memref<79x128xi32, #tpu.memory_space<vmem>>, vector<1x16xi32>,
      %get3A_258 = vector.shape_cast %get3A_257 : vector<1x16xi32> to vector<16xi32>
      %and3A_259 = arith.constant 65535 : i32
      %and3A_260 = vector.broadcast %and3A_259 : i32 to vector<16xi32>
      %and3A_261 = arith.andi %get3A_258, %and3A_260 : vector<16xi32>
      %swap3A_262 = arith.constant 48 : index
      %swap3A_263 = tpu.vector_load %arg8[%swap3A_262] {strides = array<i32>} : memref<128xi32, #tpu.memory_space<vmem>>, vector<16xi32>,
      %swap3A_264 = vector.shape_cast %swap3A_263 : vector<16xi32> to vector<16xi32>
      %swap3A_265 = vector.shape_cast %and3A_261 : vector<16xi32> to vector<16xi32>
      tpu.vector_store %arg8[%swap3A_262], %swap3A_265 {strides = array<i32>} : memref<128xi32, #tpu.memory_space<vmem>>, vector<16xi32>,
      %shift_right_logical3A_266 = arith.constant 16 : i32
      %shift_right_logical3A_267 = vector.broadcast %shift_right_logical3A_266 : i32 to vector<16xi32>
      %shift_right_logical3A_268 = arith.shrui %get3A_258, %shift_right_logical3A_267 : vector<16xi32>
      %swap3A_269 = arith.constant 48 : index
      %swap3A_270 = tpu.vector_load %arg9[%swap3A_269] {strides = array<i32>} : memref<128xi32, #tpu.memory_space<vmem>>, vector<16xi32>,
      %swap3A_271 = vector.shape_cast %swap3A_270 : vector<16xi32> to vector<16xi32>
      %swap3A_272 = vector.shape_cast %shift_right_logical3A_268 : vector<16xi32> to vector<16xi32>
      tpu.vector_store %arg9[%swap3A_269], %swap3A_272 {strides = array<i32>} : memref<128xi32, #tpu.memory_space<vmem>>, vector<16xi32>,
      %get3A_273 = arith.index_cast %add3A_198 : i32 to index
      %get3A_274 = arith.constant 64 : index
      %get3A_275 = tpu.vector_load %arg5[%get3A_273, %get3A_274] {strides = array<i32>} : memref<79x128xi32, #tpu.memory_space<vmem>>, vector<1x16xi32>,
      %get3A_276 = vector.shape_cast %get3A_275 : vector<1x16xi32> to vector<16xi32>
      %and3A_277 = arith.constant 65535 : i32
      %and3A_278 = vector.broadcast %and3A_277 : i32 to vector<16xi32>
      %and3A_279 = arith.andi %get3A_276, %and3A_278 : vector<16xi32>
      %swap3A_280 = arith.constant 64 : index
      %swap3A_281 = tpu.vector_load %arg8[%swap3A_280] {strides = array<i32>} : memref<128xi32, #tpu.memory_space<vmem>>, vector<16xi32>,
      %swap3A_282 = vector.shape_cast %swap3A_281 : vector<16xi32> to vector<16xi32>
      %swap3A_283 = vector.shape_cast %and3A_279 : vector<16xi32> to vector<16xi32>
      tpu.vector_store %arg8[%swap3A_280], %swap3A_283 {strides = array<i32>} : memref<128xi32, #tpu.memory_space<vmem>>, vector<16xi32>,
      %shift_right_logical3A_284 = arith.constant 16 : i32
      %shift_right_logical3A_285 = vector.broadcast %shift_right_logical3A_284 : i32 to vector<16xi32>
      %shift_right_logical3A_286 = arith.shrui %get3A_276, %shift_right_logical3A_285 : vector<16xi32>
      %swap3A_287 = arith.constant 64 : index
      %swap3A_288 = tpu.vector_load %arg9[%swap3A_287] {strides = array<i32>} : memref<128xi32, #tpu.memory_space<vmem>>, vector<16xi32>,
      %swap3A_289 = vector.shape_cast %swap3A_288 : vector<16xi32> to vector<16xi32>
      %swap3A_290 = vector.shape_cast %shift_right_logical3A_286 : vector<16xi32> to vector<16xi32>
      tpu.vector_store %arg9[%swap3A_287], %swap3A_290 {strides = array<i32>} : memref<128xi32, #tpu.memory_space<vmem>>, vector<16xi32>,
      %get3A_291 = arith.index_cast %add3A_198 : i32 to index
      %get3A_292 = arith.constant 80 : index
      %get3A_293 = tpu.vector_load %arg5[%get3A_291, %get3A_292] {strides = array<i32>} : memref<79x128xi32, #tpu.memory_space<vmem>>, vector<1x16xi32>,
      %get3A_294 = vector.shape_cast %get3A_293 : vector<1x16xi32> to vector<16xi32>
      %and3A_295 = arith.constant 65535 : i32
      %and3A_296 = vector.broadcast %and3A_295 : i32 to vector<16xi32>
      %and3A_297 = arith.andi %get3A_294, %and3A_296 : vector<16xi32>
      %swap3A_298 = arith.constant 80 : index
      %swap3A_299 = tpu.vector_load %arg8[%swap3A_298] {strides = array<i32>} : memref<128xi32, #tpu.memory_space<vmem>>, vector<16xi32>,
      %swap3A_300 = vector.shape_cast %swap3A_299 : vector<16xi32> to vector<16xi32>
      %swap3A_301 = vector.shape_cast %and3A_297 : vector<16xi32> to vector<16xi32>
      tpu.vector_store %arg8[%swap3A_298], %swap3A_301 {strides = array<i32>} : memref<128xi32, #tpu.memory_space<vmem>>, vector<16xi32>,
      %shift_right_logical3A_302 = arith.constant 16 : i32
      %shift_right_logical3A_303 = vector.broadcast %shift_right_logical3A_302 : i32 to vector<16xi32>
      %shift_right_logical3A_304 = arith.shrui %get3A_294, %shift_right_logical3A_303 : vector<16xi32>
      %swap3A_305 = arith.constant 80 : index
      %swap3A_306 = tpu.vector_load %arg9[%swap3A_305] {strides = array<i32>} : memref<128xi32, #tpu.memory_space<vmem>>, vector<16xi32>,
      %swap3A_307 = vector.shape_cast %swap3A_306 : vector<16xi32> to vector<16xi32>
      %swap3A_308 = vector.shape_cast %shift_right_logical3A_304 : vector<16xi32> to vector<16xi32>
      tpu.vector_store %arg9[%swap3A_305], %swap3A_308 {strides = array<i32>} : memref<128xi32, #tpu.memory_space<vmem>>, vector<16xi32>,
      %get3A_309 = arith.index_cast %add3A_198 : i32 to index
      %get3A_310 = arith.constant 96 : index
      %get3A_311 = tpu.vector_load %arg5[%get3A_309, %get3A_310] {strides = array<i32>} : memref<79x128xi32, #tpu.memory_space<vmem>>, vector<1x16xi32>,
      %get3A_312 = vector.shape_cast %get3A_311 : vector<1x16xi32> to vector<16xi32>
      %and3A_313 = arith.constant 65535 : i32
      %and3A_314 = vector.broadcast %and3A_313 : i32 to vector<16xi32>
      %and3A_315 = arith.andi %get3A_312, %and3A_314 : vector<16xi32>
      %swap3A_316 = arith.constant 96 : index
      %swap3A_317 = tpu.vector_load %arg8[%swap3A_316] {strides = array<i32>} : memref<128xi32, #tpu.memory_space<vmem>>, vector<16xi32>,
      %swap3A_318 = vector.shape_cast %swap3A_317 : vector<16xi32> to vector<16xi32>
      %swap3A_319 = vector.shape_cast %and3A_315 : vector<16xi32> to vector<16xi32>
      tpu.vector_store %arg8[%swap3A_316], %swap3A_319 {strides = array<i32>} : memref<128xi32, #tpu.memory_space<vmem>>, vector<16xi32>,
      %shift_right_logical3A_320 = arith.constant 16 : i32
      %shift_right_logical3A_321 = vector.broadcast %shift_right_logical3A_320 : i32 to vector<16xi32>
      %shift_right_logical3A_322 = arith.shrui %get3A_312, %shift_right_logical3A_321 : vector<16xi32>
      %swap3A_323 = arith.constant 96 : index
      %swap3A_324 = tpu.vector_load %arg9[%swap3A_323] {strides = array<i32>} : memref<128xi32, #tpu.memory_space<vmem>>, vector<16xi32>,
      %swap3A_325 = vector.shape_cast %swap3A_324 : vector<16xi32> to vector<16xi32>
      %swap3A_326 = vector.shape_cast %shift_right_logical3A_322 : vector<16xi32> to vector<16xi32>
      tpu.vector_store %arg9[%swap3A_323], %swap3A_326 {strides = array<i32>} : memref<128xi32, #tpu.memory_space<vmem>>, vector<16xi32>,
      %get3A_327 = arith.index_cast %add3A_198 : i32 to index
      %get3A_328 = arith.constant 112 : index
      %get3A_329 = tpu.vector_load %arg5[%get3A_327, %get3A_328] {strides = array<i32>} : memref<79x128xi32, #tpu.memory_space<vmem>>, vector<1x16xi32>,
      %get3A_330 = vector.shape_cast %get3A_329 : vector<1x16xi32> to vector<16xi32>
      %and3A_331 = arith.constant 65535 : i32
      %and3A_332 = vector.broadcast %and3A_331 : i32 to vector<16xi32>
      %and3A_333 = arith.andi %get3A_330, %and3A_332 : vector<16xi32>
      %swap3A_334 = arith.constant 112 : index
      %swap3A_335 = tpu.vector_load %arg8[%swap3A_334] {strides = array<i32>} : memref<128xi32, #tpu.memory_space<vmem>>, vector<16xi32>,
      %swap3A_336 = vector.shape_cast %swap3A_335 : vector<16xi32> to vector<16xi32>
      %swap3A_337 = vector.shape_cast %and3A_333 : vector<16xi32> to vector<16xi32>
      tpu.vector_store %arg8[%swap3A_334], %swap3A_337 {strides = array<i32>} : memref<128xi32, #tpu.memory_space<vmem>>, vector<16xi32>,
      %shift_right_logical3A_338 = arith.constant 16 : i32
      %shift_right_logical3A_339 = vector.broadcast %shift_right_logical3A_338 : i32 to vector<16xi32>
      %shift_right_logical3A_340 = arith.shrui %get3A_330, %shift_right_logical3A_339 : vector<16xi32>
      %swap3A_341 = arith.constant 112 : index
      %swap3A_342 = tpu.vector_load %arg9[%swap3A_341] {strides = array<i32>} : memref<128xi32, #tpu.memory_space<vmem>>, vector<16xi32>,
      %swap3A_343 = vector.shape_cast %swap3A_342 : vector<16xi32> to vector<16xi32>
      %swap3A_344 = vector.shape_cast %shift_right_logical3A_340 : vector<16xi32> to vector<16xi32>
      tpu.vector_store %arg9[%swap3A_341], %swap3A_344 {strides = array<i32>} : memref<128xi32, #tpu.memory_space<vmem>>, vector<16xi32>,
      %dma_start3A_345 = arith.constant 0 : i32
      %dma_start3A_346 = arith.constant 0 : i32
      %dma_start3A_347 = tpu.memref_slice %arg2[%dma_start3A_345, %dma_start3A_346] : memref<10240x128xf32, #tpu.memory_space<hbm>> -> memref<10240x128xf32, #tpu.memory_space<hbm>>
      tpu.enqueue_indirect_dma source(%dma_start3A_347 : memref<10240x128xf32, #tpu.memory_space<hbm>>) target(%arg11 : memref<128x128xf32, #tpu.memory_space<vmem>>) offsets(%arg8 : memref<128xi32, #tpu.memory_space<vmem>>) semaphore(%arg14 : memref<!tpu.dma_semaphore, #tpu.memory_space<semaphore_mem>>)
      %dma_wait3A_348 = arith.constant 0 : i32
      %dma_wait3A_349 = arith.constant 0 : i32
      %dma_wait3A_350 = tpu.memref_slice %arg2[%dma_wait3A_348, %dma_wait3A_349] : memref<10240x128xf32, #tpu.memory_space<hbm>> -> memref<10240x128xf32, #tpu.memory_space<hbm>>
      tpu.wait_indirect_dma semaphore(%arg13 : memref<!tpu.dma_semaphore, #tpu.memory_space<semaphore_mem>>) src(%dma_wait3A_350 : memref<10240x128xf32, #tpu.memory_space<hbm>>) dst(%arg10 : memref<128x128xf32, #tpu.memory_space<vmem>>)
      "tpu.region"() ({
        %run_scoped3A_501 = tpu.sem_alloc : memref<!tpu.dma_semaphore, #tpu.memory_space<semaphore_mem>>
        %dma_start3A_502 = arith.constant 0 : i32
        %dma_start3A_503 = arith.constant 0 : i32
        %dma_start3A_504 = tpu.memref_slice %arg12[%dma_start3A_502, %dma_start3A_503] : memref<10240x128xf32, #tpu.memory_space<vmem_shared>> -> memref<10240x128xf32, #tpu.memory_space<vmem_shared>>
        tpu.enqueue_indirect_dma source(%arg10 : memref<128x128xf32, #tpu.memory_space<vmem>>) target(%dma_start3A_504 : memref<10240x128xf32, #tpu.memory_space<vmem_shared>>) offsets(%arg7 : memref<128xi32, #tpu.memory_space<vmem>>) semaphore(%run_scoped3A_501 : memref<!tpu.dma_semaphore, #tpu.memory_space<semaphore_mem>>) {add = true}
        %dma_wait3A_505 = arith.constant 0 : i32
        %dma_wait3A_506 = arith.constant 0 : i32
        %dma_wait3A_507 = tpu.memref_slice %arg12[%dma_wait3A_505, %dma_wait3A_506] : memref<10240x128xf32, #tpu.memory_space<vmem_shared>> -> memref<10240x128xf32, #tpu.memory_space<vmem_shared>>
        tpu.wait_indirect_dma semaphore(%run_scoped3A_501 : memref<!tpu.dma_semaphore, #tpu.memory_space<semaphore_mem>>) src(%arg10 : memref<128x128xf32, #tpu.memory_space<vmem>>) dst(%dma_wait3A_507 : memref<10240x128xf32, #tpu.memory_space<vmem_shared>>)
        tpu.yield
      }) : () -> ()
      %get3A_351 = arith.index_cast %add3A_200 : i32 to index
      %get3A_352 = arith.constant 0 : index
      %get3A_353 = tpu.vector_load %arg5[%get3A_351, %get3A_352] {strides = array<i32>} : memref<79x128xi32, #tpu.memory_space<vmem>>, vector<1x16xi32>,
      %get3A_354 = vector.shape_cast %get3A_353 : vector<1x16xi32> to vector<16xi32>
      %and3A_355 = arith.constant 65535 : i32
      %and3A_356 = vector.broadcast %and3A_355 : i32 to vector<16xi32>
      %and3A_357 = arith.andi %get3A_354, %and3A_356 : vector<16xi32>
      %swap3A_358 = arith.constant 0 : index
      %swap3A_359 = tpu.vector_load %arg6[%swap3A_358] {strides = array<i32>} : memref<128xi32, #tpu.memory_space<vmem>>, vector<16xi32>,
      %swap3A_360 = vector.shape_cast %swap3A_359 : vector<16xi32> to vector<16xi32>
      %swap3A_361 = vector.shape_cast %and3A_357 : vector<16xi32> to vector<16xi32>
      tpu.vector_store %arg6[%swap3A_358], %swap3A_361 {strides = array<i32>} : memref<128xi32, #tpu.memory_space<vmem>>, vector<16xi32>,
      %shift_right_logical3A_362 = arith.constant 16 : i32
      %shift_right_logical3A_363 = vector.broadcast %shift_right_logical3A_362 : i32 to vector<16xi32>
      %shift_right_logical3A_364 = arith.shrui %get3A_354, %shift_right_logical3A_363 : vector<16xi32>
      %swap3A_365 = arith.constant 0 : index
      %swap3A_366 = tpu.vector_load %arg7[%swap3A_365] {strides = array<i32>} : memref<128xi32, #tpu.memory_space<vmem>>, vector<16xi32>,
      %swap3A_367 = vector.shape_cast %swap3A_366 : vector<16xi32> to vector<16xi32>
      %swap3A_368 = vector.shape_cast %shift_right_logical3A_364 : vector<16xi32> to vector<16xi32>
      tpu.vector_store %arg7[%swap3A_365], %swap3A_368 {strides = array<i32>} : memref<128xi32, #tpu.memory_space<vmem>>, vector<16xi32>,
      %get3A_369 = arith.index_cast %add3A_200 : i32 to index
      %get3A_370 = arith.constant 16 : index
      %get3A_371 = tpu.vector_load %arg5[%get3A_369, %get3A_370] {strides = array<i32>} : memref<79x128xi32, #tpu.memory_space<vmem>>, vector<1x16xi32>,
      %get3A_372 = vector.shape_cast %get3A_371 : vector<1x16xi32> to vector<16xi32>
      %and3A_373 = arith.constant 65535 : i32
      %and3A_374 = vector.broadcast %and3A_373 : i32 to vector<16xi32>
      %and3A_375 = arith.andi %get3A_372, %and3A_374 : vector<16xi32>
      %swap3A_376 = arith.constant 16 : index
      %swap3A_377 = tpu.vector_load %arg6[%swap3A_376] {strides = array<i32>} : memref<128xi32, #tpu.memory_space<vmem>>, vector<16xi32>,
      %swap3A_378 = vector.shape_cast %swap3A_377 : vector<16xi32> to vector<16xi32>
      %swap3A_379 = vector.shape_cast %and3A_375 : vector<16xi32> to vector<16xi32>
      tpu.vector_store %arg6[%swap3A_376], %swap3A_379 {strides = array<i32>} : memref<128xi32, #tpu.memory_space<vmem>>, vector<16xi32>,
      %shift_right_logical3A_380 = arith.constant 16 : i32
      %shift_right_logical3A_381 = vector.broadcast %shift_right_logical3A_380 : i32 to vector<16xi32>
      %shift_right_logical3A_382 = arith.shrui %get3A_372, %shift_right_logical3A_381 : vector<16xi32>
      %swap3A_383 = arith.constant 16 : index
      %swap3A_384 = tpu.vector_load %arg7[%swap3A_383] {strides = array<i32>} : memref<128xi32, #tpu.memory_space<vmem>>, vector<16xi32>,
      %swap3A_385 = vector.shape_cast %swap3A_384 : vector<16xi32> to vector<16xi32>
      %swap3A_386 = vector.shape_cast %shift_right_logical3A_382 : vector<16xi32> to vector<16xi32>
      tpu.vector_store %arg7[%swap3A_383], %swap3A_386 {strides = array<i32>} : memref<128xi32, #tpu.memory_space<vmem>>, vector<16xi32>,
      %get3A_387 = arith.index_cast %add3A_200 : i32 to index
      %get3A_388 = arith.constant 32 : index
      %get3A_389 = tpu.vector_load %arg5[%get3A_387, %get3A_388] {strides = array<i32>} : memref<79x128xi32, #tpu.memory_space<vmem>>, vector<1x16xi32>,
      %get3A_390 = vector.shape_cast %get3A_389 : vector<1x16xi32> to vector<16xi32>
      %and3A_391 = arith.constant 65535 : i32
      %and3A_392 = vector.broadcast %and3A_391 : i32 to vector<16xi32>
      %and3A_393 = arith.andi %get3A_390, %and3A_392 : vector<16xi32>
      %swap3A_394 = arith.constant 32 : index
      %swap3A_395 = tpu.vector_load %arg6[%swap3A_394] {strides = array<i32>} : memref<128xi32, #tpu.memory_space<vmem>>, vector<16xi32>,
      %swap3A_396 = vector.shape_cast %swap3A_395 : vector<16xi32> to vector<16xi32>
      %swap3A_397 = vector.shape_cast %and3A_393 : vector<16xi32> to vector<16xi32>
      tpu.vector_store %arg6[%swap3A_394], %swap3A_397 {strides = array<i32>} : memref<128xi32, #tpu.memory_space<vmem>>, vector<16xi32>,
      %shift_right_logical3A_398 = arith.constant 16 : i32
      %shift_right_logical3A_399 = vector.broadcast %shift_right_logical3A_398 : i32 to vector<16xi32>
      %shift_right_logical3A_400 = arith.shrui %get3A_390, %shift_right_logical3A_399 : vector<16xi32>
      %swap3A_401 = arith.constant 32 : index
      %swap3A_402 = tpu.vector_load %arg7[%swap3A_401] {strides = array<i32>} : memref<128xi32, #tpu.memory_space<vmem>>, vector<16xi32>,
      %swap3A_403 = vector.shape_cast %swap3A_402 : vector<16xi32> to vector<16xi32>
      %swap3A_404 = vector.shape_cast %shift_right_logical3A_400 : vector<16xi32> to vector<16xi32>
      tpu.vector_store %arg7[%swap3A_401], %swap3A_404 {strides = array<i32>} : memref<128xi32, #tpu.memory_space<vmem>>, vector<16xi32>,
      %get3A_405 = arith.index_cast %add3A_200 : i32 to index
      %get3A_406 = arith.constant 48 : index
      %get3A_407 = tpu.vector_load %arg5[%get3A_405, %get3A_406] {strides = array<i32>} : memref<79x128xi32, #tpu.memory_space<vmem>>, vector<1x16xi32>,
      %get3A_408 = vector.shape_cast %get3A_407 : vector<1x16xi32> to vector<16xi32>
      %and3A_409 = arith.constant 65535 : i32
      %and3A_410 = vector.broadcast %and3A_409 : i32 to vector<16xi32>
      %and3A_411 = arith.andi %get3A_408, %and3A_410 : vector<16xi32>
      %swap3A_412 = arith.constant 48 : index
      %swap3A_413 = tpu.vector_load %arg6[%swap3A_412] {strides = array<i32>} : memref<128xi32, #tpu.memory_space<vmem>>, vector<16xi32>,
      %swap3A_414 = vector.shape_cast %swap3A_413 : vector<16xi32> to vector<16xi32>
      %swap3A_415 = vector.shape_cast %and3A_411 : vector<16xi32> to vector<16xi32>
      tpu.vector_store %arg6[%swap3A_412], %swap3A_415 {strides = array<i32>} : memref<128xi32, #tpu.memory_space<vmem>>, vector<16xi32>,
      %shift_right_logical3A_416 = arith.constant 16 : i32
      %shift_right_logical3A_417 = vector.broadcast %shift_right_logical3A_416 : i32 to vector<16xi32>
      %shift_right_logical3A_418 = arith.shrui %get3A_408, %shift_right_logical3A_417 : vector<16xi32>
      %swap3A_419 = arith.constant 48 : index
      %swap3A_420 = tpu.vector_load %arg7[%swap3A_419] {strides = array<i32>} : memref<128xi32, #tpu.memory_space<vmem>>, vector<16xi32>,
      %swap3A_421 = vector.shape_cast %swap3A_420 : vector<16xi32> to vector<16xi32>
      %swap3A_422 = vector.shape_cast %shift_right_logical3A_418 : vector<16xi32> to vector<16xi32>
      tpu.vector_store %arg7[%swap3A_419], %swap3A_422 {strides = array<i32>} : memref<128xi32, #tpu.memory_space<vmem>>, vector<16xi32>,
      %get3A_423 = arith.index_cast %add3A_200 : i32 to index
      %get3A_424 = arith.constant 64 : index
      %get3A_425 = tpu.vector_load %arg5[%get3A_423, %get3A_424] {strides = array<i32>} : memref<79x128xi32, #tpu.memory_space<vmem>>, vector<1x16xi32>,
      %get3A_426 = vector.shape_cast %get3A_425 : vector<1x16xi32> to vector<16xi32>
      %and3A_427 = arith.constant 65535 : i32
      %and3A_428 = vector.broadcast %and3A_427 : i32 to vector<16xi32>
      %and3A_429 = arith.andi %get3A_426, %and3A_428 : vector<16xi32>
      %swap3A_430 = arith.constant 64 : index
      %swap3A_431 = tpu.vector_load %arg6[%swap3A_430] {strides = array<i32>} : memref<128xi32, #tpu.memory_space<vmem>>, vector<16xi32>,
      %swap3A_432 = vector.shape_cast %swap3A_431 : vector<16xi32> to vector<16xi32>
      %swap3A_433 = vector.shape_cast %and3A_429 : vector<16xi32> to vector<16xi32>
      tpu.vector_store %arg6[%swap3A_430], %swap3A_433 {strides = array<i32>} : memref<128xi32, #tpu.memory_space<vmem>>, vector<16xi32>,
      %shift_right_logical3A_434 = arith.constant 16 : i32
      %shift_right_logical3A_435 = vector.broadcast %shift_right_logical3A_434 : i32 to vector<16xi32>
      %shift_right_logical3A_436 = arith.shrui %get3A_426, %shift_right_logical3A_435 : vector<16xi32>
      %swap3A_437 = arith.constant 64 : index
      %swap3A_438 = tpu.vector_load %arg7[%swap3A_437] {strides = array<i32>} : memref<128xi32, #tpu.memory_space<vmem>>, vector<16xi32>,
      %swap3A_439 = vector.shape_cast %swap3A_438 : vector<16xi32> to vector<16xi32>
      %swap3A_440 = vector.shape_cast %shift_right_logical3A_436 : vector<16xi32> to vector<16xi32>
      tpu.vector_store %arg7[%swap3A_437], %swap3A_440 {strides = array<i32>} : memref<128xi32, #tpu.memory_space<vmem>>, vector<16xi32>,
      %get3A_441 = arith.index_cast %add3A_200 : i32 to index
      %get3A_442 = arith.constant 80 : index
      %get3A_443 = tpu.vector_load %arg5[%get3A_441, %get3A_442] {strides = array<i32>} : memref<79x128xi32, #tpu.memory_space<vmem>>, vector<1x16xi32>,
      %get3A_444 = vector.shape_cast %get3A_443 : vector<1x16xi32> to vector<16xi32>
      %and3A_445 = arith.constant 65535 : i32
      %and3A_446 = vector.broadcast %and3A_445 : i32 to vector<16xi32>
      %and3A_447 = arith.andi %get3A_444, %and3A_446 : vector<16xi32>
      %swap3A_448 = arith.constant 80 : index
      %swap3A_449 = tpu.vector_load %arg6[%swap3A_448] {strides = array<i32>} : memref<128xi32, #tpu.memory_space<vmem>>, vector<16xi32>,
      %swap3A_450 = vector.shape_cast %swap3A_449 : vector<16xi32> to vector<16xi32>
      %swap3A_451 = vector.shape_cast %and3A_447 : vector<16xi32> to vector<16xi32>
      tpu.vector_store %arg6[%swap3A_448], %swap3A_451 {strides = array<i32>} : memref<128xi32, #tpu.memory_space<vmem>>, vector<16xi32>,
      %shift_right_logical3A_452 = arith.constant 16 : i32
      %shift_right_logical3A_453 = vector.broadcast %shift_right_logical3A_452 : i32 to vector<16xi32>
      %shift_right_logical3A_454 = arith.shrui %get3A_444, %shift_right_logical3A_453 : vector<16xi32>
      %swap3A_455 = arith.constant 80 : index
      %swap3A_456 = tpu.vector_load %arg7[%swap3A_455] {strides = array<i32>} : memref<128xi32, #tpu.memory_space<vmem>>, vector<16xi32>,
      %swap3A_457 = vector.shape_cast %swap3A_456 : vector<16xi32> to vector<16xi32>
      %swap3A_458 = vector.shape_cast %shift_right_logical3A_454 : vector<16xi32> to vector<16xi32>
      tpu.vector_store %arg7[%swap3A_455], %swap3A_458 {strides = array<i32>} : memref<128xi32, #tpu.memory_space<vmem>>, vector<16xi32>,
      %get3A_459 = arith.index_cast %add3A_200 : i32 to index
      %get3A_460 = arith.constant 96 : index
      %get3A_461 = tpu.vector_load %arg5[%get3A_459, %get3A_460] {strides = array<i32>} : memref<79x128xi32, #tpu.memory_space<vmem>>, vector<1x16xi32>,
      %get3A_462 = vector.shape_cast %get3A_461 : vector<1x16xi32> to vector<16xi32>
      %and3A_463 = arith.constant 65535 : i32
      %and3A_464 = vector.broadcast %and3A_463 : i32 to vector<16xi32>
      %and3A_465 = arith.andi %get3A_462, %and3A_464 : vector<16xi32>
      %swap3A_466 = arith.constant 96 : index
      %swap3A_467 = tpu.vector_load %arg6[%swap3A_466] {strides = array<i32>} : memref<128xi32, #tpu.memory_space<vmem>>, vector<16xi32>,
      %swap3A_468 = vector.shape_cast %swap3A_467 : vector<16xi32> to vector<16xi32>
      %swap3A_469 = vector.shape_cast %and3A_465 : vector<16xi32> to vector<16xi32>
      tpu.vector_store %arg6[%swap3A_466], %swap3A_469 {strides = array<i32>} : memref<128xi32, #tpu.memory_space<vmem>>, vector<16xi32>,
      %shift_right_logical3A_470 = arith.constant 16 : i32
      %shift_right_logical3A_471 = vector.broadcast %shift_right_logical3A_470 : i32 to vector<16xi32>
      %shift_right_logical3A_472 = arith.shrui %get3A_462, %shift_right_logical3A_471 : vector<16xi32>
      %swap3A_473 = arith.constant 96 : index
      %swap3A_474 = tpu.vector_load %arg7[%swap3A_473] {strides = array<i32>} : memref<128xi32, #tpu.memory_space<vmem>>, vector<16xi32>,
      %swap3A_475 = vector.shape_cast %swap3A_474 : vector<16xi32> to vector<16xi32>
      %swap3A_476 = vector.shape_cast %shift_right_logical3A_472 : vector<16xi32> to vector<16xi32>
      tpu.vector_store %arg7[%swap3A_473], %swap3A_476 {strides = array<i32>} : memref<128xi32, #tpu.memory_space<vmem>>, vector<16xi32>,
      %get3A_477 = arith.index_cast %add3A_200 : i32 to index
      %get3A_478 = arith.constant 112 : index
      %get3A_479 = tpu.vector_load %arg5[%get3A_477, %get3A_478] {strides = array<i32>} : memref<79x128xi32, #tpu.memory_space<vmem>>, vector<1x16xi32>,
      %get3A_480 = vector.shape_cast %get3A_479 : vector<1x16xi32> to vector<16xi32>
      %and3A_481 = arith.constant 65535 : i32
      %and3A_482 = vector.broadcast %and3A_481 : i32 to vector<16xi32>
      %and3A_483 = arith.andi %get3A_480, %and3A_482 : vector<16xi32>
      %swap3A_484 = arith.constant 112 : index
      %swap3A_485 = tpu.vector_load %arg6[%swap3A_484] {strides = array<i32>} : memref<128xi32, #tpu.memory_space<vmem>>, vector<16xi32>,
      %swap3A_486 = vector.shape_cast %swap3A_485 : vector<16xi32> to vector<16xi32>
      %swap3A_487 = vector.shape_cast %and3A_483 : vector<16xi32> to vector<16xi32>
      tpu.vector_store %arg6[%swap3A_484], %swap3A_487 {strides = array<i32>} : memref<128xi32, #tpu.memory_space<vmem>>, vector<16xi32>,
      %shift_right_logical3A_488 = arith.constant 16 : i32
      %shift_right_logical3A_489 = vector.broadcast %shift_right_logical3A_488 : i32 to vector<16xi32>
      %shift_right_logical3A_490 = arith.shrui %get3A_480, %shift_right_logical3A_489 : vector<16xi32>
      %swap3A_491 = arith.constant 112 : index
      %swap3A_492 = tpu.vector_load %arg7[%swap3A_491] {strides = array<i32>} : memref<128xi32, #tpu.memory_space<vmem>>, vector<16xi32>,
      %swap3A_493 = vector.shape_cast %swap3A_492 : vector<16xi32> to vector<16xi32>
      %swap3A_494 = vector.shape_cast %shift_right_logical3A_490 : vector<16xi32> to vector<16xi32>
      tpu.vector_store %arg7[%swap3A_491], %swap3A_494 {strides = array<i32>} : memref<128xi32, #tpu.memory_space<vmem>>, vector<16xi32>,
      %dma_start3A_495 = arith.constant 0 : i32
      %dma_start3A_496 = arith.constant 0 : i32
      %dma_start3A_497 = tpu.memref_slice %arg2[%dma_start3A_495, %dma_start3A_496] : memref<10240x128xf32, #tpu.memory_space<hbm>> -> memref<10240x128xf32, #tpu.memory_space<hbm>>
      tpu.enqueue_indirect_dma source(%dma_start3A_497 : memref<10240x128xf32, #tpu.memory_space<hbm>>) target(%arg10 : memref<128x128xf32, #tpu.memory_space<vmem>>) offsets(%arg6 : memref<128xi32, #tpu.memory_space<vmem>>) semaphore(%arg13 : memref<!tpu.dma_semaphore, #tpu.memory_space<semaphore_mem>>)
      %dma_wait3A_498 = arith.constant 0 : i32
      %dma_wait3A_499 = arith.constant 0 : i32
      %dma_wait3A_500 = tpu.memref_slice %arg2[%dma_wait3A_498, %dma_wait3A_499] : memref<10240x128xf32, #tpu.memory_space<hbm>> -> memref<10240x128xf32, #tpu.memory_space<hbm>>
      tpu.wait_indirect_dma semaphore(%arg14 : memref<!tpu.dma_semaphore, #tpu.memory_space<semaphore_mem>>) src(%dma_wait3A_500 : memref<10240x128xf32, #tpu.memory_space<hbm>>) dst(%arg11 : memref<128x128xf32, #tpu.memory_space<vmem>>)
      "tpu.region"() ({
        %run_scoped3A_501 = tpu.sem_alloc : memref<!tpu.dma_semaphore, #tpu.memory_space<semaphore_mem>>
        %dma_start3A_502 = arith.constant 0 : i32
        %dma_start3A_503 = arith.constant 0 : i32
        %dma_start3A_504 = tpu.memref_slice %arg12[%dma_start3A_502, %dma_start3A_503] : memref<10240x128xf32, #tpu.memory_space<vmem_shared>> -> memref<10240x128xf32, #tpu.memory_space<vmem_shared>>
        tpu.enqueue_indirect_dma source(%arg11 : memref<128x128xf32, #tpu.memory_space<vmem>>) target(%dma_start3A_504 : memref<10240x128xf32, #tpu.memory_space<vmem_shared>>) offsets(%arg9 : memref<128xi32, #tpu.memory_space<vmem>>) semaphore(%run_scoped3A_501 : memref<!tpu.dma_semaphore, #tpu.memory_space<semaphore_mem>>) {add = true}
        %dma_wait3A_505 = arith.constant 0 : i32
        %dma_wait3A_506 = arith.constant 0 : i32
        %dma_wait3A_507 = tpu.memref_slice %arg12[%dma_wait3A_505, %dma_wait3A_506] : memref<10240x128xf32, #tpu.memory_space<vmem_shared>> -> memref<10240x128xf32, #tpu.memory_space<vmem_shared>>
        tpu.wait_indirect_dma semaphore(%run_scoped3A_501 : memref<!tpu.dma_semaphore, #tpu.memory_space<semaphore_mem>>) src(%arg11 : memref<128x128xf32, #tpu.memory_space<vmem>>) dst(%dma_wait3A_507 : memref<10240x128xf32, #tpu.memory_space<vmem_shared>>)
        tpu.yield
      }) : () -> ()
    }
    %while3A_186 = arith.constant 1 : i32
    scf.for %while3A_194 = %while3A_184 to %while3A_180 step %while3A_186  : i32 {
      %mul3A_195 = arith.constant 2 : i32
      %mul3A_196 = arith.muli %mul3A_195, %while3A_194 : i32
      %add3A_197 = arith.constant 1 : i32
      %add3A_198 = arith.addi %mul3A_196, %add3A_197 : i32
      %add3A_199 = arith.constant 1 : i32
      %add3A_200 = arith.addi %add3A_198, %add3A_199 : i32
      %get3A_201 = arith.index_cast %add3A_198 : i32 to index
      %get3A_202 = arith.constant 0 : index
      %get3A_203 = tpu.vector_load %arg5[%get3A_201, %get3A_202] {strides = array<i32>} : memref<79x128xi32, #tpu.memory_space<vmem>>, vector<1x16xi32>,
      %get3A_204 = vector.shape_cast %get3A_203 : vector<1x16xi32> to vector<16xi32>
      %and3A_205 = arith.constant 65535 : i32
      %and3A_206 = vector.broadcast %and3A_205 : i32 to vector<16xi32>
      %and3A_207 = arith.andi %get3A_204, %and3A_206 : vector<16xi32>
      %swap3A_208 = arith.constant 0 : index
      %swap3A_209 = tpu.vector_load %arg8[%swap3A_208] {strides = array<i32>} : memref<128xi32, #tpu.memory_space<vmem>>, vector<16xi32>,
      %swap3A_210 = vector.shape_cast %swap3A_209 : vector<16xi32> to vector<16xi32>
      %swap3A_211 = vector.shape_cast %and3A_207 : vector<16xi32> to vector<16xi32>
      tpu.vector_store %arg8[%swap3A_208], %swap3A_211 {strides = array<i32>} : memref<128xi32, #tpu.memory_space<vmem>>, vector<16xi32>,
      %shift_right_logical3A_212 = arith.constant 16 : i32
      %shift_right_logical3A_213 = vector.broadcast %shift_right_logical3A_212 : i32 to vector<16xi32>
      %shift_right_logical3A_214 = arith.shrui %get3A_204, %shift_right_logical3A_213 : vector<16xi32>
      %swap3A_215 = arith.constant 0 : index
      %swap3A_216 = tpu.vector_load %arg9[%swap3A_215] {strides = array<i32>} : memref<128xi32, #tpu.memory_space<vmem>>, vector<16xi32>,
      %swap3A_217 = vector.shape_cast %swap3A_216 : vector<16xi32> to vector<16xi32>
      %swap3A_218 = vector.shape_cast %shift_right_logical3A_214 : vector<16xi32> to vector<16xi32>
      tpu.vector_store %arg9[%swap3A_215], %swap3A_218 {strides = array<i32>} : memref<128xi32, #tpu.memory_space<vmem>>, vector<16xi32>,
      %get3A_219 = arith.index_cast %add3A_198 : i32 to index
      %get3A_220 = arith.constant 16 : index
      %get3A_221 = tpu.vector_load %arg5[%get3A_219, %get3A_220] {strides = array<i32>} : memref<79x128xi32, #tpu.memory_space<vmem>>, vector<1x16xi32>,
      %get3A_222 = vector.shape_cast %get3A_221 : vector<1x16xi32> to vector<16xi32>
      %and3A_223 = arith.constant 65535 : i32
      %and3A_224 = vector.broadcast %and3A_223 : i32 to vector<16xi32>
      %and3A_225 = arith.andi %get3A_222, %and3A_224 : vector<16xi32>
      %swap3A_226 = arith.constant 16 : index
      %swap3A_227 = tpu.vector_load %arg8[%swap3A_226] {strides = array<i32>} : memref<128xi32, #tpu.memory_space<vmem>>, vector<16xi32>,
      %swap3A_228 = vector.shape_cast %swap3A_227 : vector<16xi32> to vector<16xi32>
      %swap3A_229 = vector.shape_cast %and3A_225 : vector<16xi32> to vector<16xi32>
      tpu.vector_store %arg8[%swap3A_226], %swap3A_229 {strides = array<i32>} : memref<128xi32, #tpu.memory_space<vmem>>, vector<16xi32>,
      %shift_right_logical3A_230 = arith.constant 16 : i32
      %shift_right_logical3A_231 = vector.broadcast %shift_right_logical3A_230 : i32 to vector<16xi32>
      %shift_right_logical3A_232 = arith.shrui %get3A_222, %shift_right_logical3A_231 : vector<16xi32>
      %swap3A_233 = arith.constant 16 : index
      %swap3A_234 = tpu.vector_load %arg9[%swap3A_233] {strides = array<i32>} : memref<128xi32, #tpu.memory_space<vmem>>, vector<16xi32>,
      %swap3A_235 = vector.shape_cast %swap3A_234 : vector<16xi32> to vector<16xi32>
      %swap3A_236 = vector.shape_cast %shift_right_logical3A_232 : vector<16xi32> to vector<16xi32>
      tpu.vector_store %arg9[%swap3A_233], %swap3A_236 {strides = array<i32>} : memref<128xi32, #tpu.memory_space<vmem>>, vector<16xi32>,
      %get3A_237 = arith.index_cast %add3A_198 : i32 to index
      %get3A_238 = arith.constant 32 : index
      %get3A_239 = tpu.vector_load %arg5[%get3A_237, %get3A_238] {strides = array<i32>} : memref<79x128xi32, #tpu.memory_space<vmem>>, vector<1x16xi32>,
      %get3A_240 = vector.shape_cast %get3A_239 : vector<1x16xi32> to vector<16xi32>
      %and3A_241 = arith.constant 65535 : i32
      %and3A_242 = vector.broadcast %and3A_241 : i32 to vector<16xi32>
      %and3A_243 = arith.andi %get3A_240, %and3A_242 : vector<16xi32>
      %swap3A_244 = arith.constant 32 : index
      %swap3A_245 = tpu.vector_load %arg8[%swap3A_244] {strides = array<i32>} : memref<128xi32, #tpu.memory_space<vmem>>, vector<16xi32>,
      %swap3A_246 = vector.shape_cast %swap3A_245 : vector<16xi32> to vector<16xi32>
      %swap3A_247 = vector.shape_cast %and3A_243 : vector<16xi32> to vector<16xi32>
      tpu.vector_store %arg8[%swap3A_244], %swap3A_247 {strides = array<i32>} : memref<128xi32, #tpu.memory_space<vmem>>, vector<16xi32>,
      %shift_right_logical3A_248 = arith.constant 16 : i32
      %shift_right_logical3A_249 = vector.broadcast %shift_right_logical3A_248 : i32 to vector<16xi32>
      %shift_right_logical3A_250 = arith.shrui %get3A_240, %shift_right_logical3A_249 : vector<16xi32>
      %swap3A_251 = arith.constant 32 : index
      %swap3A_252 = tpu.vector_load %arg9[%swap3A_251] {strides = array<i32>} : memref<128xi32, #tpu.memory_space<vmem>>, vector<16xi32>,
      %swap3A_253 = vector.shape_cast %swap3A_252 : vector<16xi32> to vector<16xi32>
      %swap3A_254 = vector.shape_cast %shift_right_logical3A_250 : vector<16xi32> to vector<16xi32>
      tpu.vector_store %arg9[%swap3A_251], %swap3A_254 {strides = array<i32>} : memref<128xi32, #tpu.memory_space<vmem>>, vector<16xi32>,
      %get3A_255 = arith.index_cast %add3A_198 : i32 to index
      %get3A_256 = arith.constant 48 : index
      %get3A_257 = tpu.vector_load %arg5[%get3A_255, %get3A_256] {strides = array<i32>} : memref<79x128xi32, #tpu.memory_space<vmem>>, vector<1x16xi32>,
      %get3A_258 = vector.shape_cast %get3A_257 : vector<1x16xi32> to vector<16xi32>
      %and3A_259 = arith.constant 65535 : i32
      %and3A_260 = vector.broadcast %and3A_259 : i32 to vector<16xi32>
      %and3A_261 = arith.andi %get3A_258, %and3A_260 : vector<16xi32>
      %swap3A_262 = arith.constant 48 : index
      %swap3A_263 = tpu.vector_load %arg8[%swap3A_262] {strides = array<i32>} : memref<128xi32, #tpu.memory_space<vmem>>, vector<16xi32>,
      %swap3A_264 = vector.shape_cast %swap3A_263 : vector<16xi32> to vector<16xi32>
      %swap3A_265 = vector.shape_cast %and3A_261 : vector<16xi32> to vector<16xi32>
      tpu.vector_store %arg8[%swap3A_262], %swap3A_265 {strides = array<i32>} : memref<128xi32, #tpu.memory_space<vmem>>, vector<16xi32>,
      %shift_right_logical3A_266 = arith.constant 16 : i32
      %shift_right_logical3A_267 = vector.broadcast %shift_right_logical3A_266 : i32 to vector<16xi32>
      %shift_right_logical3A_268 = arith.shrui %get3A_258, %shift_right_logical3A_267 : vector<16xi32>
      %swap3A_269 = arith.constant 48 : index
      %swap3A_270 = tpu.vector_load %arg9[%swap3A_269] {strides = array<i32>} : memref<128xi32, #tpu.memory_space<vmem>>, vector<16xi32>,
      %swap3A_271 = vector.shape_cast %swap3A_270 : vector<16xi32> to vector<16xi32>
      %swap3A_272 = vector.shape_cast %shift_right_logical3A_268 : vector<16xi32> to vector<16xi32>
      tpu.vector_store %arg9[%swap3A_269], %swap3A_272 {strides = array<i32>} : memref<128xi32, #tpu.memory_space<vmem>>, vector<16xi32>,
      %get3A_273 = arith.index_cast %add3A_198 : i32 to index
      %get3A_274 = arith.constant 64 : index
      %get3A_275 = tpu.vector_load %arg5[%get3A_273, %get3A_274] {strides = array<i32>} : memref<79x128xi32, #tpu.memory_space<vmem>>, vector<1x16xi32>,
      %get3A_276 = vector.shape_cast %get3A_275 : vector<1x16xi32> to vector<16xi32>
      %and3A_277 = arith.constant 65535 : i32
      %and3A_278 = vector.broadcast %and3A_277 : i32 to vector<16xi32>
      %and3A_279 = arith.andi %get3A_276, %and3A_278 : vector<16xi32>
      %swap3A_280 = arith.constant 64 : index
      %swap3A_281 = tpu.vector_load %arg8[%swap3A_280] {strides = array<i32>} : memref<128xi32, #tpu.memory_space<vmem>>, vector<16xi32>,
      %swap3A_282 = vector.shape_cast %swap3A_281 : vector<16xi32> to vector<16xi32>
      %swap3A_283 = vector.shape_cast %and3A_279 : vector<16xi32> to vector<16xi32>
      tpu.vector_store %arg8[%swap3A_280], %swap3A_283 {strides = array<i32>} : memref<128xi32, #tpu.memory_space<vmem>>, vector<16xi32>,
      %shift_right_logical3A_284 = arith.constant 16 : i32
      %shift_right_logical3A_285 = vector.broadcast %shift_right_logical3A_284 : i32 to vector<16xi32>
      %shift_right_logical3A_286 = arith.shrui %get3A_276, %shift_right_logical3A_285 : vector<16xi32>
      %swap3A_287 = arith.constant 64 : index
      %swap3A_288 = tpu.vector_load %arg9[%swap3A_287] {strides = array<i32>} : memref<128xi32, #tpu.memory_space<vmem>>, vector<16xi32>,
      %swap3A_289 = vector.shape_cast %swap3A_288 : vector<16xi32> to vector<16xi32>
      %swap3A_290 = vector.shape_cast %shift_right_logical3A_286 : vector<16xi32> to vector<16xi32>
      tpu.vector_store %arg9[%swap3A_287], %swap3A_290 {strides = array<i32>} : memref<128xi32, #tpu.memory_space<vmem>>, vector<16xi32>,
      %get3A_291 = arith.index_cast %add3A_198 : i32 to index
      %get3A_292 = arith.constant 80 : index
      %get3A_293 = tpu.vector_load %arg5[%get3A_291, %get3A_292] {strides = array<i32>} : memref<79x128xi32, #tpu.memory_space<vmem>>, vector<1x16xi32>,
      %get3A_294 = vector.shape_cast %get3A_293 : vector<1x16xi32> to vector<16xi32>
      %and3A_295 = arith.constant 65535 : i32
      %and3A_296 = vector.broadcast %and3A_295 : i32 to vector<16xi32>
      %and3A_297 = arith.andi %get3A_294, %and3A_296 : vector<16xi32>
      %swap3A_298 = arith.constant 80 : index
      %swap3A_299 = tpu.vector_load %arg8[%swap3A_298] {strides = array<i32>} : memref<128xi32, #tpu.memory_space<vmem>>, vector<16xi32>,
      %swap3A_300 = vector.shape_cast %swap3A_299 : vector<16xi32> to vector<16xi32>
      %swap3A_301 = vector.shape_cast %and3A_297 : vector<16xi32> to vector<16xi32>
      tpu.vector_store %arg8[%swap3A_298], %swap3A_301 {strides = array<i32>} : memref<128xi32, #tpu.memory_space<vmem>>, vector<16xi32>,
      %shift_right_logical3A_302 = arith.constant 16 : i32
      %shift_right_logical3A_303 = vector.broadcast %shift_right_logical3A_302 : i32 to vector<16xi32>
      %shift_right_logical3A_304 = arith.shrui %get3A_294, %shift_right_logical3A_303 : vector<16xi32>
      %swap3A_305 = arith.constant 80 : index
      %swap3A_306 = tpu.vector_load %arg9[%swap3A_305] {strides = array<i32>} : memref<128xi32, #tpu.memory_space<vmem>>, vector<16xi32>,
      %swap3A_307 = vector.shape_cast %swap3A_306 : vector<16xi32> to vector<16xi32>
      %swap3A_308 = vector.shape_cast %shift_right_logical3A_304 : vector<16xi32> to vector<16xi32>
      tpu.vector_store %arg9[%swap3A_305], %swap3A_308 {strides = array<i32>} : memref<128xi32, #tpu.memory_space<vmem>>, vector<16xi32>,
      %get3A_309 = arith.index_cast %add3A_198 : i32 to index
      %get3A_310 = arith.constant 96 : index
      %get3A_311 = tpu.vector_load %arg5[%get3A_309, %get3A_310] {strides = array<i32>} : memref<79x128xi32, #tpu.memory_space<vmem>>, vector<1x16xi32>,
      %get3A_312 = vector.shape_cast %get3A_311 : vector<1x16xi32> to vector<16xi32>
      %and3A_313 = arith.constant 65535 : i32
      %and3A_314 = vector.broadcast %and3A_313 : i32 to vector<16xi32>
      %and3A_315 = arith.andi %get3A_312, %and3A_314 : vector<16xi32>
      %swap3A_316 = arith.constant 96 : index
      %swap3A_317 = tpu.vector_load %arg8[%swap3A_316] {strides = array<i32>} : memref<128xi32, #tpu.memory_space<vmem>>, vector<16xi32>,
      %swap3A_318 = vector.shape_cast %swap3A_317 : vector<16xi32> to vector<16xi32>
      %swap3A_319 = vector.shape_cast %and3A_315 : vector<16xi32> to vector<16xi32>
      tpu.vector_store %arg8[%swap3A_316], %swap3A_319 {strides = array<i32>} : memref<128xi32, #tpu.memory_space<vmem>>, vector<16xi32>,
      %shift_right_logical3A_320 = arith.constant 16 : i32
      %shift_right_logical3A_321 = vector.broadcast %shift_right_logical3A_320 : i32 to vector<16xi32>
      %shift_right_logical3A_322 = arith.shrui %get3A_312, %shift_right_logical3A_321 : vector<16xi32>
      %swap3A_323 = arith.constant 96 : index
      %swap3A_324 = tpu.vector_load %arg9[%swap3A_323] {strides = array<i32>} : memref<128xi32, #tpu.memory_space<vmem>>, vector<16xi32>,
      %swap3A_325 = vector.shape_cast %swap3A_324 : vector<16xi32> to vector<16xi32>
      %swap3A_326 = vector.shape_cast %shift_right_logical3A_322 : vector<16xi32> to vector<16xi32>
      tpu.vector_store %arg9[%swap3A_323], %swap3A_326 {strides = array<i32>} : memref<128xi32, #tpu.memory_space<vmem>>, vector<16xi32>,
      %get3A_327 = arith.index_cast %add3A_198 : i32 to index
      %get3A_328 = arith.constant 112 : index
      %get3A_329 = tpu.vector_load %arg5[%get3A_327, %get3A_328] {strides = array<i32>} : memref<79x128xi32, #tpu.memory_space<vmem>>, vector<1x16xi32>,
      %get3A_330 = vector.shape_cast %get3A_329 : vector<1x16xi32> to vector<16xi32>
      %and3A_331 = arith.constant 65535 : i32
      %and3A_332 = vector.broadcast %and3A_331 : i32 to vector<16xi32>
      %and3A_333 = arith.andi %get3A_330, %and3A_332 : vector<16xi32>
      %swap3A_334 = arith.constant 112 : index
      %swap3A_335 = tpu.vector_load %arg8[%swap3A_334] {strides = array<i32>} : memref<128xi32, #tpu.memory_space<vmem>>, vector<16xi32>,
      %swap3A_336 = vector.shape_cast %swap3A_335 : vector<16xi32> to vector<16xi32>
      %swap3A_337 = vector.shape_cast %and3A_333 : vector<16xi32> to vector<16xi32>
      tpu.vector_store %arg8[%swap3A_334], %swap3A_337 {strides = array<i32>} : memref<128xi32, #tpu.memory_space<vmem>>, vector<16xi32>,
      %shift_right_logical3A_338 = arith.constant 16 : i32
      %shift_right_logical3A_339 = vector.broadcast %shift_right_logical3A_338 : i32 to vector<16xi32>
      %shift_right_logical3A_340 = arith.shrui %get3A_330, %shift_right_logical3A_339 : vector<16xi32>
      %swap3A_341 = arith.constant 112 : index
      %swap3A_342 = tpu.vector_load %arg9[%swap3A_341] {strides = array<i32>} : memref<128xi32, #tpu.memory_space<vmem>>, vector<16xi32>,
      %swap3A_343 = vector.shape_cast %swap3A_342 : vector<16xi32> to vector<16xi32>
      %swap3A_344 = vector.shape_cast %shift_right_logical3A_340 : vector<16xi32> to vector<16xi32>
      tpu.vector_store %arg9[%swap3A_341], %swap3A_344 {strides = array<i32>} : memref<128xi32, #tpu.memory_space<vmem>>, vector<16xi32>,
      %dma_start3A_345 = arith.constant 0 : i32
      %dma_start3A_346 = arith.constant 0 : i32
      %dma_start3A_347 = tpu.memref_slice %arg2[%dma_start3A_345, %dma_start3A_346] : memref<10240x128xf32, #tpu.memory_space<hbm>> -> memref<10240x128xf32, #tpu.memory_space<hbm>>
      tpu.enqueue_indirect_dma source(%dma_start3A_347 : memref<10240x128xf32, #tpu.memory_space<hbm>>) target(%arg11 : memref<128x128xf32, #tpu.memory_space<vmem>>) offsets(%arg8 : memref<128xi32, #tpu.memory_space<vmem>>) semaphore(%arg14 : memref<!tpu.dma_semaphore, #tpu.memory_space<semaphore_mem>>)
      %dma_wait3A_348 = arith.constant 0 : i32
      %dma_wait3A_349 = arith.constant 0 : i32
      %dma_wait3A_350 = tpu.memref_slice %arg2[%dma_wait3A_348, %dma_wait3A_349] : memref<10240x128xf32, #tpu.memory_space<hbm>> -> memref<10240x128xf32, #tpu.memory_space<hbm>>
      tpu.wait_indirect_dma semaphore(%arg13 : memref<!tpu.dma_semaphore, #tpu.memory_space<semaphore_mem>>) src(%dma_wait3A_350 : memref<10240x128xf32, #tpu.memory_space<hbm>>) dst(%arg10 : memref<128x128xf32, #tpu.memory_space<vmem>>)
      "tpu.region"() ({
        %run_scoped3A_501 = tpu.sem_alloc : memref<!tpu.dma_semaphore, #tpu.memory_space<semaphore_mem>>
        %dma_start3A_502 = arith.constant 0 : i32
        %dma_start3A_503 = arith.constant 0 : i32
        %dma_start3A_504 = tpu.memref_slice %arg12[%dma_start3A_502, %dma_start3A_503] : memref<10240x128xf32, #tpu.memory_space<vmem_shared>> -> memref<10240x128xf32, #tpu.memory_space<vmem_shared>>
        tpu.enqueue_indirect_dma source(%arg10 : memref<128x128xf32, #tpu.memory_space<vmem>>) target(%dma_start3A_504 : memref<10240x128xf32, #tpu.memory_space<vmem_shared>>) offsets(%arg7 : memref<128xi32, #tpu.memory_space<vmem>>) semaphore(%run_scoped3A_501 : memref<!tpu.dma_semaphore, #tpu.memory_space<semaphore_mem>>) {add = true}
        %dma_wait3A_505 = arith.constant 0 : i32
        %dma_wait3A_506 = arith.constant 0 : i32
        %dma_wait3A_507 = tpu.memref_slice %arg12[%dma_wait3A_505, %dma_wait3A_506] : memref<10240x128xf32, #tpu.memory_space<vmem_shared>> -> memref<10240x128xf32, #tpu.memory_space<vmem_shared>>
        tpu.wait_indirect_dma semaphore(%run_scoped3A_501 : memref<!tpu.dma_semaphore, #tpu.memory_space<semaphore_mem>>) src(%arg10 : memref<128x128xf32, #tpu.memory_space<vmem>>) dst(%dma_wait3A_507 : memref<10240x128xf32, #tpu.memory_space<vmem_shared>>)
        tpu.yield
      }) : () -> ()
      %get3A_351 = arith.index_cast %add3A_200 : i32 to index
      %get3A_352 = arith.constant 0 : index
      %get3A_353 = tpu.vector_load %arg5[%get3A_351, %get3A_352] {strides = array<i32>} : memref<79x128xi32, #tpu.memory_space<vmem>>, vector<1x16xi32>,
      %get3A_354 = vector.shape_cast %get3A_353 : vector<1x16xi32> to vector<16xi32>
      %and3A_355 = arith.constant 65535 : i32
      %and3A_356 = vector.broadcast %and3A_355 : i32 to vector<16xi32>
      %and3A_357 = arith.andi %get3A_354, %and3A_356 : vector<16xi32>
      %swap3A_358 = arith.constant 0 : index
      %swap3A_359 = tpu.vector_load %arg6[%swap3A_358] {strides = array<i32>} : memref<128xi32, #tpu.memory_space<vmem>>, vector<16xi32>,
      %swap3A_360 = vector.shape_cast %swap3A_359 : vector<16xi32> to vector<16xi32>
      %swap3A_361 = vector.shape_cast %and3A_357 : vector<16xi32> to vector<16xi32>
      tpu.vector_store %arg6[%swap3A_358], %swap3A_361 {strides = array<i32>} : memref<128xi32, #tpu.memory_space<vmem>>, vector<16xi32>,
      %shift_right_logical3A_362 = arith.constant 16 : i32
      %shift_right_logical3A_363 = vector.broadcast %shift_right_logical3A_362 : i32 to vector<16xi32>
      %shift_right_logical3A_364 = arith.shrui %get3A_354, %shift_right_logical3A_363 : vector<16xi32>
      %swap3A_365 = arith.constant 0 : index
      %swap3A_366 = tpu.vector_load %arg7[%swap3A_365] {strides = array<i32>} : memref<128xi32, #tpu.memory_space<vmem>>, vector<16xi32>,
      %swap3A_367 = vector.shape_cast %swap3A_366 : vector<16xi32> to vector<16xi32>
      %swap3A_368 = vector.shape_cast %shift_right_logical3A_364 : vector<16xi32> to vector<16xi32>
      tpu.vector_store %arg7[%swap3A_365], %swap3A_368 {strides = array<i32>} : memref<128xi32, #tpu.memory_space<vmem>>, vector<16xi32>,
      %get3A_369 = arith.index_cast %add3A_200 : i32 to index
      %get3A_370 = arith.constant 16 : index
      %get3A_371 = tpu.vector_load %arg5[%get3A_369, %get3A_370] {strides = array<i32>} : memref<79x128xi32, #tpu.memory_space<vmem>>, vector<1x16xi32>,
      %get3A_372 = vector.shape_cast %get3A_371 : vector<1x16xi32> to vector<16xi32>
      %and3A_373 = arith.constant 65535 : i32
      %and3A_374 = vector.broadcast %and3A_373 : i32 to vector<16xi32>
      %and3A_375 = arith.andi %get3A_372, %and3A_374 : vector<16xi32>
      %swap3A_376 = arith.constant 16 : index
      %swap3A_377 = tpu.vector_load %arg6[%swap3A_376] {strides = array<i32>} : memref<128xi32, #tpu.memory_space<vmem>>, vector<16xi32>,
      %swap3A_378 = vector.shape_cast %swap3A_377 : vector<16xi32> to vector<16xi32>
      %swap3A_379 = vector.shape_cast %and3A_375 : vector<16xi32> to vector<16xi32>
      tpu.vector_store %arg6[%swap3A_376], %swap3A_379 {strides = array<i32>} : memref<128xi32, #tpu.memory_space<vmem>>, vector<16xi32>,
      %shift_right_logical3A_380 = arith.constant 16 : i32
      %shift_right_logical3A_381 = vector.broadcast %shift_right_logical3A_380 : i32 to vector<16xi32>
      %shift_right_logical3A_382 = arith.shrui %get3A_372, %shift_right_logical3A_381 : vector<16xi32>
      %swap3A_383 = arith.constant 16 : index
      %swap3A_384 = tpu.vector_load %arg7[%swap3A_383] {strides = array<i32>} : memref<128xi32, #tpu.memory_space<vmem>>, vector<16xi32>,
      %swap3A_385 = vector.shape_cast %swap3A_384 : vector<16xi32> to vector<16xi32>
      %swap3A_386 = vector.shape_cast %shift_right_logical3A_382 : vector<16xi32> to vector<16xi32>
      tpu.vector_store %arg7[%swap3A_383], %swap3A_386 {strides = array<i32>} : memref<128xi32, #tpu.memory_space<vmem>>, vector<16xi32>,
      %get3A_387 = arith.index_cast %add3A_200 : i32 to index
      %get3A_388 = arith.constant 32 : index
      %get3A_389 = tpu.vector_load %arg5[%get3A_387, %get3A_388] {strides = array<i32>} : memref<79x128xi32, #tpu.memory_space<vmem>>, vector<1x16xi32>,
      %get3A_390 = vector.shape_cast %get3A_389 : vector<1x16xi32> to vector<16xi32>
      %and3A_391 = arith.constant 65535 : i32
      %and3A_392 = vector.broadcast %and3A_391 : i32 to vector<16xi32>
      %and3A_393 = arith.andi %get3A_390, %and3A_392 : vector<16xi32>
      %swap3A_394 = arith.constant 32 : index
      %swap3A_395 = tpu.vector_load %arg6[%swap3A_394] {strides = array<i32>} : memref<128xi32, #tpu.memory_space<vmem>>, vector<16xi32>,
      %swap3A_396 = vector.shape_cast %swap3A_395 : vector<16xi32> to vector<16xi32>
      %swap3A_397 = vector.shape_cast %and3A_393 : vector<16xi32> to vector<16xi32>
      tpu.vector_store %arg6[%swap3A_394], %swap3A_397 {strides = array<i32>} : memref<128xi32, #tpu.memory_space<vmem>>, vector<16xi32>,
      %shift_right_logical3A_398 = arith.constant 16 : i32
      %shift_right_logical3A_399 = vector.broadcast %shift_right_logical3A_398 : i32 to vector<16xi32>
      %shift_right_logical3A_400 = arith.shrui %get3A_390, %shift_right_logical3A_399 : vector<16xi32>
      %swap3A_401 = arith.constant 32 : index
      %swap3A_402 = tpu.vector_load %arg7[%swap3A_401] {strides = array<i32>} : memref<128xi32, #tpu.memory_space<vmem>>, vector<16xi32>,
      %swap3A_403 = vector.shape_cast %swap3A_402 : vector<16xi32> to vector<16xi32>
      %swap3A_404 = vector.shape_cast %shift_right_logical3A_400 : vector<16xi32> to vector<16xi32>
      tpu.vector_store %arg7[%swap3A_401], %swap3A_404 {strides = array<i32>} : memref<128xi32, #tpu.memory_space<vmem>>, vector<16xi32>,
      %get3A_405 = arith.index_cast %add3A_200 : i32 to index
      %get3A_406 = arith.constant 48 : index
      %get3A_407 = tpu.vector_load %arg5[%get3A_405, %get3A_406] {strides = array<i32>} : memref<79x128xi32, #tpu.memory_space<vmem>>, vector<1x16xi32>,
      %get3A_408 = vector.shape_cast %get3A_407 : vector<1x16xi32> to vector<16xi32>
      %and3A_409 = arith.constant 65535 : i32
      %and3A_410 = vector.broadcast %and3A_409 : i32 to vector<16xi32>
      %and3A_411 = arith.andi %get3A_408, %and3A_410 : vector<16xi32>
      %swap3A_412 = arith.constant 48 : index
      %swap3A_413 = tpu.vector_load %arg6[%swap3A_412] {strides = array<i32>} : memref<128xi32, #tpu.memory_space<vmem>>, vector<16xi32>,
      %swap3A_414 = vector.shape_cast %swap3A_413 : vector<16xi32> to vector<16xi32>
      %swap3A_415 = vector.shape_cast %and3A_411 : vector<16xi32> to vector<16xi32>
      tpu.vector_store %arg6[%swap3A_412], %swap3A_415 {strides = array<i32>} : memref<128xi32, #tpu.memory_space<vmem>>, vector<16xi32>,
      %shift_right_logical3A_416 = arith.constant 16 : i32
      %shift_right_logical3A_417 = vector.broadcast %shift_right_logical3A_416 : i32 to vector<16xi32>
      %shift_right_logical3A_418 = arith.shrui %get3A_408, %shift_right_logical3A_417 : vector<16xi32>
      %swap3A_419 = arith.constant 48 : index
      %swap3A_420 = tpu.vector_load %arg7[%swap3A_419] {strides = array<i32>} : memref<128xi32, #tpu.memory_space<vmem>>, vector<16xi32>,
      %swap3A_421 = vector.shape_cast %swap3A_420 : vector<16xi32> to vector<16xi32>
      %swap3A_422 = vector.shape_cast %shift_right_logical3A_418 : vector<16xi32> to vector<16xi32>
      tpu.vector_store %arg7[%swap3A_419], %swap3A_422 {strides = array<i32>} : memref<128xi32, #tpu.memory_space<vmem>>, vector<16xi32>,
      %get3A_423 = arith.index_cast %add3A_200 : i32 to index
      %get3A_424 = arith.constant 64 : index
      %get3A_425 = tpu.vector_load %arg5[%get3A_423, %get3A_424] {strides = array<i32>} : memref<79x128xi32, #tpu.memory_space<vmem>>, vector<1x16xi32>,
      %get3A_426 = vector.shape_cast %get3A_425 : vector<1x16xi32> to vector<16xi32>
      %and3A_427 = arith.constant 65535 : i32
      %and3A_428 = vector.broadcast %and3A_427 : i32 to vector<16xi32>
      %and3A_429 = arith.andi %get3A_426, %and3A_428 : vector<16xi32>
      %swap3A_430 = arith.constant 64 : index
      %swap3A_431 = tpu.vector_load %arg6[%swap3A_430] {strides = array<i32>} : memref<128xi32, #tpu.memory_space<vmem>>, vector<16xi32>,
      %swap3A_432 = vector.shape_cast %swap3A_431 : vector<16xi32> to vector<16xi32>
      %swap3A_433 = vector.shape_cast %and3A_429 : vector<16xi32> to vector<16xi32>
      tpu.vector_store %arg6[%swap3A_430], %swap3A_433 {strides = array<i32>} : memref<128xi32, #tpu.memory_space<vmem>>, vector<16xi32>,
      %shift_right_logical3A_434 = arith.constant 16 : i32
      %shift_right_logical3A_435 = vector.broadcast %shift_right_logical3A_434 : i32 to vector<16xi32>
      %shift_right_logical3A_436 = arith.shrui %get3A_426, %shift_right_logical3A_435 : vector<16xi32>
      %swap3A_437 = arith.constant 64 : index
      %swap3A_438 = tpu.vector_load %arg7[%swap3A_437] {strides = array<i32>} : memref<128xi32, #tpu.memory_space<vmem>>, vector<16xi32>,
      %swap3A_439 = vector.shape_cast %swap3A_438 : vector<16xi32> to vector<16xi32>
      %swap3A_440 = vector.shape_cast %shift_right_logical3A_436 : vector<16xi32> to vector<16xi32>
      tpu.vector_store %arg7[%swap3A_437], %swap3A_440 {strides = array<i32>} : memref<128xi32, #tpu.memory_space<vmem>>, vector<16xi32>,
      %get3A_441 = arith.index_cast %add3A_200 : i32 to index
      %get3A_442 = arith.constant 80 : index
      %get3A_443 = tpu.vector_load %arg5[%get3A_441, %get3A_442] {strides = array<i32>} : memref<79x128xi32, #tpu.memory_space<vmem>>, vector<1x16xi32>,
      %get3A_444 = vector.shape_cast %get3A_443 : vector<1x16xi32> to vector<16xi32>
      %and3A_445 = arith.constant 65535 : i32
      %and3A_446 = vector.broadcast %and3A_445 : i32 to vector<16xi32>
      %and3A_447 = arith.andi %get3A_444, %and3A_446 : vector<16xi32>
      %swap3A_448 = arith.constant 80 : index
      %swap3A_449 = tpu.vector_load %arg6[%swap3A_448] {strides = array<i32>} : memref<128xi32, #tpu.memory_space<vmem>>, vector<16xi32>,
      %swap3A_450 = vector.shape_cast %swap3A_449 : vector<16xi32> to vector<16xi32>
      %swap3A_451 = vector.shape_cast %and3A_447 : vector<16xi32> to vector<16xi32>
      tpu.vector_store %arg6[%swap3A_448], %swap3A_451 {strides = array<i32>} : memref<128xi32, #tpu.memory_space<vmem>>, vector<16xi32>,
      %shift_right_logical3A_452 = arith.constant 16 : i32
      %shift_right_logical3A_453 = vector.broadcast %shift_right_logical3A_452 : i32 to vector<16xi32>
      %shift_right_logical3A_454 = arith.shrui %get3A_444, %shift_right_logical3A_453 : vector<16xi32>
      %swap3A_455 = arith.constant 80 : index
      %swap3A_456 = tpu.vector_load %arg7[%swap3A_455] {strides = array<i32>} : memref<128xi32, #tpu.memory_space<vmem>>, vector<16xi32>,
      %swap3A_457 = vector.shape_cast %swap3A_456 : vector<16xi32> to vector<16xi32>
      %swap3A_458 = vector.shape_cast %shift_right_logical3A_454 : vector<16xi32> to vector<16xi32>
      tpu.vector_store %arg7[%swap3A_455], %swap3A_458 {strides = array<i32>} : memref<128xi32, #tpu.memory_space<vmem>>, vector<16xi32>,
      %get3A_459 = arith.index_cast %add3A_200 : i32 to index
      %get3A_460 = arith.constant 96 : index
      %get3A_461 = tpu.vector_load %arg5[%get3A_459, %get3A_460] {strides = array<i32>} : memref<79x128xi32, #tpu.memory_space<vmem>>, vector<1x16xi32>,
      %get3A_462 = vector.shape_cast %get3A_461 : vector<1x16xi32> to vector<16xi32>
      %and3A_463 = arith.constant 65535 : i32
      %and3A_464 = vector.broadcast %and3A_463 : i32 to vector<16xi32>
      %and3A_465 = arith.andi %get3A_462, %and3A_464 : vector<16xi32>
      %swap3A_466 = arith.constant 96 : index
      %swap3A_467 = tpu.vector_load %arg6[%swap3A_466] {strides = array<i32>} : memref<128xi32, #tpu.memory_space<vmem>>, vector<16xi32>,
      %swap3A_468 = vector.shape_cast %swap3A_467 : vector<16xi32> to vector<16xi32>
      %swap3A_469 = vector.shape_cast %and3A_465 : vector<16xi32> to vector<16xi32>
      tpu.vector_store %arg6[%swap3A_466], %swap3A_469 {strides = array<i32>} : memref<128xi32, #tpu.memory_space<vmem>>, vector<16xi32>,
      %shift_right_logical3A_470 = arith.constant 16 : i32
      %shift_right_logical3A_471 = vector.broadcast %shift_right_logical3A_470 : i32 to vector<16xi32>
      %shift_right_logical3A_472 = arith.shrui %get3A_462, %shift_right_logical3A_471 : vector<16xi32>
      %swap3A_473 = arith.constant 96 : index
      %swap3A_474 = tpu.vector_load %arg7[%swap3A_473] {strides = array<i32>} : memref<128xi32, #tpu.memory_space<vmem>>, vector<16xi32>,
      %swap3A_475 = vector.shape_cast %swap3A_474 : vector<16xi32> to vector<16xi32>
      %swap3A_476 = vector.shape_cast %shift_right_logical3A_472 : vector<16xi32> to vector<16xi32>
      tpu.vector_store %arg7[%swap3A_473], %swap3A_476 {strides = array<i32>} : memref<128xi32, #tpu.memory_space<vmem>>, vector<16xi32>,
      %get3A_477 = arith.index_cast %add3A_200 : i32 to index
      %get3A_478 = arith.constant 112 : index
      %get3A_479 = tpu.vector_load %arg5[%get3A_477, %get3A_478] {strides = array<i32>} : memref<79x128xi32, #tpu.memory_space<vmem>>, vector<1x16xi32>,
      %get3A_480 = vector.shape_cast %get3A_479 : vector<1x16xi32> to vector<16xi32>
      %and3A_481 = arith.constant 65535 : i32
      %and3A_482 = vector.broadcast %and3A_481 : i32 to vector<16xi32>
      %and3A_483 = arith.andi %get3A_480, %and3A_482 : vector<16xi32>
      %swap3A_484 = arith.constant 112 : index
      %swap3A_485 = tpu.vector_load %arg6[%swap3A_484] {strides = array<i32>} : memref<128xi32, #tpu.memory_space<vmem>>, vector<16xi32>,
      %swap3A_486 = vector.shape_cast %swap3A_485 : vector<16xi32> to vector<16xi32>
      %swap3A_487 = vector.shape_cast %and3A_483 : vector<16xi32> to vector<16xi32>
      tpu.vector_store %arg6[%swap3A_484], %swap3A_487 {strides = array<i32>} : memref<128xi32, #tpu.memory_space<vmem>>, vector<16xi32>,
      %shift_right_logical3A_488 = arith.constant 16 : i32
      %shift_right_logical3A_489 = vector.broadcast %shift_right_logical3A_488 : i32 to vector<16xi32>
      %shift_right_logical3A_490 = arith.shrui %get3A_480, %shift_right_logical3A_489 : vector<16xi32>
      %swap3A_491 = arith.constant 112 : index
      %swap3A_492 = tpu.vector_load %arg7[%swap3A_491] {strides = array<i32>} : memref<128xi32, #tpu.memory_space<vmem>>, vector<16xi32>,
      %swap3A_493 = vector.shape_cast %swap3A_492 : vector<16xi32> to vector<16xi32>
      %swap3A_494 = vector.shape_cast %shift_right_logical3A_490 : vector<16xi32> to vector<16xi32>
      tpu.vector_store %arg7[%swap3A_491], %swap3A_494 {strides = array<i32>} : memref<128xi32, #tpu.memory_space<vmem>>, vector<16xi32>,
      %dma_start3A_495 = arith.constant 0 : i32
      %dma_start3A_496 = arith.constant 0 : i32
      %dma_start3A_497 = tpu.memref_slice %arg2[%dma_start3A_495, %dma_start3A_496] : memref<10240x128xf32, #tpu.memory_space<hbm>> -> memref<10240x128xf32, #tpu.memory_space<hbm>>
      tpu.enqueue_indirect_dma source(%dma_start3A_497 : memref<10240x128xf32, #tpu.memory_space<hbm>>) target(%arg10 : memref<128x128xf32, #tpu.memory_space<vmem>>) offsets(%arg6 : memref<128xi32, #tpu.memory_space<vmem>>) semaphore(%arg13 : memref<!tpu.dma_semaphore, #tpu.memory_space<semaphore_mem>>)
      %dma_wait3A_498 = arith.constant 0 : i32
      %dma_wait3A_499 = arith.constant 0 : i32
      %dma_wait3A_500 = tpu.memref_slice %arg2[%dma_wait3A_498, %dma_wait3A_499] : memref<10240x128xf32, #tpu.memory_space<hbm>> -> memref<10240x128xf32, #tpu.memory_space<hbm>>
      tpu.wait_indirect_dma semaphore(%arg14 : memref<!tpu.dma_semaphore, #tpu.memory_space<semaphore_mem>>) src(%dma_wait3A_500 : memref<10240x128xf32, #tpu.memory_space<hbm>>) dst(%arg11 : memref<128x128xf32, #tpu.memory_space<vmem>>)
      "tpu.region"() ({
        %run_scoped3A_501 = tpu.sem_alloc : memref<!tpu.dma_semaphore, #tpu.memory_space<semaphore_mem>>
        %dma_start3A_502 = arith.constant 0 : i32
        %dma_start3A_503 = arith.constant 0 : i32
        %dma_start3A_504 = tpu.memref_slice %arg12[%dma_start3A_502, %dma_start3A_503] : memref<10240x128xf32, #tpu.memory_space<vmem_shared>> -> memref<10240x128xf32, #tpu.memory_space<vmem_shared>>
        tpu.enqueue_indirect_dma source(%arg11 : memref<128x128xf32, #tpu.memory_space<vmem>>) target(%dma_start3A_504 : memref<10240x128xf32, #tpu.memory_space<vmem_shared>>) offsets(%arg9 : memref<128xi32, #tpu.memory_space<vmem>>) semaphore(%run_scoped3A_501 : memref<!tpu.dma_semaphore, #tpu.memory_space<semaphore_mem>>) {add = true}
        %dma_wait3A_505 = arith.constant 0 : i32
        %dma_wait3A_506 = arith.constant 0 : i32
        %dma_wait3A_507 = tpu.memref_slice %arg12[%dma_wait3A_505, %dma_wait3A_506] : memref<10240x128xf32, #tpu.memory_space<vmem_shared>> -> memref<10240x128xf32, #tpu.memory_space<vmem_shared>>
        tpu.wait_indirect_dma semaphore(%run_scoped3A_501 : memref<!tpu.dma_semaphore, #tpu.memory_space<semaphore_mem>>) src(%arg11 : memref<128x128xf32, #tpu.memory_space<vmem>>) dst(%dma_wait3A_507 : memref<10240x128xf32, #tpu.memory_space<vmem_shared>>)
        tpu.yield
      }) : () -> ()
    }
    %dma_wait3A = arith.constant 0 : i32
    %dma_wait3A_187 = arith.constant 0 : i32
    %dma_wait3A_188 = tpu.memref_slice %arg2[%dma_wait3A, %dma_wait3A_187] : memref<10240x128xf32, #tpu.memory_space<hbm>> -> memref<10240x128xf32, #tpu.memory_space<hbm>>
    tpu.wait_indirect_dma semaphore(%arg13 : memref<!tpu.dma_semaphore, #tpu.memory_space<semaphore_mem>>) src(%dma_wait3A_188 : memref<10240x128xf32, #tpu.memory_space<hbm>>) dst(%arg10 : memref<128x128xf32, #tpu.memory_space<vmem>>)
    "tpu.region"() ({
      %run_scoped3A_194 = tpu.sem_alloc : memref<!tpu.dma_semaphore, #tpu.memory_space<semaphore_mem>>
      %dma_start3A_195 = arith.constant 0 : i32
      %dma_start3A_196 = arith.constant 0 : i32
      %dma_start3A_197 = tpu.memref_slice %arg12[%dma_start3A_195, %dma_start3A_196] : memref<10240x128xf32, #tpu.memory_space<vmem_shared>> -> memref<10240x128xf32, #tpu.memory_space<vmem_shared>>
      tpu.enqueue_indirect_dma source(%arg10 : memref<128x128xf32, #tpu.memory_space<vmem>>) target(%dma_start3A_197 : memref<10240x128xf32, #tpu.memory_space<vmem_shared>>) offsets(%arg7 : memref<128xi32, #tpu.memory_space<vmem>>) semaphore(%run_scoped3A_194 : memref<!tpu.dma_semaphore, #tpu.memory_space<semaphore_mem>>) {add = true}
      %dma_wait3A_198 = arith.constant 0 : i32
      %dma_wait3A_199 = arith.constant 0 : i32
      %dma_wait3A_200 = tpu.memref_slice %arg12[%dma_wait3A_198, %dma_wait3A_199] : memref<10240x128xf32, #tpu.memory_space<vmem_shared>> -> memref<10240x128xf32, #tpu.memory_space<vmem_shared>>
      tpu.wait_indirect_dma semaphore(%run_scoped3A_194 : memref<!tpu.dma_semaphore, #tpu.memory_space<semaphore_mem>>) src(%arg10 : memref<128x128xf32, #tpu.memory_space<vmem>>) dst(%dma_wait3A_200 : memref<10240x128xf32, #tpu.memory_space<vmem_shared>>)
      tpu.yield
    }) : () -> ()
    %barrier3A_189 = arith.constant 0 : index
    tpu.barrier barrier_id(%barrier3A_189)
    %mul3A_190 = arith.constant 640 : i32
    %mul3A_191 = arith.muli %arg1, %mul3A_190 : i32
    %mul3A_192 = arith.constant 640 : i32
    %mul3A_193 = arith.muli %arg1, %mul3A_192 : i32
    "tpu.region"() ({
      %run_scoped3A_194 = tpu.sem_alloc : memref<!tpu.dma_semaphore, #tpu.memory_space<semaphore_mem>>
      %dma_start3A_195 = arith.constant 0 : i32
      %dma_start3A_196 = tpu.memref_slice %arg4[%arg0, %mul3A_193, %dma_start3A_195] : memref<2x10240x128xf32, #tpu.memory_space<hbm>> -> memref<1x640x128xf32, #tpu.memory_space<hbm>>
      %dma_start3A_197 = tpu.memref_squeeze %dma_start3A_196 : memref<1x640x128xf32, #tpu.memory_space<hbm>> -> memref<640x128xf32, #tpu.memory_space<hbm>>
      %dma_start3A_198 = arith.constant 0 : i32
      %dma_start3A_199 = tpu.memref_slice %arg12[%mul3A_191, %dma_start3A_198] : memref<10240x128xf32, #tpu.memory_space<vmem_shared>> -> memref<640x128xf32, #tpu.memory_space<vmem_shared>>
      tpu.enqueue_dma source(%dma_start3A_199 : memref<640x128xf32, #tpu.memory_space<vmem_shared>>) target(%dma_start3A_197 : memref<640x128xf32, #tpu.memory_space<hbm>>) target_semaphore(%run_scoped3A_194 : memref<!tpu.dma_semaphore, #tpu.memory_space<semaphore_mem>>)
      %dma_wait3A_200 = arith.constant 0 : i32
      %dma_wait3A_201 = tpu.memref_slice %arg4[%arg0, %mul3A_193, %dma_wait3A_200] : memref<2x10240x128xf32, #tpu.memory_space<hbm>> -> memref<1x640x128xf32, #tpu.memory_space<hbm>>
      %dma_wait3A_202 = tpu.memref_squeeze %dma_wait3A_201 : memref<1x640x128xf32, #tpu.memory_space<hbm>> -> memref<640x128xf32, #tpu.memory_space<hbm>>
      %dma_wait3A_203 = arith.constant 0 : i32
      %dma_wait3A_204 = tpu.memref_slice %arg12[%mul3A_191, %dma_wait3A_203] : memref<10240x128xf32, #tpu.memory_space<vmem_shared>> -> memref<640x128xf32, #tpu.memory_space<vmem_shared>>
      tpu.wait_dma2 semaphore(%run_scoped3A_194 : memref<!tpu.dma_semaphore, #tpu.memory_space<semaphore_mem>>) src(%dma_wait3A_204 : memref<640x128xf32, #tpu.memory_space<vmem_shared>>) dst(%dma_wait3A_202 : memref<640x128xf32, #tpu.memory_space<hbm>>)
      tpu.yield
    }) : () -> ()
    return
  }
}

#map = affine_map<(d0, d1) -> (0, 0, 0, 0)>
#map1 = affine_map<(d0, d1) -> (0)>
module attributes {stable_mosaic.version = 14 : i64} {
  func.func @_deg_body(%arg0: i32, %arg1: i32, %arg2: memref<2x16x157x128xi32, #tpu.memory_space<hbm>>, %arg3: memref<20480xf32, #tpu.memory_space<hbm>>, %arg4: memref<157x128xi32, #tpu.memory_space<vmem>>, %arg5: memref<128xf32, #tpu.memory_space<vmem>>, %arg6: memref<640xf32, #tpu.memory_space<vmem>>, %arg7: memref<10240xf32, #tpu.memory_space<vmem_shared>>) attributes {dimension_semantics = [#tpu.dimension_semantics<core_parallel>, #tpu.dimension_semantics<subcore_parallel>], iteration_bounds = array<i64: 2, 16>, scalar_prefetch = 0 : i64, scratch_operands = 4 : i64, tpu.core_type = #tpu.core_type<sc_vector_subcore>, window_params = [{transform_indices = #map}, {transform_indices = #map1}]} {
    %broadcast_in_dim3A = arith.constant 1.000000e+00 : f32
    %broadcast_in_dim3A_0 = vector.broadcast %broadcast_in_dim3A : f32 to vector<16xf32>
    %swap3A = arith.constant 0 : index
    %swap3A_1 = tpu.vector_load %arg5[%swap3A] {strides = array<i32>} : memref<128xf32, #tpu.memory_space<vmem>>, vector<16xf32>,
    %swap3A_2 = vector.shape_cast %swap3A_1 : vector<16xf32> to vector<16xf32>
    %swap3A_3 = vector.shape_cast %broadcast_in_dim3A_0 : vector<16xf32> to vector<16xf32>
    tpu.vector_store %arg5[%swap3A], %swap3A_3 {strides = array<i32>} : memref<128xf32, #tpu.memory_space<vmem>>, vector<16xf32>,
    %broadcast_in_dim3A_4 = arith.constant 1.000000e+00 : f32
    %broadcast_in_dim3A_5 = vector.broadcast %broadcast_in_dim3A_4 : f32 to vector<16xf32>
    %swap3A_6 = arith.constant 16 : index
    %swap3A_7 = tpu.vector_load %arg5[%swap3A_6] {strides = array<i32>} : memref<128xf32, #tpu.memory_space<vmem>>, vector<16xf32>,
    %swap3A_8 = vector.shape_cast %swap3A_7 : vector<16xf32> to vector<16xf32>
    %swap3A_9 = vector.shape_cast %broadcast_in_dim3A_5 : vector<16xf32> to vector<16xf32>
    tpu.vector_store %arg5[%swap3A_6], %swap3A_9 {strides = array<i32>} : memref<128xf32, #tpu.memory_space<vmem>>, vector<16xf32>,
    %broadcast_in_dim3A_10 = arith.constant 1.000000e+00 : f32
    %broadcast_in_dim3A_11 = vector.broadcast %broadcast_in_dim3A_10 : f32 to vector<16xf32>
    %swap3A_12 = arith.constant 32 : index
    %swap3A_13 = tpu.vector_load %arg5[%swap3A_12] {strides = array<i32>} : memref<128xf32, #tpu.memory_space<vmem>>, vector<16xf32>,
    %swap3A_14 = vector.shape_cast %swap3A_13 : vector<16xf32> to vector<16xf32>
    %swap3A_15 = vector.shape_cast %broadcast_in_dim3A_11 : vector<16xf32> to vector<16xf32>
    tpu.vector_store %arg5[%swap3A_12], %swap3A_15 {strides = array<i32>} : memref<128xf32, #tpu.memory_space<vmem>>, vector<16xf32>,
    %broadcast_in_dim3A_16 = arith.constant 1.000000e+00 : f32
    %broadcast_in_dim3A_17 = vector.broadcast %broadcast_in_dim3A_16 : f32 to vector<16xf32>
    %swap3A_18 = arith.constant 48 : index
    %swap3A_19 = tpu.vector_load %arg5[%swap3A_18] {strides = array<i32>} : memref<128xf32, #tpu.memory_space<vmem>>, vector<16xf32>,
    %swap3A_20 = vector.shape_cast %swap3A_19 : vector<16xf32> to vector<16xf32>
    %swap3A_21 = vector.shape_cast %broadcast_in_dim3A_17 : vector<16xf32> to vector<16xf32>
    tpu.vector_store %arg5[%swap3A_18], %swap3A_21 {strides = array<i32>} : memref<128xf32, #tpu.memory_space<vmem>>, vector<16xf32>,
    %broadcast_in_dim3A_22 = arith.constant 1.000000e+00 : f32
    %broadcast_in_dim3A_23 = vector.broadcast %broadcast_in_dim3A_22 : f32 to vector<16xf32>
    %swap3A_24 = arith.constant 64 : index
    %swap3A_25 = tpu.vector_load %arg5[%swap3A_24] {strides = array<i32>} : memref<128xf32, #tpu.memory_space<vmem>>, vector<16xf32>,
    %swap3A_26 = vector.shape_cast %swap3A_25 : vector<16xf32> to vector<16xf32>
    %swap3A_27 = vector.shape_cast %broadcast_in_dim3A_23 : vector<16xf32> to vector<16xf32>
    tpu.vector_store %arg5[%swap3A_24], %swap3A_27 {strides = array<i32>} : memref<128xf32, #tpu.memory_space<vmem>>, vector<16xf32>,
    %broadcast_in_dim3A_28 = arith.constant 1.000000e+00 : f32
    %broadcast_in_dim3A_29 = vector.broadcast %broadcast_in_dim3A_28 : f32 to vector<16xf32>
    %swap3A_30 = arith.constant 80 : index
    %swap3A_31 = tpu.vector_load %arg5[%swap3A_30] {strides = array<i32>} : memref<128xf32, #tpu.memory_space<vmem>>, vector<16xf32>,
    %swap3A_32 = vector.shape_cast %swap3A_31 : vector<16xf32> to vector<16xf32>
    %swap3A_33 = vector.shape_cast %broadcast_in_dim3A_29 : vector<16xf32> to vector<16xf32>
    tpu.vector_store %arg5[%swap3A_30], %swap3A_33 {strides = array<i32>} : memref<128xf32, #tpu.memory_space<vmem>>, vector<16xf32>,
    %broadcast_in_dim3A_34 = arith.constant 1.000000e+00 : f32
    %broadcast_in_dim3A_35 = vector.broadcast %broadcast_in_dim3A_34 : f32 to vector<16xf32>
    %swap3A_36 = arith.constant 96 : index
    %swap3A_37 = tpu.vector_load %arg5[%swap3A_36] {strides = array<i32>} : memref<128xf32, #tpu.memory_space<vmem>>, vector<16xf32>,
    %swap3A_38 = vector.shape_cast %swap3A_37 : vector<16xf32> to vector<16xf32>
    %swap3A_39 = vector.shape_cast %broadcast_in_dim3A_35 : vector<16xf32> to vector<16xf32>
    tpu.vector_store %arg5[%swap3A_36], %swap3A_39 {strides = array<i32>} : memref<128xf32, #tpu.memory_space<vmem>>, vector<16xf32>,
    %broadcast_in_dim3A_40 = arith.constant 1.000000e+00 : f32
    %broadcast_in_dim3A_41 = vector.broadcast %broadcast_in_dim3A_40 : f32 to vector<16xf32>
    %swap3A_42 = arith.constant 112 : index
    %swap3A_43 = tpu.vector_load %arg5[%swap3A_42] {strides = array<i32>} : memref<128xf32, #tpu.memory_space<vmem>>, vector<16xf32>,
    %swap3A_44 = vector.shape_cast %swap3A_43 : vector<16xf32> to vector<16xf32>
    %swap3A_45 = vector.shape_cast %broadcast_in_dim3A_41 : vector<16xf32> to vector<16xf32>
    tpu.vector_store %arg5[%swap3A_42], %swap3A_45 {strides = array<i32>} : memref<128xf32, #tpu.memory_space<vmem>>, vector<16xf32>,
    %broadcast_in_dim3A_46 = arith.constant 0.000000e+00 : f32
    %broadcast_in_dim3A_47 = vector.broadcast %broadcast_in_dim3A_46 : f32 to vector<16xf32>
    %swap3A_48 = arith.constant 0 : index
    %swap3A_49 = tpu.vector_load %arg6[%swap3A_48] {strides = array<i32>} : memref<640xf32, #tpu.memory_space<vmem>>, vector<16xf32>,
    %swap3A_50 = vector.shape_cast %swap3A_49 : vector<16xf32> to vector<16xf32>
    %swap3A_51 = vector.shape_cast %broadcast_in_dim3A_47 : vector<16xf32> to vector<16xf32>
    tpu.vector_store %arg6[%swap3A_48], %swap3A_51 {strides = array<i32>} : memref<640xf32, #tpu.memory_space<vmem>>, vector<16xf32>,
    %broadcast_in_dim3A_52 = arith.constant 0.000000e+00 : f32
    %broadcast_in_dim3A_53 = vector.broadcast %broadcast_in_dim3A_52 : f32 to vector<16xf32>
    %swap3A_54 = arith.constant 16 : index
    %swap3A_55 = tpu.vector_load %arg6[%swap3A_54] {strides = array<i32>} : memref<640xf32, #tpu.memory_space<vmem>>, vector<16xf32>,
    %swap3A_56 = vector.shape_cast %swap3A_55 : vector<16xf32> to vector<16xf32>
    %swap3A_57 = vector.shape_cast %broadcast_in_dim3A_53 : vector<16xf32> to vector<16xf32>
    tpu.vector_store %arg6[%swap3A_54], %swap3A_57 {strides = array<i32>} : memref<640xf32, #tpu.memory_space<vmem>>, vector<16xf32>,
    %broadcast_in_dim3A_58 = arith.constant 0.000000e+00 : f32
    %broadcast_in_dim3A_59 = vector.broadcast %broadcast_in_dim3A_58 : f32 to vector<16xf32>
    %swap3A_60 = arith.constant 32 : index
    %swap3A_61 = tpu.vector_load %arg6[%swap3A_60] {strides = array<i32>} : memref<640xf32, #tpu.memory_space<vmem>>, vector<16xf32>,
    %swap3A_62 = vector.shape_cast %swap3A_61 : vector<16xf32> to vector<16xf32>
    %swap3A_63 = vector.shape_cast %broadcast_in_dim3A_59 : vector<16xf32> to vector<16xf32>
    tpu.vector_store %arg6[%swap3A_60], %swap3A_63 {strides = array<i32>} : memref<640xf32, #tpu.memory_space<vmem>>, vector<16xf32>,
    %broadcast_in_dim3A_64 = arith.constant 0.000000e+00 : f32
    %broadcast_in_dim3A_65 = vector.broadcast %broadcast_in_dim3A_64 : f32 to vector<16xf32>
    %swap3A_66 = arith.constant 48 : index
    %swap3A_67 = tpu.vector_load %arg6[%swap3A_66] {strides = array<i32>} : memref<640xf32, #tpu.memory_space<vmem>>, vector<16xf32>,
    %swap3A_68 = vector.shape_cast %swap3A_67 : vector<16xf32> to vector<16xf32>
    %swap3A_69 = vector.shape_cast %broadcast_in_dim3A_65 : vector<16xf32> to vector<16xf32>
    tpu.vector_store %arg6[%swap3A_66], %swap3A_69 {strides = array<i32>} : memref<640xf32, #tpu.memory_space<vmem>>, vector<16xf32>,
    %broadcast_in_dim3A_70 = arith.constant 0.000000e+00 : f32
    %broadcast_in_dim3A_71 = vector.broadcast %broadcast_in_dim3A_70 : f32 to vector<16xf32>
    %swap3A_72 = arith.constant 64 : index
    %swap3A_73 = tpu.vector_load %arg6[%swap3A_72] {strides = array<i32>} : memref<640xf32, #tpu.memory_space<vmem>>, vector<16xf32>,
    %swap3A_74 = vector.shape_cast %swap3A_73 : vector<16xf32> to vector<16xf32>
    %swap3A_75 = vector.shape_cast %broadcast_in_dim3A_71 : vector<16xf32> to vector<16xf32>
    tpu.vector_store %arg6[%swap3A_72], %swap3A_75 {strides = array<i32>} : memref<640xf32, #tpu.memory_space<vmem>>, vector<16xf32>,
    %broadcast_in_dim3A_76 = arith.constant 0.000000e+00 : f32
    %broadcast_in_dim3A_77 = vector.broadcast %broadcast_in_dim3A_76 : f32 to vector<16xf32>
    %swap3A_78 = arith.constant 80 : index
    %swap3A_79 = tpu.vector_load %arg6[%swap3A_78] {strides = array<i32>} : memref<640xf32, #tpu.memory_space<vmem>>, vector<16xf32>,
    %swap3A_80 = vector.shape_cast %swap3A_79 : vector<16xf32> to vector<16xf32>
    %swap3A_81 = vector.shape_cast %broadcast_in_dim3A_77 : vector<16xf32> to vector<16xf32>
    tpu.vector_store %arg6[%swap3A_78], %swap3A_81 {strides = array<i32>} : memref<640xf32, #tpu.memory_space<vmem>>, vector<16xf32>,
    %broadcast_in_dim3A_82 = arith.constant 0.000000e+00 : f32
    %broadcast_in_dim3A_83 = vector.broadcast %broadcast_in_dim3A_82 : f32 to vector<16xf32>
    %swap3A_84 = arith.constant 96 : index
    %swap3A_85 = tpu.vector_load %arg6[%swap3A_84] {strides = array<i32>} : memref<640xf32, #tpu.memory_space<vmem>>, vector<16xf32>,
    %swap3A_86 = vector.shape_cast %swap3A_85 : vector<16xf32> to vector<16xf32>
    %swap3A_87 = vector.shape_cast %broadcast_in_dim3A_83 : vector<16xf32> to vector<16xf32>
    tpu.vector_store %arg6[%swap3A_84], %swap3A_87 {strides = array<i32>} : memref<640xf32, #tpu.memory_space<vmem>>, vector<16xf32>,
    %broadcast_in_dim3A_88 = arith.constant 0.000000e+00 : f32
    %broadcast_in_dim3A_89 = vector.broadcast %broadcast_in_dim3A_88 : f32 to vector<16xf32>
    %swap3A_90 = arith.constant 112 : index
    %swap3A_91 = tpu.vector_load %arg6[%swap3A_90] {strides = array<i32>} : memref<640xf32, #tpu.memory_space<vmem>>, vector<16xf32>,
    %swap3A_92 = vector.shape_cast %swap3A_91 : vector<16xf32> to vector<16xf32>
    %swap3A_93 = vector.shape_cast %broadcast_in_dim3A_89 : vector<16xf32> to vector<16xf32>
    tpu.vector_store %arg6[%swap3A_90], %swap3A_93 {strides = array<i32>} : memref<640xf32, #tpu.memory_space<vmem>>, vector<16xf32>,
    %broadcast_in_dim3A_94 = arith.constant 0.000000e+00 : f32
    %broadcast_in_dim3A_95 = vector.broadcast %broadcast_in_dim3A_94 : f32 to vector<16xf32>
    %swap3A_96 = arith.constant 128 : index
    %swap3A_97 = tpu.vector_load %arg6[%swap3A_96] {strides = array<i32>} : memref<640xf32, #tpu.memory_space<vmem>>, vector<16xf32>,
    %swap3A_98 = vector.shape_cast %swap3A_97 : vector<16xf32> to vector<16xf32>
    %swap3A_99 = vector.shape_cast %broadcast_in_dim3A_95 : vector<16xf32> to vector<16xf32>
    tpu.vector_store %arg6[%swap3A_96], %swap3A_99 {strides = array<i32>} : memref<640xf32, #tpu.memory_space<vmem>>, vector<16xf32>,
    %broadcast_in_dim3A_100 = arith.constant 0.000000e+00 : f32
    %broadcast_in_dim3A_101 = vector.broadcast %broadcast_in_dim3A_100 : f32 to vector<16xf32>
    %swap3A_102 = arith.constant 144 : index
    %swap3A_103 = tpu.vector_load %arg6[%swap3A_102] {strides = array<i32>} : memref<640xf32, #tpu.memory_space<vmem>>, vector<16xf32>,
    %swap3A_104 = vector.shape_cast %swap3A_103 : vector<16xf32> to vector<16xf32>
    %swap3A_105 = vector.shape_cast %broadcast_in_dim3A_101 : vector<16xf32> to vector<16xf32>
    tpu.vector_store %arg6[%swap3A_102], %swap3A_105 {strides = array<i32>} : memref<640xf32, #tpu.memory_space<vmem>>, vector<16xf32>,
    %broadcast_in_dim3A_106 = arith.constant 0.000000e+00 : f32
    %broadcast_in_dim3A_107 = vector.broadcast %broadcast_in_dim3A_106 : f32 to vector<16xf32>
    %swap3A_108 = arith.constant 160 : index
    %swap3A_109 = tpu.vector_load %arg6[%swap3A_108] {strides = array<i32>} : memref<640xf32, #tpu.memory_space<vmem>>, vector<16xf32>,
    %swap3A_110 = vector.shape_cast %swap3A_109 : vector<16xf32> to vector<16xf32>
    %swap3A_111 = vector.shape_cast %broadcast_in_dim3A_107 : vector<16xf32> to vector<16xf32>
    tpu.vector_store %arg6[%swap3A_108], %swap3A_111 {strides = array<i32>} : memref<640xf32, #tpu.memory_space<vmem>>, vector<16xf32>,
    %broadcast_in_dim3A_112 = arith.constant 0.000000e+00 : f32
    %broadcast_in_dim3A_113 = vector.broadcast %broadcast_in_dim3A_112 : f32 to vector<16xf32>
    %swap3A_114 = arith.constant 176 : index
    %swap3A_115 = tpu.vector_load %arg6[%swap3A_114] {strides = array<i32>} : memref<640xf32, #tpu.memory_space<vmem>>, vector<16xf32>,
    %swap3A_116 = vector.shape_cast %swap3A_115 : vector<16xf32> to vector<16xf32>
    %swap3A_117 = vector.shape_cast %broadcast_in_dim3A_113 : vector<16xf32> to vector<16xf32>
    tpu.vector_store %arg6[%swap3A_114], %swap3A_117 {strides = array<i32>} : memref<640xf32, #tpu.memory_space<vmem>>, vector<16xf32>,
    %broadcast_in_dim3A_118 = arith.constant 0.000000e+00 : f32
    %broadcast_in_dim3A_119 = vector.broadcast %broadcast_in_dim3A_118 : f32 to vector<16xf32>
    %swap3A_120 = arith.constant 192 : index
    %swap3A_121 = tpu.vector_load %arg6[%swap3A_120] {strides = array<i32>} : memref<640xf32, #tpu.memory_space<vmem>>, vector<16xf32>,
    %swap3A_122 = vector.shape_cast %swap3A_121 : vector<16xf32> to vector<16xf32>
    %swap3A_123 = vector.shape_cast %broadcast_in_dim3A_119 : vector<16xf32> to vector<16xf32>
    tpu.vector_store %arg6[%swap3A_120], %swap3A_123 {strides = array<i32>} : memref<640xf32, #tpu.memory_space<vmem>>, vector<16xf32>,
    %broadcast_in_dim3A_124 = arith.constant 0.000000e+00 : f32
    %broadcast_in_dim3A_125 = vector.broadcast %broadcast_in_dim3A_124 : f32 to vector<16xf32>
    %swap3A_126 = arith.constant 208 : index
    %swap3A_127 = tpu.vector_load %arg6[%swap3A_126] {strides = array<i32>} : memref<640xf32, #tpu.memory_space<vmem>>, vector<16xf32>,
    %swap3A_128 = vector.shape_cast %swap3A_127 : vector<16xf32> to vector<16xf32>
    %swap3A_129 = vector.shape_cast %broadcast_in_dim3A_125 : vector<16xf32> to vector<16xf32>
    tpu.vector_store %arg6[%swap3A_126], %swap3A_129 {strides = array<i32>} : memref<640xf32, #tpu.memory_space<vmem>>, vector<16xf32>,
    %broadcast_in_dim3A_130 = arith.constant 0.000000e+00 : f32
    %broadcast_in_dim3A_131 = vector.broadcast %broadcast_in_dim3A_130 : f32 to vector<16xf32>
    %swap3A_132 = arith.constant 224 : index
    %swap3A_133 = tpu.vector_load %arg6[%swap3A_132] {strides = array<i32>} : memref<640xf32, #tpu.memory_space<vmem>>, vector<16xf32>,
    %swap3A_134 = vector.shape_cast %swap3A_133 : vector<16xf32> to vector<16xf32>
    %swap3A_135 = vector.shape_cast %broadcast_in_dim3A_131 : vector<16xf32> to vector<16xf32>
    tpu.vector_store %arg6[%swap3A_132], %swap3A_135 {strides = array<i32>} : memref<640xf32, #tpu.memory_space<vmem>>, vector<16xf32>,
    %broadcast_in_dim3A_136 = arith.constant 0.000000e+00 : f32
    %broadcast_in_dim3A_137 = vector.broadcast %broadcast_in_dim3A_136 : f32 to vector<16xf32>
    %swap3A_138 = arith.constant 240 : index
    %swap3A_139 = tpu.vector_load %arg6[%swap3A_138] {strides = array<i32>} : memref<640xf32, #tpu.memory_space<vmem>>, vector<16xf32>,
    %swap3A_140 = vector.shape_cast %swap3A_139 : vector<16xf32> to vector<16xf32>
    %swap3A_141 = vector.shape_cast %broadcast_in_dim3A_137 : vector<16xf32> to vector<16xf32>
    tpu.vector_store %arg6[%swap3A_138], %swap3A_141 {strides = array<i32>} : memref<640xf32, #tpu.memory_space<vmem>>, vector<16xf32>,
    %broadcast_in_dim3A_142 = arith.constant 0.000000e+00 : f32
    %broadcast_in_dim3A_143 = vector.broadcast %broadcast_in_dim3A_142 : f32 to vector<16xf32>
    %swap3A_144 = arith.constant 256 : index
    %swap3A_145 = tpu.vector_load %arg6[%swap3A_144] {strides = array<i32>} : memref<640xf32, #tpu.memory_space<vmem>>, vector<16xf32>,
    %swap3A_146 = vector.shape_cast %swap3A_145 : vector<16xf32> to vector<16xf32>
    %swap3A_147 = vector.shape_cast %broadcast_in_dim3A_143 : vector<16xf32> to vector<16xf32>
    tpu.vector_store %arg6[%swap3A_144], %swap3A_147 {strides = array<i32>} : memref<640xf32, #tpu.memory_space<vmem>>, vector<16xf32>,
    %broadcast_in_dim3A_148 = arith.constant 0.000000e+00 : f32
    %broadcast_in_dim3A_149 = vector.broadcast %broadcast_in_dim3A_148 : f32 to vector<16xf32>
    %swap3A_150 = arith.constant 272 : index
    %swap3A_151 = tpu.vector_load %arg6[%swap3A_150] {strides = array<i32>} : memref<640xf32, #tpu.memory_space<vmem>>, vector<16xf32>,
    %swap3A_152 = vector.shape_cast %swap3A_151 : vector<16xf32> to vector<16xf32>
    %swap3A_153 = vector.shape_cast %broadcast_in_dim3A_149 : vector<16xf32> to vector<16xf32>
    tpu.vector_store %arg6[%swap3A_150], %swap3A_153 {strides = array<i32>} : memref<640xf32, #tpu.memory_space<vmem>>, vector<16xf32>,
    %broadcast_in_dim3A_154 = arith.constant 0.000000e+00 : f32
    %broadcast_in_dim3A_155 = vector.broadcast %broadcast_in_dim3A_154 : f32 to vector<16xf32>
    %swap3A_156 = arith.constant 288 : index
    %swap3A_157 = tpu.vector_load %arg6[%swap3A_156] {strides = array<i32>} : memref<640xf32, #tpu.memory_space<vmem>>, vector<16xf32>,
    %swap3A_158 = vector.shape_cast %swap3A_157 : vector<16xf32> to vector<16xf32>
    %swap3A_159 = vector.shape_cast %broadcast_in_dim3A_155 : vector<16xf32> to vector<16xf32>
    tpu.vector_store %arg6[%swap3A_156], %swap3A_159 {strides = array<i32>} : memref<640xf32, #tpu.memory_space<vmem>>, vector<16xf32>,
    %broadcast_in_dim3A_160 = arith.constant 0.000000e+00 : f32
    %broadcast_in_dim3A_161 = vector.broadcast %broadcast_in_dim3A_160 : f32 to vector<16xf32>
    %swap3A_162 = arith.constant 304 : index
    %swap3A_163 = tpu.vector_load %arg6[%swap3A_162] {strides = array<i32>} : memref<640xf32, #tpu.memory_space<vmem>>, vector<16xf32>,
    %swap3A_164 = vector.shape_cast %swap3A_163 : vector<16xf32> to vector<16xf32>
    %swap3A_165 = vector.shape_cast %broadcast_in_dim3A_161 : vector<16xf32> to vector<16xf32>
    tpu.vector_store %arg6[%swap3A_162], %swap3A_165 {strides = array<i32>} : memref<640xf32, #tpu.memory_space<vmem>>, vector<16xf32>,
    %broadcast_in_dim3A_166 = arith.constant 0.000000e+00 : f32
    %broadcast_in_dim3A_167 = vector.broadcast %broadcast_in_dim3A_166 : f32 to vector<16xf32>
    %swap3A_168 = arith.constant 320 : index
    %swap3A_169 = tpu.vector_load %arg6[%swap3A_168] {strides = array<i32>} : memref<640xf32, #tpu.memory_space<vmem>>, vector<16xf32>,
    %swap3A_170 = vector.shape_cast %swap3A_169 : vector<16xf32> to vector<16xf32>
    %swap3A_171 = vector.shape_cast %broadcast_in_dim3A_167 : vector<16xf32> to vector<16xf32>
    tpu.vector_store %arg6[%swap3A_168], %swap3A_171 {strides = array<i32>} : memref<640xf32, #tpu.memory_space<vmem>>, vector<16xf32>,
    %broadcast_in_dim3A_172 = arith.constant 0.000000e+00 : f32
    %broadcast_in_dim3A_173 = vector.broadcast %broadcast_in_dim3A_172 : f32 to vector<16xf32>
    %swap3A_174 = arith.constant 336 : index
    %swap3A_175 = tpu.vector_load %arg6[%swap3A_174] {strides = array<i32>} : memref<640xf32, #tpu.memory_space<vmem>>, vector<16xf32>,
    %swap3A_176 = vector.shape_cast %swap3A_175 : vector<16xf32> to vector<16xf32>
    %swap3A_177 = vector.shape_cast %broadcast_in_dim3A_173 : vector<16xf32> to vector<16xf32>
    tpu.vector_store %arg6[%swap3A_174], %swap3A_177 {strides = array<i32>} : memref<640xf32, #tpu.memory_space<vmem>>, vector<16xf32>,
    %broadcast_in_dim3A_178 = arith.constant 0.000000e+00 : f32
    %broadcast_in_dim3A_179 = vector.broadcast %broadcast_in_dim3A_178 : f32 to vector<16xf32>
    %swap3A_180 = arith.constant 352 : index
    %swap3A_181 = tpu.vector_load %arg6[%swap3A_180] {strides = array<i32>} : memref<640xf32, #tpu.memory_space<vmem>>, vector<16xf32>,
    %swap3A_182 = vector.shape_cast %swap3A_181 : vector<16xf32> to vector<16xf32>
    %swap3A_183 = vector.shape_cast %broadcast_in_dim3A_179 : vector<16xf32> to vector<16xf32>
    tpu.vector_store %arg6[%swap3A_180], %swap3A_183 {strides = array<i32>} : memref<640xf32, #tpu.memory_space<vmem>>, vector<16xf32>,
    %broadcast_in_dim3A_184 = arith.constant 0.000000e+00 : f32
    %broadcast_in_dim3A_185 = vector.broadcast %broadcast_in_dim3A_184 : f32 to vector<16xf32>
    %swap3A_186 = arith.constant 368 : index
    %swap3A_187 = tpu.vector_load %arg6[%swap3A_186] {strides = array<i32>} : memref<640xf32, #tpu.memory_space<vmem>>, vector<16xf32>,
    %swap3A_188 = vector.shape_cast %swap3A_187 : vector<16xf32> to vector<16xf32>
    %swap3A_189 = vector.shape_cast %broadcast_in_dim3A_185 : vector<16xf32> to vector<16xf32>
    tpu.vector_store %arg6[%swap3A_186], %swap3A_189 {strides = array<i32>} : memref<640xf32, #tpu.memory_space<vmem>>, vector<16xf32>,
    %broadcast_in_dim3A_190 = arith.constant 0.000000e+00 : f32
    %broadcast_in_dim3A_191 = vector.broadcast %broadcast_in_dim3A_190 : f32 to vector<16xf32>
    %swap3A_192 = arith.constant 384 : index
    %swap3A_193 = tpu.vector_load %arg6[%swap3A_192] {strides = array<i32>} : memref<640xf32, #tpu.memory_space<vmem>>, vector<16xf32>,
    %swap3A_194 = vector.shape_cast %swap3A_193 : vector<16xf32> to vector<16xf32>
    %swap3A_195 = vector.shape_cast %broadcast_in_dim3A_191 : vector<16xf32> to vector<16xf32>
    tpu.vector_store %arg6[%swap3A_192], %swap3A_195 {strides = array<i32>} : memref<640xf32, #tpu.memory_space<vmem>>, vector<16xf32>,
    %broadcast_in_dim3A_196 = arith.constant 0.000000e+00 : f32
    %broadcast_in_dim3A_197 = vector.broadcast %broadcast_in_dim3A_196 : f32 to vector<16xf32>
    %swap3A_198 = arith.constant 400 : index
    %swap3A_199 = tpu.vector_load %arg6[%swap3A_198] {strides = array<i32>} : memref<640xf32, #tpu.memory_space<vmem>>, vector<16xf32>,
    %swap3A_200 = vector.shape_cast %swap3A_199 : vector<16xf32> to vector<16xf32>
    %swap3A_201 = vector.shape_cast %broadcast_in_dim3A_197 : vector<16xf32> to vector<16xf32>
    tpu.vector_store %arg6[%swap3A_198], %swap3A_201 {strides = array<i32>} : memref<640xf32, #tpu.memory_space<vmem>>, vector<16xf32>,
    %broadcast_in_dim3A_202 = arith.constant 0.000000e+00 : f32
    %broadcast_in_dim3A_203 = vector.broadcast %broadcast_in_dim3A_202 : f32 to vector<16xf32>
    %swap3A_204 = arith.constant 416 : index
    %swap3A_205 = tpu.vector_load %arg6[%swap3A_204] {strides = array<i32>} : memref<640xf32, #tpu.memory_space<vmem>>, vector<16xf32>,
    %swap3A_206 = vector.shape_cast %swap3A_205 : vector<16xf32> to vector<16xf32>
    %swap3A_207 = vector.shape_cast %broadcast_in_dim3A_203 : vector<16xf32> to vector<16xf32>
    tpu.vector_store %arg6[%swap3A_204], %swap3A_207 {strides = array<i32>} : memref<640xf32, #tpu.memory_space<vmem>>, vector<16xf32>,
    %broadcast_in_dim3A_208 = arith.constant 0.000000e+00 : f32
    %broadcast_in_dim3A_209 = vector.broadcast %broadcast_in_dim3A_208 : f32 to vector<16xf32>
    %swap3A_210 = arith.constant 432 : index
    %swap3A_211 = tpu.vector_load %arg6[%swap3A_210] {strides = array<i32>} : memref<640xf32, #tpu.memory_space<vmem>>, vector<16xf32>,
    %swap3A_212 = vector.shape_cast %swap3A_211 : vector<16xf32> to vector<16xf32>
    %swap3A_213 = vector.shape_cast %broadcast_in_dim3A_209 : vector<16xf32> to vector<16xf32>
    tpu.vector_store %arg6[%swap3A_210], %swap3A_213 {strides = array<i32>} : memref<640xf32, #tpu.memory_space<vmem>>, vector<16xf32>,
    %broadcast_in_dim3A_214 = arith.constant 0.000000e+00 : f32
    %broadcast_in_dim3A_215 = vector.broadcast %broadcast_in_dim3A_214 : f32 to vector<16xf32>
    %swap3A_216 = arith.constant 448 : index
    %swap3A_217 = tpu.vector_load %arg6[%swap3A_216] {strides = array<i32>} : memref<640xf32, #tpu.memory_space<vmem>>, vector<16xf32>,
    %swap3A_218 = vector.shape_cast %swap3A_217 : vector<16xf32> to vector<16xf32>
    %swap3A_219 = vector.shape_cast %broadcast_in_dim3A_215 : vector<16xf32> to vector<16xf32>
    tpu.vector_store %arg6[%swap3A_216], %swap3A_219 {strides = array<i32>} : memref<640xf32, #tpu.memory_space<vmem>>, vector<16xf32>,
    %broadcast_in_dim3A_220 = arith.constant 0.000000e+00 : f32
    %broadcast_in_dim3A_221 = vector.broadcast %broadcast_in_dim3A_220 : f32 to vector<16xf32>
    %swap3A_222 = arith.constant 464 : index
    %swap3A_223 = tpu.vector_load %arg6[%swap3A_222] {strides = array<i32>} : memref<640xf32, #tpu.memory_space<vmem>>, vector<16xf32>,
    %swap3A_224 = vector.shape_cast %swap3A_223 : vector<16xf32> to vector<16xf32>
    %swap3A_225 = vector.shape_cast %broadcast_in_dim3A_221 : vector<16xf32> to vector<16xf32>
    tpu.vector_store %arg6[%swap3A_222], %swap3A_225 {strides = array<i32>} : memref<640xf32, #tpu.memory_space<vmem>>, vector<16xf32>,
    %broadcast_in_dim3A_226 = arith.constant 0.000000e+00 : f32
    %broadcast_in_dim3A_227 = vector.broadcast %broadcast_in_dim3A_226 : f32 to vector<16xf32>
    %swap3A_228 = arith.constant 480 : index
    %swap3A_229 = tpu.vector_load %arg6[%swap3A_228] {strides = array<i32>} : memref<640xf32, #tpu.memory_space<vmem>>, vector<16xf32>,
    %swap3A_230 = vector.shape_cast %swap3A_229 : vector<16xf32> to vector<16xf32>
    %swap3A_231 = vector.shape_cast %broadcast_in_dim3A_227 : vector<16xf32> to vector<16xf32>
    tpu.vector_store %arg6[%swap3A_228], %swap3A_231 {strides = array<i32>} : memref<640xf32, #tpu.memory_space<vmem>>, vector<16xf32>,
    %broadcast_in_dim3A_232 = arith.constant 0.000000e+00 : f32
    %broadcast_in_dim3A_233 = vector.broadcast %broadcast_in_dim3A_232 : f32 to vector<16xf32>
    %swap3A_234 = arith.constant 496 : index
    %swap3A_235 = tpu.vector_load %arg6[%swap3A_234] {strides = array<i32>} : memref<640xf32, #tpu.memory_space<vmem>>, vector<16xf32>,
    %swap3A_236 = vector.shape_cast %swap3A_235 : vector<16xf32> to vector<16xf32>
    %swap3A_237 = vector.shape_cast %broadcast_in_dim3A_233 : vector<16xf32> to vector<16xf32>
    tpu.vector_store %arg6[%swap3A_234], %swap3A_237 {strides = array<i32>} : memref<640xf32, #tpu.memory_space<vmem>>, vector<16xf32>,
    %broadcast_in_dim3A_238 = arith.constant 0.000000e+00 : f32
    %broadcast_in_dim3A_239 = vector.broadcast %broadcast_in_dim3A_238 : f32 to vector<16xf32>
    %swap3A_240 = arith.constant 512 : index
    %swap3A_241 = tpu.vector_load %arg6[%swap3A_240] {strides = array<i32>} : memref<640xf32, #tpu.memory_space<vmem>>, vector<16xf32>,
    %swap3A_242 = vector.shape_cast %swap3A_241 : vector<16xf32> to vector<16xf32>
    %swap3A_243 = vector.shape_cast %broadcast_in_dim3A_239 : vector<16xf32> to vector<16xf32>
    tpu.vector_store %arg6[%swap3A_240], %swap3A_243 {strides = array<i32>} : memref<640xf32, #tpu.memory_space<vmem>>, vector<16xf32>,
    %broadcast_in_dim3A_244 = arith.constant 0.000000e+00 : f32
    %broadcast_in_dim3A_245 = vector.broadcast %broadcast_in_dim3A_244 : f32 to vector<16xf32>
    %swap3A_246 = arith.constant 528 : index
    %swap3A_247 = tpu.vector_load %arg6[%swap3A_246] {strides = array<i32>} : memref<640xf32, #tpu.memory_space<vmem>>, vector<16xf32>,
    %swap3A_248 = vector.shape_cast %swap3A_247 : vector<16xf32> to vector<16xf32>
    %swap3A_249 = vector.shape_cast %broadcast_in_dim3A_245 : vector<16xf32> to vector<16xf32>
    tpu.vector_store %arg6[%swap3A_246], %swap3A_249 {strides = array<i32>} : memref<640xf32, #tpu.memory_space<vmem>>, vector<16xf32>,
    %broadcast_in_dim3A_250 = arith.constant 0.000000e+00 : f32
    %broadcast_in_dim3A_251 = vector.broadcast %broadcast_in_dim3A_250 : f32 to vector<16xf32>
    %swap3A_252 = arith.constant 544 : index
    %swap3A_253 = tpu.vector_load %arg6[%swap3A_252] {strides = array<i32>} : memref<640xf32, #tpu.memory_space<vmem>>, vector<16xf32>,
    %swap3A_254 = vector.shape_cast %swap3A_253 : vector<16xf32> to vector<16xf32>
    %swap3A_255 = vector.shape_cast %broadcast_in_dim3A_251 : vector<16xf32> to vector<16xf32>
    tpu.vector_store %arg6[%swap3A_252], %swap3A_255 {strides = array<i32>} : memref<640xf32, #tpu.memory_space<vmem>>, vector<16xf32>,
    %broadcast_in_dim3A_256 = arith.constant 0.000000e+00 : f32
    %broadcast_in_dim3A_257 = vector.broadcast %broadcast_in_dim3A_256 : f32 to vector<16xf32>
    %swap3A_258 = arith.constant 560 : index
    %swap3A_259 = tpu.vector_load %arg6[%swap3A_258] {strides = array<i32>} : memref<640xf32, #tpu.memory_space<vmem>>, vector<16xf32>,
    %swap3A_260 = vector.shape_cast %swap3A_259 : vector<16xf32> to vector<16xf32>
    %swap3A_261 = vector.shape_cast %broadcast_in_dim3A_257 : vector<16xf32> to vector<16xf32>
    tpu.vector_store %arg6[%swap3A_258], %swap3A_261 {strides = array<i32>} : memref<640xf32, #tpu.memory_space<vmem>>, vector<16xf32>,
    %broadcast_in_dim3A_262 = arith.constant 0.000000e+00 : f32
    %broadcast_in_dim3A_263 = vector.broadcast %broadcast_in_dim3A_262 : f32 to vector<16xf32>
    %swap3A_264 = arith.constant 576 : index
    %swap3A_265 = tpu.vector_load %arg6[%swap3A_264] {strides = array<i32>} : memref<640xf32, #tpu.memory_space<vmem>>, vector<16xf32>,
    %swap3A_266 = vector.shape_cast %swap3A_265 : vector<16xf32> to vector<16xf32>
    %swap3A_267 = vector.shape_cast %broadcast_in_dim3A_263 : vector<16xf32> to vector<16xf32>
    tpu.vector_store %arg6[%swap3A_264], %swap3A_267 {strides = array<i32>} : memref<640xf32, #tpu.memory_space<vmem>>, vector<16xf32>,
    %broadcast_in_dim3A_268 = arith.constant 0.000000e+00 : f32
    %broadcast_in_dim3A_269 = vector.broadcast %broadcast_in_dim3A_268 : f32 to vector<16xf32>
    %swap3A_270 = arith.constant 592 : index
    %swap3A_271 = tpu.vector_load %arg6[%swap3A_270] {strides = array<i32>} : memref<640xf32, #tpu.memory_space<vmem>>, vector<16xf32>,
    %swap3A_272 = vector.shape_cast %swap3A_271 : vector<16xf32> to vector<16xf32>
    %swap3A_273 = vector.shape_cast %broadcast_in_dim3A_269 : vector<16xf32> to vector<16xf32>
    tpu.vector_store %arg6[%swap3A_270], %swap3A_273 {strides = array<i32>} : memref<640xf32, #tpu.memory_space<vmem>>, vector<16xf32>,
    %broadcast_in_dim3A_274 = arith.constant 0.000000e+00 : f32
    %broadcast_in_dim3A_275 = vector.broadcast %broadcast_in_dim3A_274 : f32 to vector<16xf32>
    %swap3A_276 = arith.constant 608 : index
    %swap3A_277 = tpu.vector_load %arg6[%swap3A_276] {strides = array<i32>} : memref<640xf32, #tpu.memory_space<vmem>>, vector<16xf32>,
    %swap3A_278 = vector.shape_cast %swap3A_277 : vector<16xf32> to vector<16xf32>
    %swap3A_279 = vector.shape_cast %broadcast_in_dim3A_275 : vector<16xf32> to vector<16xf32>
    tpu.vector_store %arg6[%swap3A_276], %swap3A_279 {strides = array<i32>} : memref<640xf32, #tpu.memory_space<vmem>>, vector<16xf32>,
    %broadcast_in_dim3A_280 = arith.constant 0.000000e+00 : f32
    %broadcast_in_dim3A_281 = vector.broadcast %broadcast_in_dim3A_280 : f32 to vector<16xf32>
    %swap3A_282 = arith.constant 624 : index
    %swap3A_283 = tpu.vector_load %arg6[%swap3A_282] {strides = array<i32>} : memref<640xf32, #tpu.memory_space<vmem>>, vector<16xf32>,
    %swap3A_284 = vector.shape_cast %swap3A_283 : vector<16xf32> to vector<16xf32>
    %swap3A_285 = vector.shape_cast %broadcast_in_dim3A_281 : vector<16xf32> to vector<16xf32>
    tpu.vector_store %arg6[%swap3A_282], %swap3A_285 {strides = array<i32>} : memref<640xf32, #tpu.memory_space<vmem>>, vector<16xf32>,
    %mul3A = arith.constant 640 : i32
    %mul3A_286 = arith.muli %arg1, %mul3A : i32
    "tpu.region"() ({
      %run_scoped3A = tpu.sem_alloc : memref<!tpu.dma_semaphore, #tpu.memory_space<semaphore_mem>>
      %dma_start3A = tpu.memref_slice %arg7[%mul3A_286] : memref<10240xf32, #tpu.memory_space<vmem_shared>> -> memref<640xf32, #tpu.memory_space<vmem_shared>>
      %dma_start3A_304 = tpu.memref_slice %arg7[%mul3A_286] : memref<10240xf32, #tpu.memory_space<vmem_shared>> -> memref<640xf32, #tpu.memory_space<vmem_shared>>
      tpu.enqueue_dma source(%arg6 : memref<640xf32, #tpu.memory_space<vmem>>) target(%dma_start3A_304 : memref<640xf32, #tpu.memory_space<vmem_shared>>) target_semaphore(%run_scoped3A : memref<!tpu.dma_semaphore, #tpu.memory_space<semaphore_mem>>)
      %dma_wait3A = tpu.memref_slice %arg7[%mul3A_286] : memref<10240xf32, #tpu.memory_space<vmem_shared>> -> memref<640xf32, #tpu.memory_space<vmem_shared>>
      %dma_wait3A_305 = tpu.memref_slice %arg7[%mul3A_286] : memref<10240xf32, #tpu.memory_space<vmem_shared>> -> memref<640xf32, #tpu.memory_space<vmem_shared>>
      tpu.wait_dma2 semaphore(%run_scoped3A : memref<!tpu.dma_semaphore, #tpu.memory_space<semaphore_mem>>) src(%arg6 : memref<640xf32, #tpu.memory_space<vmem>>) dst(%dma_wait3A_305 : memref<640xf32, #tpu.memory_space<vmem_shared>>)
      tpu.yield
    }) : () -> ()
    %barrier3A = arith.constant 0 : index
    tpu.barrier barrier_id(%barrier3A)
    "tpu.region"() ({
      %run_scoped3A = tpu.sem_alloc : memref<!tpu.dma_semaphore, #tpu.memory_space<semaphore_mem>>
      %dma_start3A = arith.constant 0 : i32
      %dma_start3A_304 = arith.constant 0 : i32
      %dma_start3A_305 = tpu.memref_slice %arg2[%arg0, %arg1, %dma_start3A, %dma_start3A_304] : memref<2x16x157x128xi32, #tpu.memory_space<hbm>> -> memref<1x1x157x128xi32, #tpu.memory_space<hbm>>
      %dma_start3A_306 = tpu.memref_squeeze %dma_start3A_305 : memref<1x1x157x128xi32, #tpu.memory_space<hbm>> -> memref<157x128xi32, #tpu.memory_space<hbm>>
      %dma_start3A_307 = arith.constant 0 : i32
      %dma_start3A_308 = arith.constant 0 : i32
      %dma_start3A_309 = tpu.memref_slice %arg2[%arg0, %arg1, %dma_start3A_307, %dma_start3A_308] : memref<2x16x157x128xi32, #tpu.memory_space<hbm>> -> memref<1x1x157x128xi32, #tpu.memory_space<hbm>>
      %dma_start3A_310 = tpu.memref_squeeze %dma_start3A_309 : memref<1x1x157x128xi32, #tpu.memory_space<hbm>> -> memref<157x128xi32, #tpu.memory_space<hbm>>
      tpu.enqueue_dma source(%dma_start3A_310 : memref<157x128xi32, #tpu.memory_space<hbm>>) target(%arg4 : memref<157x128xi32, #tpu.memory_space<vmem>>) target_semaphore(%run_scoped3A : memref<!tpu.dma_semaphore, #tpu.memory_space<semaphore_mem>>)
      %dma_wait3A = arith.constant 0 : i32
      %dma_wait3A_311 = arith.constant 0 : i32
      %dma_wait3A_312 = tpu.memref_slice %arg2[%arg0, %arg1, %dma_wait3A, %dma_wait3A_311] : memref<2x16x157x128xi32, #tpu.memory_space<hbm>> -> memref<1x1x157x128xi32, #tpu.memory_space<hbm>>
      %dma_wait3A_313 = tpu.memref_squeeze %dma_wait3A_312 : memref<1x1x157x128xi32, #tpu.memory_space<hbm>> -> memref<157x128xi32, #tpu.memory_space<hbm>>
      %dma_wait3A_314 = arith.constant 0 : i32
      %dma_wait3A_315 = arith.constant 0 : i32
      %dma_wait3A_316 = tpu.memref_slice %arg2[%arg0, %arg1, %dma_wait3A_314, %dma_wait3A_315] : memref<2x16x157x128xi32, #tpu.memory_space<hbm>> -> memref<1x1x157x128xi32, #tpu.memory_space<hbm>>
      %dma_wait3A_317 = tpu.memref_squeeze %dma_wait3A_316 : memref<1x1x157x128xi32, #tpu.memory_space<hbm>> -> memref<157x128xi32, #tpu.memory_space<hbm>>
      tpu.wait_dma2 semaphore(%run_scoped3A : memref<!tpu.dma_semaphore, #tpu.memory_space<semaphore_mem>>) src(%dma_wait3A_317 : memref<157x128xi32, #tpu.memory_space<hbm>>) dst(%arg4 : memref<157x128xi32, #tpu.memory_space<vmem>>)
      tpu.yield
    }) : () -> ()
    %while3A = arith.constant 0 : i32
    %while3A_287 = arith.constant 0 : i32
    %while3A_288 = arith.constant 157 : i32
    %while3A_289 = arith.subi %while3A_288, %while3A_287 : i32
    %while3A_290 = arith.addi %while3A_287, %while3A_289 : i32
    %while3A_291 = arith.constant 1 : i32
    %while3A_292 = arith.divsi %while3A_289, %while3A_291 : i32
    %while3A_293 = arith.muli %while3A_292, %while3A_291 : i32
    %while3A_294 = arith.addi %while3A_287, %while3A_293 : i32
    %while3A_295 = arith.constant 1 : i32
    scf.for %while3A_304 = %while3A_287 to %while3A_294 step %while3A_295  : i32 {
      "tpu.region"() ({
        %run_scoped3A = tpu.sem_alloc : memref<!tpu.dma_semaphore, #tpu.memory_space<semaphore_mem>>
        %dma_start3A = arith.constant 0 : i32
        %dma_start3A_305 = tpu.memref_slice %arg4[%while3A_304, %dma_start3A] : memref<157x128xi32, #tpu.memory_space<vmem>> -> memref<1x128xi32, #tpu.memory_space<vmem>>
        %dma_start3A_306 = tpu.memref_squeeze %dma_start3A_305 : memref<1x128xi32, #tpu.memory_space<vmem>> -> memref<128xi32, #tpu.memory_space<vmem>>
        %dma_start3A_307 = arith.constant 0 : i32
        %dma_start3A_308 = tpu.memref_slice %arg7[%dma_start3A_307] : memref<10240xf32, #tpu.memory_space<vmem_shared>> -> memref<10240xf32, #tpu.memory_space<vmem_shared>>
        tpu.enqueue_indirect_dma source(%arg5 : memref<128xf32, #tpu.memory_space<vmem>>) target(%dma_start3A_308 : memref<10240xf32, #tpu.memory_space<vmem_shared>>) offsets(%dma_start3A_306 : memref<128xi32, #tpu.memory_space<vmem>>) semaphore(%run_scoped3A : memref<!tpu.dma_semaphore, #tpu.memory_space<semaphore_mem>>) {add = true}
        %dma_wait3A = arith.constant 0 : i32
        %dma_wait3A_309 = tpu.memref_slice %arg4[%while3A_304, %dma_wait3A] : memref<157x128xi32, #tpu.memory_space<vmem>> -> memref<1x128xi32, #tpu.memory_space<vmem>>
        %dma_wait3A_310 = tpu.memref_squeeze %dma_wait3A_309 : memref<1x128xi32, #tpu.memory_space<vmem>> -> memref<128xi32, #tpu.memory_space<vmem>>
        %dma_wait3A_311 = arith.constant 0 : i32
        %dma_wait3A_312 = tpu.memref_slice %arg7[%dma_wait3A_311] : memref<10240xf32, #tpu.memory_space<vmem_shared>> -> memref<10240xf32, #tpu.memory_space<vmem_shared>>
        tpu.wait_indirect_dma semaphore(%run_scoped3A : memref<!tpu.dma_semaphore, #tpu.memory_space<semaphore_mem>>) src(%arg5 : memref<128xf32, #tpu.memory_space<vmem>>) dst(%dma_wait3A_312 : memref<10240xf32, #tpu.memory_space<vmem_shared>>)
        tpu.yield
      }) : () -> ()
    }
    %while3A_296 = arith.constant 1 : i32
    scf.for %while3A_304 = %while3A_294 to %while3A_290 step %while3A_296  : i32 {
      "tpu.region"() ({
        %run_scoped3A = tpu.sem_alloc : memref<!tpu.dma_semaphore, #tpu.memory_space<semaphore_mem>>
        %dma_start3A = arith.constant 0 : i32
        %dma_start3A_305 = tpu.memref_slice %arg4[%while3A_304, %dma_start3A] : memref<157x128xi32, #tpu.memory_space<vmem>> -> memref<1x128xi32, #tpu.memory_space<vmem>>
        %dma_start3A_306 = tpu.memref_squeeze %dma_start3A_305 : memref<1x128xi32, #tpu.memory_space<vmem>> -> memref<128xi32, #tpu.memory_space<vmem>>
        %dma_start3A_307 = arith.constant 0 : i32
        %dma_start3A_308 = tpu.memref_slice %arg7[%dma_start3A_307] : memref<10240xf32, #tpu.memory_space<vmem_shared>> -> memref<10240xf32, #tpu.memory_space<vmem_shared>>
        tpu.enqueue_indirect_dma source(%arg5 : memref<128xf32, #tpu.memory_space<vmem>>) target(%dma_start3A_308 : memref<10240xf32, #tpu.memory_space<vmem_shared>>) offsets(%dma_start3A_306 : memref<128xi32, #tpu.memory_space<vmem>>) semaphore(%run_scoped3A : memref<!tpu.dma_semaphore, #tpu.memory_space<semaphore_mem>>) {add = true}
        %dma_wait3A = arith.constant 0 : i32
        %dma_wait3A_309 = tpu.memref_slice %arg4[%while3A_304, %dma_wait3A] : memref<157x128xi32, #tpu.memory_space<vmem>> -> memref<1x128xi32, #tpu.memory_space<vmem>>
        %dma_wait3A_310 = tpu.memref_squeeze %dma_wait3A_309 : memref<1x128xi32, #tpu.memory_space<vmem>> -> memref<128xi32, #tpu.memory_space<vmem>>
        %dma_wait3A_311 = arith.constant 0 : i32
        %dma_wait3A_312 = tpu.memref_slice %arg7[%dma_wait3A_311] : memref<10240xf32, #tpu.memory_space<vmem_shared>> -> memref<10240xf32, #tpu.memory_space<vmem_shared>>
        tpu.wait_indirect_dma semaphore(%run_scoped3A : memref<!tpu.dma_semaphore, #tpu.memory_space<semaphore_mem>>) src(%arg5 : memref<128xf32, #tpu.memory_space<vmem>>) dst(%dma_wait3A_312 : memref<10240xf32, #tpu.memory_space<vmem_shared>>)
        tpu.yield
      }) : () -> ()
    }
    %barrier3A_297 = arith.constant 0 : index
    tpu.barrier barrier_id(%barrier3A_297)
    %mul3A_298 = arith.constant 640 : i32
    %mul3A_299 = arith.muli %arg1, %mul3A_298 : i32
    "tpu.region"() ({
      %run_scoped3A = tpu.sem_alloc : memref<!tpu.dma_semaphore, #tpu.memory_space<semaphore_mem>>
      %dma_start3A = tpu.memref_slice %arg7[%mul3A_299] : memref<10240xf32, #tpu.memory_space<vmem_shared>> -> memref<640xf32, #tpu.memory_space<vmem_shared>>
      %dma_start3A_304 = tpu.memref_slice %arg7[%mul3A_299] : memref<10240xf32, #tpu.memory_space<vmem_shared>> -> memref<640xf32, #tpu.memory_space<vmem_shared>>
      tpu.enqueue_dma source(%dma_start3A_304 : memref<640xf32, #tpu.memory_space<vmem_shared>>) target(%arg6 : memref<640xf32, #tpu.memory_space<vmem>>) target_semaphore(%run_scoped3A : memref<!tpu.dma_semaphore, #tpu.memory_space<semaphore_mem>>)
      %dma_wait3A = tpu.memref_slice %arg7[%mul3A_299] : memref<10240xf32, #tpu.memory_space<vmem_shared>> -> memref<640xf32, #tpu.memory_space<vmem_shared>>
      %dma_wait3A_305 = tpu.memref_slice %arg7[%mul3A_299] : memref<10240xf32, #tpu.memory_space<vmem_shared>> -> memref<640xf32, #tpu.memory_space<vmem_shared>>
      tpu.wait_dma2 semaphore(%run_scoped3A : memref<!tpu.dma_semaphore, #tpu.memory_space<semaphore_mem>>) src(%dma_wait3A_305 : memref<640xf32, #tpu.memory_space<vmem_shared>>) dst(%arg6 : memref<640xf32, #tpu.memory_space<vmem>>)
      tpu.yield
    }) : () -> ()
    %mul3A_300 = arith.constant 10240 : i32
    %mul3A_301 = arith.muli %arg0, %mul3A_300 : i32
    %mul3A_302 = arith.constant 640 : i32
    %mul3A_303 = arith.muli %arg1, %mul3A_302 : i32
    %add3A = arith.addi %mul3A_301, %mul3A_303 : i32
    "tpu.region"() ({
      %run_scoped3A = tpu.sem_alloc : memref<!tpu.dma_semaphore, #tpu.memory_space<semaphore_mem>>
      %dma_start3A = tpu.memref_slice %arg3[%add3A] : memref<20480xf32, #tpu.memory_space<hbm>> -> memref<640xf32, #tpu.memory_space<hbm>>
      %dma_start3A_304 = tpu.memref_slice %arg3[%add3A] : memref<20480xf32, #tpu.memory_space<hbm>> -> memref<640xf32, #tpu.memory_space<hbm>>
      tpu.enqueue_dma source(%arg6 : memref<640xf32, #tpu.memory_space<vmem>>) target(%dma_start3A_304 : memref<640xf32, #tpu.memory_space<hbm>>) target_semaphore(%run_scoped3A : memref<!tpu.dma_semaphore, #tpu.memory_space<semaphore_mem>>)
      %dma_wait3A = tpu.memref_slice %arg3[%add3A] : memref<20480xf32, #tpu.memory_space<hbm>> -> memref<640xf32, #tpu.memory_space<hbm>>
      %dma_wait3A_305 = tpu.memref_slice %arg3[%add3A] : memref<20480xf32, #tpu.memory_space<hbm>> -> memref<640xf32, #tpu.memory_space<hbm>>
      tpu.wait_dma2 semaphore(%run_scoped3A : memref<!tpu.dma_semaphore, #tpu.memory_space<semaphore_mem>>) src(%arg6 : memref<640xf32, #tpu.memory_space<vmem>>) dst(%dma_wait3A_305 : memref<640xf32, #tpu.memory_space<hbm>>)
      tpu.yield
    }) : () -> ()
    return
  }
}

#map = affine_map<(d0, d1) -> (0, 0)>
#map1 = affine_map<(d0, d1) -> (0, 0, 0)>
module attributes {stable_mosaic.version = 14 : i64} {
  func.func @_agg_body(%arg0: i32, %arg1: i32, %arg2: memref<10240x128xf32, #tpu.memory_space<hbm>>, %arg3: memref<32x79x128xi32, #tpu.memory_space<hbm>>, %arg4: memref<2x10240x128xf32, #tpu.memory_space<hbm>>, %arg5: memref<79x128xi32, #tpu.memory_space<vmem>>, %arg6: memref<128xi32, #tpu.memory_space<vmem>>, %arg7: memref<128xi32, #tpu.memory_space<vmem>>, %arg8: memref<128xi32, #tpu.memory_space<vmem>>, %arg9: memref<128xi32, #tpu.memory_space<vmem>>, %arg10: memref<128x128xf32, #tpu.memory_space<vmem>>, %arg11: memref<128x128xf32, #tpu.memory_space<vmem>>, %arg12: memref<10240x128xf32, #tpu.memory_space<vmem_shared>>, %arg13: memref<!tpu.dma_semaphore, #tpu.memory_space<semaphore_mem>>, %arg14: memref<!tpu.dma_semaphore, #tpu.memory_space<semaphore_mem>>) attributes {dimension_semantics = [#tpu.dimension_semantics<core_parallel>, #tpu.dimension_semantics<subcore_parallel>], iteration_bounds = array<i64: 2, 16>, scalar_prefetch = 0 : i64, scratch_operands = 10 : i64, tpu.core_type = #tpu.core_type<sc_vector_subcore>, window_params = [{transform_indices = #map}, {transform_indices = #map1}, {transform_indices = #map1}]} {
    %mul3A = arith.constant 2 : i32
    %mul3A_0 = arith.muli %arg1, %mul3A : i32
    %add3A = arith.addi %mul3A_0, %arg0 : i32
    %while3A = arith.constant 0 : i32
    %while3A_1 = arith.constant 0 : i32
    %while3A_2 = arith.constant 128 : i32
    %while3A_3 = arith.subi %while3A_2, %while3A_1 : i32
    %while3A_4 = arith.addi %while3A_1, %while3A_3 : i32
    %while3A_5 = arith.constant 1 : i32
    %while3A_6 = arith.divsi %while3A_3, %while3A_5 : i32
    %while3A_7 = arith.muli %while3A_6, %while3A_5 : i32
    %while3A_8 = arith.addi %while3A_1, %while3A_7 : i32
    %while3A_9 = arith.constant 1 : i32
    scf.for %while3A_194 = %while3A_1 to %while3A_8 step %while3A_9  : i32 {
      %broadcast_in_dim3A = arith.constant 0.000000e+00 : f32
      %broadcast_in_dim3A_195 = vector.broadcast %broadcast_in_dim3A : f32 to vector<16xf32>
      %swap3A_196 = arith.index_cast %while3A_194 : i32 to index
      %swap3A_197 = arith.constant 0 : index
      %swap3A_198 = tpu.vector_load %arg10[%swap3A_196, %swap3A_197] {strides = array<i32>} : memref<128x128xf32, #tpu.memory_space<vmem>>, vector<1x16xf32>,
      %swap3A_199 = vector.shape_cast %swap3A_198 : vector<1x16xf32> to vector<16xf32>
      %swap3A_200 = vector.shape_cast %broadcast_in_dim3A_195 : vector<16xf32> to vector<1x16xf32>
      tpu.vector_store %arg10[%swap3A_196, %swap3A_197], %swap3A_200 {strides = array<i32>} : memref<128x128xf32, #tpu.memory_space<vmem>>, vector<1x16xf32>,
      %broadcast_in_dim3A_201 = arith.constant 0.000000e+00 : f32
      %broadcast_in_dim3A_202 = vector.broadcast %broadcast_in_dim3A_201 : f32 to vector<16xf32>
      %swap3A_203 = arith.index_cast %while3A_194 : i32 to index
      %swap3A_204 = arith.constant 16 : index
      %swap3A_205 = tpu.vector_load %arg10[%swap3A_203, %swap3A_204] {strides = array<i32>} : memref<128x128xf32, #tpu.memory_space<vmem>>, vector<1x16xf32>,
      %swap3A_206 = vector.shape_cast %swap3A_205 : vector<1x16xf32> to vector<16xf32>
      %swap3A_207 = vector.shape_cast %broadcast_in_dim3A_202 : vector<16xf32> to vector<1x16xf32>
      tpu.vector_store %arg10[%swap3A_203, %swap3A_204], %swap3A_207 {strides = array<i32>} : memref<128x128xf32, #tpu.memory_space<vmem>>, vector<1x16xf32>,
      %broadcast_in_dim3A_208 = arith.constant 0.000000e+00 : f32
      %broadcast_in_dim3A_209 = vector.broadcast %broadcast_in_dim3A_208 : f32 to vector<16xf32>
      %swap3A_210 = arith.index_cast %while3A_194 : i32 to index
      %swap3A_211 = arith.constant 32 : index
      %swap3A_212 = tpu.vector_load %arg10[%swap3A_210, %swap3A_211] {strides = array<i32>} : memref<128x128xf32, #tpu.memory_space<vmem>>, vector<1x16xf32>,
      %swap3A_213 = vector.shape_cast %swap3A_212 : vector<1x16xf32> to vector<16xf32>
      %swap3A_214 = vector.shape_cast %broadcast_in_dim3A_209 : vector<16xf32> to vector<1x16xf32>
      tpu.vector_store %arg10[%swap3A_210, %swap3A_211], %swap3A_214 {strides = array<i32>} : memref<128x128xf32, #tpu.memory_space<vmem>>, vector<1x16xf32>,
      %broadcast_in_dim3A_215 = arith.constant 0.000000e+00 : f32
      %broadcast_in_dim3A_216 = vector.broadcast %broadcast_in_dim3A_215 : f32 to vector<16xf32>
      %swap3A_217 = arith.index_cast %while3A_194 : i32 to index
      %swap3A_218 = arith.constant 48 : index
      %swap3A_219 = tpu.vector_load %arg10[%swap3A_217, %swap3A_218] {strides = array<i32>} : memref<128x128xf32, #tpu.memory_space<vmem>>, vector<1x16xf32>,
      %swap3A_220 = vector.shape_cast %swap3A_219 : vector<1x16xf32> to vector<16xf32>
      %swap3A_221 = vector.shape_cast %broadcast_in_dim3A_216 : vector<16xf32> to vector<1x16xf32>
      tpu.vector_store %arg10[%swap3A_217, %swap3A_218], %swap3A_221 {strides = array<i32>} : memref<128x128xf32, #tpu.memory_space<vmem>>, vector<1x16xf32>,
      %broadcast_in_dim3A_222 = arith.constant 0.000000e+00 : f32
      %broadcast_in_dim3A_223 = vector.broadcast %broadcast_in_dim3A_222 : f32 to vector<16xf32>
      %swap3A_224 = arith.index_cast %while3A_194 : i32 to index
      %swap3A_225 = arith.constant 64 : index
      %swap3A_226 = tpu.vector_load %arg10[%swap3A_224, %swap3A_225] {strides = array<i32>} : memref<128x128xf32, #tpu.memory_space<vmem>>, vector<1x16xf32>,
      %swap3A_227 = vector.shape_cast %swap3A_226 : vector<1x16xf32> to vector<16xf32>
      %swap3A_228 = vector.shape_cast %broadcast_in_dim3A_223 : vector<16xf32> to vector<1x16xf32>
      tpu.vector_store %arg10[%swap3A_224, %swap3A_225], %swap3A_228 {strides = array<i32>} : memref<128x128xf32, #tpu.memory_space<vmem>>, vector<1x16xf32>,
      %broadcast_in_dim3A_229 = arith.constant 0.000000e+00 : f32
      %broadcast_in_dim3A_230 = vector.broadcast %broadcast_in_dim3A_229 : f32 to vector<16xf32>
      %swap3A_231 = arith.index_cast %while3A_194 : i32 to index
      %swap3A_232 = arith.constant 80 : index
      %swap3A_233 = tpu.vector_load %arg10[%swap3A_231, %swap3A_232] {strides = array<i32>} : memref<128x128xf32, #tpu.memory_space<vmem>>, vector<1x16xf32>,
      %swap3A_234 = vector.shape_cast %swap3A_233 : vector<1x16xf32> to vector<16xf32>
      %swap3A_235 = vector.shape_cast %broadcast_in_dim3A_230 : vector<16xf32> to vector<1x16xf32>
      tpu.vector_store %arg10[%swap3A_231, %swap3A_232], %swap3A_235 {strides = array<i32>} : memref<128x128xf32, #tpu.memory_space<vmem>>, vector<1x16xf32>,
      %broadcast_in_dim3A_236 = arith.constant 0.000000e+00 : f32
      %broadcast_in_dim3A_237 = vector.broadcast %broadcast_in_dim3A_236 : f32 to vector<16xf32>
      %swap3A_238 = arith.index_cast %while3A_194 : i32 to index
      %swap3A_239 = arith.constant 96 : index
      %swap3A_240 = tpu.vector_load %arg10[%swap3A_238, %swap3A_239] {strides = array<i32>} : memref<128x128xf32, #tpu.memory_space<vmem>>, vector<1x16xf32>,
      %swap3A_241 = vector.shape_cast %swap3A_240 : vector<1x16xf32> to vector<16xf32>
      %swap3A_242 = vector.shape_cast %broadcast_in_dim3A_237 : vector<16xf32> to vector<1x16xf32>
      tpu.vector_store %arg10[%swap3A_238, %swap3A_239], %swap3A_242 {strides = array<i32>} : memref<128x128xf32, #tpu.memory_space<vmem>>, vector<1x16xf32>,
      %broadcast_in_dim3A_243 = arith.constant 0.000000e+00 : f32
      %broadcast_in_dim3A_244 = vector.broadcast %broadcast_in_dim3A_243 : f32 to vector<16xf32>
      %swap3A_245 = arith.index_cast %while3A_194 : i32 to index
      %swap3A_246 = arith.constant 112 : index
      %swap3A_247 = tpu.vector_load %arg10[%swap3A_245, %swap3A_246] {strides = array<i32>} : memref<128x128xf32, #tpu.memory_space<vmem>>, vector<1x16xf32>,
      %swap3A_248 = vector.shape_cast %swap3A_247 : vector<1x16xf32> to vector<16xf32>
      %swap3A_249 = vector.shape_cast %broadcast_in_dim3A_244 : vector<16xf32> to vector<1x16xf32>
      tpu.vector_store %arg10[%swap3A_245, %swap3A_246], %swap3A_249 {strides = array<i32>} : memref<128x128xf32, #tpu.memory_space<vmem>>, vector<1x16xf32>,
    }
    %while3A_10 = arith.constant 1 : i32
    scf.for %while3A_194 = %while3A_8 to %while3A_4 step %while3A_10  : i32 {
      %broadcast_in_dim3A = arith.constant 0.000000e+00 : f32
      %broadcast_in_dim3A_195 = vector.broadcast %broadcast_in_dim3A : f32 to vector<16xf32>
      %swap3A_196 = arith.index_cast %while3A_194 : i32 to index
      %swap3A_197 = arith.constant 0 : index
      %swap3A_198 = tpu.vector_load %arg10[%swap3A_196, %swap3A_197] {strides = array<i32>} : memref<128x128xf32, #tpu.memory_space<vmem>>, vector<1x16xf32>,
      %swap3A_199 = vector.shape_cast %swap3A_198 : vector<1x16xf32> to vector<16xf32>
      %swap3A_200 = vector.shape_cast %broadcast_in_dim3A_195 : vector<16xf32> to vector<1x16xf32>
      tpu.vector_store %arg10[%swap3A_196, %swap3A_197], %swap3A_200 {strides = array<i32>} : memref<128x128xf32, #tpu.memory_space<vmem>>, vector<1x16xf32>,
      %broadcast_in_dim3A_201 = arith.constant 0.000000e+00 : f32
      %broadcast_in_dim3A_202 = vector.broadcast %broadcast_in_dim3A_201 : f32 to vector<16xf32>
      %swap3A_203 = arith.index_cast %while3A_194 : i32 to index
      %swap3A_204 = arith.constant 16 : index
      %swap3A_205 = tpu.vector_load %arg10[%swap3A_203, %swap3A_204] {strides = array<i32>} : memref<128x128xf32, #tpu.memory_space<vmem>>, vector<1x16xf32>,
      %swap3A_206 = vector.shape_cast %swap3A_205 : vector<1x16xf32> to vector<16xf32>
      %swap3A_207 = vector.shape_cast %broadcast_in_dim3A_202 : vector<16xf32> to vector<1x16xf32>
      tpu.vector_store %arg10[%swap3A_203, %swap3A_204], %swap3A_207 {strides = array<i32>} : memref<128x128xf32, #tpu.memory_space<vmem>>, vector<1x16xf32>,
      %broadcast_in_dim3A_208 = arith.constant 0.000000e+00 : f32
      %broadcast_in_dim3A_209 = vector.broadcast %broadcast_in_dim3A_208 : f32 to vector<16xf32>
      %swap3A_210 = arith.index_cast %while3A_194 : i32 to index
      %swap3A_211 = arith.constant 32 : index
      %swap3A_212 = tpu.vector_load %arg10[%swap3A_210, %swap3A_211] {strides = array<i32>} : memref<128x128xf32, #tpu.memory_space<vmem>>, vector<1x16xf32>,
      %swap3A_213 = vector.shape_cast %swap3A_212 : vector<1x16xf32> to vector<16xf32>
      %swap3A_214 = vector.shape_cast %broadcast_in_dim3A_209 : vector<16xf32> to vector<1x16xf32>
      tpu.vector_store %arg10[%swap3A_210, %swap3A_211], %swap3A_214 {strides = array<i32>} : memref<128x128xf32, #tpu.memory_space<vmem>>, vector<1x16xf32>,
      %broadcast_in_dim3A_215 = arith.constant 0.000000e+00 : f32
      %broadcast_in_dim3A_216 = vector.broadcast %broadcast_in_dim3A_215 : f32 to vector<16xf32>
      %swap3A_217 = arith.index_cast %while3A_194 : i32 to index
      %swap3A_218 = arith.constant 48 : index
      %swap3A_219 = tpu.vector_load %arg10[%swap3A_217, %swap3A_218] {strides = array<i32>} : memref<128x128xf32, #tpu.memory_space<vmem>>, vector<1x16xf32>,
      %swap3A_220 = vector.shape_cast %swap3A_219 : vector<1x16xf32> to vector<16xf32>
      %swap3A_221 = vector.shape_cast %broadcast_in_dim3A_216 : vector<16xf32> to vector<1x16xf32>
      tpu.vector_store %arg10[%swap3A_217, %swap3A_218], %swap3A_221 {strides = array<i32>} : memref<128x128xf32, #tpu.memory_space<vmem>>, vector<1x16xf32>,
      %broadcast_in_dim3A_222 = arith.constant 0.000000e+00 : f32
      %broadcast_in_dim3A_223 = vector.broadcast %broadcast_in_dim3A_222 : f32 to vector<16xf32>
      %swap3A_224 = arith.index_cast %while3A_194 : i32 to index
      %swap3A_225 = arith.constant 64 : index
      %swap3A_226 = tpu.vector_load %arg10[%swap3A_224, %swap3A_225] {strides = array<i32>} : memref<128x128xf32, #tpu.memory_space<vmem>>, vector<1x16xf32>,
      %swap3A_227 = vector.shape_cast %swap3A_226 : vector<1x16xf32> to vector<16xf32>
      %swap3A_228 = vector.shape_cast %broadcast_in_dim3A_223 : vector<16xf32> to vector<1x16xf32>
      tpu.vector_store %arg10[%swap3A_224, %swap3A_225], %swap3A_228 {strides = array<i32>} : memref<128x128xf32, #tpu.memory_space<vmem>>, vector<1x16xf32>,
      %broadcast_in_dim3A_229 = arith.constant 0.000000e+00 : f32
      %broadcast_in_dim3A_230 = vector.broadcast %broadcast_in_dim3A_229 : f32 to vector<16xf32>
      %swap3A_231 = arith.index_cast %while3A_194 : i32 to index
      %swap3A_232 = arith.constant 80 : index
      %swap3A_233 = tpu.vector_load %arg10[%swap3A_231, %swap3A_232] {strides = array<i32>} : memref<128x128xf32, #tpu.memory_space<vmem>>, vector<1x16xf32>,
      %swap3A_234 = vector.shape_cast %swap3A_233 : vector<1x16xf32> to vector<16xf32>
      %swap3A_235 = vector.shape_cast %broadcast_in_dim3A_230 : vector<16xf32> to vector<1x16xf32>
      tpu.vector_store %arg10[%swap3A_231, %swap3A_232], %swap3A_235 {strides = array<i32>} : memref<128x128xf32, #tpu.memory_space<vmem>>, vector<1x16xf32>,
      %broadcast_in_dim3A_236 = arith.constant 0.000000e+00 : f32
      %broadcast_in_dim3A_237 = vector.broadcast %broadcast_in_dim3A_236 : f32 to vector<16xf32>
      %swap3A_238 = arith.index_cast %while3A_194 : i32 to index
      %swap3A_239 = arith.constant 96 : index
      %swap3A_240 = tpu.vector_load %arg10[%swap3A_238, %swap3A_239] {strides = array<i32>} : memref<128x128xf32, #tpu.memory_space<vmem>>, vector<1x16xf32>,
      %swap3A_241 = vector.shape_cast %swap3A_240 : vector<1x16xf32> to vector<16xf32>
      %swap3A_242 = vector.shape_cast %broadcast_in_dim3A_237 : vector<16xf32> to vector<1x16xf32>
      tpu.vector_store %arg10[%swap3A_238, %swap3A_239], %swap3A_242 {strides = array<i32>} : memref<128x128xf32, #tpu.memory_space<vmem>>, vector<1x16xf32>,
      %broadcast_in_dim3A_243 = arith.constant 0.000000e+00 : f32
      %broadcast_in_dim3A_244 = vector.broadcast %broadcast_in_dim3A_243 : f32 to vector<16xf32>
      %swap3A_245 = arith.index_cast %while3A_194 : i32 to index
      %swap3A_246 = arith.constant 112 : index
      %swap3A_247 = tpu.vector_load %arg10[%swap3A_245, %swap3A_246] {strides = array<i32>} : memref<128x128xf32, #tpu.memory_space<vmem>>, vector<1x16xf32>,
      %swap3A_248 = vector.shape_cast %swap3A_247 : vector<1x16xf32> to vector<16xf32>
      %swap3A_249 = vector.shape_cast %broadcast_in_dim3A_244 : vector<16xf32> to vector<1x16xf32>
      tpu.vector_store %arg10[%swap3A_245, %swap3A_246], %swap3A_249 {strides = array<i32>} : memref<128x128xf32, #tpu.memory_space<vmem>>, vector<1x16xf32>,
    }
    %while3A_11 = arith.constant 0 : i32
    %while3A_12 = arith.constant 0 : i32
    %while3A_13 = arith.constant 4 : i32
    %while3A_14 = arith.subi %while3A_13, %while3A_12 : i32
    %while3A_15 = arith.addi %while3A_12, %while3A_14 : i32
    %while3A_16 = arith.constant 1 : i32
    %while3A_17 = arith.divsi %while3A_14, %while3A_16 : i32
    %while3A_18 = arith.muli %while3A_17, %while3A_16 : i32
    %while3A_19 = arith.addi %while3A_12, %while3A_18 : i32
    %while3A_20 = arith.constant 1 : i32
    scf.for %while3A_194 = %while3A_12 to %while3A_19 step %while3A_20  : i32 {
      %mul3A_195 = arith.constant 640 : i32
      %mul3A_196 = arith.muli %arg1, %mul3A_195 : i32
      %mul3A_197 = arith.constant 128 : i32
      %mul3A_198 = arith.muli %while3A_194, %mul3A_197 : i32
      %add3A_199 = arith.addi %mul3A_196, %mul3A_198 : i32
      "tpu.region"() ({
        %run_scoped3A_200 = tpu.sem_alloc : memref<!tpu.dma_semaphore, #tpu.memory_space<semaphore_mem>>
        %dma_start3A_201 = arith.constant 0 : i32
        %dma_start3A_202 = tpu.memref_slice %arg12[%add3A_199, %dma_start3A_201] : memref<10240x128xf32, #tpu.memory_space<vmem_shared>> -> memref<128x128xf32, #tpu.memory_space<vmem_shared>>
        %dma_start3A_203 = arith.constant 0 : i32
        %dma_start3A_204 = tpu.memref_slice %arg12[%add3A_199, %dma_start3A_203] : memref<10240x128xf32, #tpu.memory_space<vmem_shared>> -> memref<128x128xf32, #tpu.memory_space<vmem_shared>>
        tpu.enqueue_dma source(%arg10 : memref<128x128xf32, #tpu.memory_space<vmem>>) target(%dma_start3A_204 : memref<128x128xf32, #tpu.memory_space<vmem_shared>>) target_semaphore(%run_scoped3A_200 : memref<!tpu.dma_semaphore, #tpu.memory_space<semaphore_mem>>)
        %dma_wait3A_205 = arith.constant 0 : i32
        %dma_wait3A_206 = tpu.memref_slice %arg12[%add3A_199, %dma_wait3A_205] : memref<10240x128xf32, #tpu.memory_space<vmem_shared>> -> memref<128x128xf32, #tpu.memory_space<vmem_shared>>
        %dma_wait3A_207 = arith.constant 0 : i32
        %dma_wait3A_208 = tpu.memref_slice %arg12[%add3A_199, %dma_wait3A_207] : memref<10240x128xf32, #tpu.memory_space<vmem_shared>> -> memref<128x128xf32, #tpu.memory_space<vmem_shared>>
        tpu.wait_dma2 semaphore(%run_scoped3A_200 : memref<!tpu.dma_semaphore, #tpu.memory_space<semaphore_mem>>) src(%arg10 : memref<128x128xf32, #tpu.memory_space<vmem>>) dst(%dma_wait3A_208 : memref<128x128xf32, #tpu.memory_space<vmem_shared>>)
        tpu.yield
      }) : () -> ()
    }
    %while3A_21 = arith.constant 1 : i32
    scf.for %while3A_194 = %while3A_19 to %while3A_15 step %while3A_21  : i32 {
      %mul3A_195 = arith.constant 640 : i32
      %mul3A_196 = arith.muli %arg1, %mul3A_195 : i32
      %mul3A_197 = arith.constant 128 : i32
      %mul3A_198 = arith.muli %while3A_194, %mul3A_197 : i32
      %add3A_199 = arith.addi %mul3A_196, %mul3A_198 : i32
      "tpu.region"() ({
        %run_scoped3A_200 = tpu.sem_alloc : memref<!tpu.dma_semaphore, #tpu.memory_space<semaphore_mem>>
        %dma_start3A_201 = arith.constant 0 : i32
        %dma_start3A_202 = tpu.memref_slice %arg12[%add3A_199, %dma_start3A_201] : memref<10240x128xf32, #tpu.memory_space<vmem_shared>> -> memref<128x128xf32, #tpu.memory_space<vmem_shared>>
        %dma_start3A_203 = arith.constant 0 : i32
        %dma_start3A_204 = tpu.memref_slice %arg12[%add3A_199, %dma_start3A_203] : memref<10240x128xf32, #tpu.memory_space<vmem_shared>> -> memref<128x128xf32, #tpu.memory_space<vmem_shared>>
        tpu.enqueue_dma source(%arg10 : memref<128x128xf32, #tpu.memory_space<vmem>>) target(%dma_start3A_204 : memref<128x128xf32, #tpu.memory_space<vmem_shared>>) target_semaphore(%run_scoped3A_200 : memref<!tpu.dma_semaphore, #tpu.memory_space<semaphore_mem>>)
        %dma_wait3A_205 = arith.constant 0 : i32
        %dma_wait3A_206 = tpu.memref_slice %arg12[%add3A_199, %dma_wait3A_205] : memref<10240x128xf32, #tpu.memory_space<vmem_shared>> -> memref<128x128xf32, #tpu.memory_space<vmem_shared>>
        %dma_wait3A_207 = arith.constant 0 : i32
        %dma_wait3A_208 = tpu.memref_slice %arg12[%add3A_199, %dma_wait3A_207] : memref<10240x128xf32, #tpu.memory_space<vmem_shared>> -> memref<128x128xf32, #tpu.memory_space<vmem_shared>>
        tpu.wait_dma2 semaphore(%run_scoped3A_200 : memref<!tpu.dma_semaphore, #tpu.memory_space<semaphore_mem>>) src(%arg10 : memref<128x128xf32, #tpu.memory_space<vmem>>) dst(%dma_wait3A_208 : memref<128x128xf32, #tpu.memory_space<vmem_shared>>)
        tpu.yield
      }) : () -> ()
    }
    %mul3A_22 = arith.constant 640 : i32
    %mul3A_23 = arith.muli %arg1, %mul3A_22 : i32
    %add3A_24 = arith.constant 512 : i32
    %add3A_25 = arith.addi %mul3A_23, %add3A_24 : i32
    %run_scoped3A = arith.constant 0 : i32
    "tpu.region"() ({
      %run_scoped3A_194 = tpu.sem_alloc : memref<!tpu.dma_semaphore, #tpu.memory_space<semaphore_mem>>
      %dma_start3A_195 = arith.constant 0 : i32
      %dma_start3A_196 = tpu.memref_slice %arg10[%run_scoped3A, %dma_start3A_195] : memref<128x128xf32, #tpu.memory_space<vmem>> -> memref<128x128xf32, #tpu.memory_space<vmem>>
      %dma_start3A_197 = arith.constant 0 : i32
      %dma_start3A_198 = tpu.memref_slice %arg12[%add3A_25, %dma_start3A_197] : memref<10240x128xf32, #tpu.memory_space<vmem_shared>> -> memref<128x128xf32, #tpu.memory_space<vmem_shared>>
      %dma_start3A_199 = arith.constant 0 : i32
      %dma_start3A_200 = tpu.memref_slice %arg12[%add3A_25, %dma_start3A_199] : memref<10240x128xf32, #tpu.memory_space<vmem_shared>> -> memref<128x128xf32, #tpu.memory_space<vmem_shared>>
      %dma_start3A_201 = arith.constant 0 : i32
      %dma_start3A_202 = tpu.memref_slice %arg10[%run_scoped3A, %dma_start3A_201] : memref<128x128xf32, #tpu.memory_space<vmem>> -> memref<128x128xf32, #tpu.memory_space<vmem>>
      tpu.enqueue_dma source(%dma_start3A_202 : memref<128x128xf32, #tpu.memory_space<vmem>>) target(%dma_start3A_200 : memref<128x128xf32, #tpu.memory_space<vmem_shared>>) target_semaphore(%run_scoped3A_194 : memref<!tpu.dma_semaphore, #tpu.memory_space<semaphore_mem>>)
      %dma_wait3A_203 = arith.constant 0 : i32
      %dma_wait3A_204 = tpu.memref_slice %arg10[%run_scoped3A, %dma_wait3A_203] : memref<128x128xf32, #tpu.memory_space<vmem>> -> memref<128x128xf32, #tpu.memory_space<vmem>>
      %dma_wait3A_205 = arith.constant 0 : i32
      %dma_wait3A_206 = tpu.memref_slice %arg12[%add3A_25, %dma_wait3A_205] : memref<10240x128xf32, #tpu.memory_space<vmem_shared>> -> memref<128x128xf32, #tpu.memory_space<vmem_shared>>
      %dma_wait3A_207 = arith.constant 0 : i32
      %dma_wait3A_208 = tpu.memref_slice %arg12[%add3A_25, %dma_wait3A_207] : memref<10240x128xf32, #tpu.memory_space<vmem_shared>> -> memref<128x128xf32, #tpu.memory_space<vmem_shared>>
      %dma_wait3A_209 = arith.constant 0 : i32
      %dma_wait3A_210 = tpu.memref_slice %arg10[%run_scoped3A, %dma_wait3A_209] : memref<128x128xf32, #tpu.memory_space<vmem>> -> memref<128x128xf32, #tpu.memory_space<vmem>>
      tpu.wait_dma2 semaphore(%run_scoped3A_194 : memref<!tpu.dma_semaphore, #tpu.memory_space<semaphore_mem>>) src(%dma_wait3A_210 : memref<128x128xf32, #tpu.memory_space<vmem>>) dst(%dma_wait3A_208 : memref<128x128xf32, #tpu.memory_space<vmem_shared>>)
      tpu.yield
    }) : () -> ()
    %barrier3A = arith.constant 0 : index
    tpu.barrier barrier_id(%barrier3A)
    "tpu.region"() ({
      %run_scoped3A_194 = tpu.sem_alloc : memref<!tpu.dma_semaphore, #tpu.memory_space<semaphore_mem>>
      %dma_start3A_195 = arith.constant 0 : i32
      %dma_start3A_196 = arith.constant 0 : i32
      %dma_start3A_197 = tpu.memref_slice %arg3[%add3A, %dma_start3A_195, %dma_start3A_196] : memref<32x79x128xi32, #tpu.memory_space<hbm>> -> memref<1x79x128xi32, #tpu.memory_space<hbm>>
      %dma_start3A_198 = tpu.memref_squeeze %dma_start3A_197 : memref<1x79x128xi32, #tpu.memory_space<hbm>> -> memref<79x128xi32, #tpu.memory_space<hbm>>
      %dma_start3A_199 = arith.constant 0 : i32
      %dma_start3A_200 = arith.constant 0 : i32
      %dma_start3A_201 = tpu.memref_slice %arg3[%add3A, %dma_start3A_199, %dma_start3A_200] : memref<32x79x128xi32, #tpu.memory_space<hbm>> -> memref<1x79x128xi32, #tpu.memory_space<hbm>>
      %dma_start3A_202 = tpu.memref_squeeze %dma_start3A_201 : memref<1x79x128xi32, #tpu.memory_space<hbm>> -> memref<79x128xi32, #tpu.memory_space<hbm>>
      tpu.enqueue_dma source(%dma_start3A_202 : memref<79x128xi32, #tpu.memory_space<hbm>>) target(%arg5 : memref<79x128xi32, #tpu.memory_space<vmem>>) target_semaphore(%run_scoped3A_194 : memref<!tpu.dma_semaphore, #tpu.memory_space<semaphore_mem>>)
      %dma_wait3A_203 = arith.constant 0 : i32
      %dma_wait3A_204 = arith.constant 0 : i32
      %dma_wait3A_205 = tpu.memref_slice %arg3[%add3A, %dma_wait3A_203, %dma_wait3A_204] : memref<32x79x128xi32, #tpu.memory_space<hbm>> -> memref<1x79x128xi32, #tpu.memory_space<hbm>>
      %dma_wait3A_206 = tpu.memref_squeeze %dma_wait3A_205 : memref<1x79x128xi32, #tpu.memory_space<hbm>> -> memref<79x128xi32, #tpu.memory_space<hbm>>
      %dma_wait3A_207 = arith.constant 0 : i32
      %dma_wait3A_208 = arith.constant 0 : i32
      %dma_wait3A_209 = tpu.memref_slice %arg3[%add3A, %dma_wait3A_207, %dma_wait3A_208] : memref<32x79x128xi32, #tpu.memory_space<hbm>> -> memref<1x79x128xi32, #tpu.memory_space<hbm>>
      %dma_wait3A_210 = tpu.memref_squeeze %dma_wait3A_209 : memref<1x79x128xi32, #tpu.memory_space<hbm>> -> memref<79x128xi32, #tpu.memory_space<hbm>>
      tpu.wait_dma2 semaphore(%run_scoped3A_194 : memref<!tpu.dma_semaphore, #tpu.memory_space<semaphore_mem>>) src(%dma_wait3A_210 : memref<79x128xi32, #tpu.memory_space<hbm>>) dst(%arg5 : memref<79x128xi32, #tpu.memory_space<vmem>>)
      tpu.yield
    }) : () -> ()
    %get3A = arith.constant 0 : i32
    %get3A_26 = arith.index_cast %get3A : i32 to index
    %get3A_27 = arith.constant 0 : index
    %get3A_28 = tpu.vector_load %arg5[%get3A_26, %get3A_27] {strides = array<i32>} : memref<79x128xi32, #tpu.memory_space<vmem>>, vector<1x16xi32>,
    %get3A_29 = vector.shape_cast %get3A_28 : vector<1x16xi32> to vector<16xi32>
    %and3A = arith.constant 65535 : i32
    %and3A_30 = vector.broadcast %and3A : i32 to vector<16xi32>
    %and3A_31 = arith.andi %get3A_29, %and3A_30 : vector<16xi32>
    %swap3A = arith.constant 0 : index
    %swap3A_32 = tpu.vector_load %arg6[%swap3A] {strides = array<i32>} : memref<128xi32, #tpu.memory_space<vmem>>, vector<16xi32>,
    %swap3A_33 = vector.shape_cast %swap3A_32 : vector<16xi32> to vector<16xi32>
    %swap3A_34 = vector.shape_cast %and3A_31 : vector<16xi32> to vector<16xi32>
    tpu.vector_store %arg6[%swap3A], %swap3A_34 {strides = array<i32>} : memref<128xi32, #tpu.memory_space<vmem>>, vector<16xi32>,
    %shift_right_logical3A = arith.constant 16 : i32
    %shift_right_logical3A_35 = vector.broadcast %shift_right_logical3A : i32 to vector<16xi32>
    %shift_right_logical3A_36 = arith.shrui %get3A_29, %shift_right_logical3A_35 : vector<16xi32>
    %swap3A_37 = arith.constant 0 : index
    %swap3A_38 = tpu.vector_load %arg7[%swap3A_37] {strides = array<i32>} : memref<128xi32, #tpu.memory_space<vmem>>, vector<16xi32>,
    %swap3A_39 = vector.shape_cast %swap3A_38 : vector<16xi32> to vector<16xi32>
    %swap3A_40 = vector.shape_cast %shift_right_logical3A_36 : vector<16xi32> to vector<16xi32>
    tpu.vector_store %arg7[%swap3A_37], %swap3A_40 {strides = array<i32>} : memref<128xi32, #tpu.memory_space<vmem>>, vector<16xi32>,
    %get3A_41 = arith.constant 0 : i32
    %get3A_42 = arith.index_cast %get3A_41 : i32 to index
    %get3A_43 = arith.constant 16 : index
    %get3A_44 = tpu.vector_load %arg5[%get3A_42, %get3A_43] {strides = array<i32>} : memref<79x128xi32, #tpu.memory_space<vmem>>, vector<1x16xi32>,
    %get3A_45 = vector.shape_cast %get3A_44 : vector<1x16xi32> to vector<16xi32>
    %and3A_46 = arith.constant 65535 : i32
    %and3A_47 = vector.broadcast %and3A_46 : i32 to vector<16xi32>
    %and3A_48 = arith.andi %get3A_45, %and3A_47 : vector<16xi32>
    %swap3A_49 = arith.constant 16 : index
    %swap3A_50 = tpu.vector_load %arg6[%swap3A_49] {strides = array<i32>} : memref<128xi32, #tpu.memory_space<vmem>>, vector<16xi32>,
    %swap3A_51 = vector.shape_cast %swap3A_50 : vector<16xi32> to vector<16xi32>
    %swap3A_52 = vector.shape_cast %and3A_48 : vector<16xi32> to vector<16xi32>
    tpu.vector_store %arg6[%swap3A_49], %swap3A_52 {strides = array<i32>} : memref<128xi32, #tpu.memory_space<vmem>>, vector<16xi32>,
    %shift_right_logical3A_53 = arith.constant 16 : i32
    %shift_right_logical3A_54 = vector.broadcast %shift_right_logical3A_53 : i32 to vector<16xi32>
    %shift_right_logical3A_55 = arith.shrui %get3A_45, %shift_right_logical3A_54 : vector<16xi32>
    %swap3A_56 = arith.constant 16 : index
    %swap3A_57 = tpu.vector_load %arg7[%swap3A_56] {strides = array<i32>} : memref<128xi32, #tpu.memory_space<vmem>>, vector<16xi32>,
    %swap3A_58 = vector.shape_cast %swap3A_57 : vector<16xi32> to vector<16xi32>
    %swap3A_59 = vector.shape_cast %shift_right_logical3A_55 : vector<16xi32> to vector<16xi32>
    tpu.vector_store %arg7[%swap3A_56], %swap3A_59 {strides = array<i32>} : memref<128xi32, #tpu.memory_space<vmem>>, vector<16xi32>,
    %get3A_60 = arith.constant 0 : i32
    %get3A_61 = arith.index_cast %get3A_60 : i32 to index
    %get3A_62 = arith.constant 32 : index
    %get3A_63 = tpu.vector_load %arg5[%get3A_61, %get3A_62] {strides = array<i32>} : memref<79x128xi32, #tpu.memory_space<vmem>>, vector<1x16xi32>,
    %get3A_64 = vector.shape_cast %get3A_63 : vector<1x16xi32> to vector<16xi32>
    %and3A_65 = arith.constant 65535 : i32
    %and3A_66 = vector.broadcast %and3A_65 : i32 to vector<16xi32>
    %and3A_67 = arith.andi %get3A_64, %and3A_66 : vector<16xi32>
    %swap3A_68 = arith.constant 32 : index
    %swap3A_69 = tpu.vector_load %arg6[%swap3A_68] {strides = array<i32>} : memref<128xi32, #tpu.memory_space<vmem>>, vector<16xi32>,
    %swap3A_70 = vector.shape_cast %swap3A_69 : vector<16xi32> to vector<16xi32>
    %swap3A_71 = vector.shape_cast %and3A_67 : vector<16xi32> to vector<16xi32>
    tpu.vector_store %arg6[%swap3A_68], %swap3A_71 {strides = array<i32>} : memref<128xi32, #tpu.memory_space<vmem>>, vector<16xi32>,
    %shift_right_logical3A_72 = arith.constant 16 : i32
    %shift_right_logical3A_73 = vector.broadcast %shift_right_logical3A_72 : i32 to vector<16xi32>
    %shift_right_logical3A_74 = arith.shrui %get3A_64, %shift_right_logical3A_73 : vector<16xi32>
    %swap3A_75 = arith.constant 32 : index
    %swap3A_76 = tpu.vector_load %arg7[%swap3A_75] {strides = array<i32>} : memref<128xi32, #tpu.memory_space<vmem>>, vector<16xi32>,
    %swap3A_77 = vector.shape_cast %swap3A_76 : vector<16xi32> to vector<16xi32>
    %swap3A_78 = vector.shape_cast %shift_right_logical3A_74 : vector<16xi32> to vector<16xi32>
    tpu.vector_store %arg7[%swap3A_75], %swap3A_78 {strides = array<i32>} : memref<128xi32, #tpu.memory_space<vmem>>, vector<16xi32>,
    %get3A_79 = arith.constant 0 : i32
    %get3A_80 = arith.index_cast %get3A_79 : i32 to index
    %get3A_81 = arith.constant 48 : index
    %get3A_82 = tpu.vector_load %arg5[%get3A_80, %get3A_81] {strides = array<i32>} : memref<79x128xi32, #tpu.memory_space<vmem>>, vector<1x16xi32>,
    %get3A_83 = vector.shape_cast %get3A_82 : vector<1x16xi32> to vector<16xi32>
    %and3A_84 = arith.constant 65535 : i32
    %and3A_85 = vector.broadcast %and3A_84 : i32 to vector<16xi32>
    %and3A_86 = arith.andi %get3A_83, %and3A_85 : vector<16xi32>
    %swap3A_87 = arith.constant 48 : index
    %swap3A_88 = tpu.vector_load %arg6[%swap3A_87] {strides = array<i32>} : memref<128xi32, #tpu.memory_space<vmem>>, vector<16xi32>,
    %swap3A_89 = vector.shape_cast %swap3A_88 : vector<16xi32> to vector<16xi32>
    %swap3A_90 = vector.shape_cast %and3A_86 : vector<16xi32> to vector<16xi32>
    tpu.vector_store %arg6[%swap3A_87], %swap3A_90 {strides = array<i32>} : memref<128xi32, #tpu.memory_space<vmem>>, vector<16xi32>,
    %shift_right_logical3A_91 = arith.constant 16 : i32
    %shift_right_logical3A_92 = vector.broadcast %shift_right_logical3A_91 : i32 to vector<16xi32>
    %shift_right_logical3A_93 = arith.shrui %get3A_83, %shift_right_logical3A_92 : vector<16xi32>
    %swap3A_94 = arith.constant 48 : index
    %swap3A_95 = tpu.vector_load %arg7[%swap3A_94] {strides = array<i32>} : memref<128xi32, #tpu.memory_space<vmem>>, vector<16xi32>,
    %swap3A_96 = vector.shape_cast %swap3A_95 : vector<16xi32> to vector<16xi32>
    %swap3A_97 = vector.shape_cast %shift_right_logical3A_93 : vector<16xi32> to vector<16xi32>
    tpu.vector_store %arg7[%swap3A_94], %swap3A_97 {strides = array<i32>} : memref<128xi32, #tpu.memory_space<vmem>>, vector<16xi32>,
    %get3A_98 = arith.constant 0 : i32
    %get3A_99 = arith.index_cast %get3A_98 : i32 to index
    %get3A_100 = arith.constant 64 : index
    %get3A_101 = tpu.vector_load %arg5[%get3A_99, %get3A_100] {strides = array<i32>} : memref<79x128xi32, #tpu.memory_space<vmem>>, vector<1x16xi32>,
    %get3A_102 = vector.shape_cast %get3A_101 : vector<1x16xi32> to vector<16xi32>
    %and3A_103 = arith.constant 65535 : i32
    %and3A_104 = vector.broadcast %and3A_103 : i32 to vector<16xi32>
    %and3A_105 = arith.andi %get3A_102, %and3A_104 : vector<16xi32>
    %swap3A_106 = arith.constant 64 : index
    %swap3A_107 = tpu.vector_load %arg6[%swap3A_106] {strides = array<i32>} : memref<128xi32, #tpu.memory_space<vmem>>, vector<16xi32>,
    %swap3A_108 = vector.shape_cast %swap3A_107 : vector<16xi32> to vector<16xi32>
    %swap3A_109 = vector.shape_cast %and3A_105 : vector<16xi32> to vector<16xi32>
    tpu.vector_store %arg6[%swap3A_106], %swap3A_109 {strides = array<i32>} : memref<128xi32, #tpu.memory_space<vmem>>, vector<16xi32>,
    %shift_right_logical3A_110 = arith.constant 16 : i32
    %shift_right_logical3A_111 = vector.broadcast %shift_right_logical3A_110 : i32 to vector<16xi32>
    %shift_right_logical3A_112 = arith.shrui %get3A_102, %shift_right_logical3A_111 : vector<16xi32>
    %swap3A_113 = arith.constant 64 : index
    %swap3A_114 = tpu.vector_load %arg7[%swap3A_113] {strides = array<i32>} : memref<128xi32, #tpu.memory_space<vmem>>, vector<16xi32>,
    %swap3A_115 = vector.shape_cast %swap3A_114 : vector<16xi32> to vector<16xi32>
    %swap3A_116 = vector.shape_cast %shift_right_logical3A_112 : vector<16xi32> to vector<16xi32>
    tpu.vector_store %arg7[%swap3A_113], %swap3A_116 {strides = array<i32>} : memref<128xi32, #tpu.memory_space<vmem>>, vector<16xi32>,
    %get3A_117 = arith.constant 0 : i32
    %get3A_118 = arith.index_cast %get3A_117 : i32 to index
    %get3A_119 = arith.constant 80 : index
    %get3A_120 = tpu.vector_load %arg5[%get3A_118, %get3A_119] {strides = array<i32>} : memref<79x128xi32, #tpu.memory_space<vmem>>, vector<1x16xi32>,
    %get3A_121 = vector.shape_cast %get3A_120 : vector<1x16xi32> to vector<16xi32>
    %and3A_122 = arith.constant 65535 : i32
    %and3A_123 = vector.broadcast %and3A_122 : i32 to vector<16xi32>
    %and3A_124 = arith.andi %get3A_121, %and3A_123 : vector<16xi32>
    %swap3A_125 = arith.constant 80 : index
    %swap3A_126 = tpu.vector_load %arg6[%swap3A_125] {strides = array<i32>} : memref<128xi32, #tpu.memory_space<vmem>>, vector<16xi32>,
    %swap3A_127 = vector.shape_cast %swap3A_126 : vector<16xi32> to vector<16xi32>
    %swap3A_128 = vector.shape_cast %and3A_124 : vector<16xi32> to vector<16xi32>
    tpu.vector_store %arg6[%swap3A_125], %swap3A_128 {strides = array<i32>} : memref<128xi32, #tpu.memory_space<vmem>>, vector<16xi32>,
    %shift_right_logical3A_129 = arith.constant 16 : i32
    %shift_right_logical3A_130 = vector.broadcast %shift_right_logical3A_129 : i32 to vector<16xi32>
    %shift_right_logical3A_131 = arith.shrui %get3A_121, %shift_right_logical3A_130 : vector<16xi32>
    %swap3A_132 = arith.constant 80 : index
    %swap3A_133 = tpu.vector_load %arg7[%swap3A_132] {strides = array<i32>} : memref<128xi32, #tpu.memory_space<vmem>>, vector<16xi32>,
    %swap3A_134 = vector.shape_cast %swap3A_133 : vector<16xi32> to vector<16xi32>
    %swap3A_135 = vector.shape_cast %shift_right_logical3A_131 : vector<16xi32> to vector<16xi32>
    tpu.vector_store %arg7[%swap3A_132], %swap3A_135 {strides = array<i32>} : memref<128xi32, #tpu.memory_space<vmem>>, vector<16xi32>,
    %get3A_136 = arith.constant 0 : i32
    %get3A_137 = arith.index_cast %get3A_136 : i32 to index
    %get3A_138 = arith.constant 96 : index
    %get3A_139 = tpu.vector_load %arg5[%get3A_137, %get3A_138] {strides = array<i32>} : memref<79x128xi32, #tpu.memory_space<vmem>>, vector<1x16xi32>,
    %get3A_140 = vector.shape_cast %get3A_139 : vector<1x16xi32> to vector<16xi32>
    %and3A_141 = arith.constant 65535 : i32
    %and3A_142 = vector.broadcast %and3A_141 : i32 to vector<16xi32>
    %and3A_143 = arith.andi %get3A_140, %and3A_142 : vector<16xi32>
    %swap3A_144 = arith.constant 96 : index
    %swap3A_145 = tpu.vector_load %arg6[%swap3A_144] {strides = array<i32>} : memref<128xi32, #tpu.memory_space<vmem>>, vector<16xi32>,
    %swap3A_146 = vector.shape_cast %swap3A_145 : vector<16xi32> to vector<16xi32>
    %swap3A_147 = vector.shape_cast %and3A_143 : vector<16xi32> to vector<16xi32>
    tpu.vector_store %arg6[%swap3A_144], %swap3A_147 {strides = array<i32>} : memref<128xi32, #tpu.memory_space<vmem>>, vector<16xi32>,
    %shift_right_logical3A_148 = arith.constant 16 : i32
    %shift_right_logical3A_149 = vector.broadcast %shift_right_logical3A_148 : i32 to vector<16xi32>
    %shift_right_logical3A_150 = arith.shrui %get3A_140, %shift_right_logical3A_149 : vector<16xi32>
    %swap3A_151 = arith.constant 96 : index
    %swap3A_152 = tpu.vector_load %arg7[%swap3A_151] {strides = array<i32>} : memref<128xi32, #tpu.memory_space<vmem>>, vector<16xi32>,
    %swap3A_153 = vector.shape_cast %swap3A_152 : vector<16xi32> to vector<16xi32>
    %swap3A_154 = vector.shape_cast %shift_right_logical3A_150 : vector<16xi32> to vector<16xi32>
    tpu.vector_store %arg7[%swap3A_151], %swap3A_154 {strides = array<i32>} : memref<128xi32, #tpu.memory_space<vmem>>, vector<16xi32>,
    %get3A_155 = arith.constant 0 : i32
    %get3A_156 = arith.index_cast %get3A_155 : i32 to index
    %get3A_157 = arith.constant 112 : index
    %get3A_158 = tpu.vector_load %arg5[%get3A_156, %get3A_157] {strides = array<i32>} : memref<79x128xi32, #tpu.memory_space<vmem>>, vector<1x16xi32>,
    %get3A_159 = vector.shape_cast %get3A_158 : vector<1x16xi32> to vector<16xi32>
    %and3A_160 = arith.constant 65535 : i32
    %and3A_161 = vector.broadcast %and3A_160 : i32 to vector<16xi32>
    %and3A_162 = arith.andi %get3A_159, %and3A_161 : vector<16xi32>
    %swap3A_163 = arith.constant 112 : index
    %swap3A_164 = tpu.vector_load %arg6[%swap3A_163] {strides = array<i32>} : memref<128xi32, #tpu.memory_space<vmem>>, vector<16xi32>,
    %swap3A_165 = vector.shape_cast %swap3A_164 : vector<16xi32> to vector<16xi32>
    %swap3A_166 = vector.shape_cast %and3A_162 : vector<16xi32> to vector<16xi32>
    tpu.vector_store %arg6[%swap3A_163], %swap3A_166 {strides = array<i32>} : memref<128xi32, #tpu.memory_space<vmem>>, vector<16xi32>,
    %shift_right_logical3A_167 = arith.constant 16 : i32
    %shift_right_logical3A_168 = vector.broadcast %shift_right_logical3A_167 : i32 to vector<16xi32>
    %shift_right_logical3A_169 = arith.shrui %get3A_159, %shift_right_logical3A_168 : vector<16xi32>
    %swap3A_170 = arith.constant 112 : index
    %swap3A_171 = tpu.vector_load %arg7[%swap3A_170] {strides = array<i32>} : memref<128xi32, #tpu.memory_space<vmem>>, vector<16xi32>,
    %swap3A_172 = vector.shape_cast %swap3A_171 : vector<16xi32> to vector<16xi32>
    %swap3A_173 = vector.shape_cast %shift_right_logical3A_169 : vector<16xi32> to vector<16xi32>
    tpu.vector_store %arg7[%swap3A_170], %swap3A_173 {strides = array<i32>} : memref<128xi32, #tpu.memory_space<vmem>>, vector<16xi32>,
    %dma_start3A = arith.constant 0 : i32
    %dma_start3A_174 = arith.constant 0 : i32
    %dma_start3A_175 = tpu.memref_slice %arg2[%dma_start3A, %dma_start3A_174] : memref<10240x128xf32, #tpu.memory_space<hbm>> -> memref<10240x128xf32, #tpu.memory_space<hbm>>
    tpu.enqueue_indirect_dma source(%dma_start3A_175 : memref<10240x128xf32, #tpu.memory_space<hbm>>) target(%arg10 : memref<128x128xf32, #tpu.memory_space<vmem>>) offsets(%arg6 : memref<128xi32, #tpu.memory_space<vmem>>) semaphore(%arg13 : memref<!tpu.dma_semaphore, #tpu.memory_space<semaphore_mem>>)
    %while3A_176 = arith.constant 0 : i32
    %while3A_177 = arith.constant 0 : i32
    %while3A_178 = arith.constant 39 : i32
    %while3A_179 = arith.subi %while3A_178, %while3A_177 : i32
    %while3A_180 = arith.addi %while3A_177, %while3A_179 : i32
    %while3A_181 = arith.constant 1 : i32
    %while3A_182 = arith.divsi %while3A_179, %while3A_181 : i32
    %while3A_183 = arith.muli %while3A_182, %while3A_181 : i32
    %while3A_184 = arith.addi %while3A_177, %while3A_183 : i32
    %while3A_185 = arith.constant 1 : i32
    scf.for %while3A_194 = %while3A_177 to %while3A_184 step %while3A_185  : i32 {
      %mul3A_195 = arith.constant 2 : i32
      %mul3A_196 = arith.muli %mul3A_195, %while3A_194 : i32
      %add3A_197 = arith.constant 1 : i32
      %add3A_198 = arith.addi %mul3A_196, %add3A_197 : i32
      %add3A_199 = arith.constant 1 : i32
      %add3A_200 = arith.addi %add3A_198, %add3A_199 : i32
      %get3A_201 = arith.index_cast %add3A_198 : i32 to index
      %get3A_202 = arith.constant 0 : index
      %get3A_203 = tpu.vector_load %arg5[%get3A_201, %get3A_202] {strides = array<i32>} : memref<79x128xi32, #tpu.memory_space<vmem>>, vector<1x16xi32>,
      %get3A_204 = vector.shape_cast %get3A_203 : vector<1x16xi32> to vector<16xi32>
      %and3A_205 = arith.constant 65535 : i32
      %and3A_206 = vector.broadcast %and3A_205 : i32 to vector<16xi32>
      %and3A_207 = arith.andi %get3A_204, %and3A_206 : vector<16xi32>
      %swap3A_208 = arith.constant 0 : index
      %swap3A_209 = tpu.vector_load %arg8[%swap3A_208] {strides = array<i32>} : memref<128xi32, #tpu.memory_space<vmem>>, vector<16xi32>,
      %swap3A_210 = vector.shape_cast %swap3A_209 : vector<16xi32> to vector<16xi32>
      %swap3A_211 = vector.shape_cast %and3A_207 : vector<16xi32> to vector<16xi32>
      tpu.vector_store %arg8[%swap3A_208], %swap3A_211 {strides = array<i32>} : memref<128xi32, #tpu.memory_space<vmem>>, vector<16xi32>,
      %shift_right_logical3A_212 = arith.constant 16 : i32
      %shift_right_logical3A_213 = vector.broadcast %shift_right_logical3A_212 : i32 to vector<16xi32>
      %shift_right_logical3A_214 = arith.shrui %get3A_204, %shift_right_logical3A_213 : vector<16xi32>
      %swap3A_215 = arith.constant 0 : index
      %swap3A_216 = tpu.vector_load %arg9[%swap3A_215] {strides = array<i32>} : memref<128xi32, #tpu.memory_space<vmem>>, vector<16xi32>,
      %swap3A_217 = vector.shape_cast %swap3A_216 : vector<16xi32> to vector<16xi32>
      %swap3A_218 = vector.shape_cast %shift_right_logical3A_214 : vector<16xi32> to vector<16xi32>
      tpu.vector_store %arg9[%swap3A_215], %swap3A_218 {strides = array<i32>} : memref<128xi32, #tpu.memory_space<vmem>>, vector<16xi32>,
      %get3A_219 = arith.index_cast %add3A_198 : i32 to index
      %get3A_220 = arith.constant 16 : index
      %get3A_221 = tpu.vector_load %arg5[%get3A_219, %get3A_220] {strides = array<i32>} : memref<79x128xi32, #tpu.memory_space<vmem>>, vector<1x16xi32>,
      %get3A_222 = vector.shape_cast %get3A_221 : vector<1x16xi32> to vector<16xi32>
      %and3A_223 = arith.constant 65535 : i32
      %and3A_224 = vector.broadcast %and3A_223 : i32 to vector<16xi32>
      %and3A_225 = arith.andi %get3A_222, %and3A_224 : vector<16xi32>
      %swap3A_226 = arith.constant 16 : index
      %swap3A_227 = tpu.vector_load %arg8[%swap3A_226] {strides = array<i32>} : memref<128xi32, #tpu.memory_space<vmem>>, vector<16xi32>,
      %swap3A_228 = vector.shape_cast %swap3A_227 : vector<16xi32> to vector<16xi32>
      %swap3A_229 = vector.shape_cast %and3A_225 : vector<16xi32> to vector<16xi32>
      tpu.vector_store %arg8[%swap3A_226], %swap3A_229 {strides = array<i32>} : memref<128xi32, #tpu.memory_space<vmem>>, vector<16xi32>,
      %shift_right_logical3A_230 = arith.constant 16 : i32
      %shift_right_logical3A_231 = vector.broadcast %shift_right_logical3A_230 : i32 to vector<16xi32>
      %shift_right_logical3A_232 = arith.shrui %get3A_222, %shift_right_logical3A_231 : vector<16xi32>
      %swap3A_233 = arith.constant 16 : index
      %swap3A_234 = tpu.vector_load %arg9[%swap3A_233] {strides = array<i32>} : memref<128xi32, #tpu.memory_space<vmem>>, vector<16xi32>,
      %swap3A_235 = vector.shape_cast %swap3A_234 : vector<16xi32> to vector<16xi32>
      %swap3A_236 = vector.shape_cast %shift_right_logical3A_232 : vector<16xi32> to vector<16xi32>
      tpu.vector_store %arg9[%swap3A_233], %swap3A_236 {strides = array<i32>} : memref<128xi32, #tpu.memory_space<vmem>>, vector<16xi32>,
      %get3A_237 = arith.index_cast %add3A_198 : i32 to index
      %get3A_238 = arith.constant 32 : index
      %get3A_239 = tpu.vector_load %arg5[%get3A_237, %get3A_238] {strides = array<i32>} : memref<79x128xi32, #tpu.memory_space<vmem>>, vector<1x16xi32>,
      %get3A_240 = vector.shape_cast %get3A_239 : vector<1x16xi32> to vector<16xi32>
      %and3A_241 = arith.constant 65535 : i32
      %and3A_242 = vector.broadcast %and3A_241 : i32 to vector<16xi32>
      %and3A_243 = arith.andi %get3A_240, %and3A_242 : vector<16xi32>
      %swap3A_244 = arith.constant 32 : index
      %swap3A_245 = tpu.vector_load %arg8[%swap3A_244] {strides = array<i32>} : memref<128xi32, #tpu.memory_space<vmem>>, vector<16xi32>,
      %swap3A_246 = vector.shape_cast %swap3A_245 : vector<16xi32> to vector<16xi32>
      %swap3A_247 = vector.shape_cast %and3A_243 : vector<16xi32> to vector<16xi32>
      tpu.vector_store %arg8[%swap3A_244], %swap3A_247 {strides = array<i32>} : memref<128xi32, #tpu.memory_space<vmem>>, vector<16xi32>,
      %shift_right_logical3A_248 = arith.constant 16 : i32
      %shift_right_logical3A_249 = vector.broadcast %shift_right_logical3A_248 : i32 to vector<16xi32>
      %shift_right_logical3A_250 = arith.shrui %get3A_240, %shift_right_logical3A_249 : vector<16xi32>
      %swap3A_251 = arith.constant 32 : index
      %swap3A_252 = tpu.vector_load %arg9[%swap3A_251] {strides = array<i32>} : memref<128xi32, #tpu.memory_space<vmem>>, vector<16xi32>,
      %swap3A_253 = vector.shape_cast %swap3A_252 : vector<16xi32> to vector<16xi32>
      %swap3A_254 = vector.shape_cast %shift_right_logical3A_250 : vector<16xi32> to vector<16xi32>
      tpu.vector_store %arg9[%swap3A_251], %swap3A_254 {strides = array<i32>} : memref<128xi32, #tpu.memory_space<vmem>>, vector<16xi32>,
      %get3A_255 = arith.index_cast %add3A_198 : i32 to index
      %get3A_256 = arith.constant 48 : index
      %get3A_257 = tpu.vector_load %arg5[%get3A_255, %get3A_256] {strides = array<i32>} : memref<79x128xi32, #tpu.memory_space<vmem>>, vector<1x16xi32>,
      %get3A_258 = vector.shape_cast %get3A_257 : vector<1x16xi32> to vector<16xi32>
      %and3A_259 = arith.constant 65535 : i32
      %and3A_260 = vector.broadcast %and3A_259 : i32 to vector<16xi32>
      %and3A_261 = arith.andi %get3A_258, %and3A_260 : vector<16xi32>
      %swap3A_262 = arith.constant 48 : index
      %swap3A_263 = tpu.vector_load %arg8[%swap3A_262] {strides = array<i32>} : memref<128xi32, #tpu.memory_space<vmem>>, vector<16xi32>,
      %swap3A_264 = vector.shape_cast %swap3A_263 : vector<16xi32> to vector<16xi32>
      %swap3A_265 = vector.shape_cast %and3A_261 : vector<16xi32> to vector<16xi32>
      tpu.vector_store %arg8[%swap3A_262], %swap3A_265 {strides = array<i32>} : memref<128xi32, #tpu.memory_space<vmem>>, vector<16xi32>,
      %shift_right_logical3A_266 = arith.constant 16 : i32
      %shift_right_logical3A_267 = vector.broadcast %shift_right_logical3A_266 : i32 to vector<16xi32>
      %shift_right_logical3A_268 = arith.shrui %get3A_258, %shift_right_logical3A_267 : vector<16xi32>
      %swap3A_269 = arith.constant 48 : index
      %swap3A_270 = tpu.vector_load %arg9[%swap3A_269] {strides = array<i32>} : memref<128xi32, #tpu.memory_space<vmem>>, vector<16xi32>,
      %swap3A_271 = vector.shape_cast %swap3A_270 : vector<16xi32> to vector<16xi32>
      %swap3A_272 = vector.shape_cast %shift_right_logical3A_268 : vector<16xi32> to vector<16xi32>
      tpu.vector_store %arg9[%swap3A_269], %swap3A_272 {strides = array<i32>} : memref<128xi32, #tpu.memory_space<vmem>>, vector<16xi32>,
      %get3A_273 = arith.index_cast %add3A_198 : i32 to index
      %get3A_274 = arith.constant 64 : index
      %get3A_275 = tpu.vector_load %arg5[%get3A_273, %get3A_274] {strides = array<i32>} : memref<79x128xi32, #tpu.memory_space<vmem>>, vector<1x16xi32>,
      %get3A_276 = vector.shape_cast %get3A_275 : vector<1x16xi32> to vector<16xi32>
      %and3A_277 = arith.constant 65535 : i32
      %and3A_278 = vector.broadcast %and3A_277 : i32 to vector<16xi32>
      %and3A_279 = arith.andi %get3A_276, %and3A_278 : vector<16xi32>
      %swap3A_280 = arith.constant 64 : index
      %swap3A_281 = tpu.vector_load %arg8[%swap3A_280] {strides = array<i32>} : memref<128xi32, #tpu.memory_space<vmem>>, vector<16xi32>,
      %swap3A_282 = vector.shape_cast %swap3A_281 : vector<16xi32> to vector<16xi32>
      %swap3A_283 = vector.shape_cast %and3A_279 : vector<16xi32> to vector<16xi32>
      tpu.vector_store %arg8[%swap3A_280], %swap3A_283 {strides = array<i32>} : memref<128xi32, #tpu.memory_space<vmem>>, vector<16xi32>,
      %shift_right_logical3A_284 = arith.constant 16 : i32
      %shift_right_logical3A_285 = vector.broadcast %shift_right_logical3A_284 : i32 to vector<16xi32>
      %shift_right_logical3A_286 = arith.shrui %get3A_276, %shift_right_logical3A_285 : vector<16xi32>
      %swap3A_287 = arith.constant 64 : index
      %swap3A_288 = tpu.vector_load %arg9[%swap3A_287] {strides = array<i32>} : memref<128xi32, #tpu.memory_space<vmem>>, vector<16xi32>,
      %swap3A_289 = vector.shape_cast %swap3A_288 : vector<16xi32> to vector<16xi32>
      %swap3A_290 = vector.shape_cast %shift_right_logical3A_286 : vector<16xi32> to vector<16xi32>
      tpu.vector_store %arg9[%swap3A_287], %swap3A_290 {strides = array<i32>} : memref<128xi32, #tpu.memory_space<vmem>>, vector<16xi32>,
      %get3A_291 = arith.index_cast %add3A_198 : i32 to index
      %get3A_292 = arith.constant 80 : index
      %get3A_293 = tpu.vector_load %arg5[%get3A_291, %get3A_292] {strides = array<i32>} : memref<79x128xi32, #tpu.memory_space<vmem>>, vector<1x16xi32>,
      %get3A_294 = vector.shape_cast %get3A_293 : vector<1x16xi32> to vector<16xi32>
      %and3A_295 = arith.constant 65535 : i32
      %and3A_296 = vector.broadcast %and3A_295 : i32 to vector<16xi32>
      %and3A_297 = arith.andi %get3A_294, %and3A_296 : vector<16xi32>
      %swap3A_298 = arith.constant 80 : index
      %swap3A_299 = tpu.vector_load %arg8[%swap3A_298] {strides = array<i32>} : memref<128xi32, #tpu.memory_space<vmem>>, vector<16xi32>,
      %swap3A_300 = vector.shape_cast %swap3A_299 : vector<16xi32> to vector<16xi32>
      %swap3A_301 = vector.shape_cast %and3A_297 : vector<16xi32> to vector<16xi32>
      tpu.vector_store %arg8[%swap3A_298], %swap3A_301 {strides = array<i32>} : memref<128xi32, #tpu.memory_space<vmem>>, vector<16xi32>,
      %shift_right_logical3A_302 = arith.constant 16 : i32
      %shift_right_logical3A_303 = vector.broadcast %shift_right_logical3A_302 : i32 to vector<16xi32>
      %shift_right_logical3A_304 = arith.shrui %get3A_294, %shift_right_logical3A_303 : vector<16xi32>
      %swap3A_305 = arith.constant 80 : index
      %swap3A_306 = tpu.vector_load %arg9[%swap3A_305] {strides = array<i32>} : memref<128xi32, #tpu.memory_space<vmem>>, vector<16xi32>,
      %swap3A_307 = vector.shape_cast %swap3A_306 : vector<16xi32> to vector<16xi32>
      %swap3A_308 = vector.shape_cast %shift_right_logical3A_304 : vector<16xi32> to vector<16xi32>
      tpu.vector_store %arg9[%swap3A_305], %swap3A_308 {strides = array<i32>} : memref<128xi32, #tpu.memory_space<vmem>>, vector<16xi32>,
      %get3A_309 = arith.index_cast %add3A_198 : i32 to index
      %get3A_310 = arith.constant 96 : index
      %get3A_311 = tpu.vector_load %arg5[%get3A_309, %get3A_310] {strides = array<i32>} : memref<79x128xi32, #tpu.memory_space<vmem>>, vector<1x16xi32>,
      %get3A_312 = vector.shape_cast %get3A_311 : vector<1x16xi32> to vector<16xi32>
      %and3A_313 = arith.constant 65535 : i32
      %and3A_314 = vector.broadcast %and3A_313 : i32 to vector<16xi32>
      %and3A_315 = arith.andi %get3A_312, %and3A_314 : vector<16xi32>
      %swap3A_316 = arith.constant 96 : index
      %swap3A_317 = tpu.vector_load %arg8[%swap3A_316] {strides = array<i32>} : memref<128xi32, #tpu.memory_space<vmem>>, vector<16xi32>,
      %swap3A_318 = vector.shape_cast %swap3A_317 : vector<16xi32> to vector<16xi32>
      %swap3A_319 = vector.shape_cast %and3A_315 : vector<16xi32> to vector<16xi32>
      tpu.vector_store %arg8[%swap3A_316], %swap3A_319 {strides = array<i32>} : memref<128xi32, #tpu.memory_space<vmem>>, vector<16xi32>,
      %shift_right_logical3A_320 = arith.constant 16 : i32
      %shift_right_logical3A_321 = vector.broadcast %shift_right_logical3A_320 : i32 to vector<16xi32>
      %shift_right_logical3A_322 = arith.shrui %get3A_312, %shift_right_logical3A_321 : vector<16xi32>
      %swap3A_323 = arith.constant 96 : index
      %swap3A_324 = tpu.vector_load %arg9[%swap3A_323] {strides = array<i32>} : memref<128xi32, #tpu.memory_space<vmem>>, vector<16xi32>,
      %swap3A_325 = vector.shape_cast %swap3A_324 : vector<16xi32> to vector<16xi32>
      %swap3A_326 = vector.shape_cast %shift_right_logical3A_322 : vector<16xi32> to vector<16xi32>
      tpu.vector_store %arg9[%swap3A_323], %swap3A_326 {strides = array<i32>} : memref<128xi32, #tpu.memory_space<vmem>>, vector<16xi32>,
      %get3A_327 = arith.index_cast %add3A_198 : i32 to index
      %get3A_328 = arith.constant 112 : index
      %get3A_329 = tpu.vector_load %arg5[%get3A_327, %get3A_328] {strides = array<i32>} : memref<79x128xi32, #tpu.memory_space<vmem>>, vector<1x16xi32>,
      %get3A_330 = vector.shape_cast %get3A_329 : vector<1x16xi32> to vector<16xi32>
      %and3A_331 = arith.constant 65535 : i32
      %and3A_332 = vector.broadcast %and3A_331 : i32 to vector<16xi32>
      %and3A_333 = arith.andi %get3A_330, %and3A_332 : vector<16xi32>
      %swap3A_334 = arith.constant 112 : index
      %swap3A_335 = tpu.vector_load %arg8[%swap3A_334] {strides = array<i32>} : memref<128xi32, #tpu.memory_space<vmem>>, vector<16xi32>,
      %swap3A_336 = vector.shape_cast %swap3A_335 : vector<16xi32> to vector<16xi32>
      %swap3A_337 = vector.shape_cast %and3A_333 : vector<16xi32> to vector<16xi32>
      tpu.vector_store %arg8[%swap3A_334], %swap3A_337 {strides = array<i32>} : memref<128xi32, #tpu.memory_space<vmem>>, vector<16xi32>,
      %shift_right_logical3A_338 = arith.constant 16 : i32
      %shift_right_logical3A_339 = vector.broadcast %shift_right_logical3A_338 : i32 to vector<16xi32>
      %shift_right_logical3A_340 = arith.shrui %get3A_330, %shift_right_logical3A_339 : vector<16xi32>
      %swap3A_341 = arith.constant 112 : index
      %swap3A_342 = tpu.vector_load %arg9[%swap3A_341] {strides = array<i32>} : memref<128xi32, #tpu.memory_space<vmem>>, vector<16xi32>,
      %swap3A_343 = vector.shape_cast %swap3A_342 : vector<16xi32> to vector<16xi32>
      %swap3A_344 = vector.shape_cast %shift_right_logical3A_340 : vector<16xi32> to vector<16xi32>
      tpu.vector_store %arg9[%swap3A_341], %swap3A_344 {strides = array<i32>} : memref<128xi32, #tpu.memory_space<vmem>>, vector<16xi32>,
      %dma_start3A_345 = arith.constant 0 : i32
      %dma_start3A_346 = arith.constant 0 : i32
      %dma_start3A_347 = tpu.memref_slice %arg2[%dma_start3A_345, %dma_start3A_346] : memref<10240x128xf32, #tpu.memory_space<hbm>> -> memref<10240x128xf32, #tpu.memory_space<hbm>>
      tpu.enqueue_indirect_dma source(%dma_start3A_347 : memref<10240x128xf32, #tpu.memory_space<hbm>>) target(%arg11 : memref<128x128xf32, #tpu.memory_space<vmem>>) offsets(%arg8 : memref<128xi32, #tpu.memory_space<vmem>>) semaphore(%arg14 : memref<!tpu.dma_semaphore, #tpu.memory_space<semaphore_mem>>)
      %dma_wait3A_348 = arith.constant 0 : i32
      %dma_wait3A_349 = arith.constant 0 : i32
      %dma_wait3A_350 = tpu.memref_slice %arg2[%dma_wait3A_348, %dma_wait3A_349] : memref<10240x128xf32, #tpu.memory_space<hbm>> -> memref<10240x128xf32, #tpu.memory_space<hbm>>
      tpu.wait_indirect_dma semaphore(%arg13 : memref<!tpu.dma_semaphore, #tpu.memory_space<semaphore_mem>>) src(%dma_wait3A_350 : memref<10240x128xf32, #tpu.memory_space<hbm>>) dst(%arg10 : memref<128x128xf32, #tpu.memory_space<vmem>>)
      "tpu.region"() ({
        %run_scoped3A_501 = tpu.sem_alloc : memref<!tpu.dma_semaphore, #tpu.memory_space<semaphore_mem>>
        %dma_start3A_502 = arith.constant 0 : i32
        %dma_start3A_503 = arith.constant 0 : i32
        %dma_start3A_504 = tpu.memref_slice %arg12[%dma_start3A_502, %dma_start3A_503] : memref<10240x128xf32, #tpu.memory_space<vmem_shared>> -> memref<10240x128xf32, #tpu.memory_space<vmem_shared>>
        tpu.enqueue_indirect_dma source(%arg10 : memref<128x128xf32, #tpu.memory_space<vmem>>) target(%dma_start3A_504 : memref<10240x128xf32, #tpu.memory_space<vmem_shared>>) offsets(%arg7 : memref<128xi32, #tpu.memory_space<vmem>>) semaphore(%run_scoped3A_501 : memref<!tpu.dma_semaphore, #tpu.memory_space<semaphore_mem>>) {add = true}
        %dma_wait3A_505 = arith.constant 0 : i32
        %dma_wait3A_506 = arith.constant 0 : i32
        %dma_wait3A_507 = tpu.memref_slice %arg12[%dma_wait3A_505, %dma_wait3A_506] : memref<10240x128xf32, #tpu.memory_space<vmem_shared>> -> memref<10240x128xf32, #tpu.memory_space<vmem_shared>>
        tpu.wait_indirect_dma semaphore(%run_scoped3A_501 : memref<!tpu.dma_semaphore, #tpu.memory_space<semaphore_mem>>) src(%arg10 : memref<128x128xf32, #tpu.memory_space<vmem>>) dst(%dma_wait3A_507 : memref<10240x128xf32, #tpu.memory_space<vmem_shared>>)
        tpu.yield
      }) : () -> ()
      %get3A_351 = arith.index_cast %add3A_200 : i32 to index
      %get3A_352 = arith.constant 0 : index
      %get3A_353 = tpu.vector_load %arg5[%get3A_351, %get3A_352] {strides = array<i32>} : memref<79x128xi32, #tpu.memory_space<vmem>>, vector<1x16xi32>,
      %get3A_354 = vector.shape_cast %get3A_353 : vector<1x16xi32> to vector<16xi32>
      %and3A_355 = arith.constant 65535 : i32
      %and3A_356 = vector.broadcast %and3A_355 : i32 to vector<16xi32>
      %and3A_357 = arith.andi %get3A_354, %and3A_356 : vector<16xi32>
      %swap3A_358 = arith.constant 0 : index
      %swap3A_359 = tpu.vector_load %arg6[%swap3A_358] {strides = array<i32>} : memref<128xi32, #tpu.memory_space<vmem>>, vector<16xi32>,
      %swap3A_360 = vector.shape_cast %swap3A_359 : vector<16xi32> to vector<16xi32>
      %swap3A_361 = vector.shape_cast %and3A_357 : vector<16xi32> to vector<16xi32>
      tpu.vector_store %arg6[%swap3A_358], %swap3A_361 {strides = array<i32>} : memref<128xi32, #tpu.memory_space<vmem>>, vector<16xi32>,
      %shift_right_logical3A_362 = arith.constant 16 : i32
      %shift_right_logical3A_363 = vector.broadcast %shift_right_logical3A_362 : i32 to vector<16xi32>
      %shift_right_logical3A_364 = arith.shrui %get3A_354, %shift_right_logical3A_363 : vector<16xi32>
      %swap3A_365 = arith.constant 0 : index
      %swap3A_366 = tpu.vector_load %arg7[%swap3A_365] {strides = array<i32>} : memref<128xi32, #tpu.memory_space<vmem>>, vector<16xi32>,
      %swap3A_367 = vector.shape_cast %swap3A_366 : vector<16xi32> to vector<16xi32>
      %swap3A_368 = vector.shape_cast %shift_right_logical3A_364 : vector<16xi32> to vector<16xi32>
      tpu.vector_store %arg7[%swap3A_365], %swap3A_368 {strides = array<i32>} : memref<128xi32, #tpu.memory_space<vmem>>, vector<16xi32>,
      %get3A_369 = arith.index_cast %add3A_200 : i32 to index
      %get3A_370 = arith.constant 16 : index
      %get3A_371 = tpu.vector_load %arg5[%get3A_369, %get3A_370] {strides = array<i32>} : memref<79x128xi32, #tpu.memory_space<vmem>>, vector<1x16xi32>,
      %get3A_372 = vector.shape_cast %get3A_371 : vector<1x16xi32> to vector<16xi32>
      %and3A_373 = arith.constant 65535 : i32
      %and3A_374 = vector.broadcast %and3A_373 : i32 to vector<16xi32>
      %and3A_375 = arith.andi %get3A_372, %and3A_374 : vector<16xi32>
      %swap3A_376 = arith.constant 16 : index
      %swap3A_377 = tpu.vector_load %arg6[%swap3A_376] {strides = array<i32>} : memref<128xi32, #tpu.memory_space<vmem>>, vector<16xi32>,
      %swap3A_378 = vector.shape_cast %swap3A_377 : vector<16xi32> to vector<16xi32>
      %swap3A_379 = vector.shape_cast %and3A_375 : vector<16xi32> to vector<16xi32>
      tpu.vector_store %arg6[%swap3A_376], %swap3A_379 {strides = array<i32>} : memref<128xi32, #tpu.memory_space<vmem>>, vector<16xi32>,
      %shift_right_logical3A_380 = arith.constant 16 : i32
      %shift_right_logical3A_381 = vector.broadcast %shift_right_logical3A_380 : i32 to vector<16xi32>
      %shift_right_logical3A_382 = arith.shrui %get3A_372, %shift_right_logical3A_381 : vector<16xi32>
      %swap3A_383 = arith.constant 16 : index
      %swap3A_384 = tpu.vector_load %arg7[%swap3A_383] {strides = array<i32>} : memref<128xi32, #tpu.memory_space<vmem>>, vector<16xi32>,
      %swap3A_385 = vector.shape_cast %swap3A_384 : vector<16xi32> to vector<16xi32>
      %swap3A_386 = vector.shape_cast %shift_right_logical3A_382 : vector<16xi32> to vector<16xi32>
      tpu.vector_store %arg7[%swap3A_383], %swap3A_386 {strides = array<i32>} : memref<128xi32, #tpu.memory_space<vmem>>, vector<16xi32>,
      %get3A_387 = arith.index_cast %add3A_200 : i32 to index
      %get3A_388 = arith.constant 32 : index
      %get3A_389 = tpu.vector_load %arg5[%get3A_387, %get3A_388] {strides = array<i32>} : memref<79x128xi32, #tpu.memory_space<vmem>>, vector<1x16xi32>,
      %get3A_390 = vector.shape_cast %get3A_389 : vector<1x16xi32> to vector<16xi32>
      %and3A_391 = arith.constant 65535 : i32
      %and3A_392 = vector.broadcast %and3A_391 : i32 to vector<16xi32>
      %and3A_393 = arith.andi %get3A_390, %and3A_392 : vector<16xi32>
      %swap3A_394 = arith.constant 32 : index
      %swap3A_395 = tpu.vector_load %arg6[%swap3A_394] {strides = array<i32>} : memref<128xi32, #tpu.memory_space<vmem>>, vector<16xi32>,
      %swap3A_396 = vector.shape_cast %swap3A_395 : vector<16xi32> to vector<16xi32>
      %swap3A_397 = vector.shape_cast %and3A_393 : vector<16xi32> to vector<16xi32>
      tpu.vector_store %arg6[%swap3A_394], %swap3A_397 {strides = array<i32>} : memref<128xi32, #tpu.memory_space<vmem>>, vector<16xi32>,
      %shift_right_logical3A_398 = arith.constant 16 : i32
      %shift_right_logical3A_399 = vector.broadcast %shift_right_logical3A_398 : i32 to vector<16xi32>
      %shift_right_logical3A_400 = arith.shrui %get3A_390, %shift_right_logical3A_399 : vector<16xi32>
      %swap3A_401 = arith.constant 32 : index
      %swap3A_402 = tpu.vector_load %arg7[%swap3A_401] {strides = array<i32>} : memref<128xi32, #tpu.memory_space<vmem>>, vector<16xi32>,
      %swap3A_403 = vector.shape_cast %swap3A_402 : vector<16xi32> to vector<16xi32>
      %swap3A_404 = vector.shape_cast %shift_right_logical3A_400 : vector<16xi32> to vector<16xi32>
      tpu.vector_store %arg7[%swap3A_401], %swap3A_404 {strides = array<i32>} : memref<128xi32, #tpu.memory_space<vmem>>, vector<16xi32>,
      %get3A_405 = arith.index_cast %add3A_200 : i32 to index
      %get3A_406 = arith.constant 48 : index
      %get3A_407 = tpu.vector_load %arg5[%get3A_405, %get3A_406] {strides = array<i32>} : memref<79x128xi32, #tpu.memory_space<vmem>>, vector<1x16xi32>,
      %get3A_408 = vector.shape_cast %get3A_407 : vector<1x16xi32> to vector<16xi32>
      %and3A_409 = arith.constant 65535 : i32
      %and3A_410 = vector.broadcast %and3A_409 : i32 to vector<16xi32>
      %and3A_411 = arith.andi %get3A_408, %and3A_410 : vector<16xi32>
      %swap3A_412 = arith.constant 48 : index
      %swap3A_413 = tpu.vector_load %arg6[%swap3A_412] {strides = array<i32>} : memref<128xi32, #tpu.memory_space<vmem>>, vector<16xi32>,
      %swap3A_414 = vector.shape_cast %swap3A_413 : vector<16xi32> to vector<16xi32>
      %swap3A_415 = vector.shape_cast %and3A_411 : vector<16xi32> to vector<16xi32>
      tpu.vector_store %arg6[%swap3A_412], %swap3A_415 {strides = array<i32>} : memref<128xi32, #tpu.memory_space<vmem>>, vector<16xi32>,
      %shift_right_logical3A_416 = arith.constant 16 : i32
      %shift_right_logical3A_417 = vector.broadcast %shift_right_logical3A_416 : i32 to vector<16xi32>
      %shift_right_logical3A_418 = arith.shrui %get3A_408, %shift_right_logical3A_417 : vector<16xi32>
      %swap3A_419 = arith.constant 48 : index
      %swap3A_420 = tpu.vector_load %arg7[%swap3A_419] {strides = array<i32>} : memref<128xi32, #tpu.memory_space<vmem>>, vector<16xi32>,
      %swap3A_421 = vector.shape_cast %swap3A_420 : vector<16xi32> to vector<16xi32>
      %swap3A_422 = vector.shape_cast %shift_right_logical3A_418 : vector<16xi32> to vector<16xi32>
      tpu.vector_store %arg7[%swap3A_419], %swap3A_422 {strides = array<i32>} : memref<128xi32, #tpu.memory_space<vmem>>, vector<16xi32>,
      %get3A_423 = arith.index_cast %add3A_200 : i32 to index
      %get3A_424 = arith.constant 64 : index
      %get3A_425 = tpu.vector_load %arg5[%get3A_423, %get3A_424] {strides = array<i32>} : memref<79x128xi32, #tpu.memory_space<vmem>>, vector<1x16xi32>,
      %get3A_426 = vector.shape_cast %get3A_425 : vector<1x16xi32> to vector<16xi32>
      %and3A_427 = arith.constant 65535 : i32
      %and3A_428 = vector.broadcast %and3A_427 : i32 to vector<16xi32>
      %and3A_429 = arith.andi %get3A_426, %and3A_428 : vector<16xi32>
      %swap3A_430 = arith.constant 64 : index
      %swap3A_431 = tpu.vector_load %arg6[%swap3A_430] {strides = array<i32>} : memref<128xi32, #tpu.memory_space<vmem>>, vector<16xi32>,
      %swap3A_432 = vector.shape_cast %swap3A_431 : vector<16xi32> to vector<16xi32>
      %swap3A_433 = vector.shape_cast %and3A_429 : vector<16xi32> to vector<16xi32>
      tpu.vector_store %arg6[%swap3A_430], %swap3A_433 {strides = array<i32>} : memref<128xi32, #tpu.memory_space<vmem>>, vector<16xi32>,
      %shift_right_logical3A_434 = arith.constant 16 : i32
      %shift_right_logical3A_435 = vector.broadcast %shift_right_logical3A_434 : i32 to vector<16xi32>
      %shift_right_logical3A_436 = arith.shrui %get3A_426, %shift_right_logical3A_435 : vector<16xi32>
      %swap3A_437 = arith.constant 64 : index
      %swap3A_438 = tpu.vector_load %arg7[%swap3A_437] {strides = array<i32>} : memref<128xi32, #tpu.memory_space<vmem>>, vector<16xi32>,
      %swap3A_439 = vector.shape_cast %swap3A_438 : vector<16xi32> to vector<16xi32>
      %swap3A_440 = vector.shape_cast %shift_right_logical3A_436 : vector<16xi32> to vector<16xi32>
      tpu.vector_store %arg7[%swap3A_437], %swap3A_440 {strides = array<i32>} : memref<128xi32, #tpu.memory_space<vmem>>, vector<16xi32>,
      %get3A_441 = arith.index_cast %add3A_200 : i32 to index
      %get3A_442 = arith.constant 80 : index
      %get3A_443 = tpu.vector_load %arg5[%get3A_441, %get3A_442] {strides = array<i32>} : memref<79x128xi32, #tpu.memory_space<vmem>>, vector<1x16xi32>,
      %get3A_444 = vector.shape_cast %get3A_443 : vector<1x16xi32> to vector<16xi32>
      %and3A_445 = arith.constant 65535 : i32
      %and3A_446 = vector.broadcast %and3A_445 : i32 to vector<16xi32>
      %and3A_447 = arith.andi %get3A_444, %and3A_446 : vector<16xi32>
      %swap3A_448 = arith.constant 80 : index
      %swap3A_449 = tpu.vector_load %arg6[%swap3A_448] {strides = array<i32>} : memref<128xi32, #tpu.memory_space<vmem>>, vector<16xi32>,
      %swap3A_450 = vector.shape_cast %swap3A_449 : vector<16xi32> to vector<16xi32>
      %swap3A_451 = vector.shape_cast %and3A_447 : vector<16xi32> to vector<16xi32>
      tpu.vector_store %arg6[%swap3A_448], %swap3A_451 {strides = array<i32>} : memref<128xi32, #tpu.memory_space<vmem>>, vector<16xi32>,
      %shift_right_logical3A_452 = arith.constant 16 : i32
      %shift_right_logical3A_453 = vector.broadcast %shift_right_logical3A_452 : i32 to vector<16xi32>
      %shift_right_logical3A_454 = arith.shrui %get3A_444, %shift_right_logical3A_453 : vector<16xi32>
      %swap3A_455 = arith.constant 80 : index
      %swap3A_456 = tpu.vector_load %arg7[%swap3A_455] {strides = array<i32>} : memref<128xi32, #tpu.memory_space<vmem>>, vector<16xi32>,
      %swap3A_457 = vector.shape_cast %swap3A_456 : vector<16xi32> to vector<16xi32>
      %swap3A_458 = vector.shape_cast %shift_right_logical3A_454 : vector<16xi32> to vector<16xi32>
      tpu.vector_store %arg7[%swap3A_455], %swap3A_458 {strides = array<i32>} : memref<128xi32, #tpu.memory_space<vmem>>, vector<16xi32>,
      %get3A_459 = arith.index_cast %add3A_200 : i32 to index
      %get3A_460 = arith.constant 96 : index
      %get3A_461 = tpu.vector_load %arg5[%get3A_459, %get3A_460] {strides = array<i32>} : memref<79x128xi32, #tpu.memory_space<vmem>>, vector<1x16xi32>,
      %get3A_462 = vector.shape_cast %get3A_461 : vector<1x16xi32> to vector<16xi32>
      %and3A_463 = arith.constant 65535 : i32
      %and3A_464 = vector.broadcast %and3A_463 : i32 to vector<16xi32>
      %and3A_465 = arith.andi %get3A_462, %and3A_464 : vector<16xi32>
      %swap3A_466 = arith.constant 96 : index
      %swap3A_467 = tpu.vector_load %arg6[%swap3A_466] {strides = array<i32>} : memref<128xi32, #tpu.memory_space<vmem>>, vector<16xi32>,
      %swap3A_468 = vector.shape_cast %swap3A_467 : vector<16xi32> to vector<16xi32>
      %swap3A_469 = vector.shape_cast %and3A_465 : vector<16xi32> to vector<16xi32>
      tpu.vector_store %arg6[%swap3A_466], %swap3A_469 {strides = array<i32>} : memref<128xi32, #tpu.memory_space<vmem>>, vector<16xi32>,
      %shift_right_logical3A_470 = arith.constant 16 : i32
      %shift_right_logical3A_471 = vector.broadcast %shift_right_logical3A_470 : i32 to vector<16xi32>
      %shift_right_logical3A_472 = arith.shrui %get3A_462, %shift_right_logical3A_471 : vector<16xi32>
      %swap3A_473 = arith.constant 96 : index
      %swap3A_474 = tpu.vector_load %arg7[%swap3A_473] {strides = array<i32>} : memref<128xi32, #tpu.memory_space<vmem>>, vector<16xi32>,
      %swap3A_475 = vector.shape_cast %swap3A_474 : vector<16xi32> to vector<16xi32>
      %swap3A_476 = vector.shape_cast %shift_right_logical3A_472 : vector<16xi32> to vector<16xi32>
      tpu.vector_store %arg7[%swap3A_473], %swap3A_476 {strides = array<i32>} : memref<128xi32, #tpu.memory_space<vmem>>, vector<16xi32>,
      %get3A_477 = arith.index_cast %add3A_200 : i32 to index
      %get3A_478 = arith.constant 112 : index
      %get3A_479 = tpu.vector_load %arg5[%get3A_477, %get3A_478] {strides = array<i32>} : memref<79x128xi32, #tpu.memory_space<vmem>>, vector<1x16xi32>,
      %get3A_480 = vector.shape_cast %get3A_479 : vector<1x16xi32> to vector<16xi32>
      %and3A_481 = arith.constant 65535 : i32
      %and3A_482 = vector.broadcast %and3A_481 : i32 to vector<16xi32>
      %and3A_483 = arith.andi %get3A_480, %and3A_482 : vector<16xi32>
      %swap3A_484 = arith.constant 112 : index
      %swap3A_485 = tpu.vector_load %arg6[%swap3A_484] {strides = array<i32>} : memref<128xi32, #tpu.memory_space<vmem>>, vector<16xi32>,
      %swap3A_486 = vector.shape_cast %swap3A_485 : vector<16xi32> to vector<16xi32>
      %swap3A_487 = vector.shape_cast %and3A_483 : vector<16xi32> to vector<16xi32>
      tpu.vector_store %arg6[%swap3A_484], %swap3A_487 {strides = array<i32>} : memref<128xi32, #tpu.memory_space<vmem>>, vector<16xi32>,
      %shift_right_logical3A_488 = arith.constant 16 : i32
      %shift_right_logical3A_489 = vector.broadcast %shift_right_logical3A_488 : i32 to vector<16xi32>
      %shift_right_logical3A_490 = arith.shrui %get3A_480, %shift_right_logical3A_489 : vector<16xi32>
      %swap3A_491 = arith.constant 112 : index
      %swap3A_492 = tpu.vector_load %arg7[%swap3A_491] {strides = array<i32>} : memref<128xi32, #tpu.memory_space<vmem>>, vector<16xi32>,
      %swap3A_493 = vector.shape_cast %swap3A_492 : vector<16xi32> to vector<16xi32>
      %swap3A_494 = vector.shape_cast %shift_right_logical3A_490 : vector<16xi32> to vector<16xi32>
      tpu.vector_store %arg7[%swap3A_491], %swap3A_494 {strides = array<i32>} : memref<128xi32, #tpu.memory_space<vmem>>, vector<16xi32>,
      %dma_start3A_495 = arith.constant 0 : i32
      %dma_start3A_496 = arith.constant 0 : i32
      %dma_start3A_497 = tpu.memref_slice %arg2[%dma_start3A_495, %dma_start3A_496] : memref<10240x128xf32, #tpu.memory_space<hbm>> -> memref<10240x128xf32, #tpu.memory_space<hbm>>
      tpu.enqueue_indirect_dma source(%dma_start3A_497 : memref<10240x128xf32, #tpu.memory_space<hbm>>) target(%arg10 : memref<128x128xf32, #tpu.memory_space<vmem>>) offsets(%arg6 : memref<128xi32, #tpu.memory_space<vmem>>) semaphore(%arg13 : memref<!tpu.dma_semaphore, #tpu.memory_space<semaphore_mem>>)
      %dma_wait3A_498 = arith.constant 0 : i32
      %dma_wait3A_499 = arith.constant 0 : i32
      %dma_wait3A_500 = tpu.memref_slice %arg2[%dma_wait3A_498, %dma_wait3A_499] : memref<10240x128xf32, #tpu.memory_space<hbm>> -> memref<10240x128xf32, #tpu.memory_space<hbm>>
      tpu.wait_indirect_dma semaphore(%arg14 : memref<!tpu.dma_semaphore, #tpu.memory_space<semaphore_mem>>) src(%dma_wait3A_500 : memref<10240x128xf32, #tpu.memory_space<hbm>>) dst(%arg11 : memref<128x128xf32, #tpu.memory_space<vmem>>)
      "tpu.region"() ({
        %run_scoped3A_501 = tpu.sem_alloc : memref<!tpu.dma_semaphore, #tpu.memory_space<semaphore_mem>>
        %dma_start3A_502 = arith.constant 0 : i32
        %dma_start3A_503 = arith.constant 0 : i32
        %dma_start3A_504 = tpu.memref_slice %arg12[%dma_start3A_502, %dma_start3A_503] : memref<10240x128xf32, #tpu.memory_space<vmem_shared>> -> memref<10240x128xf32, #tpu.memory_space<vmem_shared>>
        tpu.enqueue_indirect_dma source(%arg11 : memref<128x128xf32, #tpu.memory_space<vmem>>) target(%dma_start3A_504 : memref<10240x128xf32, #tpu.memory_space<vmem_shared>>) offsets(%arg9 : memref<128xi32, #tpu.memory_space<vmem>>) semaphore(%run_scoped3A_501 : memref<!tpu.dma_semaphore, #tpu.memory_space<semaphore_mem>>) {add = true}
        %dma_wait3A_505 = arith.constant 0 : i32
        %dma_wait3A_506 = arith.constant 0 : i32
        %dma_wait3A_507 = tpu.memref_slice %arg12[%dma_wait3A_505, %dma_wait3A_506] : memref<10240x128xf32, #tpu.memory_space<vmem_shared>> -> memref<10240x128xf32, #tpu.memory_space<vmem_shared>>
        tpu.wait_indirect_dma semaphore(%run_scoped3A_501 : memref<!tpu.dma_semaphore, #tpu.memory_space<semaphore_mem>>) src(%arg11 : memref<128x128xf32, #tpu.memory_space<vmem>>) dst(%dma_wait3A_507 : memref<10240x128xf32, #tpu.memory_space<vmem_shared>>)
        tpu.yield
      }) : () -> ()
    }
    %while3A_186 = arith.constant 1 : i32
    scf.for %while3A_194 = %while3A_184 to %while3A_180 step %while3A_186  : i32 {
      %mul3A_195 = arith.constant 2 : i32
      %mul3A_196 = arith.muli %mul3A_195, %while3A_194 : i32
      %add3A_197 = arith.constant 1 : i32
      %add3A_198 = arith.addi %mul3A_196, %add3A_197 : i32
      %add3A_199 = arith.constant 1 : i32
      %add3A_200 = arith.addi %add3A_198, %add3A_199 : i32
      %get3A_201 = arith.index_cast %add3A_198 : i32 to index
      %get3A_202 = arith.constant 0 : index
      %get3A_203 = tpu.vector_load %arg5[%get3A_201, %get3A_202] {strides = array<i32>} : memref<79x128xi32, #tpu.memory_space<vmem>>, vector<1x16xi32>,
      %get3A_204 = vector.shape_cast %get3A_203 : vector<1x16xi32> to vector<16xi32>
      %and3A_205 = arith.constant 65535 : i32
      %and3A_206 = vector.broadcast %and3A_205 : i32 to vector<16xi32>
      %and3A_207 = arith.andi %get3A_204, %and3A_206 : vector<16xi32>
      %swap3A_208 = arith.constant 0 : index
      %swap3A_209 = tpu.vector_load %arg8[%swap3A_208] {strides = array<i32>} : memref<128xi32, #tpu.memory_space<vmem>>, vector<16xi32>,
      %swap3A_210 = vector.shape_cast %swap3A_209 : vector<16xi32> to vector<16xi32>
      %swap3A_211 = vector.shape_cast %and3A_207 : vector<16xi32> to vector<16xi32>
      tpu.vector_store %arg8[%swap3A_208], %swap3A_211 {strides = array<i32>} : memref<128xi32, #tpu.memory_space<vmem>>, vector<16xi32>,
      %shift_right_logical3A_212 = arith.constant 16 : i32
      %shift_right_logical3A_213 = vector.broadcast %shift_right_logical3A_212 : i32 to vector<16xi32>
      %shift_right_logical3A_214 = arith.shrui %get3A_204, %shift_right_logical3A_213 : vector<16xi32>
      %swap3A_215 = arith.constant 0 : index
      %swap3A_216 = tpu.vector_load %arg9[%swap3A_215] {strides = array<i32>} : memref<128xi32, #tpu.memory_space<vmem>>, vector<16xi32>,
      %swap3A_217 = vector.shape_cast %swap3A_216 : vector<16xi32> to vector<16xi32>
      %swap3A_218 = vector.shape_cast %shift_right_logical3A_214 : vector<16xi32> to vector<16xi32>
      tpu.vector_store %arg9[%swap3A_215], %swap3A_218 {strides = array<i32>} : memref<128xi32, #tpu.memory_space<vmem>>, vector<16xi32>,
      %get3A_219 = arith.index_cast %add3A_198 : i32 to index
      %get3A_220 = arith.constant 16 : index
      %get3A_221 = tpu.vector_load %arg5[%get3A_219, %get3A_220] {strides = array<i32>} : memref<79x128xi32, #tpu.memory_space<vmem>>, vector<1x16xi32>,
      %get3A_222 = vector.shape_cast %get3A_221 : vector<1x16xi32> to vector<16xi32>
      %and3A_223 = arith.constant 65535 : i32
      %and3A_224 = vector.broadcast %and3A_223 : i32 to vector<16xi32>
      %and3A_225 = arith.andi %get3A_222, %and3A_224 : vector<16xi32>
      %swap3A_226 = arith.constant 16 : index
      %swap3A_227 = tpu.vector_load %arg8[%swap3A_226] {strides = array<i32>} : memref<128xi32, #tpu.memory_space<vmem>>, vector<16xi32>,
      %swap3A_228 = vector.shape_cast %swap3A_227 : vector<16xi32> to vector<16xi32>
      %swap3A_229 = vector.shape_cast %and3A_225 : vector<16xi32> to vector<16xi32>
      tpu.vector_store %arg8[%swap3A_226], %swap3A_229 {strides = array<i32>} : memref<128xi32, #tpu.memory_space<vmem>>, vector<16xi32>,
      %shift_right_logical3A_230 = arith.constant 16 : i32
      %shift_right_logical3A_231 = vector.broadcast %shift_right_logical3A_230 : i32 to vector<16xi32>
      %shift_right_logical3A_232 = arith.shrui %get3A_222, %shift_right_logical3A_231 : vector<16xi32>
      %swap3A_233 = arith.constant 16 : index
      %swap3A_234 = tpu.vector_load %arg9[%swap3A_233] {strides = array<i32>} : memref<128xi32, #tpu.memory_space<vmem>>, vector<16xi32>,
      %swap3A_235 = vector.shape_cast %swap3A_234 : vector<16xi32> to vector<16xi32>
      %swap3A_236 = vector.shape_cast %shift_right_logical3A_232 : vector<16xi32> to vector<16xi32>
      tpu.vector_store %arg9[%swap3A_233], %swap3A_236 {strides = array<i32>} : memref<128xi32, #tpu.memory_space<vmem>>, vector<16xi32>,
      %get3A_237 = arith.index_cast %add3A_198 : i32 to index
      %get3A_238 = arith.constant 32 : index
      %get3A_239 = tpu.vector_load %arg5[%get3A_237, %get3A_238] {strides = array<i32>} : memref<79x128xi32, #tpu.memory_space<vmem>>, vector<1x16xi32>,
      %get3A_240 = vector.shape_cast %get3A_239 : vector<1x16xi32> to vector<16xi32>
      %and3A_241 = arith.constant 65535 : i32
      %and3A_242 = vector.broadcast %and3A_241 : i32 to vector<16xi32>
      %and3A_243 = arith.andi %get3A_240, %and3A_242 : vector<16xi32>
      %swap3A_244 = arith.constant 32 : index
      %swap3A_245 = tpu.vector_load %arg8[%swap3A_244] {strides = array<i32>} : memref<128xi32, #tpu.memory_space<vmem>>, vector<16xi32>,
      %swap3A_246 = vector.shape_cast %swap3A_245 : vector<16xi32> to vector<16xi32>
      %swap3A_247 = vector.shape_cast %and3A_243 : vector<16xi32> to vector<16xi32>
      tpu.vector_store %arg8[%swap3A_244], %swap3A_247 {strides = array<i32>} : memref<128xi32, #tpu.memory_space<vmem>>, vector<16xi32>,
      %shift_right_logical3A_248 = arith.constant 16 : i32
      %shift_right_logical3A_249 = vector.broadcast %shift_right_logical3A_248 : i32 to vector<16xi32>
      %shift_right_logical3A_250 = arith.shrui %get3A_240, %shift_right_logical3A_249 : vector<16xi32>
      %swap3A_251 = arith.constant 32 : index
      %swap3A_252 = tpu.vector_load %arg9[%swap3A_251] {strides = array<i32>} : memref<128xi32, #tpu.memory_space<vmem>>, vector<16xi32>,
      %swap3A_253 = vector.shape_cast %swap3A_252 : vector<16xi32> to vector<16xi32>
      %swap3A_254 = vector.shape_cast %shift_right_logical3A_250 : vector<16xi32> to vector<16xi32>
      tpu.vector_store %arg9[%swap3A_251], %swap3A_254 {strides = array<i32>} : memref<128xi32, #tpu.memory_space<vmem>>, vector<16xi32>,
      %get3A_255 = arith.index_cast %add3A_198 : i32 to index
      %get3A_256 = arith.constant 48 : index
      %get3A_257 = tpu.vector_load %arg5[%get3A_255, %get3A_256] {strides = array<i32>} : memref<79x128xi32, #tpu.memory_space<vmem>>, vector<1x16xi32>,
      %get3A_258 = vector.shape_cast %get3A_257 : vector<1x16xi32> to vector<16xi32>
      %and3A_259 = arith.constant 65535 : i32
      %and3A_260 = vector.broadcast %and3A_259 : i32 to vector<16xi32>
      %and3A_261 = arith.andi %get3A_258, %and3A_260 : vector<16xi32>
      %swap3A_262 = arith.constant 48 : index
      %swap3A_263 = tpu.vector_load %arg8[%swap3A_262] {strides = array<i32>} : memref<128xi32, #tpu.memory_space<vmem>>, vector<16xi32>,
      %swap3A_264 = vector.shape_cast %swap3A_263 : vector<16xi32> to vector<16xi32>
      %swap3A_265 = vector.shape_cast %and3A_261 : vector<16xi32> to vector<16xi32>
      tpu.vector_store %arg8[%swap3A_262], %swap3A_265 {strides = array<i32>} : memref<128xi32, #tpu.memory_space<vmem>>, vector<16xi32>,
      %shift_right_logical3A_266 = arith.constant 16 : i32
      %shift_right_logical3A_267 = vector.broadcast %shift_right_logical3A_266 : i32 to vector<16xi32>
      %shift_right_logical3A_268 = arith.shrui %get3A_258, %shift_right_logical3A_267 : vector<16xi32>
      %swap3A_269 = arith.constant 48 : index
      %swap3A_270 = tpu.vector_load %arg9[%swap3A_269] {strides = array<i32>} : memref<128xi32, #tpu.memory_space<vmem>>, vector<16xi32>,
      %swap3A_271 = vector.shape_cast %swap3A_270 : vector<16xi32> to vector<16xi32>
      %swap3A_272 = vector.shape_cast %shift_right_logical3A_268 : vector<16xi32> to vector<16xi32>
      tpu.vector_store %arg9[%swap3A_269], %swap3A_272 {strides = array<i32>} : memref<128xi32, #tpu.memory_space<vmem>>, vector<16xi32>,
      %get3A_273 = arith.index_cast %add3A_198 : i32 to index
      %get3A_274 = arith.constant 64 : index
      %get3A_275 = tpu.vector_load %arg5[%get3A_273, %get3A_274] {strides = array<i32>} : memref<79x128xi32, #tpu.memory_space<vmem>>, vector<1x16xi32>,
      %get3A_276 = vector.shape_cast %get3A_275 : vector<1x16xi32> to vector<16xi32>
      %and3A_277 = arith.constant 65535 : i32
      %and3A_278 = vector.broadcast %and3A_277 : i32 to vector<16xi32>
      %and3A_279 = arith.andi %get3A_276, %and3A_278 : vector<16xi32>
      %swap3A_280 = arith.constant 64 : index
      %swap3A_281 = tpu.vector_load %arg8[%swap3A_280] {strides = array<i32>} : memref<128xi32, #tpu.memory_space<vmem>>, vector<16xi32>,
      %swap3A_282 = vector.shape_cast %swap3A_281 : vector<16xi32> to vector<16xi32>
      %swap3A_283 = vector.shape_cast %and3A_279 : vector<16xi32> to vector<16xi32>
      tpu.vector_store %arg8[%swap3A_280], %swap3A_283 {strides = array<i32>} : memref<128xi32, #tpu.memory_space<vmem>>, vector<16xi32>,
      %shift_right_logical3A_284 = arith.constant 16 : i32
      %shift_right_logical3A_285 = vector.broadcast %shift_right_logical3A_284 : i32 to vector<16xi32>
      %shift_right_logical3A_286 = arith.shrui %get3A_276, %shift_right_logical3A_285 : vector<16xi32>
      %swap3A_287 = arith.constant 64 : index
      %swap3A_288 = tpu.vector_load %arg9[%swap3A_287] {strides = array<i32>} : memref<128xi32, #tpu.memory_space<vmem>>, vector<16xi32>,
      %swap3A_289 = vector.shape_cast %swap3A_288 : vector<16xi32> to vector<16xi32>
      %swap3A_290 = vector.shape_cast %shift_right_logical3A_286 : vector<16xi32> to vector<16xi32>
      tpu.vector_store %arg9[%swap3A_287], %swap3A_290 {strides = array<i32>} : memref<128xi32, #tpu.memory_space<vmem>>, vector<16xi32>,
      %get3A_291 = arith.index_cast %add3A_198 : i32 to index
      %get3A_292 = arith.constant 80 : index
      %get3A_293 = tpu.vector_load %arg5[%get3A_291, %get3A_292] {strides = array<i32>} : memref<79x128xi32, #tpu.memory_space<vmem>>, vector<1x16xi32>,
      %get3A_294 = vector.shape_cast %get3A_293 : vector<1x16xi32> to vector<16xi32>
      %and3A_295 = arith.constant 65535 : i32
      %and3A_296 = vector.broadcast %and3A_295 : i32 to vector<16xi32>
      %and3A_297 = arith.andi %get3A_294, %and3A_296 : vector<16xi32>
      %swap3A_298 = arith.constant 80 : index
      %swap3A_299 = tpu.vector_load %arg8[%swap3A_298] {strides = array<i32>} : memref<128xi32, #tpu.memory_space<vmem>>, vector<16xi32>,
      %swap3A_300 = vector.shape_cast %swap3A_299 : vector<16xi32> to vector<16xi32>
      %swap3A_301 = vector.shape_cast %and3A_297 : vector<16xi32> to vector<16xi32>
      tpu.vector_store %arg8[%swap3A_298], %swap3A_301 {strides = array<i32>} : memref<128xi32, #tpu.memory_space<vmem>>, vector<16xi32>,
      %shift_right_logical3A_302 = arith.constant 16 : i32
      %shift_right_logical3A_303 = vector.broadcast %shift_right_logical3A_302 : i32 to vector<16xi32>
      %shift_right_logical3A_304 = arith.shrui %get3A_294, %shift_right_logical3A_303 : vector<16xi32>
      %swap3A_305 = arith.constant 80 : index
      %swap3A_306 = tpu.vector_load %arg9[%swap3A_305] {strides = array<i32>} : memref<128xi32, #tpu.memory_space<vmem>>, vector<16xi32>,
      %swap3A_307 = vector.shape_cast %swap3A_306 : vector<16xi32> to vector<16xi32>
      %swap3A_308 = vector.shape_cast %shift_right_logical3A_304 : vector<16xi32> to vector<16xi32>
      tpu.vector_store %arg9[%swap3A_305], %swap3A_308 {strides = array<i32>} : memref<128xi32, #tpu.memory_space<vmem>>, vector<16xi32>,
      %get3A_309 = arith.index_cast %add3A_198 : i32 to index
      %get3A_310 = arith.constant 96 : index
      %get3A_311 = tpu.vector_load %arg5[%get3A_309, %get3A_310] {strides = array<i32>} : memref<79x128xi32, #tpu.memory_space<vmem>>, vector<1x16xi32>,
      %get3A_312 = vector.shape_cast %get3A_311 : vector<1x16xi32> to vector<16xi32>
      %and3A_313 = arith.constant 65535 : i32
      %and3A_314 = vector.broadcast %and3A_313 : i32 to vector<16xi32>
      %and3A_315 = arith.andi %get3A_312, %and3A_314 : vector<16xi32>
      %swap3A_316 = arith.constant 96 : index
      %swap3A_317 = tpu.vector_load %arg8[%swap3A_316] {strides = array<i32>} : memref<128xi32, #tpu.memory_space<vmem>>, vector<16xi32>,
      %swap3A_318 = vector.shape_cast %swap3A_317 : vector<16xi32> to vector<16xi32>
      %swap3A_319 = vector.shape_cast %and3A_315 : vector<16xi32> to vector<16xi32>
      tpu.vector_store %arg8[%swap3A_316], %swap3A_319 {strides = array<i32>} : memref<128xi32, #tpu.memory_space<vmem>>, vector<16xi32>,
      %shift_right_logical3A_320 = arith.constant 16 : i32
      %shift_right_logical3A_321 = vector.broadcast %shift_right_logical3A_320 : i32 to vector<16xi32>
      %shift_right_logical3A_322 = arith.shrui %get3A_312, %shift_right_logical3A_321 : vector<16xi32>
      %swap3A_323 = arith.constant 96 : index
      %swap3A_324 = tpu.vector_load %arg9[%swap3A_323] {strides = array<i32>} : memref<128xi32, #tpu.memory_space<vmem>>, vector<16xi32>,
      %swap3A_325 = vector.shape_cast %swap3A_324 : vector<16xi32> to vector<16xi32>
      %swap3A_326 = vector.shape_cast %shift_right_logical3A_322 : vector<16xi32> to vector<16xi32>
      tpu.vector_store %arg9[%swap3A_323], %swap3A_326 {strides = array<i32>} : memref<128xi32, #tpu.memory_space<vmem>>, vector<16xi32>,
      %get3A_327 = arith.index_cast %add3A_198 : i32 to index
      %get3A_328 = arith.constant 112 : index
      %get3A_329 = tpu.vector_load %arg5[%get3A_327, %get3A_328] {strides = array<i32>} : memref<79x128xi32, #tpu.memory_space<vmem>>, vector<1x16xi32>,
      %get3A_330 = vector.shape_cast %get3A_329 : vector<1x16xi32> to vector<16xi32>
      %and3A_331 = arith.constant 65535 : i32
      %and3A_332 = vector.broadcast %and3A_331 : i32 to vector<16xi32>
      %and3A_333 = arith.andi %get3A_330, %and3A_332 : vector<16xi32>
      %swap3A_334 = arith.constant 112 : index
      %swap3A_335 = tpu.vector_load %arg8[%swap3A_334] {strides = array<i32>} : memref<128xi32, #tpu.memory_space<vmem>>, vector<16xi32>,
      %swap3A_336 = vector.shape_cast %swap3A_335 : vector<16xi32> to vector<16xi32>
      %swap3A_337 = vector.shape_cast %and3A_333 : vector<16xi32> to vector<16xi32>
      tpu.vector_store %arg8[%swap3A_334], %swap3A_337 {strides = array<i32>} : memref<128xi32, #tpu.memory_space<vmem>>, vector<16xi32>,
      %shift_right_logical3A_338 = arith.constant 16 : i32
      %shift_right_logical3A_339 = vector.broadcast %shift_right_logical3A_338 : i32 to vector<16xi32>
      %shift_right_logical3A_340 = arith.shrui %get3A_330, %shift_right_logical3A_339 : vector<16xi32>
      %swap3A_341 = arith.constant 112 : index
      %swap3A_342 = tpu.vector_load %arg9[%swap3A_341] {strides = array<i32>} : memref<128xi32, #tpu.memory_space<vmem>>, vector<16xi32>,
      %swap3A_343 = vector.shape_cast %swap3A_342 : vector<16xi32> to vector<16xi32>
      %swap3A_344 = vector.shape_cast %shift_right_logical3A_340 : vector<16xi32> to vector<16xi32>
      tpu.vector_store %arg9[%swap3A_341], %swap3A_344 {strides = array<i32>} : memref<128xi32, #tpu.memory_space<vmem>>, vector<16xi32>,
      %dma_start3A_345 = arith.constant 0 : i32
      %dma_start3A_346 = arith.constant 0 : i32
      %dma_start3A_347 = tpu.memref_slice %arg2[%dma_start3A_345, %dma_start3A_346] : memref<10240x128xf32, #tpu.memory_space<hbm>> -> memref<10240x128xf32, #tpu.memory_space<hbm>>
      tpu.enqueue_indirect_dma source(%dma_start3A_347 : memref<10240x128xf32, #tpu.memory_space<hbm>>) target(%arg11 : memref<128x128xf32, #tpu.memory_space<vmem>>) offsets(%arg8 : memref<128xi32, #tpu.memory_space<vmem>>) semaphore(%arg14 : memref<!tpu.dma_semaphore, #tpu.memory_space<semaphore_mem>>)
      %dma_wait3A_348 = arith.constant 0 : i32
      %dma_wait3A_349 = arith.constant 0 : i32
      %dma_wait3A_350 = tpu.memref_slice %arg2[%dma_wait3A_348, %dma_wait3A_349] : memref<10240x128xf32, #tpu.memory_space<hbm>> -> memref<10240x128xf32, #tpu.memory_space<hbm>>
      tpu.wait_indirect_dma semaphore(%arg13 : memref<!tpu.dma_semaphore, #tpu.memory_space<semaphore_mem>>) src(%dma_wait3A_350 : memref<10240x128xf32, #tpu.memory_space<hbm>>) dst(%arg10 : memref<128x128xf32, #tpu.memory_space<vmem>>)
      "tpu.region"() ({
        %run_scoped3A_501 = tpu.sem_alloc : memref<!tpu.dma_semaphore, #tpu.memory_space<semaphore_mem>>
        %dma_start3A_502 = arith.constant 0 : i32
        %dma_start3A_503 = arith.constant 0 : i32
        %dma_start3A_504 = tpu.memref_slice %arg12[%dma_start3A_502, %dma_start3A_503] : memref<10240x128xf32, #tpu.memory_space<vmem_shared>> -> memref<10240x128xf32, #tpu.memory_space<vmem_shared>>
        tpu.enqueue_indirect_dma source(%arg10 : memref<128x128xf32, #tpu.memory_space<vmem>>) target(%dma_start3A_504 : memref<10240x128xf32, #tpu.memory_space<vmem_shared>>) offsets(%arg7 : memref<128xi32, #tpu.memory_space<vmem>>) semaphore(%run_scoped3A_501 : memref<!tpu.dma_semaphore, #tpu.memory_space<semaphore_mem>>) {add = true}
        %dma_wait3A_505 = arith.constant 0 : i32
        %dma_wait3A_506 = arith.constant 0 : i32
        %dma_wait3A_507 = tpu.memref_slice %arg12[%dma_wait3A_505, %dma_wait3A_506] : memref<10240x128xf32, #tpu.memory_space<vmem_shared>> -> memref<10240x128xf32, #tpu.memory_space<vmem_shared>>
        tpu.wait_indirect_dma semaphore(%run_scoped3A_501 : memref<!tpu.dma_semaphore, #tpu.memory_space<semaphore_mem>>) src(%arg10 : memref<128x128xf32, #tpu.memory_space<vmem>>) dst(%dma_wait3A_507 : memref<10240x128xf32, #tpu.memory_space<vmem_shared>>)
        tpu.yield
      }) : () -> ()
      %get3A_351 = arith.index_cast %add3A_200 : i32 to index
      %get3A_352 = arith.constant 0 : index
      %get3A_353 = tpu.vector_load %arg5[%get3A_351, %get3A_352] {strides = array<i32>} : memref<79x128xi32, #tpu.memory_space<vmem>>, vector<1x16xi32>,
      %get3A_354 = vector.shape_cast %get3A_353 : vector<1x16xi32> to vector<16xi32>
      %and3A_355 = arith.constant 65535 : i32
      %and3A_356 = vector.broadcast %and3A_355 : i32 to vector<16xi32>
      %and3A_357 = arith.andi %get3A_354, %and3A_356 : vector<16xi32>
      %swap3A_358 = arith.constant 0 : index
      %swap3A_359 = tpu.vector_load %arg6[%swap3A_358] {strides = array<i32>} : memref<128xi32, #tpu.memory_space<vmem>>, vector<16xi32>,
      %swap3A_360 = vector.shape_cast %swap3A_359 : vector<16xi32> to vector<16xi32>
      %swap3A_361 = vector.shape_cast %and3A_357 : vector<16xi32> to vector<16xi32>
      tpu.vector_store %arg6[%swap3A_358], %swap3A_361 {strides = array<i32>} : memref<128xi32, #tpu.memory_space<vmem>>, vector<16xi32>,
      %shift_right_logical3A_362 = arith.constant 16 : i32
      %shift_right_logical3A_363 = vector.broadcast %shift_right_logical3A_362 : i32 to vector<16xi32>
      %shift_right_logical3A_364 = arith.shrui %get3A_354, %shift_right_logical3A_363 : vector<16xi32>
      %swap3A_365 = arith.constant 0 : index
      %swap3A_366 = tpu.vector_load %arg7[%swap3A_365] {strides = array<i32>} : memref<128xi32, #tpu.memory_space<vmem>>, vector<16xi32>,
      %swap3A_367 = vector.shape_cast %swap3A_366 : vector<16xi32> to vector<16xi32>
      %swap3A_368 = vector.shape_cast %shift_right_logical3A_364 : vector<16xi32> to vector<16xi32>
      tpu.vector_store %arg7[%swap3A_365], %swap3A_368 {strides = array<i32>} : memref<128xi32, #tpu.memory_space<vmem>>, vector<16xi32>,
      %get3A_369 = arith.index_cast %add3A_200 : i32 to index
      %get3A_370 = arith.constant 16 : index
      %get3A_371 = tpu.vector_load %arg5[%get3A_369, %get3A_370] {strides = array<i32>} : memref<79x128xi32, #tpu.memory_space<vmem>>, vector<1x16xi32>,
      %get3A_372 = vector.shape_cast %get3A_371 : vector<1x16xi32> to vector<16xi32>
      %and3A_373 = arith.constant 65535 : i32
      %and3A_374 = vector.broadcast %and3A_373 : i32 to vector<16xi32>
      %and3A_375 = arith.andi %get3A_372, %and3A_374 : vector<16xi32>
      %swap3A_376 = arith.constant 16 : index
      %swap3A_377 = tpu.vector_load %arg6[%swap3A_376] {strides = array<i32>} : memref<128xi32, #tpu.memory_space<vmem>>, vector<16xi32>,
      %swap3A_378 = vector.shape_cast %swap3A_377 : vector<16xi32> to vector<16xi32>
      %swap3A_379 = vector.shape_cast %and3A_375 : vector<16xi32> to vector<16xi32>
      tpu.vector_store %arg6[%swap3A_376], %swap3A_379 {strides = array<i32>} : memref<128xi32, #tpu.memory_space<vmem>>, vector<16xi32>,
      %shift_right_logical3A_380 = arith.constant 16 : i32
      %shift_right_logical3A_381 = vector.broadcast %shift_right_logical3A_380 : i32 to vector<16xi32>
      %shift_right_logical3A_382 = arith.shrui %get3A_372, %shift_right_logical3A_381 : vector<16xi32>
      %swap3A_383 = arith.constant 16 : index
      %swap3A_384 = tpu.vector_load %arg7[%swap3A_383] {strides = array<i32>} : memref<128xi32, #tpu.memory_space<vmem>>, vector<16xi32>,
      %swap3A_385 = vector.shape_cast %swap3A_384 : vector<16xi32> to vector<16xi32>
      %swap3A_386 = vector.shape_cast %shift_right_logical3A_382 : vector<16xi32> to vector<16xi32>
      tpu.vector_store %arg7[%swap3A_383], %swap3A_386 {strides = array<i32>} : memref<128xi32, #tpu.memory_space<vmem>>, vector<16xi32>,
      %get3A_387 = arith.index_cast %add3A_200 : i32 to index
      %get3A_388 = arith.constant 32 : index
      %get3A_389 = tpu.vector_load %arg5[%get3A_387, %get3A_388] {strides = array<i32>} : memref<79x128xi32, #tpu.memory_space<vmem>>, vector<1x16xi32>,
      %get3A_390 = vector.shape_cast %get3A_389 : vector<1x16xi32> to vector<16xi32>
      %and3A_391 = arith.constant 65535 : i32
      %and3A_392 = vector.broadcast %and3A_391 : i32 to vector<16xi32>
      %and3A_393 = arith.andi %get3A_390, %and3A_392 : vector<16xi32>
      %swap3A_394 = arith.constant 32 : index
      %swap3A_395 = tpu.vector_load %arg6[%swap3A_394] {strides = array<i32>} : memref<128xi32, #tpu.memory_space<vmem>>, vector<16xi32>,
      %swap3A_396 = vector.shape_cast %swap3A_395 : vector<16xi32> to vector<16xi32>
      %swap3A_397 = vector.shape_cast %and3A_393 : vector<16xi32> to vector<16xi32>
      tpu.vector_store %arg6[%swap3A_394], %swap3A_397 {strides = array<i32>} : memref<128xi32, #tpu.memory_space<vmem>>, vector<16xi32>,
      %shift_right_logical3A_398 = arith.constant 16 : i32
      %shift_right_logical3A_399 = vector.broadcast %shift_right_logical3A_398 : i32 to vector<16xi32>
      %shift_right_logical3A_400 = arith.shrui %get3A_390, %shift_right_logical3A_399 : vector<16xi32>
      %swap3A_401 = arith.constant 32 : index
      %swap3A_402 = tpu.vector_load %arg7[%swap3A_401] {strides = array<i32>} : memref<128xi32, #tpu.memory_space<vmem>>, vector<16xi32>,
      %swap3A_403 = vector.shape_cast %swap3A_402 : vector<16xi32> to vector<16xi32>
      %swap3A_404 = vector.shape_cast %shift_right_logical3A_400 : vector<16xi32> to vector<16xi32>
      tpu.vector_store %arg7[%swap3A_401], %swap3A_404 {strides = array<i32>} : memref<128xi32, #tpu.memory_space<vmem>>, vector<16xi32>,
      %get3A_405 = arith.index_cast %add3A_200 : i32 to index
      %get3A_406 = arith.constant 48 : index
      %get3A_407 = tpu.vector_load %arg5[%get3A_405, %get3A_406] {strides = array<i32>} : memref<79x128xi32, #tpu.memory_space<vmem>>, vector<1x16xi32>,
      %get3A_408 = vector.shape_cast %get3A_407 : vector<1x16xi32> to vector<16xi32>
      %and3A_409 = arith.constant 65535 : i32
      %and3A_410 = vector.broadcast %and3A_409 : i32 to vector<16xi32>
      %and3A_411 = arith.andi %get3A_408, %and3A_410 : vector<16xi32>
      %swap3A_412 = arith.constant 48 : index
      %swap3A_413 = tpu.vector_load %arg6[%swap3A_412] {strides = array<i32>} : memref<128xi32, #tpu.memory_space<vmem>>, vector<16xi32>,
      %swap3A_414 = vector.shape_cast %swap3A_413 : vector<16xi32> to vector<16xi32>
      %swap3A_415 = vector.shape_cast %and3A_411 : vector<16xi32> to vector<16xi32>
      tpu.vector_store %arg6[%swap3A_412], %swap3A_415 {strides = array<i32>} : memref<128xi32, #tpu.memory_space<vmem>>, vector<16xi32>,
      %shift_right_logical3A_416 = arith.constant 16 : i32
      %shift_right_logical3A_417 = vector.broadcast %shift_right_logical3A_416 : i32 to vector<16xi32>
      %shift_right_logical3A_418 = arith.shrui %get3A_408, %shift_right_logical3A_417 : vector<16xi32>
      %swap3A_419 = arith.constant 48 : index
      %swap3A_420 = tpu.vector_load %arg7[%swap3A_419] {strides = array<i32>} : memref<128xi32, #tpu.memory_space<vmem>>, vector<16xi32>,
      %swap3A_421 = vector.shape_cast %swap3A_420 : vector<16xi32> to vector<16xi32>
      %swap3A_422 = vector.shape_cast %shift_right_logical3A_418 : vector<16xi32> to vector<16xi32>
      tpu.vector_store %arg7[%swap3A_419], %swap3A_422 {strides = array<i32>} : memref<128xi32, #tpu.memory_space<vmem>>, vector<16xi32>,
      %get3A_423 = arith.index_cast %add3A_200 : i32 to index
      %get3A_424 = arith.constant 64 : index
      %get3A_425 = tpu.vector_load %arg5[%get3A_423, %get3A_424] {strides = array<i32>} : memref<79x128xi32, #tpu.memory_space<vmem>>, vector<1x16xi32>,
      %get3A_426 = vector.shape_cast %get3A_425 : vector<1x16xi32> to vector<16xi32>
      %and3A_427 = arith.constant 65535 : i32
      %and3A_428 = vector.broadcast %and3A_427 : i32 to vector<16xi32>
      %and3A_429 = arith.andi %get3A_426, %and3A_428 : vector<16xi32>
      %swap3A_430 = arith.constant 64 : index
      %swap3A_431 = tpu.vector_load %arg6[%swap3A_430] {strides = array<i32>} : memref<128xi32, #tpu.memory_space<vmem>>, vector<16xi32>,
      %swap3A_432 = vector.shape_cast %swap3A_431 : vector<16xi32> to vector<16xi32>
      %swap3A_433 = vector.shape_cast %and3A_429 : vector<16xi32> to vector<16xi32>
      tpu.vector_store %arg6[%swap3A_430], %swap3A_433 {strides = array<i32>} : memref<128xi32, #tpu.memory_space<vmem>>, vector<16xi32>,
      %shift_right_logical3A_434 = arith.constant 16 : i32
      %shift_right_logical3A_435 = vector.broadcast %shift_right_logical3A_434 : i32 to vector<16xi32>
      %shift_right_logical3A_436 = arith.shrui %get3A_426, %shift_right_logical3A_435 : vector<16xi32>
      %swap3A_437 = arith.constant 64 : index
      %swap3A_438 = tpu.vector_load %arg7[%swap3A_437] {strides = array<i32>} : memref<128xi32, #tpu.memory_space<vmem>>, vector<16xi32>,
      %swap3A_439 = vector.shape_cast %swap3A_438 : vector<16xi32> to vector<16xi32>
      %swap3A_440 = vector.shape_cast %shift_right_logical3A_436 : vector<16xi32> to vector<16xi32>
      tpu.vector_store %arg7[%swap3A_437], %swap3A_440 {strides = array<i32>} : memref<128xi32, #tpu.memory_space<vmem>>, vector<16xi32>,
      %get3A_441 = arith.index_cast %add3A_200 : i32 to index
      %get3A_442 = arith.constant 80 : index
      %get3A_443 = tpu.vector_load %arg5[%get3A_441, %get3A_442] {strides = array<i32>} : memref<79x128xi32, #tpu.memory_space<vmem>>, vector<1x16xi32>,
      %get3A_444 = vector.shape_cast %get3A_443 : vector<1x16xi32> to vector<16xi32>
      %and3A_445 = arith.constant 65535 : i32
      %and3A_446 = vector.broadcast %and3A_445 : i32 to vector<16xi32>
      %and3A_447 = arith.andi %get3A_444, %and3A_446 : vector<16xi32>
      %swap3A_448 = arith.constant 80 : index
      %swap3A_449 = tpu.vector_load %arg6[%swap3A_448] {strides = array<i32>} : memref<128xi32, #tpu.memory_space<vmem>>, vector<16xi32>,
      %swap3A_450 = vector.shape_cast %swap3A_449 : vector<16xi32> to vector<16xi32>
      %swap3A_451 = vector.shape_cast %and3A_447 : vector<16xi32> to vector<16xi32>
      tpu.vector_store %arg6[%swap3A_448], %swap3A_451 {strides = array<i32>} : memref<128xi32, #tpu.memory_space<vmem>>, vector<16xi32>,
      %shift_right_logical3A_452 = arith.constant 16 : i32
      %shift_right_logical3A_453 = vector.broadcast %shift_right_logical3A_452 : i32 to vector<16xi32>
      %shift_right_logical3A_454 = arith.shrui %get3A_444, %shift_right_logical3A_453 : vector<16xi32>
      %swap3A_455 = arith.constant 80 : index
      %swap3A_456 = tpu.vector_load %arg7[%swap3A_455] {strides = array<i32>} : memref<128xi32, #tpu.memory_space<vmem>>, vector<16xi32>,
      %swap3A_457 = vector.shape_cast %swap3A_456 : vector<16xi32> to vector<16xi32>
      %swap3A_458 = vector.shape_cast %shift_right_logical3A_454 : vector<16xi32> to vector<16xi32>
      tpu.vector_store %arg7[%swap3A_455], %swap3A_458 {strides = array<i32>} : memref<128xi32, #tpu.memory_space<vmem>>, vector<16xi32>,
      %get3A_459 = arith.index_cast %add3A_200 : i32 to index
      %get3A_460 = arith.constant 96 : index
      %get3A_461 = tpu.vector_load %arg5[%get3A_459, %get3A_460] {strides = array<i32>} : memref<79x128xi32, #tpu.memory_space<vmem>>, vector<1x16xi32>,
      %get3A_462 = vector.shape_cast %get3A_461 : vector<1x16xi32> to vector<16xi32>
      %and3A_463 = arith.constant 65535 : i32
      %and3A_464 = vector.broadcast %and3A_463 : i32 to vector<16xi32>
      %and3A_465 = arith.andi %get3A_462, %and3A_464 : vector<16xi32>
      %swap3A_466 = arith.constant 96 : index
      %swap3A_467 = tpu.vector_load %arg6[%swap3A_466] {strides = array<i32>} : memref<128xi32, #tpu.memory_space<vmem>>, vector<16xi32>,
      %swap3A_468 = vector.shape_cast %swap3A_467 : vector<16xi32> to vector<16xi32>
      %swap3A_469 = vector.shape_cast %and3A_465 : vector<16xi32> to vector<16xi32>
      tpu.vector_store %arg6[%swap3A_466], %swap3A_469 {strides = array<i32>} : memref<128xi32, #tpu.memory_space<vmem>>, vector<16xi32>,
      %shift_right_logical3A_470 = arith.constant 16 : i32
      %shift_right_logical3A_471 = vector.broadcast %shift_right_logical3A_470 : i32 to vector<16xi32>
      %shift_right_logical3A_472 = arith.shrui %get3A_462, %shift_right_logical3A_471 : vector<16xi32>
      %swap3A_473 = arith.constant 96 : index
      %swap3A_474 = tpu.vector_load %arg7[%swap3A_473] {strides = array<i32>} : memref<128xi32, #tpu.memory_space<vmem>>, vector<16xi32>,
      %swap3A_475 = vector.shape_cast %swap3A_474 : vector<16xi32> to vector<16xi32>
      %swap3A_476 = vector.shape_cast %shift_right_logical3A_472 : vector<16xi32> to vector<16xi32>
      tpu.vector_store %arg7[%swap3A_473], %swap3A_476 {strides = array<i32>} : memref<128xi32, #tpu.memory_space<vmem>>, vector<16xi32>,
      %get3A_477 = arith.index_cast %add3A_200 : i32 to index
      %get3A_478 = arith.constant 112 : index
      %get3A_479 = tpu.vector_load %arg5[%get3A_477, %get3A_478] {strides = array<i32>} : memref<79x128xi32, #tpu.memory_space<vmem>>, vector<1x16xi32>,
      %get3A_480 = vector.shape_cast %get3A_479 : vector<1x16xi32> to vector<16xi32>
      %and3A_481 = arith.constant 65535 : i32
      %and3A_482 = vector.broadcast %and3A_481 : i32 to vector<16xi32>
      %and3A_483 = arith.andi %get3A_480, %and3A_482 : vector<16xi32>
      %swap3A_484 = arith.constant 112 : index
      %swap3A_485 = tpu.vector_load %arg6[%swap3A_484] {strides = array<i32>} : memref<128xi32, #tpu.memory_space<vmem>>, vector<16xi32>,
      %swap3A_486 = vector.shape_cast %swap3A_485 : vector<16xi32> to vector<16xi32>
      %swap3A_487 = vector.shape_cast %and3A_483 : vector<16xi32> to vector<16xi32>
      tpu.vector_store %arg6[%swap3A_484], %swap3A_487 {strides = array<i32>} : memref<128xi32, #tpu.memory_space<vmem>>, vector<16xi32>,
      %shift_right_logical3A_488 = arith.constant 16 : i32
      %shift_right_logical3A_489 = vector.broadcast %shift_right_logical3A_488 : i32 to vector<16xi32>
      %shift_right_logical3A_490 = arith.shrui %get3A_480, %shift_right_logical3A_489 : vector<16xi32>
      %swap3A_491 = arith.constant 112 : index
      %swap3A_492 = tpu.vector_load %arg7[%swap3A_491] {strides = array<i32>} : memref<128xi32, #tpu.memory_space<vmem>>, vector<16xi32>,
      %swap3A_493 = vector.shape_cast %swap3A_492 : vector<16xi32> to vector<16xi32>
      %swap3A_494 = vector.shape_cast %shift_right_logical3A_490 : vector<16xi32> to vector<16xi32>
      tpu.vector_store %arg7[%swap3A_491], %swap3A_494 {strides = array<i32>} : memref<128xi32, #tpu.memory_space<vmem>>, vector<16xi32>,
      %dma_start3A_495 = arith.constant 0 : i32
      %dma_start3A_496 = arith.constant 0 : i32
      %dma_start3A_497 = tpu.memref_slice %arg2[%dma_start3A_495, %dma_start3A_496] : memref<10240x128xf32, #tpu.memory_space<hbm>> -> memref<10240x128xf32, #tpu.memory_space<hbm>>
      tpu.enqueue_indirect_dma source(%dma_start3A_497 : memref<10240x128xf32, #tpu.memory_space<hbm>>) target(%arg10 : memref<128x128xf32, #tpu.memory_space<vmem>>) offsets(%arg6 : memref<128xi32, #tpu.memory_space<vmem>>) semaphore(%arg13 : memref<!tpu.dma_semaphore, #tpu.memory_space<semaphore_mem>>)
      %dma_wait3A_498 = arith.constant 0 : i32
      %dma_wait3A_499 = arith.constant 0 : i32
      %dma_wait3A_500 = tpu.memref_slice %arg2[%dma_wait3A_498, %dma_wait3A_499] : memref<10240x128xf32, #tpu.memory_space<hbm>> -> memref<10240x128xf32, #tpu.memory_space<hbm>>
      tpu.wait_indirect_dma semaphore(%arg14 : memref<!tpu.dma_semaphore, #tpu.memory_space<semaphore_mem>>) src(%dma_wait3A_500 : memref<10240x128xf32, #tpu.memory_space<hbm>>) dst(%arg11 : memref<128x128xf32, #tpu.memory_space<vmem>>)
      "tpu.region"() ({
        %run_scoped3A_501 = tpu.sem_alloc : memref<!tpu.dma_semaphore, #tpu.memory_space<semaphore_mem>>
        %dma_start3A_502 = arith.constant 0 : i32
        %dma_start3A_503 = arith.constant 0 : i32
        %dma_start3A_504 = tpu.memref_slice %arg12[%dma_start3A_502, %dma_start3A_503] : memref<10240x128xf32, #tpu.memory_space<vmem_shared>> -> memref<10240x128xf32, #tpu.memory_space<vmem_shared>>
        tpu.enqueue_indirect_dma source(%arg11 : memref<128x128xf32, #tpu.memory_space<vmem>>) target(%dma_start3A_504 : memref<10240x128xf32, #tpu.memory_space<vmem_shared>>) offsets(%arg9 : memref<128xi32, #tpu.memory_space<vmem>>) semaphore(%run_scoped3A_501 : memref<!tpu.dma_semaphore, #tpu.memory_space<semaphore_mem>>) {add = true}
        %dma_wait3A_505 = arith.constant 0 : i32
        %dma_wait3A_506 = arith.constant 0 : i32
        %dma_wait3A_507 = tpu.memref_slice %arg12[%dma_wait3A_505, %dma_wait3A_506] : memref<10240x128xf32, #tpu.memory_space<vmem_shared>> -> memref<10240x128xf32, #tpu.memory_space<vmem_shared>>
        tpu.wait_indirect_dma semaphore(%run_scoped3A_501 : memref<!tpu.dma_semaphore, #tpu.memory_space<semaphore_mem>>) src(%arg11 : memref<128x128xf32, #tpu.memory_space<vmem>>) dst(%dma_wait3A_507 : memref<10240x128xf32, #tpu.memory_space<vmem_shared>>)
        tpu.yield
      }) : () -> ()
    }
    %dma_wait3A = arith.constant 0 : i32
    %dma_wait3A_187 = arith.constant 0 : i32
    %dma_wait3A_188 = tpu.memref_slice %arg2[%dma_wait3A, %dma_wait3A_187] : memref<10240x128xf32, #tpu.memory_space<hbm>> -> memref<10240x128xf32, #tpu.memory_space<hbm>>
    tpu.wait_indirect_dma semaphore(%arg13 : memref<!tpu.dma_semaphore, #tpu.memory_space<semaphore_mem>>) src(%dma_wait3A_188 : memref<10240x128xf32, #tpu.memory_space<hbm>>) dst(%arg10 : memref<128x128xf32, #tpu.memory_space<vmem>>)
    "tpu.region"() ({
      %run_scoped3A_194 = tpu.sem_alloc : memref<!tpu.dma_semaphore, #tpu.memory_space<semaphore_mem>>
      %dma_start3A_195 = arith.constant 0 : i32
      %dma_start3A_196 = arith.constant 0 : i32
      %dma_start3A_197 = tpu.memref_slice %arg12[%dma_start3A_195, %dma_start3A_196] : memref<10240x128xf32, #tpu.memory_space<vmem_shared>> -> memref<10240x128xf32, #tpu.memory_space<vmem_shared>>
      tpu.enqueue_indirect_dma source(%arg10 : memref<128x128xf32, #tpu.memory_space<vmem>>) target(%dma_start3A_197 : memref<10240x128xf32, #tpu.memory_space<vmem_shared>>) offsets(%arg7 : memref<128xi32, #tpu.memory_space<vmem>>) semaphore(%run_scoped3A_194 : memref<!tpu.dma_semaphore, #tpu.memory_space<semaphore_mem>>) {add = true}
      %dma_wait3A_198 = arith.constant 0 : i32
      %dma_wait3A_199 = arith.constant 0 : i32
      %dma_wait3A_200 = tpu.memref_slice %arg12[%dma_wait3A_198, %dma_wait3A_199] : memref<10240x128xf32, #tpu.memory_space<vmem_shared>> -> memref<10240x128xf32, #tpu.memory_space<vmem_shared>>
      tpu.wait_indirect_dma semaphore(%run_scoped3A_194 : memref<!tpu.dma_semaphore, #tpu.memory_space<semaphore_mem>>) src(%arg10 : memref<128x128xf32, #tpu.memory_space<vmem>>) dst(%dma_wait3A_200 : memref<10240x128xf32, #tpu.memory_space<vmem_shared>>)
      tpu.yield
    }) : () -> ()
    %barrier3A_189 = arith.constant 0 : index
    tpu.barrier barrier_id(%barrier3A_189)
    %mul3A_190 = arith.constant 640 : i32
    %mul3A_191 = arith.muli %arg1, %mul3A_190 : i32
    %mul3A_192 = arith.constant 640 : i32
    %mul3A_193 = arith.muli %arg1, %mul3A_192 : i32
    "tpu.region"() ({
      %run_scoped3A_194 = tpu.sem_alloc : memref<!tpu.dma_semaphore, #tpu.memory_space<semaphore_mem>>
      %dma_start3A_195 = arith.constant 0 : i32
      %dma_start3A_196 = tpu.memref_slice %arg4[%arg0, %mul3A_193, %dma_start3A_195] : memref<2x10240x128xf32, #tpu.memory_space<hbm>> -> memref<1x640x128xf32, #tpu.memory_space<hbm>>
      %dma_start3A_197 = tpu.memref_squeeze %dma_start3A_196 : memref<1x640x128xf32, #tpu.memory_space<hbm>> -> memref<640x128xf32, #tpu.memory_space<hbm>>
      %dma_start3A_198 = arith.constant 0 : i32
      %dma_start3A_199 = tpu.memref_slice %arg12[%mul3A_191, %dma_start3A_198] : memref<10240x128xf32, #tpu.memory_space<vmem_shared>> -> memref<640x128xf32, #tpu.memory_space<vmem_shared>>
      tpu.enqueue_dma source(%dma_start3A_199 : memref<640x128xf32, #tpu.memory_space<vmem_shared>>) target(%dma_start3A_197 : memref<640x128xf32, #tpu.memory_space<hbm>>) target_semaphore(%run_scoped3A_194 : memref<!tpu.dma_semaphore, #tpu.memory_space<semaphore_mem>>)
      %dma_wait3A_200 = arith.constant 0 : i32
      %dma_wait3A_201 = tpu.memref_slice %arg4[%arg0, %mul3A_193, %dma_wait3A_200] : memref<2x10240x128xf32, #tpu.memory_space<hbm>> -> memref<1x640x128xf32, #tpu.memory_space<hbm>>
      %dma_wait3A_202 = tpu.memref_squeeze %dma_wait3A_201 : memref<1x640x128xf32, #tpu.memory_space<hbm>> -> memref<640x128xf32, #tpu.memory_space<hbm>>
      %dma_wait3A_203 = arith.constant 0 : i32
      %dma_wait3A_204 = tpu.memref_slice %arg12[%mul3A_191, %dma_wait3A_203] : memref<10240x128xf32, #tpu.memory_space<vmem_shared>> -> memref<640x128xf32, #tpu.memory_space<vmem_shared>>
      tpu.wait_dma2 semaphore(%run_scoped3A_194 : memref<!tpu.dma_semaphore, #tpu.memory_space<semaphore_mem>>) src(%dma_wait3A_204 : memref<640x128xf32, #tpu.memory_space<vmem_shared>>) dst(%dma_wait3A_202 : memref<640x128xf32, #tpu.memory_space<hbm>>)
      tpu.yield
    }) : () -> ()
    return
  }
}

module attributes {stable_mosaic.version = 14 : i64} {
  func.func @_scale_body(%arg0: i32, %arg1: memref<512x128xf32, #tpu.memory_space<vmem>>, %arg2: memref<512x1xf32, #tpu.memory_space<vmem>>, %arg3: memref<512x128xf32, #tpu.memory_space<vmem>>) attributes {dimension_semantics = [#tpu.dimension_semantics<arbitrary>], iteration_bounds = array<i64: 20>, scalar_prefetch = 0 : i64, scratch_operands = 0 : i64, tpu.core_type = #tpu.core_type<tc>, window_params = [{transform_indices = @transform_0, window_bounds = array<i64: 512, 128>}, {transform_indices = @transform_1, window_bounds = array<i64: 512, 1>}, {transform_indices = @transform_2, window_bounds = array<i64: 512, 128>}]} {
    %get3A = arith.constant 0 : index
    %get3A_0 = arith.constant 0 : index
    %get3A_1 = vector.load %arg2[%get3A, %get3A_0] : memref<512x1xf32, #tpu.memory_space<vmem>>, vector<512x1xf32>
    %gt3A = arith.constant 0.000000e+00 : f32
    %gt3A_2 = vector.broadcast %gt3A : f32 to vector<512x1xf32>
    %gt3A_3 = arith.cmpf ogt, %get3A_1, %gt3A_2 : vector<512x1xf32>
    %rsqrt3A = math.rsqrt %get3A_1 : vector<512x1xf32>
    %jit3A = arith.constant 0.000000e+00 : f64
    %convert_element_type3A = arith.truncf %jit3A : f64 to f32
    %broadcast_in_dim3A = vector.broadcast %convert_element_type3A : f32 to vector<512x1xf32>
    %select_n3A = arith.select %gt3A_3, %rsqrt3A, %broadcast_in_dim3A : vector<512x1xi1>, vector<512x1xf32>
    %get3A_4 = arith.constant 0 : index
    %get3A_5 = arith.constant 0 : index
    %get3A_6 = vector.load %arg1[%get3A_4, %get3A_5] : memref<512x128xf32, #tpu.memory_space<vmem>>, vector<512x128xf32>
    %mul3A = vector.broadcast %select_n3A : vector<512x1xf32> to vector<512x128xf32>
    %mul3A_7 = arith.mulf %get3A_6, %mul3A : vector<512x128xf32>
    %swap3A = arith.constant 0 : index
    %swap3A_8 = arith.constant 0 : index
    %swap3A_9 = vector.load %arg3[%swap3A, %swap3A_8] : memref<512x128xf32, #tpu.memory_space<vmem>>, vector<512x128xf32>
    tpu.vector_store %arg3[%swap3A, %swap3A_8], %mul3A_7 {strides = array<i32>} : memref<512x128xf32, #tpu.memory_space<vmem>>, vector<512x128xf32>,
    return
  }
  func.func @transform_0(%arg0: i32) -> (i32, i32) {
    %c0_i32 = arith.constant 0 : i32
    %c0_i32_0 = arith.constant 0 : i32
    return %arg0, %c0_i32 : i32, i32
  }
  func.func @transform_1(%arg0: i32) -> (i32, i32) {
    %c0_i32 = arith.constant 0 : i32
    %c0_i32_0 = arith.constant 0 : i32
    return %arg0, %c0_i32 : i32, i32
  }
  func.func @transform_2(%arg0: i32) -> (i32, i32) {
    %c0_i32 = arith.constant 0 : i32
    %c0_i32_0 = arith.constant 0 : i32
    return %arg0, %c0_i32 : i32, i32
  }
}

module attributes {stable_mosaic.version = 14 : i64} {
  func.func @_layer1_body(%arg0: i32, %arg1: memref<512x128xf32, #tpu.memory_space<vmem>>, %arg2: memref<512x128xf32, #tpu.memory_space<vmem>>, %arg3: memref<512x1xf32, #tpu.memory_space<vmem>>, %arg4: memref<512x1xf32, #tpu.memory_space<vmem>>, %arg5: memref<128x128xf32, #tpu.memory_space<vmem>>, %arg6: memref<1x128xf32, #tpu.memory_space<vmem>>, %arg7: memref<1x1xf32, #tpu.memory_space<vmem>>, %arg8: memref<512x128xf32, #tpu.memory_space<vmem>>) attributes {dimension_semantics = [#tpu.dimension_semantics<arbitrary>], iteration_bounds = array<i64: 20>, scalar_prefetch = 0 : i64, scratch_operands = 0 : i64, tpu.core_type = #tpu.core_type<tc>, window_params = [{transform_indices = @transform_0, window_bounds = array<i64: 512, 128>}, {transform_indices = @transform_1, window_bounds = array<i64: 512, 128>}, {transform_indices = @transform_2, window_bounds = array<i64: 512, 1>}, {transform_indices = @transform_3, window_bounds = array<i64: 512, 1>}, {pipeline_mode = #tpu.pipeline_mode<synchronous>, transform_indices = @transform_4, window_bounds = array<i64: 128, 128>}, {pipeline_mode = #tpu.pipeline_mode<synchronous>, transform_indices = @transform_5, window_bounds = array<i64: 1, 128>}, {pipeline_mode = #tpu.pipeline_mode<synchronous>, transform_indices = @transform_6, window_bounds = array<i64: 1, 1>}, {transform_indices = @transform_7, window_bounds = array<i64: 512, 128>}]} {
    %get3A = arith.constant 0 : index
    %get3A_0 = arith.constant 0 : index
    %get3A_1 = vector.load %arg3[%get3A, %get3A_0] : memref<512x1xf32, #tpu.memory_space<vmem>>, vector<512x1xf32>
    %gt3A = arith.constant 0.000000e+00 : f32
    %gt3A_2 = vector.broadcast %gt3A : f32 to vector<512x1xf32>
    %gt3A_3 = arith.cmpf ogt, %get3A_1, %gt3A_2 : vector<512x1xf32>
    %rsqrt3A = math.rsqrt %get3A_1 : vector<512x1xf32>
    %jit3A = arith.constant 0.000000e+00 : f64
    %convert_element_type3A = arith.truncf %jit3A : f64 to f32
    %broadcast_in_dim3A = vector.broadcast %convert_element_type3A : f32 to vector<512x1xf32>
    %select_n3A = arith.select %gt3A_3, %rsqrt3A, %broadcast_in_dim3A : vector<512x1xi1>, vector<512x1xf32>
    %get3A_4 = arith.constant 0 : index
    %get3A_5 = arith.constant 0 : index
    %get3A_6 = vector.load %arg1[%get3A_4, %get3A_5] : memref<512x128xf32, #tpu.memory_space<vmem>>, vector<512x128xf32>
    %get3A_7 = arith.constant 0 : index
    %get3A_8 = arith.constant 0 : index
    %get3A_9 = vector.load %arg2[%get3A_7, %get3A_8] : memref<512x128xf32, #tpu.memory_space<vmem>>, vector<512x128xf32>
    %add3A = arith.addf %get3A_6, %get3A_9 : vector<512x128xf32>
    %mul3A = vector.broadcast %select_n3A : vector<512x1xf32> to vector<512x128xf32>
    %mul3A_10 = arith.mulf %add3A, %mul3A : vector<512x128xf32>
    %get3A_11 = arith.constant 0 : index
    %get3A_12 = arith.constant 0 : index
    %get3A_13 = vector.load %arg5[%get3A_11, %get3A_12] : memref<128x128xf32, #tpu.memory_space<vmem>>, vector<128x128xf32>
    %dot_general3A = arith.constant dense<0.000000e+00> : vector<512x128xf32>
    %dot_general3A_14 = tpu.matmul %mul3A_10, %get3A_13, %dot_general3A {dimension_numbers = #tpu.dot_dimension_numbers<[1], [0], [0], [1], [0, 0, 1, 1], [], []>, transpose_lhs_hint = false} : vector<512x128xf32>, vector<128x128xf32>, vector<512x128xf32> -> vector<512x128xf32>
    %get3A_15 = arith.constant 0 : index
    %get3A_16 = arith.constant 0 : index
    %get3A_17 = vector.load %arg6[%get3A_15, %get3A_16] : memref<1x128xf32, #tpu.memory_space<vmem>>, vector<1x128xf32>
    %add3A_18 = vector.broadcast %get3A_17 : vector<1x128xf32> to vector<512x128xf32>
    %add3A_19 = arith.addf %dot_general3A_14, %add3A_18 : vector<512x128xf32>
    %ge3A = arith.constant 0.000000e+00 : f32
    %ge3A_20 = vector.broadcast %ge3A : f32 to vector<512x128xf32>
    %ge3A_21 = arith.cmpf oge, %add3A_19, %ge3A_20 : vector<512x128xf32>
    %get3A_22 = arith.constant 0 : index
    %get3A_23 = arith.constant 0 : index
    %get3A_24 = vector.load %arg7[%get3A_22, %get3A_23] : memref<1x1xf32, #tpu.memory_space<vmem>>, vector<1x1xf32>
    %get3A_25 = vector.extract %get3A_24[0, 0] : f32 from vector<1x1xf32>
    %mul3A_26 = vector.broadcast %get3A_25 : f32 to vector<512x128xf32>
    %mul3A_27 = arith.mulf %mul3A_26, %add3A_19 : vector<512x128xf32>
    %select_n3A_28 = arith.select %ge3A_21, %add3A_19, %mul3A_27 : vector<512x128xi1>, vector<512x128xf32>
    %get3A_29 = arith.constant 0 : index
    %get3A_30 = arith.constant 0 : index
    %get3A_31 = vector.load %arg4[%get3A_29, %get3A_30] : memref<512x1xf32, #tpu.memory_space<vmem>>, vector<512x1xf32>
    %gt3A_32 = arith.constant 0.000000e+00 : f32
    %gt3A_33 = vector.broadcast %gt3A_32 : f32 to vector<512x1xf32>
    %gt3A_34 = arith.cmpf ogt, %get3A_31, %gt3A_33 : vector<512x1xf32>
    %rsqrt3A_35 = math.rsqrt %get3A_31 : vector<512x1xf32>
    %jit3A_36 = arith.constant 0.000000e+00 : f64
    %convert_element_type3A_37 = arith.truncf %jit3A_36 : f64 to f32
    %broadcast_in_dim3A_38 = vector.broadcast %convert_element_type3A_37 : f32 to vector<512x1xf32>
    %select_n3A_39 = arith.select %gt3A_34, %rsqrt3A_35, %broadcast_in_dim3A_38 : vector<512x1xi1>, vector<512x1xf32>
    %mul3A_40 = vector.broadcast %select_n3A_39 : vector<512x1xf32> to vector<512x128xf32>
    %mul3A_41 = arith.mulf %select_n3A_28, %mul3A_40 : vector<512x128xf32>
    %swap3A = arith.constant 0 : index
    %swap3A_42 = arith.constant 0 : index
    %swap3A_43 = vector.load %arg8[%swap3A, %swap3A_42] : memref<512x128xf32, #tpu.memory_space<vmem>>, vector<512x128xf32>
    tpu.vector_store %arg8[%swap3A, %swap3A_42], %mul3A_41 {strides = array<i32>} : memref<512x128xf32, #tpu.memory_space<vmem>>, vector<512x128xf32>,
    return
  }
  func.func @transform_0(%arg0: i32) -> (i32, i32) {
    %c0_i32 = arith.constant 0 : i32
    %c0_i32_0 = arith.constant 0 : i32
    return %arg0, %c0_i32 : i32, i32
  }
  func.func @transform_1(%arg0: i32) -> (i32, i32) {
    %c0_i32 = arith.constant 0 : i32
    %c0_i32_0 = arith.constant 0 : i32
    return %arg0, %c0_i32 : i32, i32
  }
  func.func @transform_2(%arg0: i32) -> (i32, i32) {
    %c0_i32 = arith.constant 0 : i32
    %c0_i32_0 = arith.constant 0 : i32
    return %arg0, %c0_i32 : i32, i32
  }
  func.func @transform_3(%arg0: i32) -> (i32, i32) {
    %c0_i32 = arith.constant 0 : i32
    %c0_i32_0 = arith.constant 0 : i32
    return %arg0, %c0_i32 : i32, i32
  }
  func.func @transform_4(%arg0: i32) -> (i32, i32) {
    %c0_i32 = arith.constant 0 : i32
    %c0_i32_0 = arith.constant 0 : i32
    %c0_i32_1 = arith.constant 0 : i32
    return %c0_i32, %c0_i32_0 : i32, i32
  }
  func.func @transform_5(%arg0: i32) -> (i32, i32) {
    %c0_i32 = arith.constant 0 : i32
    %c0_i32_0 = arith.constant 0 : i32
    %c0_i32_1 = arith.constant 0 : i32
    return %c0_i32, %c0_i32_0 : i32, i32
  }
  func.func @transform_6(%arg0: i32) -> (i32, i32) {
    %c0_i32 = arith.constant 0 : i32
    %c0_i32_0 = arith.constant 0 : i32
    %c0_i32_1 = arith.constant 0 : i32
    return %c0_i32, %c0_i32_0 : i32, i32
  }
  func.func @transform_7(%arg0: i32) -> (i32, i32) {
    %c0_i32 = arith.constant 0 : i32
    %c0_i32_0 = arith.constant 0 : i32
    return %arg0, %c0_i32 : i32, i32
  }
}

module attributes {stable_mosaic.version = 14 : i64} {
  func.func @_layer2_pool_body(%arg0: i32, %arg1: memref<512x128xf32, #tpu.memory_space<vmem>>, %arg2: memref<512x128xf32, #tpu.memory_space<vmem>>, %arg3: memref<512x1xf32, #tpu.memory_space<vmem>>, %arg4: memref<128x128xf32, #tpu.memory_space<vmem>>, %arg5: memref<1x128xf32, #tpu.memory_space<vmem>>, %arg6: memref<1x1xf32, #tpu.memory_space<vmem>>, %arg7: memref<512x1xi32, #tpu.memory_space<vmem>>, %arg8: memref<512x128xf32, #tpu.memory_space<vmem>>, %arg9: memref<512x1xf32, #tpu.memory_space<vmem>>) attributes {dimension_semantics = [#tpu.dimension_semantics<arbitrary>], iteration_bounds = array<i64: 20>, scalar_prefetch = 0 : i64, scratch_operands = 0 : i64, tpu.core_type = #tpu.core_type<tc>, window_params = [{transform_indices = @transform_0, window_bounds = array<i64: 512, 128>}, {transform_indices = @transform_1, window_bounds = array<i64: 512, 128>}, {transform_indices = @transform_2, window_bounds = array<i64: 512, 1>}, {pipeline_mode = #tpu.pipeline_mode<synchronous>, transform_indices = @transform_3, window_bounds = array<i64: 128, 128>}, {pipeline_mode = #tpu.pipeline_mode<synchronous>, transform_indices = @transform_4, window_bounds = array<i64: 1, 128>}, {pipeline_mode = #tpu.pipeline_mode<synchronous>, transform_indices = @transform_5, window_bounds = array<i64: 1, 1>}, {transform_indices = @transform_6, window_bounds = array<i64: 512, 1>}, {pipeline_mode = #tpu.pipeline_mode<synchronous>, transform_indices = @transform_7, window_bounds = array<i64: 512, 128>}, {pipeline_mode = #tpu.pipeline_mode<synchronous>, transform_indices = @transform_8, window_bounds = array<i64: 512, 1>}]} {
    %eq3A = arith.constant 0 : i32
    %eq3A_0 = arith.cmpi eq, %arg0, %eq3A : i32
    %convert_element_type3A = arith.extui %eq3A_0 : i1 to i32
    %cond3A = arith.constant 0 : i32
    %cond3A_1 = arith.cmpi ne, %convert_element_type3A, %cond3A : i32
    scf.if %cond3A_1 {
      %broadcast_in_dim3A_57 = arith.constant 0.000000e+00 : f32
      %broadcast_in_dim3A_58 = vector.broadcast %broadcast_in_dim3A_57 : f32 to vector<512x128xf32>
      %swap3A_59 = arith.constant 0 : index
      %swap3A_60 = arith.constant 0 : index
      %swap3A_61 = vector.load %arg8[%swap3A_59, %swap3A_60] : memref<512x128xf32, #tpu.memory_space<vmem>>, vector<512x128xf32>
      tpu.vector_store %arg8[%swap3A_59, %swap3A_60], %broadcast_in_dim3A_58 {strides = array<i32>} : memref<512x128xf32, #tpu.memory_space<vmem>>, vector<512x128xf32>,
      %broadcast_in_dim3A_62 = arith.constant 0.000000e+00 : f32
      %broadcast_in_dim3A_63 = vector.broadcast %broadcast_in_dim3A_62 : f32 to vector<512x1xf32>
      %swap3A_64 = arith.constant 0 : index
      %swap3A_65 = arith.constant 0 : index
      %swap3A_66 = vector.load %arg9[%swap3A_64, %swap3A_65] : memref<512x1xf32, #tpu.memory_space<vmem>>, vector<512x1xf32>
      tpu.vector_store %arg9[%swap3A_64, %swap3A_65], %broadcast_in_dim3A_63 {strides = array<i32>} : memref<512x1xf32, #tpu.memory_space<vmem>>, vector<512x1xf32>,
    } else {
    }
    %get3A = arith.constant 0 : index
    %get3A_2 = arith.constant 0 : index
    %get3A_3 = vector.load %arg3[%get3A, %get3A_2] : memref<512x1xf32, #tpu.memory_space<vmem>>, vector<512x1xf32>
    %gt3A = arith.constant 0.000000e+00 : f32
    %gt3A_4 = vector.broadcast %gt3A : f32 to vector<512x1xf32>
    %gt3A_5 = arith.cmpf ogt, %get3A_3, %gt3A_4 : vector<512x1xf32>
    %rsqrt3A = math.rsqrt %get3A_3 : vector<512x1xf32>
    %jit3A = arith.constant 0.000000e+00 : f64
    %convert_element_type3A_6 = arith.truncf %jit3A : f64 to f32
    %broadcast_in_dim3A = vector.broadcast %convert_element_type3A_6 : f32 to vector<512x1xf32>
    %select_n3A = arith.select %gt3A_5, %rsqrt3A, %broadcast_in_dim3A : vector<512x1xi1>, vector<512x1xf32>
    %get3A_7 = arith.constant 0 : index
    %get3A_8 = arith.constant 0 : index
    %get3A_9 = vector.load %arg1[%get3A_7, %get3A_8] : memref<512x128xf32, #tpu.memory_space<vmem>>, vector<512x128xf32>
    %get3A_10 = arith.constant 0 : index
    %get3A_11 = arith.constant 0 : index
    %get3A_12 = vector.load %arg2[%get3A_10, %get3A_11] : memref<512x128xf32, #tpu.memory_space<vmem>>, vector<512x128xf32>
    %add3A = arith.addf %get3A_9, %get3A_12 : vector<512x128xf32>
    %mul3A = vector.broadcast %select_n3A : vector<512x1xf32> to vector<512x128xf32>
    %mul3A_13 = arith.mulf %add3A, %mul3A : vector<512x128xf32>
    %get3A_14 = arith.constant 0 : index
    %get3A_15 = arith.constant 0 : index
    %get3A_16 = vector.load %arg4[%get3A_14, %get3A_15] : memref<128x128xf32, #tpu.memory_space<vmem>>, vector<128x128xf32>
    %dot_general3A = arith.constant dense<0.000000e+00> : vector<512x128xf32>
    %dot_general3A_17 = tpu.matmul %mul3A_13, %get3A_16, %dot_general3A {dimension_numbers = #tpu.dot_dimension_numbers<[1], [0], [0], [1], [0, 0, 1, 1], [], []>, transpose_lhs_hint = false} : vector<512x128xf32>, vector<128x128xf32>, vector<512x128xf32> -> vector<512x128xf32>
    %get3A_18 = arith.constant 0 : index
    %get3A_19 = arith.constant 0 : index
    %get3A_20 = vector.load %arg5[%get3A_18, %get3A_19] : memref<1x128xf32, #tpu.memory_space<vmem>>, vector<1x128xf32>
    %add3A_21 = vector.broadcast %get3A_20 : vector<1x128xf32> to vector<512x128xf32>
    %add3A_22 = arith.addf %dot_general3A_17, %add3A_21 : vector<512x128xf32>
    %ge3A = arith.constant 0.000000e+00 : f32
    %ge3A_23 = vector.broadcast %ge3A : f32 to vector<512x128xf32>
    %ge3A_24 = arith.cmpf oge, %add3A_22, %ge3A_23 : vector<512x128xf32>
    %get3A_25 = arith.constant 0 : index
    %get3A_26 = arith.constant 0 : index
    %get3A_27 = vector.load %arg6[%get3A_25, %get3A_26] : memref<1x1xf32, #tpu.memory_space<vmem>>, vector<1x1xf32>
    %get3A_28 = vector.extract %get3A_27[0, 0] : f32 from vector<1x1xf32>
    %mul3A_29 = vector.broadcast %get3A_28 : f32 to vector<512x128xf32>
    %mul3A_30 = arith.mulf %mul3A_29, %add3A_22 : vector<512x128xf32>
    %select_n3A_31 = arith.select %ge3A_24, %add3A_22, %mul3A_30 : vector<512x128xi1>, vector<512x128xf32>
    %get3A_32 = arith.constant 0 : index
    %get3A_33 = arith.constant 0 : index
    %get3A_34 = vector.load %arg7[%get3A_32, %get3A_33] : memref<512x1xi32, #tpu.memory_space<vmem>>, vector<512x1xi32>
    %iota3A = tpu.iota {dimensions = array<i32: 1>} : vector<1x512xi32>
    %eq3A_35 = vector.broadcast %get3A_34 : vector<512x1xi32> to vector<512x512xi32>
    %eq3A_36 = vector.broadcast %iota3A : vector<1x512xi32> to vector<512x512xi32>
    %eq3A_37 = arith.cmpi eq, %eq3A_35, %eq3A_36 : vector<512x512xi32>
    %convert_element_type3A_38 = arith.extui %eq3A_37 : vector<512x512xi1> to vector<512x512xi32>
    %convert_element_type3A_39 = arith.sitofp %convert_element_type3A_38 : vector<512x512xi32> to vector<512x512xf32>
    %get3A_40 = arith.constant 0 : index
    %get3A_41 = arith.constant 0 : index
    %get3A_42 = vector.load %arg8[%get3A_40, %get3A_41] : memref<512x128xf32, #tpu.memory_space<vmem>>, vector<512x128xf32>
    %dot_general3A_43 = arith.constant dense<0.000000e+00> : vector<512x128xf32>
    %dot_general3A_44 = tpu.matmul %convert_element_type3A_39, %select_n3A_31, %dot_general3A_43 {dimension_numbers = #tpu.dot_dimension_numbers<[0], [0], [1], [1], [0, 1, 1, 1], [], []>, transpose_lhs_hint = false} : vector<512x512xf32>, vector<512x128xf32>, vector<512x128xf32> -> vector<512x128xf32>
    %add3A_45 = arith.addf %get3A_42, %dot_general3A_44 : vector<512x128xf32>
    %swap3A = arith.constant 0 : index
    %swap3A_46 = arith.constant 0 : index
    %swap3A_47 = vector.load %arg8[%swap3A, %swap3A_46] : memref<512x128xf32, #tpu.memory_space<vmem>>, vector<512x128xf32>
    tpu.vector_store %arg8[%swap3A, %swap3A_46], %add3A_45 {strides = array<i32>} : memref<512x128xf32, #tpu.memory_space<vmem>>, vector<512x128xf32>,
    %get3A_48 = arith.constant 0 : index
    %get3A_49 = arith.constant 0 : index
    %get3A_50 = vector.load %arg9[%get3A_48, %get3A_49] : memref<512x1xf32, #tpu.memory_space<vmem>>, vector<512x1xf32>
    %reduce_sum3A = arith.constant dense<0.000000e+00> : vector<512xf32>
    %reduce_sum3A_51 = vector.multi_reduction <add>, %convert_element_type3A_39, %reduce_sum3A [0] : vector<512x512xf32> to vector<512xf32>
    %broadcast_in_dim3A_52 = vector.shape_cast %reduce_sum3A_51 : vector<512xf32> to vector<512x1xf32>
    %add3A_53 = arith.addf %get3A_50, %broadcast_in_dim3A_52 : vector<512x1xf32>
    %swap3A_54 = arith.constant 0 : index
    %swap3A_55 = arith.constant 0 : index
    %swap3A_56 = vector.load %arg9[%swap3A_54, %swap3A_55] : memref<512x1xf32, #tpu.memory_space<vmem>>, vector<512x1xf32>
    tpu.vector_store %arg9[%swap3A_54, %swap3A_55], %add3A_53 {strides = array<i32>} : memref<512x1xf32, #tpu.memory_space<vmem>>, vector<512x1xf32>,
    return
  }
  func.func @transform_0(%arg0: i32) -> (i32, i32) {
    %c0_i32 = arith.constant 0 : i32
    %c0_i32_0 = arith.constant 0 : i32
    return %arg0, %c0_i32 : i32, i32
  }
  func.func @transform_1(%arg0: i32) -> (i32, i32) {
    %c0_i32 = arith.constant 0 : i32
    %c0_i32_0 = arith.constant 0 : i32
    return %arg0, %c0_i32 : i32, i32
  }
  func.func @transform_2(%arg0: i32) -> (i32, i32) {
    %c0_i32 = arith.constant 0 : i32
    %c0_i32_0 = arith.constant 0 : i32
    return %arg0, %c0_i32 : i32, i32
  }
  func.func @transform_3(%arg0: i32) -> (i32, i32) {
    %c0_i32 = arith.constant 0 : i32
    %c0_i32_0 = arith.constant 0 : i32
    %c0_i32_1 = arith.constant 0 : i32
    return %c0_i32, %c0_i32_0 : i32, i32
  }
  func.func @transform_4(%arg0: i32) -> (i32, i32) {
    %c0_i32 = arith.constant 0 : i32
    %c0_i32_0 = arith.constant 0 : i32
    %c0_i32_1 = arith.constant 0 : i32
    return %c0_i32, %c0_i32_0 : i32, i32
  }
  func.func @transform_5(%arg0: i32) -> (i32, i32) {
    %c0_i32 = arith.constant 0 : i32
    %c0_i32_0 = arith.constant 0 : i32
    %c0_i32_1 = arith.constant 0 : i32
    return %c0_i32, %c0_i32_0 : i32, i32
  }
  func.func @transform_6(%arg0: i32) -> (i32, i32) {
    %c0_i32 = arith.constant 0 : i32
    %c0_i32_0 = arith.constant 0 : i32
    return %arg0, %c0_i32 : i32, i32
  }
  func.func @transform_7(%arg0: i32) -> (i32, i32) {
    %c0_i32 = arith.constant 0 : i32
    %c0_i32_0 = arith.constant 0 : i32
    %c0_i32_1 = arith.constant 0 : i32
    return %c0_i32, %c0_i32_0 : i32, i32
  }
  func.func @transform_8(%arg0: i32) -> (i32, i32) {
    %c0_i32 = arith.constant 0 : i32
    %c0_i32_0 = arith.constant 0 : i32
    %c0_i32_1 = arith.constant 0 : i32
    return %c0_i32, %c0_i32_0 : i32, i32
  }
}

module attributes {stable_mosaic.version = 14 : i64} {
  func.func @_final_body(%arg0: i32, %arg1: memref<512x128xf32, #tpu.memory_space<vmem>>, %arg2: memref<512x1xf32, #tpu.memory_space<vmem>>, %arg3: memref<2x128xf32, #tpu.memory_space<vmem>>, %arg4: memref<1x2xf32, #tpu.memory_space<vmem>>, %arg5: memref<512x2xf32, #tpu.memory_space<vmem>>, %arg6: memref<512x1xi32, #tpu.memory_space<vmem>>, %arg7: memref<512x2xf32, #tpu.memory_space<vmem>>, %arg8: memref<512x2xf32, #tpu.memory_space<vmem>>) attributes {dimension_semantics = [#tpu.dimension_semantics<arbitrary>], iteration_bounds = array<i64: 20>, scalar_prefetch = 0 : i64, scratch_operands = 1 : i64, tpu.core_type = #tpu.core_type<tc>, window_params = [{pipeline_mode = #tpu.pipeline_mode<synchronous>, transform_indices = @transform_0, window_bounds = array<i64: 512, 128>}, {pipeline_mode = #tpu.pipeline_mode<synchronous>, transform_indices = @transform_1, window_bounds = array<i64: 512, 1>}, {pipeline_mode = #tpu.pipeline_mode<synchronous>, transform_indices = @transform_2, window_bounds = array<i64: 2, 128>}, {pipeline_mode = #tpu.pipeline_mode<synchronous>, transform_indices = @transform_3, window_bounds = array<i64: 1, 2>}, {pipeline_mode = #tpu.pipeline_mode<synchronous>, transform_indices = @transform_4, window_bounds = array<i64: 512, 2>}, {transform_indices = @transform_5, window_bounds = array<i64: 512, 1>}, {transform_indices = @transform_6, window_bounds = array<i64: 512, 2>}]} {
    %eq3A = arith.constant 0 : i32
    %eq3A_0 = arith.cmpi eq, %arg0, %eq3A : i32
    %convert_element_type3A = arith.extui %eq3A_0 : i1 to i32
    %cond3A = arith.constant 0 : i32
    %cond3A_1 = arith.cmpi ne, %convert_element_type3A, %cond3A : i32
    scf.if %cond3A_1 {
      %get3A_15 = arith.constant 0 : index
      %get3A_16 = arith.constant 0 : index
      %get3A_17 = vector.load %arg1[%get3A_15, %get3A_16] : memref<512x128xf32, #tpu.memory_space<vmem>>, vector<512x128xf32>
      %get3A_18 = arith.constant 0 : index
      %get3A_19 = arith.constant 0 : index
      %get3A_20 = vector.load %arg3[%get3A_18, %get3A_19] : memref<2x128xf32, #tpu.memory_space<vmem>>, vector<2x128xf32>
      %dot_general3A_21 = arith.constant dense<0.000000e+00> : vector<512x2xf32>
      %dot_general3A_22 = tpu.matmul %get3A_17, %get3A_20, %dot_general3A_21 {dimension_numbers = #tpu.dot_dimension_numbers<[1], [1], [0], [0], [0, 0, 1, 0], [], []>, transpose_lhs_hint = false} : vector<512x128xf32>, vector<2x128xf32>, vector<512x2xf32> -> vector<512x2xf32>
      %get3A_23 = arith.constant 0 : index
      %get3A_24 = arith.constant 0 : index
      %get3A_25 = vector.load %arg4[%get3A_23, %get3A_24] : memref<1x2xf32, #tpu.memory_space<vmem>>, vector<1x2xf32>
      %add3A = vector.broadcast %get3A_25 : vector<1x2xf32> to vector<512x2xf32>
      %add3A_26 = arith.addf %dot_general3A_22, %add3A : vector<512x2xf32>
      %get3A_27 = arith.constant 0 : index
      %get3A_28 = arith.constant 0 : index
      %get3A_29 = vector.load %arg2[%get3A_27, %get3A_28] : memref<512x1xf32, #tpu.memory_space<vmem>>, vector<512x1xf32>
      %gt3A = arith.constant 0.000000e+00 : f32
      %gt3A_30 = vector.broadcast %gt3A : f32 to vector<512x1xf32>
      %gt3A_31 = arith.cmpf ogt, %get3A_29, %gt3A_30 : vector<512x1xf32>
      %convert_element_type3A_32 = arith.extui %gt3A_31 : vector<512x1xi1> to vector<512x1xi32>
      %convert_element_type3A_33 = arith.sitofp %convert_element_type3A_32 : vector<512x1xi32> to vector<512x1xf32>
      %iota3A_34 = tpu.iota {dimensions = array<i32: 0>} : vector<512x512xi32>
      %iota3A_35 = tpu.iota {dimensions = array<i32: 1>} : vector<512x512xi32>
      %le3A = arith.cmpi sle, %iota3A_35, %iota3A_34 : vector<512x512xi32>
      %convert_element_type3A_36 = arith.extui %le3A : vector<512x512xi1> to vector<512x512xi32>
      %convert_element_type3A_37 = arith.sitofp %convert_element_type3A_36 : vector<512x512xi32> to vector<512x512xf32>
      %dot_general3A_38 = arith.constant dense<0.000000e+00> : vector<512x1xf32>
      %dot_general3A_39 = tpu.matmul %convert_element_type3A_37, %convert_element_type3A_33, %dot_general3A_38 {dimension_numbers = #tpu.dot_dimension_numbers<[1], [0], [0], [1], [0, 0, 1, 1], [], []>, transpose_lhs_hint = false} : vector<512x512xf32>, vector<512x1xf32>, vector<512x1xf32> -> vector<512x1xf32>
      %sub3A = arith.constant 1.000000e+00 : f32
      %sub3A_40 = vector.broadcast %sub3A : f32 to vector<512x1xf32>
      %sub3A_41 = arith.subf %dot_general3A_39, %sub3A_40 : vector<512x1xf32>
      %convert_element_type3A_42 = arith.fptosi %sub3A_41 : vector<512x1xf32> to vector<512x1xi32>
      %iota3A_43 = tpu.iota {dimensions = array<i32: 1>} : vector<1x512xi32>
      %eq3A_44 = vector.broadcast %convert_element_type3A_42 : vector<512x1xi32> to vector<512x512xi32>
      %eq3A_45 = vector.broadcast %iota3A_43 : vector<1x512xi32> to vector<512x512xi32>
      %eq3A_46 = arith.cmpi eq, %eq3A_44, %eq3A_45 : vector<512x512xi32>
      %convert_element_type3A_47 = arith.extui %eq3A_46 : vector<512x512xi1> to vector<512x512xi32>
      %convert_element_type3A_48 = arith.sitofp %convert_element_type3A_47 : vector<512x512xi32> to vector<512x512xf32>
      %get3A_49 = arith.constant 0 : index
      %get3A_50 = arith.constant 0 : index
      %get3A_51 = vector.load %arg5[%get3A_49, %get3A_50] : memref<512x2xf32, #tpu.memory_space<vmem>>, vector<512x2xf32>
      %dot_general3A_52 = arith.constant dense<0.000000e+00> : vector<512x2xf32>
      %dot_general3A_53 = tpu.matmul %convert_element_type3A_48, %get3A_51, %dot_general3A_52 {dimension_numbers = #tpu.dot_dimension_numbers<[1], [0], [0], [1], [0, 0, 1, 1], [], []>, transpose_lhs_hint = false} : vector<512x512xf32>, vector<512x2xf32>, vector<512x2xf32> -> vector<512x2xf32>
      %add3A_54 = arith.addf %add3A_26, %dot_general3A_53 : vector<512x2xf32>
      %reduce_max3A = arith.constant dense<0xFF800000> : vector<512xf32>
      %reduce_max3A_55 = vector.multi_reduction <maximumf>, %add3A_54, %reduce_max3A [1] : vector<512x2xf32> to vector<512xf32>
      %broadcast_in_dim3A = vector.shape_cast %reduce_max3A_55 : vector<512xf32> to vector<512x1xf32>
      %sub3A_56 = vector.broadcast %broadcast_in_dim3A : vector<512x1xf32> to vector<512x2xf32>
      %sub3A_57 = arith.subf %add3A_54, %sub3A_56 : vector<512x2xf32>
      %exp3A = math.exp %sub3A_57 : vector<512x2xf32>
      %reduce_sum3A = arith.constant dense<0.000000e+00> : vector<512xf32>
      %reduce_sum3A_58 = vector.multi_reduction <add>, %exp3A, %reduce_sum3A [1] : vector<512x2xf32> to vector<512xf32>
      %broadcast_in_dim3A_59 = vector.shape_cast %reduce_sum3A_58 : vector<512xf32> to vector<512x1xf32>
      %div3A = vector.broadcast %broadcast_in_dim3A_59 : vector<512x1xf32> to vector<512x2xf32>
      %div3A_60 = arith.divf %exp3A, %div3A : vector<512x2xf32>
      %slice3A = vector.extract_strided_slice %add3A_54 {offsets = [0, 0], sizes = [512, 1], strides = [1, 1]} : vector<512x2xf32> to vector<512x1xf32>
      %slice3A_61 = vector.extract_strided_slice %add3A_54 {offsets = [0, 1], sizes = [512, 1], strides = [1, 1]} : vector<512x2xf32> to vector<512x1xf32>
      %ge3A = arith.cmpf oge, %slice3A, %slice3A_61 : vector<512x1xf32>
      %convert_element_type3A_62 = arith.extui %ge3A : vector<512x1xi1> to vector<512x1xi32>
      %convert_element_type3A_63 = arith.sitofp %convert_element_type3A_62 : vector<512x1xi32> to vector<512x1xf32>
      %sub3A_64 = arith.constant 1.000000e+00 : f32
      %sub3A_65 = vector.broadcast %sub3A_64 : f32 to vector<512x1xf32>
      %sub3A_66 = arith.subf %sub3A_65, %convert_element_type3A_63 : vector<512x1xf32>
      %concatenate3A = tpu.concatenate %convert_element_type3A_63, %sub3A_66 in 1 : vector<512x1xf32>, vector<512x1xf32> -> vector<512x2xf32>
      %sub3A_67 = arith.subf %concatenate3A, %div3A_60 : vector<512x2xf32>
      %add3A_68 = arith.addf %sub3A_67, %div3A_60 : vector<512x2xf32>
      %swap3A_69 = arith.constant 0 : index
      %swap3A_70 = arith.constant 0 : index
      %swap3A_71 = vector.load %arg8[%swap3A_69, %swap3A_70] : memref<512x2xf32, #tpu.memory_space<vmem>>, vector<512x2xf32>
      tpu.vector_store %arg8[%swap3A_69, %swap3A_70], %add3A_68 {strides = array<i32>} : memref<512x2xf32, #tpu.memory_space<vmem>>, vector<512x2xf32>,
    } else {
    }
    %get3A = arith.constant 0 : index
    %get3A_2 = arith.constant 0 : index
    %get3A_3 = vector.load %arg6[%get3A, %get3A_2] : memref<512x1xi32, #tpu.memory_space<vmem>>, vector<512x1xi32>
    %iota3A = tpu.iota {dimensions = array<i32: 1>} : vector<1x512xi32>
    %eq3A_4 = vector.broadcast %get3A_3 : vector<512x1xi32> to vector<512x512xi32>
    %eq3A_5 = vector.broadcast %iota3A : vector<1x512xi32> to vector<512x512xi32>
    %eq3A_6 = arith.cmpi eq, %eq3A_4, %eq3A_5 : vector<512x512xi32>
    %convert_element_type3A_7 = arith.extui %eq3A_6 : vector<512x512xi1> to vector<512x512xi32>
    %convert_element_type3A_8 = arith.sitofp %convert_element_type3A_7 : vector<512x512xi32> to vector<512x512xf32>
    %get3A_9 = arith.constant 0 : index
    %get3A_10 = arith.constant 0 : index
    %get3A_11 = vector.load %arg8[%get3A_9, %get3A_10] : memref<512x2xf32, #tpu.memory_space<vmem>>, vector<512x2xf32>
    %dot_general3A = arith.constant dense<0.000000e+00> : vector<512x2xf32>
    %dot_general3A_12 = tpu.matmul %convert_element_type3A_8, %get3A_11, %dot_general3A {dimension_numbers = #tpu.dot_dimension_numbers<[1], [0], [0], [1], [0, 0, 1, 1], [], []>, transpose_lhs_hint = false} : vector<512x512xf32>, vector<512x2xf32>, vector<512x2xf32> -> vector<512x2xf32>
    %swap3A = arith.constant 0 : index
    %swap3A_13 = arith.constant 0 : index
    %swap3A_14 = vector.load %arg7[%swap3A, %swap3A_13] : memref<512x2xf32, #tpu.memory_space<vmem>>, vector<512x2xf32>
    tpu.vector_store %arg7[%swap3A, %swap3A_13], %dot_general3A_12 {strides = array<i32>} : memref<512x2xf32, #tpu.memory_space<vmem>>, vector<512x2xf32>,
    return
  }
  func.func @transform_0(%arg0: i32) -> (i32, i32) {
    %c0_i32 = arith.constant 0 : i32
    %c0_i32_0 = arith.constant 0 : i32
    %c0_i32_1 = arith.constant 0 : i32
    return %c0_i32, %c0_i32_0 : i32, i32
  }
  func.func @transform_1(%arg0: i32) -> (i32, i32) {
    %c0_i32 = arith.constant 0 : i32
    %c0_i32_0 = arith.constant 0 : i32
    %c0_i32_1 = arith.constant 0 : i32
    return %c0_i32, %c0_i32_0 : i32, i32
  }
  func.func @transform_2(%arg0: i32) -> (i32, i32) {
    %c0_i32 = arith.constant 0 : i32
    %c0_i32_0 = arith.constant 0 : i32
    %c0_i32_1 = arith.constant 0 : i32
    return %c0_i32, %c0_i32_0 : i32, i32
  }
  func.func @transform_3(%arg0: i32) -> (i32, i32) {
    %c0_i32 = arith.constant 0 : i32
    %c0_i32_0 = arith.constant 0 : i32
    %c0_i32_1 = arith.constant 0 : i32
    return %c0_i32, %c0_i32_0 : i32, i32
  }
  func.func @transform_4(%arg0: i32) -> (i32, i32) {
    %c0_i32 = arith.constant 0 : i32
    %c0_i32_0 = arith.constant 0 : i32
    %c0_i32_1 = arith.constant 0 : i32
    return %c0_i32, %c0_i32_0 : i32, i32
  }
  func.func @transform_5(%arg0: i32) -> (i32, i32) {
    %c0_i32 = arith.constant 0 : i32
    %c0_i32_0 = arith.constant 0 : i32
    return %arg0, %c0_i32 : i32, i32
  }
  func.func @transform_6(%arg0: i32) -> (i32, i32) {
    %c0_i32 = arith.constant 0 : i32
    %c0_i32_0 = arith.constant 0 : i32
    return %arg0, %c0_i32 : i32, i32
  }
}

</mosaic_0001>

<sc_bundles>
// kernel: kernel.12.cloned.1.call-start
scs
__scs_entry_jumppad:
0x0: {  	(pc) =	sbr.rel $0x88, $3  }
0x1: {  	(tag) =	ssettag $0x0;
	lr =	simm.s32 $0x1  }
0x2: {  	[smem:$0x3F96] =	sst lr;
	_ =	strace $0xD0000000  }
0x3: {  	_ = 	snop  }
0x4: {  	_ = 	snop  }
0x5: {  	_ = 	snop  }
0x6: {  	_ = 	snop  }
0x7: {  	_ = 	snop  }
__scs_overlays_trampoline_lowered:
0x8: {  	[smem:$0x3FA5] =	sst s0  }
0x9: {  	[smem:$0x3FA6] =	sst s1  }
0xa: {  	[smem:$0x3FA7] =	sst s2  }
0xb: {  	[smem:$0x3FA8] =	sst s3  }
0xc: {  	[smem:$0x3FA9] =	sst s4  }
0xd: {  	[smem:$0x3FAA] =	sst s5  }
0xe: {  	[smem:$0x3FAB] =	sst s6  }
0xf: {  	[smem:$0x3FAC] =	sst s7  }
0x10: {  	[smem:$0x3FAD] =	sst s8  }
0x11: {  	[smem:$0x3FAE] =	sst s9;
	s0 =	simm.s32 @!p0 $0x0  }
0x12: {  	s1 =	sld [smem:$0x3F94];
	s0 =	simm.s32 @p0 $0x1  }
0x13: {  	[smem:$0x3FAF] =	sst s0;
	s0 =	simm.s32 @!p1 $0x0  }
0x14: {  	s2 =	sld [smem:$0x3F93];
	s0 =	simm.s32 @p1 $0x1  }
0x15: {  	[smem:$0x3FB0] =	sst s0;
	s0 =	simm.s32 @!p2 $0x0  }
0x16: {  	s3 =	sld [smem:$0x3FDB];
	s0 =	simm.s32 @p2 $0x1  }
0x17: {  	s4 =	simm.s32 $0x1BF5;
	[smem:$0x3FB2] =	sst s0  }
0x18: {  	s0 =	sld [smem:$0x3F95];
	_ =	swait.ge [sflag:s4], $0x0  }
0x19: {  	s7 =	sld [smem:$0x3F96]  }
0x1a: {  	s8 =	sadd.s32 $0xFFFFE003, lr  }
0x1b: {  	s9 =	sadd.s32 $0xFFFFFEF7, lr;
	s5 =	simm.s32 $0xFFFFFFFF;
	p2 =	slt.u32 s8, $0xFFFFF086  }
0x1c: {  	p1 =	slt.u32 s9, $0xF7A;
	s5 =	simm.s32 @!p2 $0x0  }
0x1d: {  	s5 =	simm.s32 @p1 $0x1;
	p0 =	seq.s32 s7, s2  }
0x1e: {  	s7 =	smul.u32 @!p0 $0xF7A, s2;
	p2 =	seq.s32 @!p0 s5, $0x0  }
0x1f: {  	s9 =	smul.u32 $0xF7A, s1;
	s8 =	simm.s32 @!p0 $0x1BF5;
	p2 =	por !p2, p0  }
0x20: {  	[sflag:s8] =	ssyncset.s32 @!p0 $0xFFFFF086;
	s6 =	sadd.s32 @!p0 s3, s7;
	s7 =	simm.s32 @!p0 $0x108  }
0x21: {  	s3 =	sadd.s32 s3, s9;
	s6 =	sadd.s32 @!p0 $0x88, s6;
	s7 =	simm.s32 @p2 $0x1082  }
0x22: {  	[simem:s7], [sflag:s8] =	dma.local @!p0 [hbm:s6], $0xF7A  }
0x23: {  	s9 =	sor.u32 $0xD0000000, s2;
	s6 =	simm.s32 $0x108;
	_ =	swait.ge @!p0 [sflag:s8], $0x0  }
0x24: {  	s3 =	sadd.s32 $0x88, s3;
	s6 =	simm.s32 @!p1 $0x1082;
	[sflag:s4] =	ssyncset.s32 $0xFFFFF086  }
0x25: {  	[simem:s6], [sflag:s4] =	dma.local [hbm:s3], $0xF7A  }
0x26: {  	[smem:$0x3F96] =	sst s1;
	(tag) =	ssettag s2;
	_ =	strace s9  }
0x27: {  	s1 =	sld [smem:$0x3FA6]  }
0x28: {  	s2 =	sld [smem:$0x3FA7]  }
0x29: {  	s4 =	sld [smem:$0x3FA9]  }
0x2a: {  	p0 =	seq.s32 s5, $0x0;
	s5 =	sld [smem:$0x3FAA]  }
0x2b: {  	s6 =	sld [smem:$0x3FAB]  }
0x2c: {  	s7 =	sld [smem:$0x3FAC]  }
0x2d: {  	s3 =	simm.s32 $0x108;
	s8 =	sld [smem:$0x3FAD]  }
0x2e: {  	s3 =	simm.s32 @!p0 $0x1082;
	s9 =	sld [smem:$0x3FAE]  }
0x2f: {  	lr =	sadd.s32 s0, s3;
	s0 =	sld [smem:$0x3FA5]  }
0x30: {  	s3 =	sld [smem:$0x3FA8]  }
0x31: {  	[smem:$0x3FB1] =	sst s10  }
0x32: {  	s10 =	sld [smem:$0x3FAF];
	_ =	sdelay $0x3  }
0x33: {  	p0 =	seq.s32 s10, $0x1;
	s10 =	sld [smem:$0x3FB1];
	_ =	sdelay $0x3  }
0x34: {  	[smem:$0x3FB1] =	sst s10  }
0x35: {  	s10 =	sld [smem:$0x3FB0];
	_ =	sdelay $0x3  }
0x36: {  	p1 =	seq.s32 s10, $0x1;
	s10 =	sld [smem:$0x3FB1];
	_ =	sdelay $0x3  }
0x37: {  	[smem:$0x3FB1] =	sst s10  }
0x38: {  	s10 =	sld [smem:$0x3FB2]  }
0x39: {  	_ = 	snop;
	(pc) =	sbr.ind lr, $3  }
0x3a: {  	_ = 	snop  }
0x3b: {  	_ = 	snop  }
0x3c: {  	p2 =	seq.s32 s10, $0x1;
	s10 =	sld [smem:$0x3FB1]  }
0x3d: {  	_ =	shalt  }
0x3e: {  	_ =	shalt  }
0x3f: {  	_ =	shalt  }
0x40: {  	_ =	shalt  }
0x41: {  	_ =	shalt  }
0x42: {  	_ =	shalt  }
0x43: {  	_ =	shalt  }
0x44: {  	_ =	shalt  }
0x45: {  	_ =	shalt  }
0x46: {  	_ =	shalt  }
0x47: {  	_ =	shalt  }
0x48: {  	_ =	shalt  }
0x49: {  	_ =	shalt  }
0x4a: {  	_ =	shalt  }
0x4b: {  	_ =	shalt  }
0x4c: {  	_ =	shalt  }
0x4d: {  	_ =	shalt  }
0x4e: {  	_ =	shalt  }
0x4f: {  	_ =	shalt  }
0x50: {  	_ =	shalt  }
0x51: {  	_ =	shalt  }
0x52: {  	_ =	shalt  }
0x53: {  	_ =	shalt  }
0x54: {  	_ =	shalt  }
0x55: {  	_ =	shalt  }
0x56: {  	_ =	shalt  }
0x57: {  	_ =	shalt  }
0x58: {  	_ =	shalt  }
0x59: {  	_ =	shalt  }
0x5a: {  	_ =	shalt  }
0x5b: {  	_ =	shalt  }
0x5c: {  	_ =	shalt  }
0x5d: {  	_ =	shalt  }
0x5e: {  	_ =	shalt  }
0x5f: {  	_ =	shalt  }
0x60: {  	_ =	shalt  }
0x61: {  	_ =	shalt  }
0x62: {  	_ =	shalt  }
0x63: {  	_ =	shalt  }
0x64: {  	_ =	shalt  }
0x65: {  	_ =	shalt  }
0x66: {  	_ =	shalt  }
0x67: {  	_ =	shalt  }
0x68: {  	_ =	shalt  }
0x69: {  	_ =	shalt  }
0x6a: {  	_ =	shalt  }
0x6b: {  	_ =	shalt  }
0x6c: {  	_ =	shalt  }
0x6d: {  	_ =	shalt  }
0x6e: {  	_ =	shalt  }
0x6f: {  	_ =	shalt  }
0x70: {  	_ =	shalt  }
0x71: {  	_ =	shalt  }
0x72: {  	_ =	shalt  }
0x73: {  	_ =	shalt  }
0x74: {  	_ =	shalt  }
0x75: {  	_ =	shalt  }
0x76: {  	_ =	shalt  }
0x77: {  	_ =	shalt  }
0x78: {  	_ =	shalt  }
0x79: {  	_ =	shalt  }
0x7a: {  	_ =	shalt  }
0x7b: {  	_ =	shalt  }
0x7c: {  	_ =	shalt  }
0x7d: {  	_ =	shalt  }
0x7e: {  	_ =	shalt  }
0x7f: {  	_ =	shalt  }
0x80: {  	_ =	shalt  }
0x81: {  	_ =	shalt  }
0x82: {  	_ =	shalt  }
0x83: {  	_ =	shalt  }
0x84: {  	_ =	shalt  }
0x85: {  	_ =	shalt  }
0x86: {  	_ =	shalt  }
0x87: {  	_ =	shalt  }
.Lfunc_end0:
.L_simem_size_0:
called_computation.1_lowered:
.L_overlay_start_0:
0x88: {  	s2 =	sld [smem:$0x3FD9]  }
0x89: {  	s3 =	sld [smem:$0x3FFE];
	_ =	sdelay $0x1  }
0x8a: {  	s1 =	srdreg.scid  }
0x8b: {  	s0 =	sand.u32 $0x1, s1  }
0x8c: {  	s16 =	sshll.u32 s0, $0xA;
	s2 =	sadd.s32 s3, s2  }
0x8d: {  	s2 =	sadd.s32 s2, s16  }
0x8e: {  	[smem:$0x3FBD] =	sst s2  }
0x8f: {  	_ = 	snop  }
0x90: {  	(tm) =	ssettm $0x1  }
0x91: {  	s17 =	sld [smem:$0x3FFB];
	_ =	sdelay $0x3  }
0x92: {  	_ =	strace s17  }
0x93: {  	s2 =	sld [smem:$0x3FFC];
	_ =	sdelay $0x3  }
0x94: {  	_ =	strace s2  }
0x95: {  	s2 =	sld [smem:$0x3FFD];
	_ =	sdelay $0x3  }
0x96: {  	_ =	strace s2  }
0x97: {  	_ =	strace $0x8FFFFFFF  }
0x98: {  	s18 =	sld [smem:$0x3FDB];
	_ =	sdelay $0x1  }
0x99: {  	s19 =	simm.s32 $_scs_section_size  }
0x9a: {  	s4 =	simm.s32 $_size__tile_overlayer_lowered;
	s5 =	simm.s32 $_tile_overlayer_lowered  }
0x9b: {  	s22 =	simm.s32 $0x1BFF;
	s21 =	sshll.u32 s5, $0x1;
	s2 =	sadd.s32 s19, s18  }
0x9c: {  	s6 =	simm.s32 $0x0;
	s20 =	sshll.u32 s4, $0x1;
	s4 =	sadd.s32 s21, s2  }
0x9d: {  	[timem:s6], [sflag:s22] =	dma.local [hbm:s4], s20  }
0x9e: {  	_ =	swait.ge [sflag:s22], s20  }
0x9f: {  	s3 =	ssub.s32 $0x0, s20;
	[sflag:s22] =	ssyncset.done $0x0  }
0xa0: {  	[sflag:s22] =	ssyncadd.s32 s3;
	_ =	sdelay $0x1  }
0xa1: {  	s23 =	simm.s32 $0x1B8B  }
0xa2: {  	_ =	swait.ge [sflag:s23], $0x1  }
0xa3: {  	[sflag:s23] =	ssyncset.done $0x0  }
0xa4: {  	s25 =	simm.s32 $0x1B8E;
	s24 =	sld [smem:$0x3FFE];
	[sflag:s23] =	ssyncadd.s32 $0xFFFFFFFF  }
0xa5: {  	s26 =	simm.s32 $execute0_lowered;
	[smem:$0x3FD2] =	sst s25  }
0xa6: {  	s4 =	sshll.u32 s26, $0x1;
	_ =	strace $0x80000049;
	[dreg:$0x1] =	wrdreg $0xFFFFFFFF  }
0xa7: {  	s28 =	simm.s32 $_size_execute0_lowered;
	s2 =	sadd.s32 s2, s4;
	[dreg:$0x0] =	wrdreg $0x0  }
0xa8: {  	s4 =	sshll.u32 s28, $0x1;
	[dreg:$0x2] =	wrdreg s2  }
0xa9: {  	[dreg:$0x3] =	wrdreg s4  }
0xaa: {  	[dreg:$0x4] =	wrdreg $0xC0  }
0xab: {  	_ =	task [dreg:s6], $0x5FFFF  }
0xac: {  	[dreg:$0x1] =	wrdreg $0xFFFFFFFF  }
0xad: {  	[dreg:$0x0] =	wrdreg $0x60  }
0xae: {  	[dreg:$0x2] =	wrdreg s24  }
0xaf: {  	[dreg:$0x3] =	wrdreg $0xAA000  }
0xb0: {  	[dreg:$0x4] =	wrdreg $0x9  }
0xb1: {  	_ =	task.clear_ibuf [dreg:s6], $0x5FFFF;
	_ =	strace $0x90000049  }
0xb2: {  	s29 =	simm.s32 $0x9;
	_ =	strace $0x8000004B  }
0xb3: {  	_ =	swait.ge [sflag:s29], $0x1  }
0xb4: {  	[sflag:s29] =	ssyncadd.s32 $0xFFFFFFFF  }
0xb5: {  	_ =	strace $0x9000004B  }
0xb6: {  	_ =	sfence  }
0xb7: {  	s30 =	sld [smem:$0x0];
	_ =	sdelay $0x2  }
0xb8: {  	s31 =	sshll.u32 s1, $0xD;
	s1 =	sshrl.u32 s1, $0x2  }
0xb9: {  	s3 =	sand.u32 $0x4000, s31;
	s1 =	sadd.s32 s1, s30  }
0xba: {  	s0 =	sor.u32 s3, s0;
	s1 =	sshll.u32 s1, $0x11  }
0xbb: {  	s0 =	sor.u32 s1, s0  }
0xbc: {  	s0 =	sadd.s32 $0x8F2B, s0  }
0xbd: {  	[sflag:s0] =	ssyncadd.remote.s32 $0x1  }
0xbe: {  	_ =	sfence.sel $0xFFFF  }
0xbf: {  	[dreg:$0x0] =	wrdreg $0xFFFFFFFF;
	(pc) =	sbr.abs _section_cstart, $3  }
0xc0: {  	[dreg:$0x1] =	wrdreg $0xFFFFFFFF  }
0xc1: {  	_ =	task.clear_ibuf [dreg:s6], $0x2FFFF;
	_ =	strace $0x9FFFFFFF  }
0xc2: {  	(tm) =	ssettm $0x7FFFFFFF  }
0xc3: {  	_ =	shalt  }
tec
execute0_lowered:
.L_overlay_start_1:
0x0: {  	(tag) =	ssettag $0x1  }
0x1: {  	s1 =	srdreg.scid  }
0x2: {  	s0 =	stileid.u32;
	s6 =	rddreg [dreg:$0x0]  }
0x3: {  	s2 =	rddreg [dreg:$0x1];
	s3 =	simm.s32 $0x0;
	s13 =	simm.s32 $0x2A00  }
0x4: {  	s14 =	simm.s32 $0x3;
	s15 =	simm.s32 $0x80;
	s16 =	simm.s32 $0x2800  }
0x5: {  	s17 =	simm.s32 $0x2900;
	s18 =	simm.s32 $0x6A00;
	s19 =	simm.s32 $0x1  }
0x6: {  	s20 =	simm.s32 $0x2880;
	s21 =	simm.s32 $0x2;
	s22 =	simm.s32 $0x2980  }
0x7: {  	s5 =	sand.u32 $0x1, s1;
	s28 =	sshll.u32 s0, $0x1;
	s9 =	smul.u32 $0x14000, s0  }
0x8: {  	[smem:$0x7FF] =	sst s3;
	s10 =	smul.u32 $0x50000, s0;
	s4 =	sadd.s32 $0x48200, s6  }
0x9: {  	s1 =	sor.u32 s5, s28;
	s8 =	smul.u32 $0x140000, s5;
	s29 =	ssub.s32 $0x2, s5  }
0xa: {  	s7 =	smul.u32 $0x500, s1;
	s1 =	rddreg [dreg:$0x2];
	_ =	strace $0x8000004A  }
0xb: {  	s30 =	sshrl.u32 s10, $0x2;
	s31 =	sshrl.u32 s29, $0x1;
	s8 =	sadd.s32 s9, s8  }
0xc: {  	s5 =	sadd.s32 s30, s2;
	s9 =	ssub.s32 s29, s31;
	s7 =	sadd.s32 s7, s6  }
0xd: {  	s8 =	sshrl.u32 s8, $0x3;
	s9 =	smax.u32 s9, $0x1;
	s10 =	sadd.s32 $0x4000, s5  }
0xe: {  	s11 =	sadd.s32 $0x8000, s5;
	s12 =	sadd.s32 $0xC000, s5;
	s8 =	sadd.s32 s8, s6  }
0xf: {  	v0 =	vimm.f32 $0.0e+00;
	s6 =	sadd.s32 $0x10000, s5;
	s7 =	sadd.s32 $0x16200, s7;
	s8 =	sadd.s32 $0x70200, s8  }
.LBB2_1:
0x10: {  	s23 =	simm.s32 $0x0;
	s24 =	simm.s32 $0x200  }
.LBB2_2:
0x11: {  	p0 =	sne.s32 s24, $0xFE00;
	[tilespmem:s23+$0x2A70] =	vst v0  }
0x12: {  	[tilespmem:s23+$0x2A00] =	vst v0  }
0x13: {  	[tilespmem:s23+$0x2A10] =	vst v0  }
.Ltmp0:
0x14: {  	[tilespmem:s23+$0x2A20] =	vst v0;
	(pc) =	sbr.rel @p0 .LBB2_2-.Ltmp0, $4  }
0x15: {  	[tilespmem:s23+$0x2A30] =	vst v0  }
0x16: {  	[tilespmem:s23+$0x2A40] =	vst v0  }
0x17: {  	[tilespmem:s23+$0x2A50] =	vst v0  }
0x18: {  	[tilespmem:s23+$0x2A60] =	vst v0;
	s23 =	sshra.s32 s24, $0x2;
	s24 =	sadd.s32 $0x200, s24  }
0x19: {  	[tilespmem:s23+$0x2A70] =	vst v0  }
0x1a: {  	[tilespmem:s23+$0x2A00] =	vst v0  }
0x1b: {  	[tilespmem:s23+$0x2A10] =	vst v0  }
0x1c: {  	[tilespmem:s23+$0x2A20] =	vst v0  }
0x1d: {  	[tilespmem:s23+$0x2A30] =	vst v0  }
0x1e: {  	[tilespmem:s23+$0x2A40] =	vst v0  }
0x1f: {  	[tilespmem:s23+$0x2A50] =	vst v0  }
0x20: {  	[tilespmem:s23+$0x2A60] =	vst v0  }
0x21: {  	[spmem:s5] =	stream.linear.scatter [tilespmem:s13], [sflag:$0x3], $0x4000, $0x38;
	[tilespmem:$0x1EA00] =	vst v63  }
0x22: {  	_ =	swait.ge [sflag:s14], $0x4000  }
0x23: {  	[sflag:s14] =	ssyncset.done $0x0  }
0x24: {  	[sflag:s14] =	ssyncadd.s32 $0xFFFFC000  }
0x25: {  	[spmem:s10] =	stream.linear.scatter [tilespmem:s13], [sflag:$0x3], $0x4000, $0x38;
	[tilespmem:$0x1EA00] =	vst v63  }
0x26: {  	_ =	swait.ge [sflag:s14], $0x4000  }
0x27: {  	[sflag:s14] =	ssyncset.done $0x0  }
0x28: {  	[sflag:s14] =	ssyncadd.s32 $0xFFFFC000  }
0x29: {  	[spmem:s11] =	stream.linear.scatter [tilespmem:s13], [sflag:$0x3], $0x4000, $0x38;
	[tilespmem:$0x1EA00] =	vst v63  }
0x2a: {  	_ =	swait.ge [sflag:s14], $0x4000  }
0x2b: {  	[sflag:s14] =	ssyncset.done $0x0  }
0x2c: {  	[sflag:s14] =	ssyncadd.s32 $0xFFFFC000  }
0x2d: {  	[spmem:s12] =	stream.linear.scatter [tilespmem:s13], [sflag:$0x3], $0x4000, $0x38;
	[tilespmem:$0x1EA00] =	vst v63  }
0x2e: {  	_ =	swait.ge [sflag:s14], $0x4000  }
0x2f: {  	[sflag:s14] =	ssyncset.done $0x0  }
0x30: {  	[sflag:s14] =	ssyncadd.s32 $0xFFFFC000  }
0x31: {  	[spmem:s6] =	stream.linear.scatter [tilespmem:s13], [sflag:$0x3], $0x4000, $0x38;
	[tilespmem:$0x1EA00] =	vst v63  }
0x32: {  	_ =	swait.ge [sflag:s14], $0x4000  }
0x33: {  	[sflag:s14] =	ssyncset.done $0x0  }
0x34: {  	[sflag:s14] =	ssyncadd.s32 $0xFFFFC000  }
0x35: {  	s31 =	simm.s32 $0x0;
	[bflag:$0x0] =	sbarrier.arrive $0xFFFF  }
0x36: {  	[tilespmem:s31], [sflag:$0x3] =	stream.linear.gather [hbm4b:s7+s31], $0x2780, $0x38;
	[tilespmem:$0x1EA00] =	vst v63  }
0x37: {  	_ =	swait.ge [sflag:s14], $0x2780  }
0x38: {  	[sflag:s14] =	ssyncset.done $0x0  }
0x39: {  	[sflag:s14] =	ssyncadd.s32 $0xFFFFD880  }
0x3a: {  	v1 =	vld [tilespmem:$0x0];
	_ =	sdelay $0x1  }
0x3b: {  	v2 =	vld [tilespmem:$0x10];
	_ =	sdelay $0x1  }
0x3c: {  	v3 =	vld [tilespmem:$0x20]  }
0x3d: {  	v4 =	vand.u32 $0xFFFF, v1  }
0x3e: {  	v62 =	vld [tilespmem:$0x30];
	v1 =	vshrl.u32 v1, $0x10;
	[tilespmem:$0x2800] =	vst v4  }
0x3f: {  	[tilespmem:$0x2880] =	vst v1;
	v1 =	vand.u32 $0xFFFF, v2  }
0x40: {  	[tilespmem:$0x2810] =	vst v1;
	v1 =	vshrl.u32 v2, $0x10;
	v2 =	vld [tilespmem:$0x40]  }
0x41: {  	[tilespmem:$0x2890] =	vst v1;
	v1 =	vand.u32 $0xFFFF, v3  }
0x42: {  	[tilespmem:$0x2820] =	vst v1;
	v1 =	vshrl.u32 v3, $0x10;
	v3 =	vld [tilespmem:$0x50]  }
0x43: {  	[tilespmem:$0x28A0] =	vst v1;
	v1 =	vand.u32 $0xFFFF, v62  }
0x44: {  	v63 =	vld [tilespmem:$0x60];
	[tilespmem:$0x2830] =	vst v1;
	v1 =	vshrl.u32 v62, $0x10  }
0x45: {  	[tilespmem:$0x28B0] =	vst v1;
	v1 =	vand.u32 $0xFFFF, v2  }
0x46: {  	[tilespmem:$0x2840] =	vst v1;
	v1 =	vshrl.u32 v2, $0x10;
	v2 =	vld [tilespmem:$0x70]  }
0x47: {  	[tilespmem:$0x28C0] =	vst v1;
	v1 =	vand.u32 $0xFFFF, v3  }
0x48: {  	[tilespmem:$0x2850] =	vst v1;
	v1 =	vshrl.u32 v3, $0x10  }
0x49: {  	[tilespmem:$0x28D0] =	vst v1;
	v1 =	vand.u32 $0xFFFF, v63  }
0x4a: {  	[tilespmem:$0x2860] =	vst v1;
	v1 =	vshrl.u32 v63, $0x10  }
0x4b: {  	[tilespmem:$0x28E0] =	vst v1;
	v1 =	vand.u32 $0xFFFF, v2  }
0x4c: {  	[tilespmem:$0x2870] =	vst v1;
	v1 =	vshrl.u32 v2, $0x10  }
0x4d: {  	s23 =	simm.s32 $0x0;
	[tilespmem:$0x28F0] =	vst v1  }
0x4e: {  	[tilespmem:s13], [sflag:$0x1] =	stream.indirect.gather [hbm4b:s4+s15], $0x80, s16, s15, $0xb8;
	[tilespmem:$0x1EA00] =	vst v63  }
0x4f: {  	v1 =	vld [tilespmem:s23+$0x80];
	_ =	sdelay $0x4  }
0x50: {  	v2 =	vand.u32 $0xFFFF, v1  }
0x51: {  	v1 =	vshrl.u32 v1, $0x10;
	[tilespmem:$0x2900] =	vst v2  }
0x52: {  	[tilespmem:$0x2980] =	vst v1  }
0x53: {  	v1 =	vld [tilespmem:s23+$0x90];
	_ =	sdelay $0x4  }
0x54: {  	v2 =	vand.u32 $0xFFFF, v1  }
0x55: {  	v1 =	vshrl.u32 v1, $0x10;
	[tilespmem:$0x2910] =	vst v2  }
0x56: {  	[tilespmem:$0x2990] =	vst v1  }
0x57: {  	v1 =	vld [tilespmem:s23+$0xA0];
	_ =	sdelay $0x4  }
0x58: {  	v2 =	vand.u32 $0xFFFF, v1  }
0x59: {  	v1 =	vshrl.u32 v1, $0x10;
	[tilespmem:$0x2920] =	vst v2  }
0x5a: {  	[tilespmem:$0x29A0] =	vst v1  }
0x5b: {  	v1 =	vld [tilespmem:s23+$0xB0];
	_ =	sdelay $0x4  }
0x5c: {  	v2 =	vand.u32 $0xFFFF, v1  }
0x5d: {  	v1 =	vshrl.u32 v1, $0x10;
	[tilespmem:$0x2930] =	vst v2  }
0x5e: {  	[tilespmem:$0x29B0] =	vst v1  }
0x5f: {  	v1 =	vld [tilespmem:s23+$0xC0];
	_ =	sdelay $0x4  }
0x60: {  	v2 =	vand.u32 $0xFFFF, v1  }
0x61: {  	v1 =	vshrl.u32 v1, $0x10;
	[tilespmem:$0x2940] =	vst v2  }
0x62: {  	[tilespmem:$0x29C0] =	vst v1  }
0x63: {  	v1 =	vld [tilespmem:s23+$0xD0];
	_ =	sdelay $0x4  }
0x64: {  	v2 =	vand.u32 $0xFFFF, v1  }
0x65: {  	v1 =	vshrl.u32 v1, $0x10;
	[tilespmem:$0x2950] =	vst v2  }
0x66: {  	[tilespmem:$0x29D0] =	vst v1  }
0x67: {  	v1 =	vld [tilespmem:s23+$0xE0];
	_ =	sdelay $0x4  }
0x68: {  	v2 =	vand.u32 $0xFFFF, v1  }
0x69: {  	v1 =	vshrl.u32 v1, $0x10;
	[tilespmem:$0x2960] =	vst v2  }
0x6a: {  	[tilespmem:$0x29E0] =	vst v1  }
0x6b: {  	v1 =	vld [tilespmem:s23+$0xF0];
	_ =	sdelay $0x4  }
0x6c: {  	v2 =	vand.u32 $0xFFFF, v1  }
0x6d: {  	v1 =	vshrl.u32 v1, $0x10;
	[tilespmem:$0x2970] =	vst v2  }
0x6e: {  	[tilespmem:$0x29F0] =	vst v1  }
0x6f: {  	[tilespmem:s18], [sflag:$0x2] =	stream.indirect.gather [hbm4b:s4+s15], $0x80, s17, s15, $0xb8;
	[tilespmem:$0x1EA00] =	vst v63  }
0x70: {  	_ =	swait.ge [sflag:s19], $0x4000  }
0x71: {  	[sflag:s19] =	ssyncset.done $0x0  }
0x72: {  	[sflag:s19] =	ssyncadd.s32 $0xFFFFC000  }
0x73: {  	[spmem:s2] =	stream.indirect.scatter.add.f32 [tilespmem:s13], [sflag:$0x3], $0x80, s20, s15, $0xb8;
	[tilespmem:$0x1EA00] =	vst v63  }
0x74: {  	_ =	swait.ge [sflag:s14], $0x4000  }
0x75: {  	[sflag:s14] =	ssyncset.done $0x0  }
0x76: {  	[sflag:s14] =	ssyncadd.s32 $0xFFFFC000  }
0x77: {  	v1 =	vld [tilespmem:s23+$0x100];
	_ =	sdelay $0x4  }
0x78: {  	v2 =	vand.u32 $0xFFFF, v1  }
0x79: {  	v1 =	vshrl.u32 v1, $0x10;
	[tilespmem:$0x2800] =	vst v2  }
0x7a: {  	[tilespmem:$0x2880] =	vst v1  }
0x7b: {  	v1 =	vld [tilespmem:s23+$0x110];
	_ =	sdelay $0x4  }
0x7c: {  	v2 =	vand.u32 $0xFFFF, v1  }
0x7d: {  	v1 =	vshrl.u32 v1, $0x10;
	[tilespmem:$0x2810] =	vst v2  }
0x7e: {  	[tilespmem:$0x2890] =	vst v1  }
0x7f: {  	v1 =	vld [tilespmem:s23+$0x120];
	_ =	sdelay $0x4  }
0x80: {  	v2 =	vand.u32 $0xFFFF, v1  }
0x81: {  	v1 =	vshrl.u32 v1, $0x10;
	[tilespmem:$0x2820] =	vst v2  }
0x82: {  	[tilespmem:$0x28A0] =	vst v1  }
0x83: {  	v1 =	vld [tilespmem:s23+$0x130];
	_ =	sdelay $0x4  }
0x84: {  	v2 =	vand.u32 $0xFFFF, v1  }
0x85: {  	v1 =	vshrl.u32 v1, $0x10;
	[tilespmem:$0x2830] =	vst v2  }
0x86: {  	[tilespmem:$0x28B0] =	vst v1  }
0x87: {  	v1 =	vld [tilespmem:s23+$0x140];
	_ =	sdelay $0x4  }
0x88: {  	v2 =	vand.u32 $0xFFFF, v1  }
0x89: {  	v1 =	vshrl.u32 v1, $0x10;
	[tilespmem:$0x2840] =	vst v2  }
0x8a: {  	[tilespmem:$0x28C0] =	vst v1  }
0x8b: {  	v1 =	vld [tilespmem:s23+$0x150];
	_ =	sdelay $0x4  }
0x8c: {  	v2 =	vand.u32 $0xFFFF, v1  }
0x8d: {  	v1 =	vshrl.u32 v1, $0x10;
	[tilespmem:$0x2850] =	vst v2  }
0x8e: {  	[tilespmem:$0x28D0] =	vst v1  }
0x8f: {  	v1 =	vld [tilespmem:s23+$0x160];
	_ =	sdelay $0x4  }
0x90: {  	v2 =	vand.u32 $0xFFFF, v1  }
0x91: {  	s24 =	simm.s32 $0x400;
	v1 =	vshrl.u32 v1, $0x10;
	[tilespmem:$0x2860] =	vst v2  }
.LBB2_4:
0x92: {  	p0 =	sne.s32 s24, $0x9800;
	[tilespmem:$0x28E0] =	vst v1;
	s25 =	smov.u32 s24;
	s24 =	sadd.s32 $0x400, s24  }
0x93: {  	v1 =	vld [tilespmem:s23+$0x170];
	_ =	sdelay $0x4  }
0x94: {  	v2 =	vand.u32 $0xFFFF, v1;
	v1 =	vshrl.u32 v1, $0x10  }
0x95: {  	[tilespmem:$0x2870] =	vst v2  }
0x96: {  	[tilespmem:$0x28F0] =	vst v1  }
0x97: {  	[tilespmem:s13], [sflag:$0x1] =	stream.indirect.gather [hbm4b:s4+s15], $0x80, s16, s15, $0xb8;
	[tilespmem:$0x1EA00] =	vst v63  }
0x98: {  	_ =	swait.ge [sflag:s21], $0x4000  }
0x99: {  	[sflag:s21] =	ssyncset.done $0x0  }
0x9a: {  	[sflag:s21] =	ssyncadd.s32 $0xFFFFC000  }
0x9b: {  	[spmem:s2] =	stream.indirect.scatter.add.f32 [tilespmem:s18], [sflag:$0x3], $0x80, s22, s15, $0xb8;
	[tilespmem:$0x1EA00] =	vst v63  }
0x9c: {  	_ =	swait.ge [sflag:s14], $0x4000  }
0x9d: {  	[sflag:s14] =	ssyncset.done $0x0  }
0x9e: {  	s23 =	sshra.s32 s25, $0x2;
	[sflag:s14] =	ssyncadd.s32 $0xFFFFC000  }
0x9f: {  	v1 =	vld [tilespmem:s23+$0x80];
	_ =	sdelay $0x4  }
0xa0: {  	v2 =	vand.u32 $0xFFFF, v1;
	v1 =	vshrl.u32 v1, $0x10  }
0xa1: {  	[tilespmem:$0x2900] =	vst v2  }
0xa2: {  	[tilespmem:$0x2980] =	vst v1  }
0xa3: {  	v1 =	vld [tilespmem:s23+$0x90];
	_ =	sdelay $0x4  }
0xa4: {  	v2 =	vand.u32 $0xFFFF, v1;
	v1 =	vshrl.u32 v1, $0x10  }
0xa5: {  	[tilespmem:$0x2910] =	vst v2  }
0xa6: {  	[tilespmem:$0x2990] =	vst v1  }
0xa7: {  	v1 =	vld [tilespmem:s23+$0xA0];
	_ =	sdelay $0x4  }
0xa8: {  	v2 =	vand.u32 $0xFFFF, v1;
	v1 =	vshrl.u32 v1, $0x10  }
0xa9: {  	[tilespmem:$0x2920] =	vst v2  }
0xaa: {  	[tilespmem:$0x29A0] =	vst v1  }
0xab: {  	v1 =	vld [tilespmem:s23+$0xB0];
	_ =	sdelay $0x4  }
0xac: {  	v2 =	vand.u32 $0xFFFF, v1;
	v1 =	vshrl.u32 v1, $0x10  }
0xad: {  	[tilespmem:$0x2930] =	vst v2  }
0xae: {  	[tilespmem:$0x29B0] =	vst v1  }
0xaf: {  	v1 =	vld [tilespmem:s23+$0xC0];
	_ =	sdelay $0x4  }
0xb0: {  	v2 =	vand.u32 $0xFFFF, v1;
	v1 =	vshrl.u32 v1, $0x10  }
0xb1: {  	[tilespmem:$0x2940] =	vst v2  }
0xb2: {  	[tilespmem:$0x29C0] =	vst v1  }
0xb3: {  	v1 =	vld [tilespmem:s23+$0xD0];
	_ =	sdelay $0x4  }
0xb4: {  	v2 =	vand.u32 $0xFFFF, v1;
	v1 =	vshrl.u32 v1, $0x10  }
0xb5: {  	[tilespmem:$0x2950] =	vst v2  }
0xb6: {  	[tilespmem:$0x29D0] =	vst v1  }
0xb7: {  	v1 =	vld [tilespmem:s23+$0xE0];
	_ =	sdelay $0x4  }
0xb8: {  	v2 =	vand.u32 $0xFFFF, v1;
	v1 =	vshrl.u32 v1, $0x10  }
0xb9: {  	[tilespmem:$0x2960] =	vst v2  }
0xba: {  	[tilespmem:$0x29E0] =	vst v1  }
0xbb: {  	v1 =	vld [tilespmem:s23+$0xF0];
	_ =	sdelay $0x4  }
0xbc: {  	v2 =	vand.u32 $0xFFFF, v1;
	v1 =	vshrl.u32 v1, $0x10  }
0xbd: {  	[tilespmem:$0x2970] =	vst v2  }
0xbe: {  	[tilespmem:$0x29F0] =	vst v1  }
0xbf: {  	[tilespmem:s18], [sflag:$0x2] =	stream.indirect.gather [hbm4b:s4+s15], $0x80, s17, s15, $0xb8;
	[tilespmem:$0x1EA00] =	vst v63  }
0xc0: {  	_ =	swait.ge [sflag:s19], $0x4000  }
0xc1: {  	[sflag:s19] =	ssyncset.done $0x0  }
0xc2: {  	[sflag:s19] =	ssyncadd.s32 $0xFFFFC000  }
0xc3: {  	[spmem:s2] =	stream.indirect.scatter.add.f32 [tilespmem:s13], [sflag:$0x3], $0x80, s20, s15, $0xb8;
	[tilespmem:$0x1EA00] =	vst v63  }
0xc4: {  	_ =	swait.ge [sflag:s14], $0x4000  }
0xc5: {  	[sflag:s14] =	ssyncset.done $0x0  }
0xc6: {  	[sflag:s14] =	ssyncadd.s32 $0xFFFFC000  }
0xc7: {  	v1 =	vld [tilespmem:s23+$0x100];
	_ =	sdelay $0x4  }
0xc8: {  	v2 =	vand.u32 $0xFFFF, v1;
	v1 =	vshrl.u32 v1, $0x10  }
0xc9: {  	[tilespmem:$0x2800] =	vst v2  }
0xca: {  	[tilespmem:$0x2880] =	vst v1  }
0xcb: {  	v1 =	vld [tilespmem:s23+$0x110];
	_ =	sdelay $0x4  }
0xcc: {  	v2 =	vand.u32 $0xFFFF, v1;
	v1 =	vshrl.u32 v1, $0x10  }
0xcd: {  	[tilespmem:$0x2810] =	vst v2  }
0xce: {  	[tilespmem:$0x2890] =	vst v1  }
0xcf: {  	v1 =	vld [tilespmem:s23+$0x120];
	_ =	sdelay $0x4  }
0xd0: {  	v2 =	vand.u32 $0xFFFF, v1;
	v1 =	vshrl.u32 v1, $0x10  }
0xd1: {  	[tilespmem:$0x2820] =	vst v2  }
0xd2: {  	[tilespmem:$0x28A0] =	vst v1  }
0xd3: {  	v1 =	vld [tilespmem:s23+$0x130];
	_ =	sdelay $0x4  }
0xd4: {  	v2 =	vand.u32 $0xFFFF, v1;
	v1 =	vshrl.u32 v1, $0x10  }
0xd5: {  	[tilespmem:$0x2830] =	vst v2  }
0xd6: {  	[tilespmem:$0x28B0] =	vst v1  }
0xd7: {  	v1 =	vld [tilespmem:s23+$0x140];
	_ =	sdelay $0x4  }
0xd8: {  	v2 =	vand.u32 $0xFFFF, v1;
	v1 =	vshrl.u32 v1, $0x10  }
0xd9: {  	[tilespmem:$0x2840] =	vst v2  }
0xda: {  	[tilespmem:$0x28C0] =	vst v1  }
0xdb: {  	v1 =	vld [tilespmem:s23+$0x150];
	_ =	sdelay $0x4  }
0xdc: {  	v2 =	vand.u32 $0xFFFF, v1;
	v1 =	vshrl.u32 v1, $0x10  }
0xdd: {  	[tilespmem:$0x2850] =	vst v2  }
0xde: {  	[tilespmem:$0x28D0] =	vst v1  }
0xdf: {  	v1 =	vld [tilespmem:s23+$0x160];
	_ =	sdelay $0x1  }
.Ltmp1:
0xe0: {  	(pc) =	sbr.rel @p0 .LBB2_4-.Ltmp1, $3  }
0xe1: {  	_ =	sdelay $0x1  }
0xe2: {  	v2 =	vand.u32 $0xFFFF, v1;
	v1 =	vshrl.u32 v1, $0x10  }
0xe3: {  	[tilespmem:$0x2860] =	vst v2  }
0xe4: {  	[tilespmem:$0x28E0] =	vst v1  }
0xe5: {  	v1 =	vld [tilespmem:s23+$0x170];
	_ =	sdelay $0x4  }
0xe6: {  	v2 =	vand.u32 $0xFFFF, v1  }
0xe7: {  	v1 =	vshrl.u32 v1, $0x10;
	[tilespmem:$0x2870] =	vst v2  }
0xe8: {  	[tilespmem:$0x28F0] =	vst v1  }
0xe9: {  	[tilespmem:s13], [sflag:$0x1] =	stream.indirect.gather [hbm4b:s4+s15], $0x80, s16, s15, $0xb8;
	[tilespmem:$0x1EA00] =	vst v63  }
0xea: {  	_ =	swait.ge [sflag:s21], $0x4000  }
0xeb: {  	[sflag:s21] =	ssyncset.done $0x0  }
0xec: {  	[sflag:s21] =	ssyncadd.s32 $0xFFFFC000  }
0xed: {  	[spmem:s2] =	stream.indirect.scatter.add.f32 [tilespmem:s18], [sflag:$0x3], $0x80, s22, s15, $0xb8;
	[tilespmem:$0x1EA00] =	vst v63  }
0xee: {  	_ =	swait.ge [sflag:s14], $0x4000  }
0xef: {  	[sflag:s14] =	ssyncset.done $0x0  }
0xf0: {  	[sflag:s14] =	ssyncadd.s32 $0xFFFFC000  }
0xf1: {  	_ =	swait.ge [sflag:s19], $0x4000  }
0xf2: {  	[sflag:s19] =	ssyncset.done $0x0  }
0xf3: {  	[sflag:s19] =	ssyncadd.s32 $0xFFFFC000  }
0xf4: {  	[spmem:s2] =	stream.indirect.scatter.add.f32 [tilespmem:s13], [sflag:$0x3], $0x80, s20, s15, $0xb8;
	[tilespmem:$0x1EA00] =	vst v63  }
0xf5: {  	_ =	swait.ge [sflag:s14], $0x4000  }
0xf6: {  	s31 =	sshll.u32 s0, $0x6;
	s3 =	sadd.s32 $0x1, s3;
	[sflag:s14] =	ssyncset.done $0x0  }
0xf7: {  	s24 =	sshrl.u32 s5, $0x3;
	p0 =	sne.s32 s3, s9;
	[sflag:s14] =	ssyncadd.s32 $0xFFFFC000  }
.Ltmp2:
0xf8: {  	s23 =	sor.u32 $0x1C03, s31;
	[bflag:$0x0] =	sbarrier.arrive $0xFFFF;
	(pc) =	sbr.rel @p0 .LBB2_1-.Ltmp2, $4  }
0xf9: {  	[hbm:s8], [sflag:s23] =	dma.local [spmem:s24], $0x2800  }
0xfa: {  	_ =	swait.ge [sflag:s14], $0x2800  }
0xfb: {  	[sflag:s14] =	ssyncset.done $0x0  }
0xfc: {  	[sflag:s14] =	ssyncadd.s32 $0xFFFFD800  }
0xfd: {  	_ =	sfence.sel $0x180000  }
0xfe: {  	[bflag:$0x0] =	sbarrier.arrive $0xFFFF  }
0xff: {  	p0 =	sne.s32 s0, $0x0;
	_ =	strace $0x9000004A  }
0x100: {  	s0 =	sadd.s32 @!p0 $0x100000, s1;
	[bflag:$0x2] =	sbarrier.arrive $0xFFFF  }
0x101: {  	[sflag:s0] =	ssyncadd.tile.s32 @!p0 $0x1;
	_ =	shalt  }
.Lfunc_end2:
_tile_overlayer_lowered:
.L_overlay_start_2:
0x102: {  	(tag) =	ssettag $0x2  }
0x103: {  	s0 =	rddreg [dreg:$0x0];
	s2 =	stileid.u32  }
0x104: {  	s1 =	rddreg [dreg:$0x1];
	p0 =	sne.s32 s2, $0x0  }
0x105: {  	s3 =	rddreg [dreg:$0x2];
	[bflag:$0x3] =	sbarrier.arrive $0xFFFF;
	s2 =	simm.s32 @!p0 $0x1C03  }
0x106: {  	[timem:s3], [sflag:s2] =	dma.local @!p0 [hbm:s0], s1  }
0x107: {  	s0 =	simm.s32 @!p0 $0x3  }
0x108: {  	_ =	swait.ge @!p0 [sflag:s0], s1  }
0x109: {  	s1 =	ssub.s32 @!p0 $0x0, s1;
	[sflag:s0] =	ssyncset.done @!p0 $0x0  }
0x10a: {  	[sflag:s0] =	ssyncadd.s32 @!p0 s1  }
0x10b: {  	[bflag:$0x3] =	sbarrier.arrive $0xFFFF  }
0x10c: {  	_ =	shalt  }

// kernel: kernel.15.cloned.1.call-start
scs
__scs_entry_jumppad:
0x0: {  	(pc) =	sbr.rel $0x88, $3  }
0x1: {  	(tag) =	ssettag $0x0;
	lr =	simm.s32 $0x1  }
0x2: {  	[smem:$0x3F96] =	sst lr;
	_ =	strace $0xD0000000  }
0x3: {  	_ = 	snop  }
0x4: {  	_ = 	snop  }
0x5: {  	_ = 	snop  }
0x6: {  	_ = 	snop  }
0x7: {  	_ = 	snop  }
__scs_overlays_trampoline_lowered:
0x8: {  	[smem:$0x3FA5] =	sst s0  }
0x9: {  	[smem:$0x3FA6] =	sst s1  }
0xa: {  	[smem:$0x3FA7] =	sst s2  }
0xb: {  	[smem:$0x3FA8] =	sst s3  }
0xc: {  	[smem:$0x3FA9] =	sst s4  }
0xd: {  	[smem:$0x3FAA] =	sst s5  }
0xe: {  	[smem:$0x3FAB] =	sst s6  }
0xf: {  	[smem:$0x3FAC] =	sst s7  }
0x10: {  	[smem:$0x3FAD] =	sst s8  }
0x11: {  	[smem:$0x3FAE] =	sst s9;
	s0 =	simm.s32 @!p0 $0x0  }
0x12: {  	s1 =	sld [smem:$0x3F94];
	s0 =	simm.s32 @p0 $0x1  }
0x13: {  	[smem:$0x3FAF] =	sst s0;
	s0 =	simm.s32 @!p1 $0x0  }
0x14: {  	s2 =	sld [smem:$0x3F93];
	s0 =	simm.s32 @p1 $0x1  }
0x15: {  	[smem:$0x3FB0] =	sst s0;
	s0 =	simm.s32 @!p2 $0x0  }
0x16: {  	s3 =	sld [smem:$0x3FDB];
	s0 =	simm.s32 @p2 $0x1  }
0x17: {  	s4 =	simm.s32 $0x1BF5;
	[smem:$0x3FB2] =	sst s0  }
0x18: {  	s0 =	sld [smem:$0x3F95];
	_ =	swait.ge [sflag:s4], $0x0  }
0x19: {  	s7 =	sld [smem:$0x3F96]  }
0x1a: {  	s8 =	sadd.s32 $0xFFFFE003, lr  }
0x1b: {  	s9 =	sadd.s32 $0xFFFFFEF7, lr;
	s5 =	simm.s32 $0xFFFFFFFF;
	p2 =	slt.u32 s8, $0xFFFFF086  }
0x1c: {  	p1 =	slt.u32 s9, $0xF7A;
	s5 =	simm.s32 @!p2 $0x0  }
0x1d: {  	s5 =	simm.s32 @p1 $0x1;
	p0 =	seq.s32 s7, s2  }
0x1e: {  	s7 =	smul.u32 @!p0 $0xF7A, s2;
	p2 =	seq.s32 @!p0 s5, $0x0  }
0x1f: {  	s9 =	smul.u32 $0xF7A, s1;
	s8 =	simm.s32 @!p0 $0x1BF5;
	p2 =	por !p2, p0  }
0x20: {  	[sflag:s8] =	ssyncset.s32 @!p0 $0xFFFFF086;
	s6 =	sadd.s32 @!p0 s3, s7;
	s7 =	simm.s32 @!p0 $0x108  }
0x21: {  	s3 =	sadd.s32 s3, s9;
	s6 =	sadd.s32 @!p0 $0x88, s6;
	s7 =	simm.s32 @p2 $0x1082  }
0x22: {  	[simem:s7], [sflag:s8] =	dma.local @!p0 [hbm:s6], $0xF7A  }
0x23: {  	s9 =	sor.u32 $0xD0000000, s2;
	s6 =	simm.s32 $0x108;
	_ =	swait.ge @!p0 [sflag:s8], $0x0  }
0x24: {  	s3 =	sadd.s32 $0x88, s3;
	s6 =	simm.s32 @!p1 $0x1082;
	[sflag:s4] =	ssyncset.s32 $0xFFFFF086  }
0x25: {  	[simem:s6], [sflag:s4] =	dma.local [hbm:s3], $0xF7A  }
0x26: {  	[smem:$0x3F96] =	sst s1;
	(tag) =	ssettag s2;
	_ =	strace s9  }
0x27: {  	s1 =	sld [smem:$0x3FA6]  }
0x28: {  	s2 =	sld [smem:$0x3FA7]  }
0x29: {  	s4 =	sld [smem:$0x3FA9]  }
0x2a: {  	p0 =	seq.s32 s5, $0x0;
	s5 =	sld [smem:$0x3FAA]  }
0x2b: {  	s6 =	sld [smem:$0x3FAB]  }
0x2c: {  	s7 =	sld [smem:$0x3FAC]  }
0x2d: {  	s3 =	simm.s32 $0x108;
	s8 =	sld [smem:$0x3FAD]  }
0x2e: {  	s3 =	simm.s32 @!p0 $0x1082;
	s9 =	sld [smem:$0x3FAE]  }
0x2f: {  	lr =	sadd.s32 s0, s3;
	s0 =	sld [smem:$0x3FA5]  }
0x30: {  	s3 =	sld [smem:$0x3FA8]  }
0x31: {  	[smem:$0x3FB1] =	sst s10  }
0x32: {  	s10 =	sld [smem:$0x3FAF];
	_ =	sdelay $0x3  }
0x33: {  	p0 =	seq.s32 s10, $0x1;
	s10 =	sld [smem:$0x3FB1];
	_ =	sdelay $0x3  }
0x34: {  	[smem:$0x3FB1] =	sst s10  }
0x35: {  	s10 =	sld [smem:$0x3FB0];
	_ =	sdelay $0x3  }
0x36: {  	p1 =	seq.s32 s10, $0x1;
	s10 =	sld [smem:$0x3FB1];
	_ =	sdelay $0x3  }
0x37: {  	[smem:$0x3FB1] =	sst s10  }
0x38: {  	s10 =	sld [smem:$0x3FB2]  }
0x39: {  	_ = 	snop;
	(pc) =	sbr.ind lr, $3  }
0x3a: {  	_ = 	snop  }
0x3b: {  	_ = 	snop  }
0x3c: {  	p2 =	seq.s32 s10, $0x1;
	s10 =	sld [smem:$0x3FB1]  }
0x3d: {  	_ =	shalt  }
0x3e: {  	_ =	shalt  }
0x3f: {  	_ =	shalt  }
0x40: {  	_ =	shalt  }
0x41: {  	_ =	shalt  }
0x42: {  	_ =	shalt  }
0x43: {  	_ =	shalt  }
0x44: {  	_ =	shalt  }
0x45: {  	_ =	shalt  }
0x46: {  	_ =	shalt  }
0x47: {  	_ =	shalt  }
0x48: {  	_ =	shalt  }
0x49: {  	_ =	shalt  }
0x4a: {  	_ =	shalt  }
0x4b: {  	_ =	shalt  }
0x4c: {  	_ =	shalt  }
0x4d: {  	_ =	shalt  }
0x4e: {  	_ =	shalt  }
0x4f: {  	_ =	shalt  }
0x50: {  	_ =	shalt  }
0x51: {  	_ =	shalt  }
0x52: {  	_ =	shalt  }
0x53: {  	_ =	shalt  }
0x54: {  	_ =	shalt  }
0x55: {  	_ =	shalt  }
0x56: {  	_ =	shalt  }
0x57: {  	_ =	shalt  }
0x58: {  	_ =	shalt  }
0x59: {  	_ =	shalt  }
0x5a: {  	_ =	shalt  }
0x5b: {  	_ =	shalt  }
0x5c: {  	_ =	shalt  }
0x5d: {  	_ =	shalt  }
0x5e: {  	_ =	shalt  }
0x5f: {  	_ =	shalt  }
0x60: {  	_ =	shalt  }
0x61: {  	_ =	shalt  }
0x62: {  	_ =	shalt  }
0x63: {  	_ =	shalt  }
0x64: {  	_ =	shalt  }
0x65: {  	_ =	shalt  }
0x66: {  	_ =	shalt  }
0x67: {  	_ =	shalt  }
0x68: {  	_ =	shalt  }
0x69: {  	_ =	shalt  }
0x6a: {  	_ =	shalt  }
0x6b: {  	_ =	shalt  }
0x6c: {  	_ =	shalt  }
0x6d: {  	_ =	shalt  }
0x6e: {  	_ =	shalt  }
0x6f: {  	_ =	shalt  }
0x70: {  	_ =	shalt  }
0x71: {  	_ =	shalt  }
0x72: {  	_ =	shalt  }
0x73: {  	_ =	shalt  }
0x74: {  	_ =	shalt  }
0x75: {  	_ =	shalt  }
0x76: {  	_ =	shalt  }
0x77: {  	_ =	shalt  }
0x78: {  	_ =	shalt  }
0x79: {  	_ =	shalt  }
0x7a: {  	_ =	shalt  }
0x7b: {  	_ =	shalt  }
0x7c: {  	_ =	shalt  }
0x7d: {  	_ =	shalt  }
0x7e: {  	_ =	shalt  }
0x7f: {  	_ =	shalt  }
0x80: {  	_ =	shalt  }
0x81: {  	_ =	shalt  }
0x82: {  	_ =	shalt  }
0x83: {  	_ =	shalt  }
0x84: {  	_ =	shalt  }
0x85: {  	_ =	shalt  }
0x86: {  	_ =	shalt  }
0x87: {  	_ =	shalt  }
.Lfunc_end0:
.L_simem_size_0:
called_computation.2_lowered:
.L_overlay_start_0:
0x88: {  	s2 =	sld [smem:$0x3FD9]  }
0x89: {  	s3 =	sld [smem:$0x3FFE];
	_ =	sdelay $0x1  }
0x8a: {  	s1 =	srdreg.scid  }
0x8b: {  	s0 =	sand.u32 $0x1, s1  }
0x8c: {  	s16 =	sshll.u32 s0, $0xA;
	s2 =	sadd.s32 s3, s2  }
0x8d: {  	s2 =	sadd.s32 s2, s16  }
0x8e: {  	[smem:$0x3FBD] =	sst s2  }
0x8f: {  	_ = 	snop  }
0x90: {  	(tm) =	ssettm $0x1  }
0x91: {  	s17 =	sld [smem:$0x3FFB];
	_ =	sdelay $0x3  }
0x92: {  	_ =	strace s17  }
0x93: {  	s2 =	sld [smem:$0x3FFC];
	_ =	sdelay $0x3  }
0x94: {  	_ =	strace s2  }
0x95: {  	s2 =	sld [smem:$0x3FFD];
	_ =	sdelay $0x3  }
0x96: {  	_ =	strace s2  }
0x97: {  	_ =	strace $0x8FFFFFFF  }
0x98: {  	s18 =	sld [smem:$0x3FDB];
	_ =	sdelay $0x1  }
0x99: {  	s19 =	simm.s32 $_scs_section_size  }
0x9a: {  	s4 =	simm.s32 $_size__tile_overlayer_lowered;
	s5 =	simm.s32 $_tile_overlayer_lowered  }
0x9b: {  	s22 =	simm.s32 $0x1BFF;
	s21 =	sshll.u32 s5, $0x1;
	s2 =	sadd.s32 s19, s18  }
0x9c: {  	s6 =	simm.s32 $0x0;
	s20 =	sshll.u32 s4, $0x1;
	s4 =	sadd.s32 s21, s2  }
0x9d: {  	[timem:s6], [sflag:s22] =	dma.local [hbm:s4], s20  }
0x9e: {  	_ =	swait.ge [sflag:s22], s20  }
0x9f: {  	s3 =	ssub.s32 $0x0, s20;
	[sflag:s22] =	ssyncset.done $0x0  }
0xa0: {  	[sflag:s22] =	ssyncadd.s32 s3;
	_ =	sdelay $0x1  }
0xa1: {  	s23 =	simm.s32 $0x1B8B  }
0xa2: {  	_ =	swait.ge [sflag:s23], $0x1  }
0xa3: {  	[sflag:s23] =	ssyncset.done $0x0  }
0xa4: {  	s25 =	simm.s32 $0x1B8E;
	s24 =	sld [smem:$0x3FFE];
	[sflag:s23] =	ssyncadd.s32 $0xFFFFFFFF  }
0xa5: {  	s26 =	simm.s32 $execute0_lowered;
	[smem:$0x3FD2] =	sst s25  }
0xa6: {  	s4 =	sshll.u32 s26, $0x1;
	_ =	strace $0x8000004C;
	[dreg:$0x1] =	wrdreg $0xFFFFFFFF  }
0xa7: {  	s28 =	simm.s32 $_size_execute0_lowered;
	s2 =	sadd.s32 s2, s4;
	[dreg:$0x0] =	wrdreg $0x0  }
0xa8: {  	s4 =	sshll.u32 s28, $0x1;
	[dreg:$0x2] =	wrdreg s2  }
0xa9: {  	[dreg:$0x3] =	wrdreg s4  }
0xaa: {  	[dreg:$0x4] =	wrdreg $0xC0  }
0xab: {  	_ =	task [dreg:s6], $0x5FFFF  }
0xac: {  	[dreg:$0x1] =	wrdreg $0xFFFFFFFF  }
0xad: {  	[dreg:$0x0] =	wrdreg $0x60  }
0xae: {  	[dreg:$0x2] =	wrdreg s24  }
0xaf: {  	[dreg:$0x3] =	wrdreg $0xAA000  }
0xb0: {  	[dreg:$0x4] =	wrdreg $0x9  }
0xb1: {  	_ =	task.clear_ibuf [dreg:s6], $0x5FFFF;
	_ =	strace $0x9000004C  }
0xb2: {  	s29 =	simm.s32 $0x9;
	_ =	strace $0x8000004E  }
0xb3: {  	_ =	swait.ge [sflag:s29], $0x1  }
0xb4: {  	[sflag:s29] =	ssyncadd.s32 $0xFFFFFFFF  }
0xb5: {  	_ =	strace $0x9000004E  }
0xb6: {  	_ =	sfence  }
0xb7: {  	s30 =	sld [smem:$0x0];
	_ =	sdelay $0x2  }
0xb8: {  	s31 =	sshll.u32 s1, $0xD;
	s1 =	sshrl.u32 s1, $0x2  }
0xb9: {  	s3 =	sand.u32 $0x4000, s31;
	s1 =	sadd.s32 s1, s30  }
0xba: {  	s0 =	sor.u32 s3, s0;
	s1 =	sshll.u32 s1, $0x11  }
0xbb: {  	s0 =	sor.u32 s1, s0  }
0xbc: {  	s0 =	sadd.s32 $0x8F2B, s0  }
0xbd: {  	[sflag:s0] =	ssyncadd.remote.s32 $0x1  }
0xbe: {  	_ =	sfence.sel $0xFFFF  }
0xbf: {  	[dreg:$0x0] =	wrdreg $0xFFFFFFFF;
	(pc) =	sbr.abs _section_cstart, $3  }
0xc0: {  	[dreg:$0x1] =	wrdreg $0xFFFFFFFF  }
0xc1: {  	_ =	task.clear_ibuf [dreg:s6], $0x2FFFF;
	_ =	strace $0x9FFFFFFF  }
0xc2: {  	(tm) =	ssettm $0x7FFFFFFF  }
0xc3: {  	_ =	shalt  }
tec
execute0_lowered:
.L_overlay_start_1:
0x0: {  	(tag) =	ssettag $0x1  }
0x1: {  	s1 =	srdreg.scid  }
0x2: {  	s0 =	stileid.u32;
	s6 =	rddreg [dreg:$0x0]  }
0x3: {  	s2 =	rddreg [dreg:$0x1];
	s3 =	simm.s32 $0x0;
	s13 =	simm.s32 $0x2A00  }
0x4: {  	s14 =	simm.s32 $0x3;
	s15 =	simm.s32 $0x80;
	s16 =	simm.s32 $0x2800  }
0x5: {  	s17 =	simm.s32 $0x2900;
	s18 =	simm.s32 $0x6A00;
	s19 =	simm.s32 $0x1  }
0x6: {  	s20 =	simm.s32 $0x2880;
	s21 =	simm.s32 $0x2;
	s22 =	simm.s32 $0x2980  }
0x7: {  	s5 =	sand.u32 $0x1, s1;
	s28 =	sshll.u32 s0, $0x1;
	s9 =	smul.u32 $0x14000, s0  }
0x8: {  	[smem:$0x7FF] =	sst s3;
	s10 =	smul.u32 $0x50000, s0;
	s4 =	sadd.s32 $0x20200, s6  }
0x9: {  	s1 =	sor.u32 s5, s28;
	s8 =	smul.u32 $0x140000, s5;
	s29 =	ssub.s32 $0x2, s5  }
0xa: {  	s7 =	smul.u32 $0x500, s1;
	s1 =	rddreg [dreg:$0x2];
	_ =	strace $0x8000004D  }
0xb: {  	s30 =	sshrl.u32 s10, $0x2;
	s31 =	sshrl.u32 s29, $0x1;
	s8 =	sadd.s32 s9, s8  }
0xc: {  	s5 =	sadd.s32 s30, s2;
	s9 =	ssub.s32 s29, s31;
	s7 =	sadd.s32 s7, s6  }
0xd: {  	s8 =	sshrl.u32 s8, $0x3;
	s9 =	smax.u32 s9, $0x1;
	s10 =	sadd.s32 $0x4000, s5  }
0xe: {  	s11 =	sadd.s32 $0x8000, s5;
	s12 =	sadd.s32 $0xC000, s5;
	s8 =	sadd.s32 s8, s6  }
0xf: {  	v0 =	vimm.f32 $0.0e+00;
	s6 =	sadd.s32 $0x10000, s5;
	s7 =	sadd.s32 $0x16200, s7;
	s8 =	sadd.s32 $0x48200, s8  }
.LBB2_1:
0x10: {  	s23 =	simm.s32 $0x0;
	s24 =	simm.s32 $0x200  }
.LBB2_2:
0x11: {  	p0 =	sne.s32 s24, $0xFE00;
	[tilespmem:s23+$0x2A70] =	vst v0  }
0x12: {  	[tilespmem:s23+$0x2A00] =	vst v0  }
0x13: {  	[tilespmem:s23+$0x2A10] =	vst v0  }
.Ltmp0:
0x14: {  	[tilespmem:s23+$0x2A20] =	vst v0;
	(pc) =	sbr.rel @p0 .LBB2_2-.Ltmp0, $4  }
0x15: {  	[tilespmem:s23+$0x2A30] =	vst v0  }
0x16: {  	[tilespmem:s23+$0x2A40] =	vst v0  }
0x17: {  	[tilespmem:s23+$0x2A50] =	vst v0  }
0x18: {  	[tilespmem:s23+$0x2A60] =	vst v0;
	s23 =	sshra.s32 s24, $0x2;
	s24 =	sadd.s32 $0x200, s24  }
0x19: {  	[tilespmem:s23+$0x2A70] =	vst v0  }
0x1a: {  	[tilespmem:s23+$0x2A00] =	vst v0  }
0x1b: {  	[tilespmem:s23+$0x2A10] =	vst v0  }
0x1c: {  	[tilespmem:s23+$0x2A20] =	vst v0  }
0x1d: {  	[tilespmem:s23+$0x2A30] =	vst v0  }
0x1e: {  	[tilespmem:s23+$0x2A40] =	vst v0  }
0x1f: {  	[tilespmem:s23+$0x2A50] =	vst v0  }
0x20: {  	[tilespmem:s23+$0x2A60] =	vst v0  }
0x21: {  	[spmem:s5] =	stream.linear.scatter [tilespmem:s13], [sflag:$0x3], $0x4000, $0x38;
	[tilespmem:$0x1EA00] =	vst v63  }
0x22: {  	_ =	swait.ge [sflag:s14], $0x4000  }
0x23: {  	[sflag:s14] =	ssyncset.done $0x0  }
0x24: {  	[sflag:s14] =	ssyncadd.s32 $0xFFFFC000  }
0x25: {  	[spmem:s10] =	stream.linear.scatter [tilespmem:s13], [sflag:$0x3], $0x4000, $0x38;
	[tilespmem:$0x1EA00] =	vst v63  }
0x26: {  	_ =	swait.ge [sflag:s14], $0x4000  }
0x27: {  	[sflag:s14] =	ssyncset.done $0x0  }
0x28: {  	[sflag:s14] =	ssyncadd.s32 $0xFFFFC000  }
0x29: {  	[spmem:s11] =	stream.linear.scatter [tilespmem:s13], [sflag:$0x3], $0x4000, $0x38;
	[tilespmem:$0x1EA00] =	vst v63  }
0x2a: {  	_ =	swait.ge [sflag:s14], $0x4000  }
0x2b: {  	[sflag:s14] =	ssyncset.done $0x0  }
0x2c: {  	[sflag:s14] =	ssyncadd.s32 $0xFFFFC000  }
0x2d: {  	[spmem:s12] =	stream.linear.scatter [tilespmem:s13], [sflag:$0x3], $0x4000, $0x38;
	[tilespmem:$0x1EA00] =	vst v63  }
0x2e: {  	_ =	swait.ge [sflag:s14], $0x4000  }
0x2f: {  	[sflag:s14] =	ssyncset.done $0x0  }
0x30: {  	[sflag:s14] =	ssyncadd.s32 $0xFFFFC000  }
0x31: {  	[spmem:s6] =	stream.linear.scatter [tilespmem:s13], [sflag:$0x3], $0x4000, $0x38;
	[tilespmem:$0x1EA00] =	vst v63  }
0x32: {  	_ =	swait.ge [sflag:s14], $0x4000  }
0x33: {  	[sflag:s14] =	ssyncset.done $0x0  }
0x34: {  	[sflag:s14] =	ssyncadd.s32 $0xFFFFC000  }
0x35: {  	s31 =	simm.s32 $0x0;
	[bflag:$0x0] =	sbarrier.arrive $0xFFFF  }
0x36: {  	[tilespmem:s31], [sflag:$0x3] =	stream.linear.gather [hbm4b:s7+s31], $0x2780, $0x38;
	[tilespmem:$0x1EA00] =	vst v63  }
0x37: {  	_ =	swait.ge [sflag:s14], $0x2780  }
0x38: {  	[sflag:s14] =	ssyncset.done $0x0  }
0x39: {  	[sflag:s14] =	ssyncadd.s32 $0xFFFFD880  }
0x3a: {  	v1 =	vld [tilespmem:$0x0];
	_ =	sdelay $0x1  }
0x3b: {  	v2 =	vld [tilespmem:$0x10];
	_ =	sdelay $0x1  }
0x3c: {  	v3 =	vld [tilespmem:$0x20]  }
0x3d: {  	v4 =	vand.u32 $0xFFFF, v1  }
0x3e: {  	v62 =	vld [tilespmem:$0x30];
	v1 =	vshrl.u32 v1, $0x10;
	[tilespmem:$0x2800] =	vst v4  }
0x3f: {  	[tilespmem:$0x2880] =	vst v1;
	v1 =	vand.u32 $0xFFFF, v2  }
0x40: {  	[tilespmem:$0x2810] =	vst v1;
	v1 =	vshrl.u32 v2, $0x10;
	v2 =	vld [tilespmem:$0x40]  }
0x41: {  	[tilespmem:$0x2890] =	vst v1;
	v1 =	vand.u32 $0xFFFF, v3  }
0x42: {  	[tilespmem:$0x2820] =	vst v1;
	v1 =	vshrl.u32 v3, $0x10;
	v3 =	vld [tilespmem:$0x50]  }
0x43: {  	[tilespmem:$0x28A0] =	vst v1;
	v1 =	vand.u32 $0xFFFF, v62  }
0x44: {  	v63 =	vld [tilespmem:$0x60];
	[tilespmem:$0x2830] =	vst v1;
	v1 =	vshrl.u32 v62, $0x10  }
0x45: {  	[tilespmem:$0x28B0] =	vst v1;
	v1 =	vand.u32 $0xFFFF, v2  }
0x46: {  	[tilespmem:$0x2840] =	vst v1;
	v1 =	vshrl.u32 v2, $0x10;
	v2 =	vld [tilespmem:$0x70]  }
0x47: {  	[tilespmem:$0x28C0] =	vst v1;
	v1 =	vand.u32 $0xFFFF, v3  }
0x48: {  	[tilespmem:$0x2850] =	vst v1;
	v1 =	vshrl.u32 v3, $0x10  }
0x49: {  	[tilespmem:$0x28D0] =	vst v1;
	v1 =	vand.u32 $0xFFFF, v63  }
0x4a: {  	[tilespmem:$0x2860] =	vst v1;
	v1 =	vshrl.u32 v63, $0x10  }
0x4b: {  	[tilespmem:$0x28E0] =	vst v1;
	v1 =	vand.u32 $0xFFFF, v2  }
0x4c: {  	[tilespmem:$0x2870] =	vst v1;
	v1 =	vshrl.u32 v2, $0x10  }
0x4d: {  	s23 =	simm.s32 $0x0;
	[tilespmem:$0x28F0] =	vst v1  }
0x4e: {  	[tilespmem:s13], [sflag:$0x1] =	stream.indirect.gather [hbm4b:s4+s15], $0x80, s16, s15, $0xb8;
	[tilespmem:$0x1EA00] =	vst v63  }
0x4f: {  	v1 =	vld [tilespmem:s23+$0x80];
	_ =	sdelay $0x4  }
0x50: {  	v2 =	vand.u32 $0xFFFF, v1  }
0x51: {  	v1 =	vshrl.u32 v1, $0x10;
	[tilespmem:$0x2900] =	vst v2  }
0x52: {  	[tilespmem:$0x2980] =	vst v1  }
0x53: {  	v1 =	vld [tilespmem:s23+$0x90];
	_ =	sdelay $0x4  }
0x54: {  	v2 =	vand.u32 $0xFFFF, v1  }
0x55: {  	v1 =	vshrl.u32 v1, $0x10;
	[tilespmem:$0x2910] =	vst v2  }
0x56: {  	[tilespmem:$0x2990] =	vst v1  }
0x57: {  	v1 =	vld [tilespmem:s23+$0xA0];
	_ =	sdelay $0x4  }
0x58: {  	v2 =	vand.u32 $0xFFFF, v1  }
0x59: {  	v1 =	vshrl.u32 v1, $0x10;
	[tilespmem:$0x2920] =	vst v2  }
0x5a: {  	[tilespmem:$0x29A0] =	vst v1  }
0x5b: {  	v1 =	vld [tilespmem:s23+$0xB0];
	_ =	sdelay $0x4  }
0x5c: {  	v2 =	vand.u32 $0xFFFF, v1  }
0x5d: {  	v1 =	vshrl.u32 v1, $0x10;
	[tilespmem:$0x2930] =	vst v2  }
0x5e: {  	[tilespmem:$0x29B0] =	vst v1  }
0x5f: {  	v1 =	vld [tilespmem:s23+$0xC0];
	_ =	sdelay $0x4  }
0x60: {  	v2 =	vand.u32 $0xFFFF, v1  }
0x61: {  	v1 =	vshrl.u32 v1, $0x10;
	[tilespmem:$0x2940] =	vst v2  }
0x62: {  	[tilespmem:$0x29C0] =	vst v1  }
0x63: {  	v1 =	vld [tilespmem:s23+$0xD0];
	_ =	sdelay $0x4  }
0x64: {  	v2 =	vand.u32 $0xFFFF, v1  }
0x65: {  	v1 =	vshrl.u32 v1, $0x10;
	[tilespmem:$0x2950] =	vst v2  }
0x66: {  	[tilespmem:$0x29D0] =	vst v1  }
0x67: {  	v1 =	vld [tilespmem:s23+$0xE0];
	_ =	sdelay $0x4  }
0x68: {  	v2 =	vand.u32 $0xFFFF, v1  }
0x69: {  	v1 =	vshrl.u32 v1, $0x10;
	[tilespmem:$0x2960] =	vst v2  }
0x6a: {  	[tilespmem:$0x29E0] =	vst v1  }
0x6b: {  	v1 =	vld [tilespmem:s23+$0xF0];
	_ =	sdelay $0x4  }
0x6c: {  	v2 =	vand.u32 $0xFFFF, v1  }
0x6d: {  	v1 =	vshrl.u32 v1, $0x10;
	[tilespmem:$0x2970] =	vst v2  }
0x6e: {  	[tilespmem:$0x29F0] =	vst v1  }
0x6f: {  	[tilespmem:s18], [sflag:$0x2] =	stream.indirect.gather [hbm4b:s4+s15], $0x80, s17, s15, $0xb8;
	[tilespmem:$0x1EA00] =	vst v63  }
0x70: {  	_ =	swait.ge [sflag:s19], $0x4000  }
0x71: {  	[sflag:s19] =	ssyncset.done $0x0  }
0x72: {  	[sflag:s19] =	ssyncadd.s32 $0xFFFFC000  }
0x73: {  	[spmem:s2] =	stream.indirect.scatter.add.f32 [tilespmem:s13], [sflag:$0x3], $0x80, s20, s15, $0xb8;
	[tilespmem:$0x1EA00] =	vst v63  }
0x74: {  	_ =	swait.ge [sflag:s14], $0x4000  }
0x75: {  	[sflag:s14] =	ssyncset.done $0x0  }
0x76: {  	[sflag:s14] =	ssyncadd.s32 $0xFFFFC000  }
0x77: {  	v1 =	vld [tilespmem:s23+$0x100];
	_ =	sdelay $0x4  }
0x78: {  	v2 =	vand.u32 $0xFFFF, v1  }
0x79: {  	v1 =	vshrl.u32 v1, $0x10;
	[tilespmem:$0x2800] =	vst v2  }
0x7a: {  	[tilespmem:$0x2880] =	vst v1  }
0x7b: {  	v1 =	vld [tilespmem:s23+$0x110];
	_ =	sdelay $0x4  }
0x7c: {  	v2 =	vand.u32 $0xFFFF, v1  }
0x7d: {  	v1 =	vshrl.u32 v1, $0x10;
	[tilespmem:$0x2810] =	vst v2  }
0x7e: {  	[tilespmem:$0x2890] =	vst v1  }
0x7f: {  	v1 =	vld [tilespmem:s23+$0x120];
	_ =	sdelay $0x4  }
0x80: {  	v2 =	vand.u32 $0xFFFF, v1  }
0x81: {  	v1 =	vshrl.u32 v1, $0x10;
	[tilespmem:$0x2820] =	vst v2  }
0x82: {  	[tilespmem:$0x28A0] =	vst v1  }
0x83: {  	v1 =	vld [tilespmem:s23+$0x130];
	_ =	sdelay $0x4  }
0x84: {  	v2 =	vand.u32 $0xFFFF, v1  }
0x85: {  	v1 =	vshrl.u32 v1, $0x10;
	[tilespmem:$0x2830] =	vst v2  }
0x86: {  	[tilespmem:$0x28B0] =	vst v1  }
0x87: {  	v1 =	vld [tilespmem:s23+$0x140];
	_ =	sdelay $0x4  }
0x88: {  	v2 =	vand.u32 $0xFFFF, v1  }
0x89: {  	v1 =	vshrl.u32 v1, $0x10;
	[tilespmem:$0x2840] =	vst v2  }
0x8a: {  	[tilespmem:$0x28C0] =	vst v1  }
0x8b: {  	v1 =	vld [tilespmem:s23+$0x150];
	_ =	sdelay $0x4  }
0x8c: {  	v2 =	vand.u32 $0xFFFF, v1  }
0x8d: {  	v1 =	vshrl.u32 v1, $0x10;
	[tilespmem:$0x2850] =	vst v2  }
0x8e: {  	[tilespmem:$0x28D0] =	vst v1  }
0x8f: {  	v1 =	vld [tilespmem:s23+$0x160];
	_ =	sdelay $0x4  }
0x90: {  	v2 =	vand.u32 $0xFFFF, v1  }
0x91: {  	s24 =	simm.s32 $0x400;
	v1 =	vshrl.u32 v1, $0x10;
	[tilespmem:$0x2860] =	vst v2  }
.LBB2_4:
0x92: {  	p0 =	sne.s32 s24, $0x9800;
	[tilespmem:$0x28E0] =	vst v1;
	s25 =	smov.u32 s24;
	s24 =	sadd.s32 $0x400, s24  }
0x93: {  	v1 =	vld [tilespmem:s23+$0x170];
	_ =	sdelay $0x4  }
0x94: {  	v2 =	vand.u32 $0xFFFF, v1;
	v1 =	vshrl.u32 v1, $0x10  }
0x95: {  	[tilespmem:$0x2870] =	vst v2  }
0x96: {  	[tilespmem:$0x28F0] =	vst v1  }
0x97: {  	[tilespmem:s13], [sflag:$0x1] =	stream.indirect.gather [hbm4b:s4+s15], $0x80, s16, s15, $0xb8;
	[tilespmem:$0x1EA00] =	vst v63  }
0x98: {  	_ =	swait.ge [sflag:s21], $0x4000  }
0x99: {  	[sflag:s21] =	ssyncset.done $0x0  }
0x9a: {  	[sflag:s21] =	ssyncadd.s32 $0xFFFFC000  }
0x9b: {  	[spmem:s2] =	stream.indirect.scatter.add.f32 [tilespmem:s18], [sflag:$0x3], $0x80, s22, s15, $0xb8;
	[tilespmem:$0x1EA00] =	vst v63  }
0x9c: {  	_ =	swait.ge [sflag:s14], $0x4000  }
0x9d: {  	[sflag:s14] =	ssyncset.done $0x0  }
0x9e: {  	s23 =	sshra.s32 s25, $0x2;
	[sflag:s14] =	ssyncadd.s32 $0xFFFFC000  }
0x9f: {  	v1 =	vld [tilespmem:s23+$0x80];
	_ =	sdelay $0x4  }
0xa0: {  	v2 =	vand.u32 $0xFFFF, v1;
	v1 =	vshrl.u32 v1, $0x10  }
0xa1: {  	[tilespmem:$0x2900] =	vst v2  }
0xa2: {  	[tilespmem:$0x2980] =	vst v1  }
0xa3: {  	v1 =	vld [tilespmem:s23+$0x90];
	_ =	sdelay $0x4  }
0xa4: {  	v2 =	vand.u32 $0xFFFF, v1;
	v1 =	vshrl.u32 v1, $0x10  }
0xa5: {  	[tilespmem:$0x2910] =	vst v2  }
0xa6: {  	[tilespmem:$0x2990] =	vst v1  }
0xa7: {  	v1 =	vld [tilespmem:s23+$0xA0];
	_ =	sdelay $0x4  }
0xa8: {  	v2 =	vand.u32 $0xFFFF, v1;
	v1 =	vshrl.u32 v1, $0x10  }
0xa9: {  	[tilespmem:$0x2920] =	vst v2  }
0xaa: {  	[tilespmem:$0x29A0] =	vst v1  }
0xab: {  	v1 =	vld [tilespmem:s23+$0xB0];
	_ =	sdelay $0x4  }
0xac: {  	v2 =	vand.u32 $0xFFFF, v1;
	v1 =	vshrl.u32 v1, $0x10  }
0xad: {  	[tilespmem:$0x2930] =	vst v2  }
0xae: {  	[tilespmem:$0x29B0] =	vst v1  }
0xaf: {  	v1 =	vld [tilespmem:s23+$0xC0];
	_ =	sdelay $0x4  }
0xb0: {  	v2 =	vand.u32 $0xFFFF, v1;
	v1 =	vshrl.u32 v1, $0x10  }
0xb1: {  	[tilespmem:$0x2940] =	vst v2  }
0xb2: {  	[tilespmem:$0x29C0] =	vst v1  }
0xb3: {  	v1 =	vld [tilespmem:s23+$0xD0];
	_ =	sdelay $0x4  }
0xb4: {  	v2 =	vand.u32 $0xFFFF, v1;
	v1 =	vshrl.u32 v1, $0x10  }
0xb5: {  	[tilespmem:$0x2950] =	vst v2  }
0xb6: {  	[tilespmem:$0x29D0] =	vst v1  }
0xb7: {  	v1 =	vld [tilespmem:s23+$0xE0];
	_ =	sdelay $0x4  }
0xb8: {  	v2 =	vand.u32 $0xFFFF, v1;
	v1 =	vshrl.u32 v1, $0x10  }
0xb9: {  	[tilespmem:$0x2960] =	vst v2  }
0xba: {  	[tilespmem:$0x29E0] =	vst v1  }
0xbb: {  	v1 =	vld [tilespmem:s23+$0xF0];
	_ =	sdelay $0x4  }
0xbc: {  	v2 =	vand.u32 $0xFFFF, v1;
	v1 =	vshrl.u32 v1, $0x10  }
0xbd: {  	[tilespmem:$0x2970] =	vst v2  }
0xbe: {  	[tilespmem:$0x29F0] =	vst v1  }
0xbf: {  	[tilespmem:s18], [sflag:$0x2] =	stream.indirect.gather [hbm4b:s4+s15], $0x80, s17, s15, $0xb8;
	[tilespmem:$0x1EA00] =	vst v63  }
0xc0: {  	_ =	swait.ge [sflag:s19], $0x4000  }
0xc1: {  	[sflag:s19] =	ssyncset.done $0x0  }
0xc2: {  	[sflag:s19] =	ssyncadd.s32 $0xFFFFC000  }
0xc3: {  	[spmem:s2] =	stream.indirect.scatter.add.f32 [tilespmem:s13], [sflag:$0x3], $0x80, s20, s15, $0xb8;
	[tilespmem:$0x1EA00] =	vst v63  }
0xc4: {  	_ =	swait.ge [sflag:s14], $0x4000  }
0xc5: {  	[sflag:s14] =	ssyncset.done $0x0  }
0xc6: {  	[sflag:s14] =	ssyncadd.s32 $0xFFFFC000  }
0xc7: {  	v1 =	vld [tilespmem:s23+$0x100];
	_ =	sdelay $0x4  }
0xc8: {  	v2 =	vand.u32 $0xFFFF, v1;
	v1 =	vshrl.u32 v1, $0x10  }
0xc9: {  	[tilespmem:$0x2800] =	vst v2  }
0xca: {  	[tilespmem:$0x2880] =	vst v1  }
0xcb: {  	v1 =	vld [tilespmem:s23+$0x110];
	_ =	sdelay $0x4  }
0xcc: {  	v2 =	vand.u32 $0xFFFF, v1;
	v1 =	vshrl.u32 v1, $0x10  }
0xcd: {  	[tilespmem:$0x2810] =	vst v2  }
0xce: {  	[tilespmem:$0x2890] =	vst v1  }
0xcf: {  	v1 =	vld [tilespmem:s23+$0x120];
	_ =	sdelay $0x4  }
0xd0: {  	v2 =	vand.u32 $0xFFFF, v1;
	v1 =	vshrl.u32 v1, $0x10  }
0xd1: {  	[tilespmem:$0x2820] =	vst v2  }
0xd2: {  	[tilespmem:$0x28A0] =	vst v1  }
0xd3: {  	v1 =	vld [tilespmem:s23+$0x130];
	_ =	sdelay $0x4  }
0xd4: {  	v2 =	vand.u32 $0xFFFF, v1;
	v1 =	vshrl.u32 v1, $0x10  }
0xd5: {  	[tilespmem:$0x2830] =	vst v2  }
0xd6: {  	[tilespmem:$0x28B0] =	vst v1  }
0xd7: {  	v1 =	vld [tilespmem:s23+$0x140];
	_ =	sdelay $0x4  }
0xd8: {  	v2 =	vand.u32 $0xFFFF, v1;
	v1 =	vshrl.u32 v1, $0x10  }
0xd9: {  	[tilespmem:$0x2840] =	vst v2  }
0xda: {  	[tilespmem:$0x28C0] =	vst v1  }
0xdb: {  	v1 =	vld [tilespmem:s23+$0x150];
	_ =	sdelay $0x4  }
0xdc: {  	v2 =	vand.u32 $0xFFFF, v1;
	v1 =	vshrl.u32 v1, $0x10  }
0xdd: {  	[tilespmem:$0x2850] =	vst v2  }
0xde: {  	[tilespmem:$0x28D0] =	vst v1  }
0xdf: {  	v1 =	vld [tilespmem:s23+$0x160];
	_ =	sdelay $0x1  }
.Ltmp1:
0xe0: {  	(pc) =	sbr.rel @p0 .LBB2_4-.Ltmp1, $3  }
0xe1: {  	_ =	sdelay $0x1  }
0xe2: {  	v2 =	vand.u32 $0xFFFF, v1;
	v1 =	vshrl.u32 v1, $0x10  }
0xe3: {  	[tilespmem:$0x2860] =	vst v2  }
0xe4: {  	[tilespmem:$0x28E0] =	vst v1  }
0xe5: {  	v1 =	vld [tilespmem:s23+$0x170];
	_ =	sdelay $0x4  }
0xe6: {  	v2 =	vand.u32 $0xFFFF, v1  }
0xe7: {  	v1 =	vshrl.u32 v1, $0x10;
	[tilespmem:$0x2870] =	vst v2  }
0xe8: {  	[tilespmem:$0x28F0] =	vst v1  }
0xe9: {  	[tilespmem:s13], [sflag:$0x1] =	stream.indirect.gather [hbm4b:s4+s15], $0x80, s16, s15, $0xb8;
	[tilespmem:$0x1EA00] =	vst v63  }
0xea: {  	_ =	swait.ge [sflag:s21], $0x4000  }
0xeb: {  	[sflag:s21] =	ssyncset.done $0x0  }
0xec: {  	[sflag:s21] =	ssyncadd.s32 $0xFFFFC000  }
0xed: {  	[spmem:s2] =	stream.indirect.scatter.add.f32 [tilespmem:s18], [sflag:$0x3], $0x80, s22, s15, $0xb8;
	[tilespmem:$0x1EA00] =	vst v63  }
0xee: {  	_ =	swait.ge [sflag:s14], $0x4000  }
0xef: {  	[sflag:s14] =	ssyncset.done $0x0  }
0xf0: {  	[sflag:s14] =	ssyncadd.s32 $0xFFFFC000  }
0xf1: {  	_ =	swait.ge [sflag:s19], $0x4000  }
0xf2: {  	[sflag:s19] =	ssyncset.done $0x0  }
0xf3: {  	[sflag:s19] =	ssyncadd.s32 $0xFFFFC000  }
0xf4: {  	[spmem:s2] =	stream.indirect.scatter.add.f32 [tilespmem:s13], [sflag:$0x3], $0x80, s20, s15, $0xb8;
	[tilespmem:$0x1EA00] =	vst v63  }
0xf5: {  	_ =	swait.ge [sflag:s14], $0x4000  }
0xf6: {  	s31 =	sshll.u32 s0, $0x6;
	s3 =	sadd.s32 $0x1, s3;
	[sflag:s14] =	ssyncset.done $0x0  }
0xf7: {  	s24 =	sshrl.u32 s5, $0x3;
	p0 =	sne.s32 s3, s9;
	[sflag:s14] =	ssyncadd.s32 $0xFFFFC000  }
.Ltmp2:
0xf8: {  	s23 =	sor.u32 $0x1C03, s31;
	[bflag:$0x0] =	sbarrier.arrive $0xFFFF;
	(pc) =	sbr.rel @p0 .LBB2_1-.Ltmp2, $4  }
0xf9: {  	[hbm:s8], [sflag:s23] =	dma.local [spmem:s24], $0x2800  }
0xfa: {  	_ =	swait.ge [sflag:s14], $0x2800  }
0xfb: {  	[sflag:s14] =	ssyncset.done $0x0  }
0xfc: {  	[sflag:s14] =	ssyncadd.s32 $0xFFFFD800  }
0xfd: {  	_ =	sfence.sel $0x180000  }
0xfe: {  	[bflag:$0x0] =	sbarrier.arrive $0xFFFF  }
0xff: {  	p0 =	sne.s32 s0, $0x0;
	_ =	strace $0x9000004D  }
0x100: {  	s0 =	sadd.s32 @!p0 $0x100000, s1;
	[bflag:$0x2] =	sbarrier.arrive $0xFFFF  }
0x101: {  	[sflag:s0] =	ssyncadd.tile.s32 @!p0 $0x1;
	_ =	shalt  }
.Lfunc_end2:
_tile_overlayer_lowered:
.L_overlay_start_2:
0x102: {  	(tag) =	ssettag $0x2  }
0x103: {  	s0 =	rddreg [dreg:$0x0];
	s2 =	stileid.u32  }
0x104: {  	s1 =	rddreg [dreg:$0x1];
	p0 =	sne.s32 s2, $0x0  }
0x105: {  	s3 =	rddreg [dreg:$0x2];
	[bflag:$0x3] =	sbarrier.arrive $0xFFFF;
	s2 =	simm.s32 @!p0 $0x1C03  }
0x106: {  	[timem:s3], [sflag:s2] =	dma.local @!p0 [hbm:s0], s1  }
0x107: {  	s0 =	simm.s32 @!p0 $0x3  }
0x108: {  	_ =	swait.ge @!p0 [sflag:s0], s1  }
0x109: {  	s1 =	ssub.s32 @!p0 $0x0, s1;
	[sflag:s0] =	ssyncset.done @!p0 $0x0  }
0x10a: {  	[sflag:s0] =	ssyncadd.s32 @!p0 s1  }
0x10b: {  	[bflag:$0x3] =	sbarrier.arrive $0xFFFF  }
0x10c: {  	_ =	shalt  }

// kernel: kernel.9.cloned.1.call-start
scs
__scs_entry_jumppad:
0x0: {  	(pc) =	sbr.rel $0x88, $3  }
0x1: {  	(tag) =	ssettag $0x0;
	lr =	simm.s32 $0x1  }
0x2: {  	[smem:$0x3F96] =	sst lr;
	_ =	strace $0xD0000000  }
0x3: {  	_ = 	snop  }
0x4: {  	_ = 	snop  }
0x5: {  	_ = 	snop  }
0x6: {  	_ = 	snop  }
0x7: {  	_ = 	snop  }
__scs_overlays_trampoline_lowered:
0x8: {  	[smem:$0x3FA5] =	sst s0  }
0x9: {  	[smem:$0x3FA6] =	sst s1  }
0xa: {  	[smem:$0x3FA7] =	sst s2  }
0xb: {  	[smem:$0x3FA8] =	sst s3  }
0xc: {  	[smem:$0x3FA9] =	sst s4  }
0xd: {  	[smem:$0x3FAA] =	sst s5  }
0xe: {  	[smem:$0x3FAB] =	sst s6  }
0xf: {  	[smem:$0x3FAC] =	sst s7  }
0x10: {  	[smem:$0x3FAD] =	sst s8  }
0x11: {  	[smem:$0x3FAE] =	sst s9;
	s0 =	simm.s32 @!p0 $0x0  }
0x12: {  	s1 =	sld [smem:$0x3F94];
	s0 =	simm.s32 @p0 $0x1  }
0x13: {  	[smem:$0x3FAF] =	sst s0;
	s0 =	simm.s32 @!p1 $0x0  }
0x14: {  	s2 =	sld [smem:$0x3F93];
	s0 =	simm.s32 @p1 $0x1  }
0x15: {  	[smem:$0x3FB0] =	sst s0;
	s0 =	simm.s32 @!p2 $0x0  }
0x16: {  	s3 =	sld [smem:$0x3FDB];
	s0 =	simm.s32 @p2 $0x1  }
0x17: {  	s4 =	simm.s32 $0x1BF5;
	[smem:$0x3FB2] =	sst s0  }
0x18: {  	s0 =	sld [smem:$0x3F95];
	_ =	swait.ge [sflag:s4], $0x0  }
0x19: {  	s7 =	sld [smem:$0x3F96]  }
0x1a: {  	s8 =	sadd.s32 $0xFFFFE003, lr  }
0x1b: {  	s9 =	sadd.s32 $0xFFFFFEF7, lr;
	s5 =	simm.s32 $0xFFFFFFFF;
	p2 =	slt.u32 s8, $0xFFFFF086  }
0x1c: {  	p1 =	slt.u32 s9, $0xF7A;
	s5 =	simm.s32 @!p2 $0x0  }
0x1d: {  	s5 =	simm.s32 @p1 $0x1;
	p0 =	seq.s32 s7, s2  }
0x1e: {  	s7 =	smul.u32 @!p0 $0xF7A, s2;
	p2 =	seq.s32 @!p0 s5, $0x0  }
0x1f: {  	s9 =	smul.u32 $0xF7A, s1;
	s8 =	simm.s32 @!p0 $0x1BF5;
	p2 =	por !p2, p0  }
0x20: {  	[sflag:s8] =	ssyncset.s32 @!p0 $0xFFFFF086;
	s6 =	sadd.s32 @!p0 s3, s7;
	s7 =	simm.s32 @!p0 $0x108  }
0x21: {  	s3 =	sadd.s32 s3, s9;
	s6 =	sadd.s32 @!p0 $0x88, s6;
	s7 =	simm.s32 @p2 $0x1082  }
0x22: {  	[simem:s7], [sflag:s8] =	dma.local @!p0 [hbm:s6], $0xF7A  }
0x23: {  	s9 =	sor.u32 $0xD0000000, s2;
	s6 =	simm.s32 $0x108;
	_ =	swait.ge @!p0 [sflag:s8], $0x0  }
0x24: {  	s3 =	sadd.s32 $0x88, s3;
	s6 =	simm.s32 @!p1 $0x1082;
	[sflag:s4] =	ssyncset.s32 $0xFFFFF086  }
0x25: {  	[simem:s6], [sflag:s4] =	dma.local [hbm:s3], $0xF7A  }
0x26: {  	[smem:$0x3F96] =	sst s1;
	(tag) =	ssettag s2;
	_ =	strace s9  }
0x27: {  	s1 =	sld [smem:$0x3FA6]  }
0x28: {  	s2 =	sld [smem:$0x3FA7]  }
0x29: {  	s4 =	sld [smem:$0x3FA9]  }
0x2a: {  	p0 =	seq.s32 s5, $0x0;
	s5 =	sld [smem:$0x3FAA]  }
0x2b: {  	s6 =	sld [smem:$0x3FAB]  }
0x2c: {  	s7 =	sld [smem:$0x3FAC]  }
0x2d: {  	s3 =	simm.s32 $0x108;
	s8 =	sld [smem:$0x3FAD]  }
0x2e: {  	s3 =	simm.s32 @!p0 $0x1082;
	s9 =	sld [smem:$0x3FAE]  }
0x2f: {  	lr =	sadd.s32 s0, s3;
	s0 =	sld [smem:$0x3FA5]  }
0x30: {  	s3 =	sld [smem:$0x3FA8]  }
0x31: {  	[smem:$0x3FB1] =	sst s10  }
0x32: {  	s10 =	sld [smem:$0x3FAF];
	_ =	sdelay $0x3  }
0x33: {  	p0 =	seq.s32 s10, $0x1;
	s10 =	sld [smem:$0x3FB1];
	_ =	sdelay $0x3  }
0x34: {  	[smem:$0x3FB1] =	sst s10  }
0x35: {  	s10 =	sld [smem:$0x3FB0];
	_ =	sdelay $0x3  }
0x36: {  	p1 =	seq.s32 s10, $0x1;
	s10 =	sld [smem:$0x3FB1];
	_ =	sdelay $0x3  }
0x37: {  	[smem:$0x3FB1] =	sst s10  }
0x38: {  	s10 =	sld [smem:$0x3FB2]  }
0x39: {  	_ = 	snop;
	(pc) =	sbr.ind lr, $3  }
0x3a: {  	_ = 	snop  }
0x3b: {  	_ = 	snop  }
0x3c: {  	p2 =	seq.s32 s10, $0x1;
	s10 =	sld [smem:$0x3FB1]  }
0x3d: {  	_ =	shalt  }
0x3e: {  	_ =	shalt  }
0x3f: {  	_ =	shalt  }
0x40: {  	_ =	shalt  }
0x41: {  	_ =	shalt  }
0x42: {  	_ =	shalt  }
0x43: {  	_ =	shalt  }
0x44: {  	_ =	shalt  }
0x45: {  	_ =	shalt  }
0x46: {  	_ =	shalt  }
0x47: {  	_ =	shalt  }
0x48: {  	_ =	shalt  }
0x49: {  	_ =	shalt  }
0x4a: {  	_ =	shalt  }
0x4b: {  	_ =	shalt  }
0x4c: {  	_ =	shalt  }
0x4d: {  	_ =	shalt  }
0x4e: {  	_ =	shalt  }
0x4f: {  	_ =	shalt  }
0x50: {  	_ =	shalt  }
0x51: {  	_ =	shalt  }
0x52: {  	_ =	shalt  }
0x53: {  	_ =	shalt  }
0x54: {  	_ =	shalt  }
0x55: {  	_ =	shalt  }
0x56: {  	_ =	shalt  }
0x57: {  	_ =	shalt  }
0x58: {  	_ =	shalt  }
0x59: {  	_ =	shalt  }
0x5a: {  	_ =	shalt  }
0x5b: {  	_ =	shalt  }
0x5c: {  	_ =	shalt  }
0x5d: {  	_ =	shalt  }
0x5e: {  	_ =	shalt  }
0x5f: {  	_ =	shalt  }
0x60: {  	_ =	shalt  }
0x61: {  	_ =	shalt  }
0x62: {  	_ =	shalt  }
0x63: {  	_ =	shalt  }
0x64: {  	_ =	shalt  }
0x65: {  	_ =	shalt  }
0x66: {  	_ =	shalt  }
0x67: {  	_ =	shalt  }
0x68: {  	_ =	shalt  }
0x69: {  	_ =	shalt  }
0x6a: {  	_ =	shalt  }
0x6b: {  	_ =	shalt  }
0x6c: {  	_ =	shalt  }
0x6d: {  	_ =	shalt  }
0x6e: {  	_ =	shalt  }
0x6f: {  	_ =	shalt  }
0x70: {  	_ =	shalt  }
0x71: {  	_ =	shalt  }
0x72: {  	_ =	shalt  }
0x73: {  	_ =	shalt  }
0x74: {  	_ =	shalt  }
0x75: {  	_ =	shalt  }
0x76: {  	_ =	shalt  }
0x77: {  	_ =	shalt  }
0x78: {  	_ =	shalt  }
0x79: {  	_ =	shalt  }
0x7a: {  	_ =	shalt  }
0x7b: {  	_ =	shalt  }
0x7c: {  	_ =	shalt  }
0x7d: {  	_ =	shalt  }
0x7e: {  	_ =	shalt  }
0x7f: {  	_ =	shalt  }
0x80: {  	_ =	shalt  }
0x81: {  	_ =	shalt  }
0x82: {  	_ =	shalt  }
0x83: {  	_ =	shalt  }
0x84: {  	_ =	shalt  }
0x85: {  	_ =	shalt  }
0x86: {  	_ =	shalt  }
0x87: {  	_ =	shalt  }
.Lfunc_end0:
.L_simem_size_0:
called_computation_lowered:
.L_overlay_start_0:
0x88: {  	s2 =	sld [smem:$0x3FD9]  }
0x89: {  	s3 =	sld [smem:$0x3FFE];
	_ =	sdelay $0x1  }
0x8a: {  	s1 =	srdreg.scid  }
0x8b: {  	s0 =	sand.u32 $0x1, s1  }
0x8c: {  	s17 =	sshll.u32 s0, $0xA;
	s2 =	sadd.s32 s3, s2  }
0x8d: {  	s2 =	sadd.s32 s2, s17  }
0x8e: {  	[smem:$0x3FBD] =	sst s2  }
0x8f: {  	_ = 	snop  }
0x90: {  	s2 =	sld [smem:$0x3FD0];
	(tm) =	ssettm $0x1  }
0x91: {  	s18 =	sld [smem:$0x3FFB];
	_ =	sdelay $0x3  }
0x92: {  	_ =	strace s18  }
0x93: {  	s3 =	sld [smem:$0x3FFC];
	_ =	sdelay $0x3  }
0x94: {  	_ =	strace s3  }
0x95: {  	s3 =	sld [smem:$0x3FFD];
	_ =	sdelay $0x3  }
0x96: {  	_ =	strace s3  }
0x97: {  	_ =	strace $0x8FFFFFFF  }
0x98: {  	s19 =	sld [smem:$0x3FDB];
	_ =	sdelay $0x1  }
0x99: {  	s4 =	simm.s32 $_scs_section_size  }
0x9a: {  	s5 =	simm.s32 $_size__tile_overlayer_lowered;
	s6 =	simm.s32 $_tile_overlayer_lowered  }
0x9b: {  	s22 =	simm.s32 $0x1BFF;
	s21 =	sshll.u32 s6, $0x1;
	s3 =	sadd.s32 s4, s19  }
0x9c: {  	s7 =	simm.s32 $0x0;
	s20 =	sshll.u32 s5, $0x1;
	s5 =	sadd.s32 s21, s3  }
0x9d: {  	[timem:s7], [sflag:s22] =	dma.local [hbm:s5], s20  }
0x9e: {  	_ =	swait.ge [sflag:s22], s20  }
0x9f: {  	s4 =	ssub.s32 $0x0, s20;
	[sflag:s22] =	ssyncset.done $0x0  }
0xa0: {  	[sflag:s22] =	ssyncadd.s32 s4;
	_ =	sdelay $0x1  }
0xa1: {  	s23 =	simm.s32 $0x1B8B  }
0xa2: {  	_ =	swait.ge [sflag:s23], $0x1  }
0xa3: {  	[sflag:s23] =	ssyncset.done $0x0  }
0xa4: {  	s25 =	simm.s32 $0x1B8E;
	s24 =	sld [smem:$0x3FFE];
	[sflag:s23] =	ssyncadd.s32 $0xFFFFFFFF  }
0xa5: {  	s26 =	simm.s32 $execute0_lowered;
	[smem:$0x3FD2] =	sst s25  }
0xa6: {  	s5 =	sshll.u32 s26, $0x1;
	_ =	strace $0x80000046;
	[dreg:$0x1] =	wrdreg $0xFFFFFFFF  }
0xa7: {  	s28 =	simm.s32 $_size_execute0_lowered;
	s3 =	sadd.s32 s3, s5;
	[dreg:$0x0] =	wrdreg $0x0  }
0xa8: {  	s5 =	sshll.u32 s28, $0x1;
	[dreg:$0x2] =	wrdreg s3  }
0xa9: {  	[dreg:$0x3] =	wrdreg s5  }
0xaa: {  	[dreg:$0x4] =	wrdreg $0xC0  }
0xab: {  	_ =	task [dreg:s7], $0x5FFFF  }
0xac: {  	[dreg:$0x1] =	wrdreg $0xFFFFFFFF  }
0xad: {  	[dreg:$0x0] =	wrdreg $0x60  }
0xae: {  	[dreg:$0x2] =	wrdreg s24  }
0xaf: {  	[dreg:$0x3] =	wrdreg s2  }
0xb0: {  	[dreg:$0x4] =	wrdreg $0x53000  }
0xb1: {  	[dreg:$0x5] =	wrdreg $0x9  }
0xb2: {  	_ =	task.clear_ibuf [dreg:s7], $0x6FFFF;
	_ =	strace $0x90000046  }
0xb3: {  	s29 =	simm.s32 $0x9;
	_ =	strace $0x80000048  }
0xb4: {  	_ =	swait.ge [sflag:s29], $0x1  }
0xb5: {  	[sflag:s29] =	ssyncadd.s32 $0xFFFFFFFF  }
0xb6: {  	_ =	strace $0x90000048  }
0xb7: {  	_ =	sfence  }
0xb8: {  	s30 =	sld [smem:$0x0];
	_ =	sdelay $0x2  }
0xb9: {  	s31 =	sshll.u32 s1, $0xD;
	s1 =	sshrl.u32 s1, $0x2  }
0xba: {  	s3 =	sand.u32 $0x4000, s31;
	s1 =	sadd.s32 s1, s30  }
0xbb: {  	s0 =	sor.u32 s3, s0;
	s1 =	sshll.u32 s1, $0x11  }
0xbc: {  	s0 =	sor.u32 s1, s0  }
0xbd: {  	s0 =	sadd.s32 $0x8F2B, s0  }
0xbe: {  	[sflag:s0] =	ssyncadd.remote.s32 $0x1  }
0xbf: {  	_ =	sfence.sel $0xFFFF  }
0xc0: {  	[dreg:$0x0] =	wrdreg $0xFFFFFFFF;
	(pc) =	sbr.abs _section_cstart, $3  }
0xc1: {  	[dreg:$0x1] =	wrdreg $0xFFFFFFFF  }
0xc2: {  	_ =	task.clear_ibuf [dreg:s7], $0x2FFFF;
	_ =	strace $0x9FFFFFFF  }
0xc3: {  	(tm) =	ssettm $0x7FFFFFFF  }
tec
execute0_lowered:
.L_overlay_start_1:
0x0: {  	(tag) =	ssettag $0x1  }
0x1: {  	s4 =	rddreg [dreg:$0x0]  }
0x2: {  	s0 =	srdreg.scid;
	s6 =	rddreg [dreg:$0x1]  }
0x3: {  	s2 =	rddreg [dreg:$0x2];
	s5 =	sand.u32 $0x1, s0  }
0x4: {  	s0 =	stileid.u32;
	s7 =	smul.u32 $0x50000, s5  }
0x5: {  	s1 =	rddreg [dreg:$0x3];
	s3 =	simm.s32 $0x0;
	s8 =	smul.u32 $0x5000, s0  }
0x6: {  	s11 =	simm.s32 $0x5000;
	s12 =	simm.s32 $0x0;
	s9 =	smul.u32 $0x280, s0  }
0x7: {  	[smem:$0x7FF] =	sst s3;
	s10 =	smul.u32 $0x2800, s5;
	s5 =	ssub.s32 $0x2, s5  }
0x8: {  	_ =	strace $0x80000047;
	s31 =	sshrl.u32 s5, $0x1;
	s7 =	sadd.s32 s8, s7  }
0x9: {  	s10 =	sadd.s32 s9, s10;
	s8 =	ssub.s32 s5, s31;
	s7 =	sshrl.u32 s7, $0x3  }
0xa: {  	s10 =	sshrl.u32 s10, $0x3;
	s7 =	sadd.s32 s7, s4;
	s4 =	sadd.s32 s9, s2  }
0xb: {  	s6 =	sadd.s32 s6, s10;
	s9 =	simm.s32 $0x1;
	s10 =	simm.s32 $0x80  }
0xc: {  	v0 =	vimm.f32 $1.000000000e+00;
	v1 =	vimm.f32 $0.0e+00;
	s5 =	sadd.s32 $0x2200, s7;
	s7 =	smax.u32 s8, $0x1;
	s8 =	simm.s32 $0x5080  }
.LBB2_1:
0xd: {  	[tilespmem:$0x5000] =	vst v0  }
0xe: {  	[tilespmem:$0x5010] =	vst v0  }
0xf: {  	[tilespmem:$0x5020] =	vst v0  }
0x10: {  	[tilespmem:$0x5030] =	vst v0  }
0x11: {  	[tilespmem:$0x5040] =	vst v0  }
0x12: {  	[tilespmem:$0x5050] =	vst v0  }
0x13: {  	[tilespmem:$0x5060] =	vst v0  }
0x14: {  	[tilespmem:$0x5070] =	vst v0  }
0x15: {  	[tilespmem:$0x5080] =	vst v1  }
0x16: {  	[tilespmem:$0x5090] =	vst v1  }
0x17: {  	[tilespmem:$0x50A0] =	vst v1  }
0x18: {  	[tilespmem:$0x50B0] =	vst v1  }
0x19: {  	[tilespmem:$0x50C0] =	vst v1  }
0x1a: {  	[tilespmem:$0x50D0] =	vst v1  }
0x1b: {  	[tilespmem:$0x50E0] =	vst v1  }
0x1c: {  	[tilespmem:$0x50F0] =	vst v1  }
0x1d: {  	[tilespmem:$0x5100] =	vst v1  }
0x1e: {  	[tilespmem:$0x5110] =	vst v1  }
0x1f: {  	[tilespmem:$0x5120] =	vst v1  }
0x20: {  	[tilespmem:$0x5130] =	vst v1  }
0x21: {  	[tilespmem:$0x5140] =	vst v1  }
0x22: {  	[tilespmem:$0x5150] =	vst v1  }
0x23: {  	[tilespmem:$0x5160] =	vst v1  }
0x24: {  	[tilespmem:$0x5170] =	vst v1  }
0x25: {  	[tilespmem:$0x5180] =	vst v1  }
0x26: {  	[tilespmem:$0x5190] =	vst v1  }
0x27: {  	[tilespmem:$0x51A0] =	vst v1  }
0x28: {  	[tilespmem:$0x51B0] =	vst v1  }
0x29: {  	[tilespmem:$0x51C0] =	vst v1  }
0x2a: {  	[tilespmem:$0x51D0] =	vst v1  }
0x2b: {  	[tilespmem:$0x51E0] =	vst v1  }
0x2c: {  	[tilespmem:$0x51F0] =	vst v1  }
0x2d: {  	[tilespmem:$0x5200] =	vst v1  }
0x2e: {  	[tilespmem:$0x5210] =	vst v1  }
0x2f: {  	[tilespmem:$0x5220] =	vst v1  }
0x30: {  	[tilespmem:$0x5230] =	vst v1  }
0x31: {  	[tilespmem:$0x5240] =	vst v1  }
0x32: {  	[tilespmem:$0x5250] =	vst v1  }
0x33: {  	[tilespmem:$0x5260] =	vst v1  }
0x34: {  	[tilespmem:$0x5270] =	vst v1  }
0x35: {  	[tilespmem:$0x5280] =	vst v1  }
0x36: {  	[tilespmem:$0x5290] =	vst v1  }
0x37: {  	[tilespmem:$0x52A0] =	vst v1  }
0x38: {  	[tilespmem:$0x52B0] =	vst v1  }
0x39: {  	[tilespmem:$0x52C0] =	vst v1  }
0x3a: {  	[tilespmem:$0x52D0] =	vst v1  }
0x3b: {  	[tilespmem:$0x52E0] =	vst v1  }
0x3c: {  	[tilespmem:$0x52F0] =	vst v1  }
0x3d: {  	[spmem:s4] =	stream.linear.scatter [tilespmem:s8], [sflag:$0x1], $0x280, $0x38;
	[tilespmem:$0x5580] =	vst v63  }
0x3e: {  	_ =	swait.ge [sflag:s9], $0x280  }
0x3f: {  	[sflag:s9] =	ssyncset.done $0x0  }
0x40: {  	[sflag:s9] =	ssyncadd.s32 $0xFFFFFD80  }
0x41: {  	[bflag:$0x0] =	sbarrier.arrive $0xFFFF  }
0x42: {  	[tilespmem:s3], [sflag:$0x1] =	stream.linear.gather [hbm4b:s5+s3], $0x4E80, $0x38;
	[tilespmem:$0x5580] =	vst v63  }
0x43: {  	_ =	swait.ge [sflag:s9], $0x4E80  }
0x44: {  	[sflag:s9] =	ssyncset.done $0x0  }
0x45: {  	s13 =	simm.s32 $0x0;
	[sflag:s9] =	ssyncadd.s32 $0xFFFFB180  }
0x46: {  	[spmem:s2] =	stream.indirect.scatter.add.f32 [tilespmem:s11], [sflag:$0x1], $0x1, s13, s10, $0xb8;
	[tilespmem:$0x5580] =	vst v63  }
0x47: {  	_ =	swait.ge [sflag:s9], $0x80  }
0x48: {  	s13 =	simm.s32 $0x200;
	[sflag:s9] =	ssyncset.done $0x0  }
.LBB2_2:
0x49: {  	s14 =	sshra.s32 s13, $0x2;
	[sflag:s9] =	ssyncadd.s32 $0xFFFFFF80;
	p0 =	sne.s32 s13, $0x13800  }
0x4a: {  	[spmem:s2] =	stream.indirect.scatter.add.f32 [tilespmem:s11], [sflag:$0x1], $0x1, s14, s10, $0xb8;
	[tilespmem:$0x5580] =	vst v63  }
.Ltmp0:
0x4b: {  	_ = 	snop;
	(pc) =	sbr.rel @p0 .LBB2_2-.Ltmp0, $4  }
0x4c: {  	_ = 	snop  }
0x4d: {  	s13 =	sadd.s32 $0x200, s13  }
0x4e: {  	_ =	swait.ge [sflag:s9], $0x80  }
0x4f: {  	[sflag:s9] =	ssyncset.done $0x0  }
0x50: {  	[sflag:s9] =	ssyncadd.s32 $0xFFFFFF80  }
0x51: {  	[bflag:$0x0] =	sbarrier.arrive $0xFFFF  }
0x52: {  	[tilespmem:s8], [sflag:$0x1] =	stream.linear.gather [spmem:s4], $0x280, $0x38;
	[tilespmem:$0x5580] =	vst v63  }
0x53: {  	s12 =	sadd.s32 $0x1, s12;
	_ =	swait.ge [sflag:s9], $0x280  }
0x54: {  	p0 =	sne.s32 s12, s7;
	[sflag:s9] =	ssyncset.done $0x0  }
.Ltmp1:
0x55: {  	[sflag:s9] =	ssyncadd.s32 $0xFFFFFD80;
	(pc) =	sbr.rel @p0 .LBB2_1-.Ltmp1, $4  }
0x56: {  	[hbm4b:s6+s3] =	stream.linear.scatter [tilespmem:s8], [sflag:$0x1], $0x280, $0x38;
	[tilespmem:$0x5580] =	vst v63  }
0x57: {  	_ =	swait.ge [sflag:s9], $0x280  }
0x58: {  	[sflag:s9] =	ssyncset.done $0x0  }
0x59: {  	[sflag:s9] =	ssyncadd.s32 $0xFFFFFD80  }
0x5a: {  	_ =	sfence.sel $0x180000  }
0x5b: {  	[bflag:$0x0] =	sbarrier.arrive $0xFFFF  }
0x5c: {  	p0 =	sne.s32 s0, $0x0;
	_ =	strace $0x90000047  }
0x5d: {  	s0 =	sadd.s32 @!p0 $0x100000, s1;
	[bflag:$0x2] =	sbarrier.arrive $0xFFFF  }
0x5e: {  	[sflag:s0] =	ssyncadd.tile.s32 @!p0 $0x1;
	_ =	shalt  }
.Lfunc_end2:
_tile_overlayer_lowered:
.L_overlay_start_2:
0x5f: {  	(tag) =	ssettag $0x2  }
0x60: {  	s0 =	rddreg [dreg:$0x0];
	s2 =	stileid.u32  }
0x61: {  	s1 =	rddreg [dreg:$0x1];
	p0 =	sne.s32 s2, $0x0  }
0x62: {  	s3 =	rddreg [dreg:$0x2];
	[bflag:$0x3] =	sbarrier.arrive $0xFFFF;
	s2 =	simm.s32 @!p0 $0x1C01  }
0x63: {  	[timem:s3], [sflag:s2] =	dma.local @!p0 [hbm:s0], s1  }
0x64: {  	s0 =	simm.s32 @!p0 $0x1  }
0x65: {  	_ =	swait.ge @!p0 [sflag:s0], s1  }
0x66: {  	s1 =	ssub.s32 @!p0 $0x0, s1;
	[sflag:s0] =	ssyncset.done @!p0 $0x0  }
0x67: {  	[sflag:s0] =	ssyncadd.s32 @!p0 s1  }
0x68: {  	[bflag:$0x3] =	sbarrier.arrive $0xFFFF  }
0x69: {  	_ =	shalt  }

</sc_bundles>
